<compile_context>
chip_gen: v7x
topology: tpu7x:2x2x1
jax: 0.10.2.dev20260603
libtpu: 0.0.44.dev20260713+nightly
codegen_flags: <defaults>
</compile_context>

<pallas_src>
import functools

import jax
import jax.numpy as jnp
from jax import lax
from jax.experimental import pallas as pl
from jax.experimental.pallas import tpu as pltpu
from jax.experimental.pallas import tpu_sc as plsc

B = 16384
IN = 64
OUT = 64
GRID = 20
L = 23
LP = 24
NLANE = 16

NC = 2
NS = 16
NW = NC * NS
BS = 2048
SPW = BS // NW
CHUNK = 64
NCHUNK = SPW // CHUNK
TCBLK = 256


def _sc_body(x_hbm, c2_hbm, out_hbm, table_v, xbuf, obuf):
    wid = lax.axis_index("s") * NC + lax.axis_index("c")
    base = wid * SPW

    pltpu.sync_copy(c2_hbm, table_v)

    def chunk_body(ci, _):
        row0 = base + ci * CHUNK
        pltpu.sync_copy(x_hbm.at[pl.ds(row0, CHUNK)], xbuf)

        def sample_body(b, _):
            accs = [jnp.zeros((NLANE,), jnp.float32)] * (OUT // NLANE)
            for jc in range(IN // NLANE):
                xv = xbuf[b, pl.ds(jc * NLANE, NLANE)]
                sig = 1.0 / (1.0 + jnp.exp(-xv))
                idx = sig * float(GRID - 1)
                k = idx.astype(jnp.int32)
                w1v = idx - k.astype(jnp.float32)
                k0 = jnp.clip(k, 0, L - 1)
                k1 = jnp.clip(k + 1, 0, L - 1)
                j = lax.iota(jnp.int32, NLANE) + jc * NLANE
                off0v = (j * LP + k0) * OUT
                off1v = (j * LP + k1) * OUT
                for i in range(NLANE):
                    o0 = off0v[i]
                    o1 = off1v[i]
                    w1 = w1v[i]
                    w0 = 1.0 - w1
                    for oc in range(OUT // NLANE):
                        accs[oc] = (
                            accs[oc]
                            + table_v[pl.ds(o0 + oc * NLANE, NLANE)] * w0
                            + table_v[pl.ds(o1 + oc * NLANE, NLANE)] * w1
                        )
            for oc in range(OUT // NLANE):
                obuf[b, pl.ds(oc * NLANE, NLANE)] = accs[oc]
            return ()

        lax.fori_loop(0, CHUNK, sample_body, ())
        pltpu.sync_copy(obuf, out_hbm.at[pl.ds(row0, CHUNK)])
        return ()

    lax.fori_loop(0, NCHUNK, chunk_body, ())


def _sc_kan(x_s, c2):
    mesh = plsc.VectorSubcoreMesh(core_axis_name="c", subcore_axis_name="s")
    run = functools.partial(
        pl.kernel,
        out_type=jax.ShapeDtypeStruct((BS, OUT), jnp.float32),
        mesh=mesh,
        scratch_types=[
            pltpu.VMEM((IN * LP * OUT,), jnp.float32),
            pltpu.VMEM((CHUNK, IN), jnp.float32),
            pltpu.VMEM((CHUNK, OUT), jnp.float32),
        ],
    )(_sc_body)
    return run(x_s, c2)


KL = GRID


def _tc_body(x_ref, cf_ref, o_ref):
    xb = x_ref[...]
    sig = jax.nn.sigmoid(xb)
    idx = sig * float(GRID - 1)
    acc = jnp.zeros((OUT, TCBLK), jnp.float32)
    for l in range(KL):
        s_l = jnp.maximum(0.0, 1.0 - jnp.abs(idx - float(l)))
        acc = acc + jnp.dot(cf_ref[l], s_l, preferred_element_type=jnp.float32)
    o_ref[...] = acc


def _tc_kan(xt_full, cft):
    off = BS // TCBLK
    return pl.pallas_call(
        _tc_body,
        grid=((B - BS) // TCBLK,),
        in_specs=[
            pl.BlockSpec((IN, TCBLK), lambda i: (0, i + off)),
            pl.BlockSpec((KL, OUT, IN), lambda i: (0, 0, 0)),
        ],
        out_specs=pl.BlockSpec((OUT, TCBLK), lambda i: (0, i + off)),
        out_shape=jax.ShapeDtypeStruct((OUT, B), jnp.float32),
    )(xt_full, cft)


@jax.jit
def kernel(x, coeffs):
    ct = jnp.transpose(coeffs, (1, 2, 0))
    c2 = jnp.pad(ct, ((0, 0), (0, LP - L), (0, 0))).reshape(IN * LP * OUT)
    cft = jnp.transpose(coeffs, (2, 0, 1))[:KL]

    out_s = _sc_kan(x, c2)
    out_tt = _tc_kan(x.T, cft)
    out_t = lax.dynamic_update_slice(out_tt, out_s.T, (0, 0))
    return out_t.T

# --- scband reference (transcript-rebuilt; emitter-appended) ---
"""Pipeline reference for scband-kanlayer-64355789963718 (READ-ONLY COPY).

The authoritative reference and input builder live on the scoring server;
editing this copy changes nothing except your own understanding.
"""

import jax, jax.numpy as jnp
import numpy as np

B = 16384
IN = 64
OUT = 64
GRID = 20
ORDER = 3
L = GRID + ORDER  # 23 coeffs per edge function


def setup_inputs(seed: int = 0) -> dict:
    key = jax.random.key(seed)
    k1, k2 = jax.random.split(key)
    x = jax.random.normal(k1, (B, IN), dtype=jnp.float32)
    # one BSplineFunction per (out, in) edge: coeffs = randn(grid_size+order) * 0.1
    coeffs = jax.random.normal(k2, (OUT, IN, L), dtype=jnp.float32) * 0.1
    return {"x": x, "coeffs": coeffs}


def reference(x, coeffs):
    # Vectorized translation of KANLayer.forward:
    # out[b, i] = sum_j BSpline_{i,j}(x[b, j])
    Lc = coeffs.shape[-1]
    x_clamped = jax.nn.sigmoid(x)                      # [B, IN]
    idx = x_clamped * (GRID - 1)                       # [B, IN], in [0, GRID-1)
    k = idx.astype(jnp.int32)                          # torch .long() truncation; idx >= 0 so floor
    w1 = idx - k.astype(x.dtype)                       # [B, IN]
    w0 = 1.0 - w1                                      # [B, IN]
    k0 = jnp.clip(k, 0, Lc - 1)                        # [B, IN]
    k1 = jnp.clip(k + 1, 0, Lc - 1)                    # [B, IN]
    in_idx = jnp.arange(coeffs.shape[1])[None, :]      # [1, IN] -> broadcasts with [B, IN]
    # gather per-edge coefficients: c0[o, b, j] = coeffs[o, j, k0[b, j]]
    c0 = coeffs[:, in_idx, k0]                         # [OUT, B, IN]
    c1 = coeffs[:, in_idx, k1]                         # [OUT, B, IN]
    vals = c0 * w0[None, :, :] + c1 * w1[None, :, :]   # [OUT, B, IN]
    out = jnp.sum(vals, axis=2).T                      # [B, OUT]
    return out

if __name__ == "__main__":
    import jax
    _d = setup_inputs()
    print(jax.jit(kernel)(*tuple(_d.values())))

</pallas_src>

<mosaic_0001>
#map = affine_map<(d0, d1) -> (0, 0)>
#map1 = affine_map<(d0, d1) -> (0)>
module attributes {stable_mosaic.version = 14 : i64} {
  func.func @_sc_body(%arg0: i32, %arg1: i32, %arg2: memref<16384x64xf32, #tpu.memory_space<hbm>>, %arg3: memref<98304xf32, #tpu.memory_space<hbm>>, %arg4: memref<2048x64xf32, #tpu.memory_space<hbm>>, %arg5: memref<98304xf32, #tpu.memory_space<vmem>>, %arg6: memref<64x64xf32, #tpu.memory_space<vmem>>, %arg7: memref<64x64xf32, #tpu.memory_space<vmem>>) attributes {dimension_semantics = [#tpu.dimension_semantics<core_parallel>, #tpu.dimension_semantics<subcore_parallel>], iteration_bounds = array<i64: 2, 16>, scalar_prefetch = 0 : i64, scratch_operands = 3 : i64, tpu.core_type = #tpu.core_type<sc_vector_subcore>, window_params = [{transform_indices = #map}, {transform_indices = #map1}, {transform_indices = #map}]} {
    %mul3A = arith.constant 2 : i32
    %mul3A_0 = arith.muli %arg1, %mul3A : i32
    %add3A = arith.addi %mul3A_0, %arg0 : i32
    %mul3A_1 = arith.constant 64 : i32
    %mul3A_2 = arith.muli %add3A, %mul3A_1 : i32
    "tpu.region"() ({
      %run_scoped3A = tpu.sem_alloc : memref<!tpu.dma_semaphore, #tpu.memory_space<semaphore_mem>>
      tpu.enqueue_dma source(%arg3 : memref<98304xf32, #tpu.memory_space<hbm>>) target(%arg5 : memref<98304xf32, #tpu.memory_space<vmem>>) target_semaphore(%run_scoped3A : memref<!tpu.dma_semaphore, #tpu.memory_space<semaphore_mem>>)
      tpu.wait_dma2 semaphore(%run_scoped3A : memref<!tpu.dma_semaphore, #tpu.memory_space<semaphore_mem>>) src(%arg3 : memref<98304xf32, #tpu.memory_space<hbm>>) dst(%arg5 : memref<98304xf32, #tpu.memory_space<vmem>>)
      tpu.yield
    }) : () -> ()
    %scan3A = arith.constant 0 : i32
    %mul3A_3 = arith.constant 64 : i32
    %mul3A_4 = arith.muli %scan3A, %mul3A_3 : i32
    %add3A_5 = arith.addi %mul3A_2, %mul3A_4 : i32
    "tpu.region"() ({
      %run_scoped3A = tpu.sem_alloc : memref<!tpu.dma_semaphore, #tpu.memory_space<semaphore_mem>>
      %dma_start3A = arith.constant 0 : i32
      %dma_start3A_12 = tpu.memref_slice %arg2[%add3A_5, %dma_start3A] : memref<16384x64xf32, #tpu.memory_space<hbm>> -> memref<64x64xf32, #tpu.memory_space<hbm>>
      %dma_start3A_13 = arith.constant 0 : i32
      %dma_start3A_14 = tpu.memref_slice %arg2[%add3A_5, %dma_start3A_13] : memref<16384x64xf32, #tpu.memory_space<hbm>> -> memref<64x64xf32, #tpu.memory_space<hbm>>
      tpu.enqueue_dma source(%dma_start3A_14 : memref<64x64xf32, #tpu.memory_space<hbm>>) target(%arg6 : memref<64x64xf32, #tpu.memory_space<vmem>>) target_semaphore(%run_scoped3A : memref<!tpu.dma_semaphore, #tpu.memory_space<semaphore_mem>>)
      %dma_wait3A = arith.constant 0 : i32
      %dma_wait3A_15 = tpu.memref_slice %arg2[%add3A_5, %dma_wait3A] : memref<16384x64xf32, #tpu.memory_space<hbm>> -> memref<64x64xf32, #tpu.memory_space<hbm>>
      %dma_wait3A_16 = arith.constant 0 : i32
      %dma_wait3A_17 = tpu.memref_slice %arg2[%add3A_5, %dma_wait3A_16] : memref<16384x64xf32, #tpu.memory_space<hbm>> -> memref<64x64xf32, #tpu.memory_space<hbm>>
      tpu.wait_dma2 semaphore(%run_scoped3A : memref<!tpu.dma_semaphore, #tpu.memory_space<semaphore_mem>>) src(%dma_wait3A_17 : memref<64x64xf32, #tpu.memory_space<hbm>>) dst(%arg6 : memref<64x64xf32, #tpu.memory_space<vmem>>)
      tpu.yield
    }) : () -> ()
    %scan3A_6 = arith.constant 0 : i32
    %scan3A_7 = arith.constant 64 : i32
    %scan3A_8 = arith.addi %scan3A_6, %scan3A_7 : i32
    %scan3A_9 = arith.constant 1 : i32
    scf.for %scan3A_12 = %scan3A_6 to %scan3A_8 step %scan3A_9  : i32 {
      %broadcast_in_dim3A = arith.constant 0.000000e+00 : f32
      %broadcast_in_dim3A_13 = vector.broadcast %broadcast_in_dim3A : f32 to vector<16xf32>
      %get3A = arith.index_cast %scan3A_12 : i32 to index
      %get3A_14 = arith.constant 0 : index
      %get3A_15 = tpu.vector_load %arg6[%get3A, %get3A_14] {strides = array<i32>} : memref<64x64xf32, #tpu.memory_space<vmem>>, vector<1x16xf32>,
      %get3A_16 = vector.shape_cast %get3A_15 : vector<1x16xf32> to vector<16xf32>
      %neg3A = arith.constant 0.000000e+00 : f32
      %neg3A_17 = vector.broadcast %neg3A : f32 to vector<16xf32>
      %neg3A_18 = arith.subf %neg3A_17, %get3A_16 : vector<16xf32>
      %exp3A = math.exp %neg3A_18 : vector<16xf32>
      %add3A_19 = arith.constant 1.000000e+00 : f32
      %add3A_20 = vector.broadcast %add3A_19 : f32 to vector<16xf32>
      %add3A_21 = arith.addf %add3A_20, %exp3A : vector<16xf32>
      %div3A = arith.constant 1.000000e+00 : f32
      %div3A_22 = vector.broadcast %div3A : f32 to vector<16xf32>
      %div3A_23 = arith.divf %div3A_22, %add3A_21 : vector<16xf32>
      %mul3A_24 = arith.constant 1.900000e+01 : f32
      %mul3A_25 = vector.broadcast %mul3A_24 : f32 to vector<16xf32>
      %mul3A_26 = arith.mulf %div3A_23, %mul3A_25 : vector<16xf32>
      %convert_element_type3A = arith.fptosi %mul3A_26 : vector<16xf32> to vector<16xi32>
      %convert_element_type3A_27 = arith.sitofp %convert_element_type3A : vector<16xi32> to vector<16xf32>
      %sub3A = arith.subf %mul3A_26, %convert_element_type3A_27 : vector<16xf32>
      %jit3A = arith.constant 0 : i32
      %jit3A_28 = arith.constant 22 : i32
      %max3A = vector.broadcast %jit3A : i32 to vector<16xi32>
      %max3A_29 = arith.maxsi %max3A, %convert_element_type3A : vector<16xi32>
      %min3A = vector.broadcast %jit3A_28 : i32 to vector<16xi32>
      %min3A_30 = arith.minsi %min3A, %max3A_29 : vector<16xi32>
      %add3A_31 = arith.constant 1 : i32
      %add3A_32 = vector.broadcast %add3A_31 : i32 to vector<16xi32>
      %add3A_33 = arith.addi %convert_element_type3A, %add3A_32 : vector<16xi32>
      %jit3A_34 = arith.constant 0 : i32
      %jit3A_35 = arith.constant 22 : i32
      %max3A_36 = vector.broadcast %jit3A_34 : i32 to vector<16xi32>
      %max3A_37 = arith.maxsi %max3A_36, %add3A_33 : vector<16xi32>
      %min3A_38 = vector.broadcast %jit3A_35 : i32 to vector<16xi32>
      %min3A_39 = arith.minsi %min3A_38, %max3A_37 : vector<16xi32>
      %iota3A = tpu.iota {dimensions = array<i32: 0>} : vector<16xi32>
      %add3A_40 = arith.constant 0 : i32
      %add3A_41 = vector.broadcast %add3A_40 : i32 to vector<16xi32>
      %add3A_42 = arith.addi %iota3A, %add3A_41 : vector<16xi32>
      %mul3A_43 = arith.constant 24 : i32
      %mul3A_44 = vector.broadcast %mul3A_43 : i32 to vector<16xi32>
      %mul3A_45 = arith.muli %add3A_42, %mul3A_44 : vector<16xi32>
      %add3A_46 = arith.addi %mul3A_45, %min3A_30 : vector<16xi32>
      %mul3A_47 = arith.constant 64 : i32
      %mul3A_48 = vector.broadcast %mul3A_47 : i32 to vector<16xi32>
      %mul3A_49 = arith.muli %add3A_46, %mul3A_48 : vector<16xi32>
      %mul3A_50 = arith.constant 24 : i32
      %mul3A_51 = vector.broadcast %mul3A_50 : i32 to vector<16xi32>
      %mul3A_52 = arith.muli %add3A_42, %mul3A_51 : vector<16xi32>
      %add3A_53 = arith.addi %mul3A_52, %min3A_39 : vector<16xi32>
      %mul3A_54 = arith.constant 64 : i32
      %mul3A_55 = vector.broadcast %mul3A_54 : i32 to vector<16xi32>
      %mul3A_56 = arith.muli %add3A_53, %mul3A_55 : vector<16xi32>
      %slice3A = vector.extract_strided_slice %mul3A_49 {offsets = [0], sizes = [1], strides = [1]} : vector<16xi32> to vector<1xi32>
      %squeeze3A = vector.extract %slice3A[0] : i32 from vector<1xi32>
      %slice3A_57 = vector.extract_strided_slice %mul3A_56 {offsets = [0], sizes = [1], strides = [1]} : vector<16xi32> to vector<1xi32>
      %squeeze3A_58 = vector.extract %slice3A_57[0] : i32 from vector<1xi32>
      %slice3A_59 = vector.extract_strided_slice %sub3A {offsets = [0], sizes = [1], strides = [1]} : vector<16xf32> to vector<1xf32>
      %squeeze3A_60 = vector.extract %slice3A_59[0] : f32 from vector<1xf32>
      %sub3A_61 = arith.constant 1.000000e+00 : f32
      %sub3A_62 = arith.subf %sub3A_61, %squeeze3A_60 : f32
      %add3A_63 = arith.constant 0 : i32
      %add3A_64 = arith.addi %squeeze3A, %add3A_63 : i32
      %get3A_65 = arith.index_cast %add3A_64 : i32 to index
      %get3A_66 = tpu.vector_load %arg5[%get3A_65] {strides = array<i32>} : memref<98304xf32, #tpu.memory_space<vmem>>, vector<16xf32>,
      %get3A_67 = vector.shape_cast %get3A_66 : vector<16xf32> to vector<16xf32>
      %mul3A_68 = vector.broadcast %sub3A_62 : f32 to vector<16xf32>
      %mul3A_69 = arith.mulf %get3A_67, %mul3A_68 : vector<16xf32>
      %add3A_70 = arith.addf %broadcast_in_dim3A_13, %mul3A_69 : vector<16xf32>
      %add3A_71 = arith.constant 0 : i32
      %add3A_72 = arith.addi %squeeze3A_58, %add3A_71 : i32
      %get3A_73 = arith.index_cast %add3A_72 : i32 to index
      %get3A_74 = tpu.vector_load %arg5[%get3A_73] {strides = array<i32>} : memref<98304xf32, #tpu.memory_space<vmem>>, vector<16xf32>,
      %get3A_75 = vector.shape_cast %get3A_74 : vector<16xf32> to vector<16xf32>
      %mul3A_76 = vector.broadcast %squeeze3A_60 : f32 to vector<16xf32>
      %mul3A_77 = arith.mulf %get3A_75, %mul3A_76 : vector<16xf32>
      %add3A_78 = arith.addf %add3A_70, %mul3A_77 : vector<16xf32>
      %add3A_79 = arith.constant 16 : i32
      %add3A_80 = arith.addi %squeeze3A, %add3A_79 : i32
      %get3A_81 = arith.index_cast %add3A_80 : i32 to index
      %get3A_82 = tpu.vector_load %arg5[%get3A_81] {strides = array<i32>} : memref<98304xf32, #tpu.memory_space<vmem>>, vector<16xf32>,
      %get3A_83 = vector.shape_cast %get3A_82 : vector<16xf32> to vector<16xf32>
      %mul3A_84 = vector.broadcast %sub3A_62 : f32 to vector<16xf32>
      %mul3A_85 = arith.mulf %get3A_83, %mul3A_84 : vector<16xf32>
      %add3A_86 = arith.addf %broadcast_in_dim3A_13, %mul3A_85 : vector<16xf32>
      %add3A_87 = arith.constant 16 : i32
      %add3A_88 = arith.addi %squeeze3A_58, %add3A_87 : i32
      %get3A_89 = arith.index_cast %add3A_88 : i32 to index
      %get3A_90 = tpu.vector_load %arg5[%get3A_89] {strides = array<i32>} : memref<98304xf32, #tpu.memory_space<vmem>>, vector<16xf32>,
      %get3A_91 = vector.shape_cast %get3A_90 : vector<16xf32> to vector<16xf32>
      %mul3A_92 = vector.broadcast %squeeze3A_60 : f32 to vector<16xf32>
      %mul3A_93 = arith.mulf %get3A_91, %mul3A_92 : vector<16xf32>
      %add3A_94 = arith.addf %add3A_86, %mul3A_93 : vector<16xf32>
      %add3A_95 = arith.constant 32 : i32
      %add3A_96 = arith.addi %squeeze3A, %add3A_95 : i32
      %get3A_97 = arith.index_cast %add3A_96 : i32 to index
      %get3A_98 = tpu.vector_load %arg5[%get3A_97] {strides = array<i32>} : memref<98304xf32, #tpu.memory_space<vmem>>, vector<16xf32>,
      %get3A_99 = vector.shape_cast %get3A_98 : vector<16xf32> to vector<16xf32>
      %mul3A_100 = vector.broadcast %sub3A_62 : f32 to vector<16xf32>
      %mul3A_101 = arith.mulf %get3A_99, %mul3A_100 : vector<16xf32>
      %add3A_102 = arith.addf %broadcast_in_dim3A_13, %mul3A_101 : vector<16xf32>
      %add3A_103 = arith.constant 32 : i32
      %add3A_104 = arith.addi %squeeze3A_58, %add3A_103 : i32
      %get3A_105 = arith.index_cast %add3A_104 : i32 to index
      %get3A_106 = tpu.vector_load %arg5[%get3A_105] {strides = array<i32>} : memref<98304xf32, #tpu.memory_space<vmem>>, vector<16xf32>,
      %get3A_107 = vector.shape_cast %get3A_106 : vector<16xf32> to vector<16xf32>
      %mul3A_108 = vector.broadcast %squeeze3A_60 : f32 to vector<16xf32>
      %mul3A_109 = arith.mulf %get3A_107, %mul3A_108 : vector<16xf32>
      %add3A_110 = arith.addf %add3A_102, %mul3A_109 : vector<16xf32>
      %add3A_111 = arith.constant 48 : i32
      %add3A_112 = arith.addi %squeeze3A, %add3A_111 : i32
      %get3A_113 = arith.index_cast %add3A_112 : i32 to index
      %get3A_114 = tpu.vector_load %arg5[%get3A_113] {strides = array<i32>} : memref<98304xf32, #tpu.memory_space<vmem>>, vector<16xf32>,
      %get3A_115 = vector.shape_cast %get3A_114 : vector<16xf32> to vector<16xf32>
      %mul3A_116 = vector.broadcast %sub3A_62 : f32 to vector<16xf32>
      %mul3A_117 = arith.mulf %get3A_115, %mul3A_116 : vector<16xf32>
      %add3A_118 = arith.addf %broadcast_in_dim3A_13, %mul3A_117 : vector<16xf32>
      %add3A_119 = arith.constant 48 : i32
      %add3A_120 = arith.addi %squeeze3A_58, %add3A_119 : i32
      %get3A_121 = arith.index_cast %add3A_120 : i32 to index
      %get3A_122 = tpu.vector_load %arg5[%get3A_121] {strides = array<i32>} : memref<98304xf32, #tpu.memory_space<vmem>>, vector<16xf32>,
      %get3A_123 = vector.shape_cast %get3A_122 : vector<16xf32> to vector<16xf32>
      %mul3A_124 = vector.broadcast %squeeze3A_60 : f32 to vector<16xf32>
      %mul3A_125 = arith.mulf %get3A_123, %mul3A_124 : vector<16xf32>
      %add3A_126 = arith.addf %add3A_118, %mul3A_125 : vector<16xf32>
      %slice3A_127 = vector.extract_strided_slice %mul3A_49 {offsets = [1], sizes = [1], strides = [1]} : vector<16xi32> to vector<1xi32>
      %squeeze3A_128 = vector.extract %slice3A_127[0] : i32 from vector<1xi32>
      %slice3A_129 = vector.extract_strided_slice %mul3A_56 {offsets = [1], sizes = [1], strides = [1]} : vector<16xi32> to vector<1xi32>
      %squeeze3A_130 = vector.extract %slice3A_129[0] : i32 from vector<1xi32>
      %slice3A_131 = vector.extract_strided_slice %sub3A {offsets = [1], sizes = [1], strides = [1]} : vector<16xf32> to vector<1xf32>
      %squeeze3A_132 = vector.extract %slice3A_131[0] : f32 from vector<1xf32>
      %sub3A_133 = arith.constant 1.000000e+00 : f32
      %sub3A_134 = arith.subf %sub3A_133, %squeeze3A_132 : f32
      %add3A_135 = arith.constant 0 : i32
      %add3A_136 = arith.addi %squeeze3A_128, %add3A_135 : i32
      %get3A_137 = arith.index_cast %add3A_136 : i32 to index
      %get3A_138 = tpu.vector_load %arg5[%get3A_137] {strides = array<i32>} : memref<98304xf32, #tpu.memory_space<vmem>>, vector<16xf32>,
      %get3A_139 = vector.shape_cast %get3A_138 : vector<16xf32> to vector<16xf32>
      %mul3A_140 = vector.broadcast %sub3A_134 : f32 to vector<16xf32>
      %mul3A_141 = arith.mulf %get3A_139, %mul3A_140 : vector<16xf32>
      %add3A_142 = arith.addf %add3A_78, %mul3A_141 : vector<16xf32>
      %add3A_143 = arith.constant 0 : i32
      %add3A_144 = arith.addi %squeeze3A_130, %add3A_143 : i32
      %get3A_145 = arith.index_cast %add3A_144 : i32 to index
      %get3A_146 = tpu.vector_load %arg5[%get3A_145] {strides = array<i32>} : memref<98304xf32, #tpu.memory_space<vmem>>, vector<16xf32>,
      %get3A_147 = vector.shape_cast %get3A_146 : vector<16xf32> to vector<16xf32>
      %mul3A_148 = vector.broadcast %squeeze3A_132 : f32 to vector<16xf32>
      %mul3A_149 = arith.mulf %get3A_147, %mul3A_148 : vector<16xf32>
      %add3A_150 = arith.addf %add3A_142, %mul3A_149 : vector<16xf32>
      %add3A_151 = arith.constant 16 : i32
      %add3A_152 = arith.addi %squeeze3A_128, %add3A_151 : i32
      %get3A_153 = arith.index_cast %add3A_152 : i32 to index
      %get3A_154 = tpu.vector_load %arg5[%get3A_153] {strides = array<i32>} : memref<98304xf32, #tpu.memory_space<vmem>>, vector<16xf32>,
      %get3A_155 = vector.shape_cast %get3A_154 : vector<16xf32> to vector<16xf32>
      %mul3A_156 = vector.broadcast %sub3A_134 : f32 to vector<16xf32>
      %mul3A_157 = arith.mulf %get3A_155, %mul3A_156 : vector<16xf32>
      %add3A_158 = arith.addf %add3A_94, %mul3A_157 : vector<16xf32>
      %add3A_159 = arith.constant 16 : i32
      %add3A_160 = arith.addi %squeeze3A_130, %add3A_159 : i32
      %get3A_161 = arith.index_cast %add3A_160 : i32 to index
      %get3A_162 = tpu.vector_load %arg5[%get3A_161] {strides = array<i32>} : memref<98304xf32, #tpu.memory_space<vmem>>, vector<16xf32>,
      %get3A_163 = vector.shape_cast %get3A_162 : vector<16xf32> to vector<16xf32>
      %mul3A_164 = vector.broadcast %squeeze3A_132 : f32 to vector<16xf32>
      %mul3A_165 = arith.mulf %get3A_163, %mul3A_164 : vector<16xf32>
      %add3A_166 = arith.addf %add3A_158, %mul3A_165 : vector<16xf32>
      %add3A_167 = arith.constant 32 : i32
      %add3A_168 = arith.addi %squeeze3A_128, %add3A_167 : i32
      %get3A_169 = arith.index_cast %add3A_168 : i32 to index
      %get3A_170 = tpu.vector_load %arg5[%get3A_169] {strides = array<i32>} : memref<98304xf32, #tpu.memory_space<vmem>>, vector<16xf32>,
      %get3A_171 = vector.shape_cast %get3A_170 : vector<16xf32> to vector<16xf32>
      %mul3A_172 = vector.broadcast %sub3A_134 : f32 to vector<16xf32>
      %mul3A_173 = arith.mulf %get3A_171, %mul3A_172 : vector<16xf32>
      %add3A_174 = arith.addf %add3A_110, %mul3A_173 : vector<16xf32>
      %add3A_175 = arith.constant 32 : i32
      %add3A_176 = arith.addi %squeeze3A_130, %add3A_175 : i32
      %get3A_177 = arith.index_cast %add3A_176 : i32 to index
      %get3A_178 = tpu.vector_load %arg5[%get3A_177] {strides = array<i32>} : memref<98304xf32, #tpu.memory_space<vmem>>, vector<16xf32>,
      %get3A_179 = vector.shape_cast %get3A_178 : vector<16xf32> to vector<16xf32>
      %mul3A_180 = vector.broadcast %squeeze3A_132 : f32 to vector<16xf32>
      %mul3A_181 = arith.mulf %get3A_179, %mul3A_180 : vector<16xf32>
      %add3A_182 = arith.addf %add3A_174, %mul3A_181 : vector<16xf32>
      %add3A_183 = arith.constant 48 : i32
      %add3A_184 = arith.addi %squeeze3A_128, %add3A_183 : i32
      %get3A_185 = arith.index_cast %add3A_184 : i32 to index
      %get3A_186 = tpu.vector_load %arg5[%get3A_185] {strides = array<i32>} : memref<98304xf32, #tpu.memory_space<vmem>>, vector<16xf32>,
      %get3A_187 = vector.shape_cast %get3A_186 : vector<16xf32> to vector<16xf32>
      %mul3A_188 = vector.broadcast %sub3A_134 : f32 to vector<16xf32>
      %mul3A_189 = arith.mulf %get3A_187, %mul3A_188 : vector<16xf32>
      %add3A_190 = arith.addf %add3A_126, %mul3A_189 : vector<16xf32>
      %add3A_191 = arith.constant 48 : i32
      %add3A_192 = arith.addi %squeeze3A_130, %add3A_191 : i32
      %get3A_193 = arith.index_cast %add3A_192 : i32 to index
      %get3A_194 = tpu.vector_load %arg5[%get3A_193] {strides = array<i32>} : memref<98304xf32, #tpu.memory_space<vmem>>, vector<16xf32>,
      %get3A_195 = vector.shape_cast %get3A_194 : vector<16xf32> to vector<16xf32>
      %mul3A_196 = vector.broadcast %squeeze3A_132 : f32 to vector<16xf32>
      %mul3A_197 = arith.mulf %get3A_195, %mul3A_196 : vector<16xf32>
      %add3A_198 = arith.addf %add3A_190, %mul3A_197 : vector<16xf32>
      %slice3A_199 = vector.extract_strided_slice %mul3A_49 {offsets = [2], sizes = [1], strides = [1]} : vector<16xi32> to vector<1xi32>
      %squeeze3A_200 = vector.extract %slice3A_199[0] : i32 from vector<1xi32>
      %slice3A_201 = vector.extract_strided_slice %mul3A_56 {offsets = [2], sizes = [1], strides = [1]} : vector<16xi32> to vector<1xi32>
      %squeeze3A_202 = vector.extract %slice3A_201[0] : i32 from vector<1xi32>
      %slice3A_203 = vector.extract_strided_slice %sub3A {offsets = [2], sizes = [1], strides = [1]} : vector<16xf32> to vector<1xf32>
      %squeeze3A_204 = vector.extract %slice3A_203[0] : f32 from vector<1xf32>
      %sub3A_205 = arith.constant 1.000000e+00 : f32
      %sub3A_206 = arith.subf %sub3A_205, %squeeze3A_204 : f32
      %add3A_207 = arith.constant 0 : i32
      %add3A_208 = arith.addi %squeeze3A_200, %add3A_207 : i32
      %get3A_209 = arith.index_cast %add3A_208 : i32 to index
      %get3A_210 = tpu.vector_load %arg5[%get3A_209] {strides = array<i32>} : memref<98304xf32, #tpu.memory_space<vmem>>, vector<16xf32>,
      %get3A_211 = vector.shape_cast %get3A_210 : vector<16xf32> to vector<16xf32>
      %mul3A_212 = vector.broadcast %sub3A_206 : f32 to vector<16xf32>
      %mul3A_213 = arith.mulf %get3A_211, %mul3A_212 : vector<16xf32>
      %add3A_214 = arith.addf %add3A_150, %mul3A_213 : vector<16xf32>
      %add3A_215 = arith.constant 0 : i32
      %add3A_216 = arith.addi %squeeze3A_202, %add3A_215 : i32
      %get3A_217 = arith.index_cast %add3A_216 : i32 to index
      %get3A_218 = tpu.vector_load %arg5[%get3A_217] {strides = array<i32>} : memref<98304xf32, #tpu.memory_space<vmem>>, vector<16xf32>,
      %get3A_219 = vector.shape_cast %get3A_218 : vector<16xf32> to vector<16xf32>
      %mul3A_220 = vector.broadcast %squeeze3A_204 : f32 to vector<16xf32>
      %mul3A_221 = arith.mulf %get3A_219, %mul3A_220 : vector<16xf32>
      %add3A_222 = arith.addf %add3A_214, %mul3A_221 : vector<16xf32>
      %add3A_223 = arith.constant 16 : i32
      %add3A_224 = arith.addi %squeeze3A_200, %add3A_223 : i32
      %get3A_225 = arith.index_cast %add3A_224 : i32 to index
      %get3A_226 = tpu.vector_load %arg5[%get3A_225] {strides = array<i32>} : memref<98304xf32, #tpu.memory_space<vmem>>, vector<16xf32>,
      %get3A_227 = vector.shape_cast %get3A_226 : vector<16xf32> to vector<16xf32>
      %mul3A_228 = vector.broadcast %sub3A_206 : f32 to vector<16xf32>
      %mul3A_229 = arith.mulf %get3A_227, %mul3A_228 : vector<16xf32>
      %add3A_230 = arith.addf %add3A_166, %mul3A_229 : vector<16xf32>
      %add3A_231 = arith.constant 16 : i32
      %add3A_232 = arith.addi %squeeze3A_202, %add3A_231 : i32
      %get3A_233 = arith.index_cast %add3A_232 : i32 to index
      %get3A_234 = tpu.vector_load %arg5[%get3A_233] {strides = array<i32>} : memref<98304xf32, #tpu.memory_space<vmem>>, vector<16xf32>,
      %get3A_235 = vector.shape_cast %get3A_234 : vector<16xf32> to vector<16xf32>
      %mul3A_236 = vector.broadcast %squeeze3A_204 : f32 to vector<16xf32>
      %mul3A_237 = arith.mulf %get3A_235, %mul3A_236 : vector<16xf32>
      %add3A_238 = arith.addf %add3A_230, %mul3A_237 : vector<16xf32>
      %add3A_239 = arith.constant 32 : i32
      %add3A_240 = arith.addi %squeeze3A_200, %add3A_239 : i32
      %get3A_241 = arith.index_cast %add3A_240 : i32 to index
      %get3A_242 = tpu.vector_load %arg5[%get3A_241] {strides = array<i32>} : memref<98304xf32, #tpu.memory_space<vmem>>, vector<16xf32>,
      %get3A_243 = vector.shape_cast %get3A_242 : vector<16xf32> to vector<16xf32>
      %mul3A_244 = vector.broadcast %sub3A_206 : f32 to vector<16xf32>
      %mul3A_245 = arith.mulf %get3A_243, %mul3A_244 : vector<16xf32>
      %add3A_246 = arith.addf %add3A_182, %mul3A_245 : vector<16xf32>
      %add3A_247 = arith.constant 32 : i32
      %add3A_248 = arith.addi %squeeze3A_202, %add3A_247 : i32
      %get3A_249 = arith.index_cast %add3A_248 : i32 to index
      %get3A_250 = tpu.vector_load %arg5[%get3A_249] {strides = array<i32>} : memref<98304xf32, #tpu.memory_space<vmem>>, vector<16xf32>,
      %get3A_251 = vector.shape_cast %get3A_250 : vector<16xf32> to vector<16xf32>
      %mul3A_252 = vector.broadcast %squeeze3A_204 : f32 to vector<16xf32>
      %mul3A_253 = arith.mulf %get3A_251, %mul3A_252 : vector<16xf32>
      %add3A_254 = arith.addf %add3A_246, %mul3A_253 : vector<16xf32>
      %add3A_255 = arith.constant 48 : i32
      %add3A_256 = arith.addi %squeeze3A_200, %add3A_255 : i32
      %get3A_257 = arith.index_cast %add3A_256 : i32 to index
      %get3A_258 = tpu.vector_load %arg5[%get3A_257] {strides = array<i32>} : memref<98304xf32, #tpu.memory_space<vmem>>, vector<16xf32>,
      %get3A_259 = vector.shape_cast %get3A_258 : vector<16xf32> to vector<16xf32>
      %mul3A_260 = vector.broadcast %sub3A_206 : f32 to vector<16xf32>
      %mul3A_261 = arith.mulf %get3A_259, %mul3A_260 : vector<16xf32>
      %add3A_262 = arith.addf %add3A_198, %mul3A_261 : vector<16xf32>
      %add3A_263 = arith.constant 48 : i32
      %add3A_264 = arith.addi %squeeze3A_202, %add3A_263 : i32
      %get3A_265 = arith.index_cast %add3A_264 : i32 to index
      %get3A_266 = tpu.vector_load %arg5[%get3A_265] {strides = array<i32>} : memref<98304xf32, #tpu.memory_space<vmem>>, vector<16xf32>,
      %get3A_267 = vector.shape_cast %get3A_266 : vector<16xf32> to vector<16xf32>
      %mul3A_268 = vector.broadcast %squeeze3A_204 : f32 to vector<16xf32>
      %mul3A_269 = arith.mulf %get3A_267, %mul3A_268 : vector<16xf32>
      %add3A_270 = arith.addf %add3A_262, %mul3A_269 : vector<16xf32>
      %slice3A_271 = vector.extract_strided_slice %mul3A_49 {offsets = [3], sizes = [1], strides = [1]} : vector<16xi32> to vector<1xi32>
      %squeeze3A_272 = vector.extract %slice3A_271[0] : i32 from vector<1xi32>
      %slice3A_273 = vector.extract_strided_slice %mul3A_56 {offsets = [3], sizes = [1], strides = [1]} : vector<16xi32> to vector<1xi32>
      %squeeze3A_274 = vector.extract %slice3A_273[0] : i32 from vector<1xi32>
      %slice3A_275 = vector.extract_strided_slice %sub3A {offsets = [3], sizes = [1], strides = [1]} : vector<16xf32> to vector<1xf32>
      %squeeze3A_276 = vector.extract %slice3A_275[0] : f32 from vector<1xf32>
      %sub3A_277 = arith.constant 1.000000e+00 : f32
      %sub3A_278 = arith.subf %sub3A_277, %squeeze3A_276 : f32
      %add3A_279 = arith.constant 0 : i32
      %add3A_280 = arith.addi %squeeze3A_272, %add3A_279 : i32
      %get3A_281 = arith.index_cast %add3A_280 : i32 to index
      %get3A_282 = tpu.vector_load %arg5[%get3A_281] {strides = array<i32>} : memref<98304xf32, #tpu.memory_space<vmem>>, vector<16xf32>,
      %get3A_283 = vector.shape_cast %get3A_282 : vector<16xf32> to vector<16xf32>
      %mul3A_284 = vector.broadcast %sub3A_278 : f32 to vector<16xf32>
      %mul3A_285 = arith.mulf %get3A_283, %mul3A_284 : vector<16xf32>
      %add3A_286 = arith.addf %add3A_222, %mul3A_285 : vector<16xf32>
      %add3A_287 = arith.constant 0 : i32
      %add3A_288 = arith.addi %squeeze3A_274, %add3A_287 : i32
      %get3A_289 = arith.index_cast %add3A_288 : i32 to index
      %get3A_290 = tpu.vector_load %arg5[%get3A_289] {strides = array<i32>} : memref<98304xf32, #tpu.memory_space<vmem>>, vector<16xf32>,
      %get3A_291 = vector.shape_cast %get3A_290 : vector<16xf32> to vector<16xf32>
      %mul3A_292 = vector.broadcast %squeeze3A_276 : f32 to vector<16xf32>
      %mul3A_293 = arith.mulf %get3A_291, %mul3A_292 : vector<16xf32>
      %add3A_294 = arith.addf %add3A_286, %mul3A_293 : vector<16xf32>
      %add3A_295 = arith.constant 16 : i32
      %add3A_296 = arith.addi %squeeze3A_272, %add3A_295 : i32
      %get3A_297 = arith.index_cast %add3A_296 : i32 to index
      %get3A_298 = tpu.vector_load %arg5[%get3A_297] {strides = array<i32>} : memref<98304xf32, #tpu.memory_space<vmem>>, vector<16xf32>,
      %get3A_299 = vector.shape_cast %get3A_298 : vector<16xf32> to vector<16xf32>
      %mul3A_300 = vector.broadcast %sub3A_278 : f32 to vector<16xf32>
      %mul3A_301 = arith.mulf %get3A_299, %mul3A_300 : vector<16xf32>
      %add3A_302 = arith.addf %add3A_238, %mul3A_301 : vector<16xf32>
      %add3A_303 = arith.constant 16 : i32
      %add3A_304 = arith.addi %squeeze3A_274, %add3A_303 : i32
      %get3A_305 = arith.index_cast %add3A_304 : i32 to index
      %get3A_306 = tpu.vector_load %arg5[%get3A_305] {strides = array<i32>} : memref<98304xf32, #tpu.memory_space<vmem>>, vector<16xf32>,
      %get3A_307 = vector.shape_cast %get3A_306 : vector<16xf32> to vector<16xf32>
      %mul3A_308 = vector.broadcast %squeeze3A_276 : f32 to vector<16xf32>
      %mul3A_309 = arith.mulf %get3A_307, %mul3A_308 : vector<16xf32>
      %add3A_310 = arith.addf %add3A_302, %mul3A_309 : vector<16xf32>
      %add3A_311 = arith.constant 32 : i32
      %add3A_312 = arith.addi %squeeze3A_272, %add3A_311 : i32
      %get3A_313 = arith.index_cast %add3A_312 : i32 to index
      %get3A_314 = tpu.vector_load %arg5[%get3A_313] {strides = array<i32>} : memref<98304xf32, #tpu.memory_space<vmem>>, vector<16xf32>,
      %get3A_315 = vector.shape_cast %get3A_314 : vector<16xf32> to vector<16xf32>
      %mul3A_316 = vector.broadcast %sub3A_278 : f32 to vector<16xf32>
      %mul3A_317 = arith.mulf %get3A_315, %mul3A_316 : vector<16xf32>
      %add3A_318 = arith.addf %add3A_254, %mul3A_317 : vector<16xf32>
      %add3A_319 = arith.constant 32 : i32
      %add3A_320 = arith.addi %squeeze3A_274, %add3A_319 : i32
      %get3A_321 = arith.index_cast %add3A_320 : i32 to index
      %get3A_322 = tpu.vector_load %arg5[%get3A_321] {strides = array<i32>} : memref<98304xf32, #tpu.memory_space<vmem>>, vector<16xf32>,
      %get3A_323 = vector.shape_cast %get3A_322 : vector<16xf32> to vector<16xf32>
      %mul3A_324 = vector.broadcast %squeeze3A_276 : f32 to vector<16xf32>
      %mul3A_325 = arith.mulf %get3A_323, %mul3A_324 : vector<16xf32>
      %add3A_326 = arith.addf %add3A_318, %mul3A_325 : vector<16xf32>
      %add3A_327 = arith.constant 48 : i32
      %add3A_328 = arith.addi %squeeze3A_272, %add3A_327 : i32
      %get3A_329 = arith.index_cast %add3A_328 : i32 to index
      %get3A_330 = tpu.vector_load %arg5[%get3A_329] {strides = array<i32>} : memref<98304xf32, #tpu.memory_space<vmem>>, vector<16xf32>,
      %get3A_331 = vector.shape_cast %get3A_330 : vector<16xf32> to vector<16xf32>
      %mul3A_332 = vector.broadcast %sub3A_278 : f32 to vector<16xf32>
      %mul3A_333 = arith.mulf %get3A_331, %mul3A_332 : vector<16xf32>
      %add3A_334 = arith.addf %add3A_270, %mul3A_333 : vector<16xf32>
      %add3A_335 = arith.constant 48 : i32
      %add3A_336 = arith.addi %squeeze3A_274, %add3A_335 : i32
      %get3A_337 = arith.index_cast %add3A_336 : i32 to index
      %get3A_338 = tpu.vector_load %arg5[%get3A_337] {strides = array<i32>} : memref<98304xf32, #tpu.memory_space<vmem>>, vector<16xf32>,
      %get3A_339 = vector.shape_cast %get3A_338 : vector<16xf32> to vector<16xf32>
      %mul3A_340 = vector.broadcast %squeeze3A_276 : f32 to vector<16xf32>
      %mul3A_341 = arith.mulf %get3A_339, %mul3A_340 : vector<16xf32>
      %add3A_342 = arith.addf %add3A_334, %mul3A_341 : vector<16xf32>
      %slice3A_343 = vector.extract_strided_slice %mul3A_49 {offsets = [4], sizes = [1], strides = [1]} : vector<16xi32> to vector<1xi32>
      %squeeze3A_344 = vector.extract %slice3A_343[0] : i32 from vector<1xi32>
      %slice3A_345 = vector.extract_strided_slice %mul3A_56 {offsets = [4], sizes = [1], strides = [1]} : vector<16xi32> to vector<1xi32>
      %squeeze3A_346 = vector.extract %slice3A_345[0] : i32 from vector<1xi32>
      %slice3A_347 = vector.extract_strided_slice %sub3A {offsets = [4], sizes = [1], strides = [1]} : vector<16xf32> to vector<1xf32>
      %squeeze3A_348 = vector.extract %slice3A_347[0] : f32 from vector<1xf32>
      %sub3A_349 = arith.constant 1.000000e+00 : f32
      %sub3A_350 = arith.subf %sub3A_349, %squeeze3A_348 : f32
      %add3A_351 = arith.constant 0 : i32
      %add3A_352 = arith.addi %squeeze3A_344, %add3A_351 : i32
      %get3A_353 = arith.index_cast %add3A_352 : i32 to index
      %get3A_354 = tpu.vector_load %arg5[%get3A_353] {strides = array<i32>} : memref<98304xf32, #tpu.memory_space<vmem>>, vector<16xf32>,
      %get3A_355 = vector.shape_cast %get3A_354 : vector<16xf32> to vector<16xf32>
      %mul3A_356 = vector.broadcast %sub3A_350 : f32 to vector<16xf32>
      %mul3A_357 = arith.mulf %get3A_355, %mul3A_356 : vector<16xf32>
      %add3A_358 = arith.addf %add3A_294, %mul3A_357 : vector<16xf32>
      %add3A_359 = arith.constant 0 : i32
      %add3A_360 = arith.addi %squeeze3A_346, %add3A_359 : i32
      %get3A_361 = arith.index_cast %add3A_360 : i32 to index
      %get3A_362 = tpu.vector_load %arg5[%get3A_361] {strides = array<i32>} : memref<98304xf32, #tpu.memory_space<vmem>>, vector<16xf32>,
      %get3A_363 = vector.shape_cast %get3A_362 : vector<16xf32> to vector<16xf32>
      %mul3A_364 = vector.broadcast %squeeze3A_348 : f32 to vector<16xf32>
      %mul3A_365 = arith.mulf %get3A_363, %mul3A_364 : vector<16xf32>
      %add3A_366 = arith.addf %add3A_358, %mul3A_365 : vector<16xf32>
      %add3A_367 = arith.constant 16 : i32
      %add3A_368 = arith.addi %squeeze3A_344, %add3A_367 : i32
      %get3A_369 = arith.index_cast %add3A_368 : i32 to index
      %get3A_370 = tpu.vector_load %arg5[%get3A_369] {strides = array<i32>} : memref<98304xf32, #tpu.memory_space<vmem>>, vector<16xf32>,
      %get3A_371 = vector.shape_cast %get3A_370 : vector<16xf32> to vector<16xf32>
      %mul3A_372 = vector.broadcast %sub3A_350 : f32 to vector<16xf32>
      %mul3A_373 = arith.mulf %get3A_371, %mul3A_372 : vector<16xf32>
      %add3A_374 = arith.addf %add3A_310, %mul3A_373 : vector<16xf32>
      %add3A_375 = arith.constant 16 : i32
      %add3A_376 = arith.addi %squeeze3A_346, %add3A_375 : i32
      %get3A_377 = arith.index_cast %add3A_376 : i32 to index
      %get3A_378 = tpu.vector_load %arg5[%get3A_377] {strides = array<i32>} : memref<98304xf32, #tpu.memory_space<vmem>>, vector<16xf32>,
      %get3A_379 = vector.shape_cast %get3A_378 : vector<16xf32> to vector<16xf32>
      %mul3A_380 = vector.broadcast %squeeze3A_348 : f32 to vector<16xf32>
      %mul3A_381 = arith.mulf %get3A_379, %mul3A_380 : vector<16xf32>
      %add3A_382 = arith.addf %add3A_374, %mul3A_381 : vector<16xf32>
      %add3A_383 = arith.constant 32 : i32
      %add3A_384 = arith.addi %squeeze3A_344, %add3A_383 : i32
      %get3A_385 = arith.index_cast %add3A_384 : i32 to index
      %get3A_386 = tpu.vector_load %arg5[%get3A_385] {strides = array<i32>} : memref<98304xf32, #tpu.memory_space<vmem>>, vector<16xf32>,
      %get3A_387 = vector.shape_cast %get3A_386 : vector<16xf32> to vector<16xf32>
      %mul3A_388 = vector.broadcast %sub3A_350 : f32 to vector<16xf32>
      %mul3A_389 = arith.mulf %get3A_387, %mul3A_388 : vector<16xf32>
      %add3A_390 = arith.addf %add3A_326, %mul3A_389 : vector<16xf32>
      %add3A_391 = arith.constant 32 : i32
      %add3A_392 = arith.addi %squeeze3A_346, %add3A_391 : i32
      %get3A_393 = arith.index_cast %add3A_392 : i32 to index
      %get3A_394 = tpu.vector_load %arg5[%get3A_393] {strides = array<i32>} : memref<98304xf32, #tpu.memory_space<vmem>>, vector<16xf32>,
      %get3A_395 = vector.shape_cast %get3A_394 : vector<16xf32> to vector<16xf32>
      %mul3A_396 = vector.broadcast %squeeze3A_348 : f32 to vector<16xf32>
      %mul3A_397 = arith.mulf %get3A_395, %mul3A_396 : vector<16xf32>
      %add3A_398 = arith.addf %add3A_390, %mul3A_397 : vector<16xf32>
      %add3A_399 = arith.constant 48 : i32
      %add3A_400 = arith.addi %squeeze3A_344, %add3A_399 : i32
      %get3A_401 = arith.index_cast %add3A_400 : i32 to index
      %get3A_402 = tpu.vector_load %arg5[%get3A_401] {strides = array<i32>} : memref<98304xf32, #tpu.memory_space<vmem>>, vector<16xf32>,
      %get3A_403 = vector.shape_cast %get3A_402 : vector<16xf32> to vector<16xf32>
      %mul3A_404 = vector.broadcast %sub3A_350 : f32 to vector<16xf32>
      %mul3A_405 = arith.mulf %get3A_403, %mul3A_404 : vector<16xf32>
      %add3A_406 = arith.addf %add3A_342, %mul3A_405 : vector<16xf32>
      %add3A_407 = arith.constant 48 : i32
      %add3A_408 = arith.addi %squeeze3A_346, %add3A_407 : i32
      %get3A_409 = arith.index_cast %add3A_408 : i32 to index
      %get3A_410 = tpu.vector_load %arg5[%get3A_409] {strides = array<i32>} : memref<98304xf32, #tpu.memory_space<vmem>>, vector<16xf32>,
      %get3A_411 = vector.shape_cast %get3A_410 : vector<16xf32> to vector<16xf32>
      %mul3A_412 = vector.broadcast %squeeze3A_348 : f32 to vector<16xf32>
      %mul3A_413 = arith.mulf %get3A_411, %mul3A_412 : vector<16xf32>
      %add3A_414 = arith.addf %add3A_406, %mul3A_413 : vector<16xf32>
      %slice3A_415 = vector.extract_strided_slice %mul3A_49 {offsets = [5], sizes = [1], strides = [1]} : vector<16xi32> to vector<1xi32>
      %squeeze3A_416 = vector.extract %slice3A_415[0] : i32 from vector<1xi32>
      %slice3A_417 = vector.extract_strided_slice %mul3A_56 {offsets = [5], sizes = [1], strides = [1]} : vector<16xi32> to vector<1xi32>
      %squeeze3A_418 = vector.extract %slice3A_417[0] : i32 from vector<1xi32>
      %slice3A_419 = vector.extract_strided_slice %sub3A {offsets = [5], sizes = [1], strides = [1]} : vector<16xf32> to vector<1xf32>
      %squeeze3A_420 = vector.extract %slice3A_419[0] : f32 from vector<1xf32>
      %sub3A_421 = arith.constant 1.000000e+00 : f32
      %sub3A_422 = arith.subf %sub3A_421, %squeeze3A_420 : f32
      %add3A_423 = arith.constant 0 : i32
      %add3A_424 = arith.addi %squeeze3A_416, %add3A_423 : i32
      %get3A_425 = arith.index_cast %add3A_424 : i32 to index
      %get3A_426 = tpu.vector_load %arg5[%get3A_425] {strides = array<i32>} : memref<98304xf32, #tpu.memory_space<vmem>>, vector<16xf32>,
      %get3A_427 = vector.shape_cast %get3A_426 : vector<16xf32> to vector<16xf32>
      %mul3A_428 = vector.broadcast %sub3A_422 : f32 to vector<16xf32>
      %mul3A_429 = arith.mulf %get3A_427, %mul3A_428 : vector<16xf32>
      %add3A_430 = arith.addf %add3A_366, %mul3A_429 : vector<16xf32>
      %add3A_431 = arith.constant 0 : i32
      %add3A_432 = arith.addi %squeeze3A_418, %add3A_431 : i32
      %get3A_433 = arith.index_cast %add3A_432 : i32 to index
      %get3A_434 = tpu.vector_load %arg5[%get3A_433] {strides = array<i32>} : memref<98304xf32, #tpu.memory_space<vmem>>, vector<16xf32>,
      %get3A_435 = vector.shape_cast %get3A_434 : vector<16xf32> to vector<16xf32>
      %mul3A_436 = vector.broadcast %squeeze3A_420 : f32 to vector<16xf32>
      %mul3A_437 = arith.mulf %get3A_435, %mul3A_436 : vector<16xf32>
      %add3A_438 = arith.addf %add3A_430, %mul3A_437 : vector<16xf32>
      %add3A_439 = arith.constant 16 : i32
      %add3A_440 = arith.addi %squeeze3A_416, %add3A_439 : i32
      %get3A_441 = arith.index_cast %add3A_440 : i32 to index
      %get3A_442 = tpu.vector_load %arg5[%get3A_441] {strides = array<i32>} : memref<98304xf32, #tpu.memory_space<vmem>>, vector<16xf32>,
      %get3A_443 = vector.shape_cast %get3A_442 : vector<16xf32> to vector<16xf32>
      %mul3A_444 = vector.broadcast %sub3A_422 : f32 to vector<16xf32>
      %mul3A_445 = arith.mulf %get3A_443, %mul3A_444 : vector<16xf32>
      %add3A_446 = arith.addf %add3A_382, %mul3A_445 : vector<16xf32>
      %add3A_447 = arith.constant 16 : i32
      %add3A_448 = arith.addi %squeeze3A_418, %add3A_447 : i32
      %get3A_449 = arith.index_cast %add3A_448 : i32 to index
      %get3A_450 = tpu.vector_load %arg5[%get3A_449] {strides = array<i32>} : memref<98304xf32, #tpu.memory_space<vmem>>, vector<16xf32>,
      %get3A_451 = vector.shape_cast %get3A_450 : vector<16xf32> to vector<16xf32>
      %mul3A_452 = vector.broadcast %squeeze3A_420 : f32 to vector<16xf32>
      %mul3A_453 = arith.mulf %get3A_451, %mul3A_452 : vector<16xf32>
      %add3A_454 = arith.addf %add3A_446, %mul3A_453 : vector<16xf32>
      %add3A_455 = arith.constant 32 : i32
      %add3A_456 = arith.addi %squeeze3A_416, %add3A_455 : i32
      %get3A_457 = arith.index_cast %add3A_456 : i32 to index
      %get3A_458 = tpu.vector_load %arg5[%get3A_457] {strides = array<i32>} : memref<98304xf32, #tpu.memory_space<vmem>>, vector<16xf32>,
      %get3A_459 = vector.shape_cast %get3A_458 : vector<16xf32> to vector<16xf32>
      %mul3A_460 = vector.broadcast %sub3A_422 : f32 to vector<16xf32>
      %mul3A_461 = arith.mulf %get3A_459, %mul3A_460 : vector<16xf32>
      %add3A_462 = arith.addf %add3A_398, %mul3A_461 : vector<16xf32>
      %add3A_463 = arith.constant 32 : i32
      %add3A_464 = arith.addi %squeeze3A_418, %add3A_463 : i32
      %get3A_465 = arith.index_cast %add3A_464 : i32 to index
      %get3A_466 = tpu.vector_load %arg5[%get3A_465] {strides = array<i32>} : memref<98304xf32, #tpu.memory_space<vmem>>, vector<16xf32>,
      %get3A_467 = vector.shape_cast %get3A_466 : vector<16xf32> to vector<16xf32>
      %mul3A_468 = vector.broadcast %squeeze3A_420 : f32 to vector<16xf32>
      %mul3A_469 = arith.mulf %get3A_467, %mul3A_468 : vector<16xf32>
      %add3A_470 = arith.addf %add3A_462, %mul3A_469 : vector<16xf32>
      %add3A_471 = arith.constant 48 : i32
      %add3A_472 = arith.addi %squeeze3A_416, %add3A_471 : i32
      %get3A_473 = arith.index_cast %add3A_472 : i32 to index
      %get3A_474 = tpu.vector_load %arg5[%get3A_473] {strides = array<i32>} : memref<98304xf32, #tpu.memory_space<vmem>>, vector<16xf32>,
      %get3A_475 = vector.shape_cast %get3A_474 : vector<16xf32> to vector<16xf32>
      %mul3A_476 = vector.broadcast %sub3A_422 : f32 to vector<16xf32>
      %mul3A_477 = arith.mulf %get3A_475, %mul3A_476 : vector<16xf32>
      %add3A_478 = arith.addf %add3A_414, %mul3A_477 : vector<16xf32>
      %add3A_479 = arith.constant 48 : i32
      %add3A_480 = arith.addi %squeeze3A_418, %add3A_479 : i32
      %get3A_481 = arith.index_cast %add3A_480 : i32 to index
      %get3A_482 = tpu.vector_load %arg5[%get3A_481] {strides = array<i32>} : memref<98304xf32, #tpu.memory_space<vmem>>, vector<16xf32>,
      %get3A_483 = vector.shape_cast %get3A_482 : vector<16xf32> to vector<16xf32>
      %mul3A_484 = vector.broadcast %squeeze3A_420 : f32 to vector<16xf32>
      %mul3A_485 = arith.mulf %get3A_483, %mul3A_484 : vector<16xf32>
      %add3A_486 = arith.addf %add3A_478, %mul3A_485 : vector<16xf32>
      %slice3A_487 = vector.extract_strided_slice %mul3A_49 {offsets = [6], sizes = [1], strides = [1]} : vector<16xi32> to vector<1xi32>
      %squeeze3A_488 = vector.extract %slice3A_487[0] : i32 from vector<1xi32>
      %slice3A_489 = vector.extract_strided_slice %mul3A_56 {offsets = [6], sizes = [1], strides = [1]} : vector<16xi32> to vector<1xi32>
      %squeeze3A_490 = vector.extract %slice3A_489[0] : i32 from vector<1xi32>
      %slice3A_491 = vector.extract_strided_slice %sub3A {offsets = [6], sizes = [1], strides = [1]} : vector<16xf32> to vector<1xf32>
      %squeeze3A_492 = vector.extract %slice3A_491[0] : f32 from vector<1xf32>
      %sub3A_493 = arith.constant 1.000000e+00 : f32
      %sub3A_494 = arith.subf %sub3A_493, %squeeze3A_492 : f32
      %add3A_495 = arith.constant 0 : i32
      %add3A_496 = arith.addi %squeeze3A_488, %add3A_495 : i32
      %get3A_497 = arith.index_cast %add3A_496 : i32 to index
      %get3A_498 = tpu.vector_load %arg5[%get3A_497] {strides = array<i32>} : memref<98304xf32, #tpu.memory_space<vmem>>, vector<16xf32>,
      %get3A_499 = vector.shape_cast %get3A_498 : vector<16xf32> to vector<16xf32>
      %mul3A_500 = vector.broadcast %sub3A_494 : f32 to vector<16xf32>
      %mul3A_501 = arith.mulf %get3A_499, %mul3A_500 : vector<16xf32>
      %add3A_502 = arith.addf %add3A_438, %mul3A_501 : vector<16xf32>
      %add3A_503 = arith.constant 0 : i32
      %add3A_504 = arith.addi %squeeze3A_490, %add3A_503 : i32
      %get3A_505 = arith.index_cast %add3A_504 : i32 to index
      %get3A_506 = tpu.vector_load %arg5[%get3A_505] {strides = array<i32>} : memref<98304xf32, #tpu.memory_space<vmem>>, vector<16xf32>,
      %get3A_507 = vector.shape_cast %get3A_506 : vector<16xf32> to vector<16xf32>
      %mul3A_508 = vector.broadcast %squeeze3A_492 : f32 to vector<16xf32>
      %mul3A_509 = arith.mulf %get3A_507, %mul3A_508 : vector<16xf32>
      %add3A_510 = arith.addf %add3A_502, %mul3A_509 : vector<16xf32>
      %add3A_511 = arith.constant 16 : i32
      %add3A_512 = arith.addi %squeeze3A_488, %add3A_511 : i32
      %get3A_513 = arith.index_cast %add3A_512 : i32 to index
      %get3A_514 = tpu.vector_load %arg5[%get3A_513] {strides = array<i32>} : memref<98304xf32, #tpu.memory_space<vmem>>, vector<16xf32>,
      %get3A_515 = vector.shape_cast %get3A_514 : vector<16xf32> to vector<16xf32>
      %mul3A_516 = vector.broadcast %sub3A_494 : f32 to vector<16xf32>
      %mul3A_517 = arith.mulf %get3A_515, %mul3A_516 : vector<16xf32>
      %add3A_518 = arith.addf %add3A_454, %mul3A_517 : vector<16xf32>
      %add3A_519 = arith.constant 16 : i32
      %add3A_520 = arith.addi %squeeze3A_490, %add3A_519 : i32
      %get3A_521 = arith.index_cast %add3A_520 : i32 to index
      %get3A_522 = tpu.vector_load %arg5[%get3A_521] {strides = array<i32>} : memref<98304xf32, #tpu.memory_space<vmem>>, vector<16xf32>,
      %get3A_523 = vector.shape_cast %get3A_522 : vector<16xf32> to vector<16xf32>
      %mul3A_524 = vector.broadcast %squeeze3A_492 : f32 to vector<16xf32>
      %mul3A_525 = arith.mulf %get3A_523, %mul3A_524 : vector<16xf32>
      %add3A_526 = arith.addf %add3A_518, %mul3A_525 : vector<16xf32>
      %add3A_527 = arith.constant 32 : i32
      %add3A_528 = arith.addi %squeeze3A_488, %add3A_527 : i32
      %get3A_529 = arith.index_cast %add3A_528 : i32 to index
      %get3A_530 = tpu.vector_load %arg5[%get3A_529] {strides = array<i32>} : memref<98304xf32, #tpu.memory_space<vmem>>, vector<16xf32>,
      %get3A_531 = vector.shape_cast %get3A_530 : vector<16xf32> to vector<16xf32>
      %mul3A_532 = vector.broadcast %sub3A_494 : f32 to vector<16xf32>
      %mul3A_533 = arith.mulf %get3A_531, %mul3A_532 : vector<16xf32>
      %add3A_534 = arith.addf %add3A_470, %mul3A_533 : vector<16xf32>
      %add3A_535 = arith.constant 32 : i32
      %add3A_536 = arith.addi %squeeze3A_490, %add3A_535 : i32
      %get3A_537 = arith.index_cast %add3A_536 : i32 to index
      %get3A_538 = tpu.vector_load %arg5[%get3A_537] {strides = array<i32>} : memref<98304xf32, #tpu.memory_space<vmem>>, vector<16xf32>,
      %get3A_539 = vector.shape_cast %get3A_538 : vector<16xf32> to vector<16xf32>
      %mul3A_540 = vector.broadcast %squeeze3A_492 : f32 to vector<16xf32>
      %mul3A_541 = arith.mulf %get3A_539, %mul3A_540 : vector<16xf32>
      %add3A_542 = arith.addf %add3A_534, %mul3A_541 : vector<16xf32>
      %add3A_543 = arith.constant 48 : i32
      %add3A_544 = arith.addi %squeeze3A_488, %add3A_543 : i32
      %get3A_545 = arith.index_cast %add3A_544 : i32 to index
      %get3A_546 = tpu.vector_load %arg5[%get3A_545] {strides = array<i32>} : memref<98304xf32, #tpu.memory_space<vmem>>, vector<16xf32>,
      %get3A_547 = vector.shape_cast %get3A_546 : vector<16xf32> to vector<16xf32>
      %mul3A_548 = vector.broadcast %sub3A_494 : f32 to vector<16xf32>
      %mul3A_549 = arith.mulf %get3A_547, %mul3A_548 : vector<16xf32>
      %add3A_550 = arith.addf %add3A_486, %mul3A_549 : vector<16xf32>
      %add3A_551 = arith.constant 48 : i32
      %add3A_552 = arith.addi %squeeze3A_490, %add3A_551 : i32
      %get3A_553 = arith.index_cast %add3A_552 : i32 to index
      %get3A_554 = tpu.vector_load %arg5[%get3A_553] {strides = array<i32>} : memref<98304xf32, #tpu.memory_space<vmem>>, vector<16xf32>,
      %get3A_555 = vector.shape_cast %get3A_554 : vector<16xf32> to vector<16xf32>
      %mul3A_556 = vector.broadcast %squeeze3A_492 : f32 to vector<16xf32>
      %mul3A_557 = arith.mulf %get3A_555, %mul3A_556 : vector<16xf32>
      %add3A_558 = arith.addf %add3A_550, %mul3A_557 : vector<16xf32>
      %slice3A_559 = vector.extract_strided_slice %mul3A_49 {offsets = [7], sizes = [1], strides = [1]} : vector<16xi32> to vector<1xi32>
      %squeeze3A_560 = vector.extract %slice3A_559[0] : i32 from vector<1xi32>
      %slice3A_561 = vector.extract_strided_slice %mul3A_56 {offsets = [7], sizes = [1], strides = [1]} : vector<16xi32> to vector<1xi32>
      %squeeze3A_562 = vector.extract %slice3A_561[0] : i32 from vector<1xi32>
      %slice3A_563 = vector.extract_strided_slice %sub3A {offsets = [7], sizes = [1], strides = [1]} : vector<16xf32> to vector<1xf32>
      %squeeze3A_564 = vector.extract %slice3A_563[0] : f32 from vector<1xf32>
      %sub3A_565 = arith.constant 1.000000e+00 : f32
      %sub3A_566 = arith.subf %sub3A_565, %squeeze3A_564 : f32
      %add3A_567 = arith.constant 0 : i32
      %add3A_568 = arith.addi %squeeze3A_560, %add3A_567 : i32
      %get3A_569 = arith.index_cast %add3A_568 : i32 to index
      %get3A_570 = tpu.vector_load %arg5[%get3A_569] {strides = array<i32>} : memref<98304xf32, #tpu.memory_space<vmem>>, vector<16xf32>,
      %get3A_571 = vector.shape_cast %get3A_570 : vector<16xf32> to vector<16xf32>
      %mul3A_572 = vector.broadcast %sub3A_566 : f32 to vector<16xf32>
      %mul3A_573 = arith.mulf %get3A_571, %mul3A_572 : vector<16xf32>
      %add3A_574 = arith.addf %add3A_510, %mul3A_573 : vector<16xf32>
      %add3A_575 = arith.constant 0 : i32
      %add3A_576 = arith.addi %squeeze3A_562, %add3A_575 : i32
      %get3A_577 = arith.index_cast %add3A_576 : i32 to index
      %get3A_578 = tpu.vector_load %arg5[%get3A_577] {strides = array<i32>} : memref<98304xf32, #tpu.memory_space<vmem>>, vector<16xf32>,
      %get3A_579 = vector.shape_cast %get3A_578 : vector<16xf32> to vector<16xf32>
      %mul3A_580 = vector.broadcast %squeeze3A_564 : f32 to vector<16xf32>
      %mul3A_581 = arith.mulf %get3A_579, %mul3A_580 : vector<16xf32>
      %add3A_582 = arith.addf %add3A_574, %mul3A_581 : vector<16xf32>
      %add3A_583 = arith.constant 16 : i32
      %add3A_584 = arith.addi %squeeze3A_560, %add3A_583 : i32
      %get3A_585 = arith.index_cast %add3A_584 : i32 to index
      %get3A_586 = tpu.vector_load %arg5[%get3A_585] {strides = array<i32>} : memref<98304xf32, #tpu.memory_space<vmem>>, vector<16xf32>,
      %get3A_587 = vector.shape_cast %get3A_586 : vector<16xf32> to vector<16xf32>
      %mul3A_588 = vector.broadcast %sub3A_566 : f32 to vector<16xf32>
      %mul3A_589 = arith.mulf %get3A_587, %mul3A_588 : vector<16xf32>
      %add3A_590 = arith.addf %add3A_526, %mul3A_589 : vector<16xf32>
      %add3A_591 = arith.constant 16 : i32
      %add3A_592 = arith.addi %squeeze3A_562, %add3A_591 : i32
      %get3A_593 = arith.index_cast %add3A_592 : i32 to index
      %get3A_594 = tpu.vector_load %arg5[%get3A_593] {strides = array<i32>} : memref<98304xf32, #tpu.memory_space<vmem>>, vector<16xf32>,
      %get3A_595 = vector.shape_cast %get3A_594 : vector<16xf32> to vector<16xf32>
      %mul3A_596 = vector.broadcast %squeeze3A_564 : f32 to vector<16xf32>
      %mul3A_597 = arith.mulf %get3A_595, %mul3A_596 : vector<16xf32>
      %add3A_598 = arith.addf %add3A_590, %mul3A_597 : vector<16xf32>
      %add3A_599 = arith.constant 32 : i32
      %add3A_600 = arith.addi %squeeze3A_560, %add3A_599 : i32
      %get3A_601 = arith.index_cast %add3A_600 : i32 to index
      %get3A_602 = tpu.vector_load %arg5[%get3A_601] {strides = array<i32>} : memref<98304xf32, #tpu.memory_space<vmem>>, vector<16xf32>,
      %get3A_603 = vector.shape_cast %get3A_602 : vector<16xf32> to vector<16xf32>
      %mul3A_604 = vector.broadcast %sub3A_566 : f32 to vector<16xf32>
      %mul3A_605 = arith.mulf %get3A_603, %mul3A_604 : vector<16xf32>
      %add3A_606 = arith.addf %add3A_542, %mul3A_605 : vector<16xf32>
      %add3A_607 = arith.constant 32 : i32
      %add3A_608 = arith.addi %squeeze3A_562, %add3A_607 : i32
      %get3A_609 = arith.index_cast %add3A_608 : i32 to index
      %get3A_610 = tpu.vector_load %arg5[%get3A_609] {strides = array<i32>} : memref<98304xf32, #tpu.memory_space<vmem>>, vector<16xf32>,
      %get3A_611 = vector.shape_cast %get3A_610 : vector<16xf32> to vector<16xf32>
      %mul3A_612 = vector.broadcast %squeeze3A_564 : f32 to vector<16xf32>
      %mul3A_613 = arith.mulf %get3A_611, %mul3A_612 : vector<16xf32>
      %add3A_614 = arith.addf %add3A_606, %mul3A_613 : vector<16xf32>
      %add3A_615 = arith.constant 48 : i32
      %add3A_616 = arith.addi %squeeze3A_560, %add3A_615 : i32
      %get3A_617 = arith.index_cast %add3A_616 : i32 to index
      %get3A_618 = tpu.vector_load %arg5[%get3A_617] {strides = array<i32>} : memref<98304xf32, #tpu.memory_space<vmem>>, vector<16xf32>,
      %get3A_619 = vector.shape_cast %get3A_618 : vector<16xf32> to vector<16xf32>
      %mul3A_620 = vector.broadcast %sub3A_566 : f32 to vector<16xf32>
      %mul3A_621 = arith.mulf %get3A_619, %mul3A_620 : vector<16xf32>
      %add3A_622 = arith.addf %add3A_558, %mul3A_621 : vector<16xf32>
      %add3A_623 = arith.constant 48 : i32
      %add3A_624 = arith.addi %squeeze3A_562, %add3A_623 : i32
      %get3A_625 = arith.index_cast %add3A_624 : i32 to index
      %get3A_626 = tpu.vector_load %arg5[%get3A_625] {strides = array<i32>} : memref<98304xf32, #tpu.memory_space<vmem>>, vector<16xf32>,
      %get3A_627 = vector.shape_cast %get3A_626 : vector<16xf32> to vector<16xf32>
      %mul3A_628 = vector.broadcast %squeeze3A_564 : f32 to vector<16xf32>
      %mul3A_629 = arith.mulf %get3A_627, %mul3A_628 : vector<16xf32>
      %add3A_630 = arith.addf %add3A_622, %mul3A_629 : vector<16xf32>
      %slice3A_631 = vector.extract_strided_slice %mul3A_49 {offsets = [8], sizes = [1], strides = [1]} : vector<16xi32> to vector<1xi32>
      %squeeze3A_632 = vector.extract %slice3A_631[0] : i32 from vector<1xi32>
      %slice3A_633 = vector.extract_strided_slice %mul3A_56 {offsets = [8], sizes = [1], strides = [1]} : vector<16xi32> to vector<1xi32>
      %squeeze3A_634 = vector.extract %slice3A_633[0] : i32 from vector<1xi32>
      %slice3A_635 = vector.extract_strided_slice %sub3A {offsets = [8], sizes = [1], strides = [1]} : vector<16xf32> to vector<1xf32>
      %squeeze3A_636 = vector.extract %slice3A_635[0] : f32 from vector<1xf32>
      %sub3A_637 = arith.constant 1.000000e+00 : f32
      %sub3A_638 = arith.subf %sub3A_637, %squeeze3A_636 : f32
      %add3A_639 = arith.constant 0 : i32
      %add3A_640 = arith.addi %squeeze3A_632, %add3A_639 : i32
      %get3A_641 = arith.index_cast %add3A_640 : i32 to index
      %get3A_642 = tpu.vector_load %arg5[%get3A_641] {strides = array<i32>} : memref<98304xf32, #tpu.memory_space<vmem>>, vector<16xf32>,
      %get3A_643 = vector.shape_cast %get3A_642 : vector<16xf32> to vector<16xf32>
      %mul3A_644 = vector.broadcast %sub3A_638 : f32 to vector<16xf32>
      %mul3A_645 = arith.mulf %get3A_643, %mul3A_644 : vector<16xf32>
      %add3A_646 = arith.addf %add3A_582, %mul3A_645 : vector<16xf32>
      %add3A_647 = arith.constant 0 : i32
      %add3A_648 = arith.addi %squeeze3A_634, %add3A_647 : i32
      %get3A_649 = arith.index_cast %add3A_648 : i32 to index
      %get3A_650 = tpu.vector_load %arg5[%get3A_649] {strides = array<i32>} : memref<98304xf32, #tpu.memory_space<vmem>>, vector<16xf32>,
      %get3A_651 = vector.shape_cast %get3A_650 : vector<16xf32> to vector<16xf32>
      %mul3A_652 = vector.broadcast %squeeze3A_636 : f32 to vector<16xf32>
      %mul3A_653 = arith.mulf %get3A_651, %mul3A_652 : vector<16xf32>
      %add3A_654 = arith.addf %add3A_646, %mul3A_653 : vector<16xf32>
      %add3A_655 = arith.constant 16 : i32
      %add3A_656 = arith.addi %squeeze3A_632, %add3A_655 : i32
      %get3A_657 = arith.index_cast %add3A_656 : i32 to index
      %get3A_658 = tpu.vector_load %arg5[%get3A_657] {strides = array<i32>} : memref<98304xf32, #tpu.memory_space<vmem>>, vector<16xf32>,
      %get3A_659 = vector.shape_cast %get3A_658 : vector<16xf32> to vector<16xf32>
      %mul3A_660 = vector.broadcast %sub3A_638 : f32 to vector<16xf32>
      %mul3A_661 = arith.mulf %get3A_659, %mul3A_660 : vector<16xf32>
      %add3A_662 = arith.addf %add3A_598, %mul3A_661 : vector<16xf32>
      %add3A_663 = arith.constant 16 : i32
      %add3A_664 = arith.addi %squeeze3A_634, %add3A_663 : i32
      %get3A_665 = arith.index_cast %add3A_664 : i32 to index
      %get3A_666 = tpu.vector_load %arg5[%get3A_665] {strides = array<i32>} : memref<98304xf32, #tpu.memory_space<vmem>>, vector<16xf32>,
      %get3A_667 = vector.shape_cast %get3A_666 : vector<16xf32> to vector<16xf32>
      %mul3A_668 = vector.broadcast %squeeze3A_636 : f32 to vector<16xf32>
      %mul3A_669 = arith.mulf %get3A_667, %mul3A_668 : vector<16xf32>
      %add3A_670 = arith.addf %add3A_662, %mul3A_669 : vector<16xf32>
      %add3A_671 = arith.constant 32 : i32
      %add3A_672 = arith.addi %squeeze3A_632, %add3A_671 : i32
      %get3A_673 = arith.index_cast %add3A_672 : i32 to index
      %get3A_674 = tpu.vector_load %arg5[%get3A_673] {strides = array<i32>} : memref<98304xf32, #tpu.memory_space<vmem>>, vector<16xf32>,
      %get3A_675 = vector.shape_cast %get3A_674 : vector<16xf32> to vector<16xf32>
      %mul3A_676 = vector.broadcast %sub3A_638 : f32 to vector<16xf32>
      %mul3A_677 = arith.mulf %get3A_675, %mul3A_676 : vector<16xf32>
      %add3A_678 = arith.addf %add3A_614, %mul3A_677 : vector<16xf32>
      %add3A_679 = arith.constant 32 : i32
      %add3A_680 = arith.addi %squeeze3A_634, %add3A_679 : i32
      %get3A_681 = arith.index_cast %add3A_680 : i32 to index
      %get3A_682 = tpu.vector_load %arg5[%get3A_681] {strides = array<i32>} : memref<98304xf32, #tpu.memory_space<vmem>>, vector<16xf32>,
      %get3A_683 = vector.shape_cast %get3A_682 : vector<16xf32> to vector<16xf32>
      %mul3A_684 = vector.broadcast %squeeze3A_636 : f32 to vector<16xf32>
      %mul3A_685 = arith.mulf %get3A_683, %mul3A_684 : vector<16xf32>
      %add3A_686 = arith.addf %add3A_678, %mul3A_685 : vector<16xf32>
      %add3A_687 = arith.constant 48 : i32
      %add3A_688 = arith.addi %squeeze3A_632, %add3A_687 : i32
      %get3A_689 = arith.index_cast %add3A_688 : i32 to index
      %get3A_690 = tpu.vector_load %arg5[%get3A_689] {strides = array<i32>} : memref<98304xf32, #tpu.memory_space<vmem>>, vector<16xf32>,
      %get3A_691 = vector.shape_cast %get3A_690 : vector<16xf32> to vector<16xf32>
      %mul3A_692 = vector.broadcast %sub3A_638 : f32 to vector<16xf32>
      %mul3A_693 = arith.mulf %get3A_691, %mul3A_692 : vector<16xf32>
      %add3A_694 = arith.addf %add3A_630, %mul3A_693 : vector<16xf32>
      %add3A_695 = arith.constant 48 : i32
      %add3A_696 = arith.addi %squeeze3A_634, %add3A_695 : i32
      %get3A_697 = arith.index_cast %add3A_696 : i32 to index
      %get3A_698 = tpu.vector_load %arg5[%get3A_697] {strides = array<i32>} : memref<98304xf32, #tpu.memory_space<vmem>>, vector<16xf32>,
      %get3A_699 = vector.shape_cast %get3A_698 : vector<16xf32> to vector<16xf32>
      %mul3A_700 = vector.broadcast %squeeze3A_636 : f32 to vector<16xf32>
      %mul3A_701 = arith.mulf %get3A_699, %mul3A_700 : vector<16xf32>
      %add3A_702 = arith.addf %add3A_694, %mul3A_701 : vector<16xf32>
      %slice3A_703 = vector.extract_strided_slice %mul3A_49 {offsets = [9], sizes = [1], strides = [1]} : vector<16xi32> to vector<1xi32>
      %squeeze3A_704 = vector.extract %slice3A_703[0] : i32 from vector<1xi32>
      %slice3A_705 = vector.extract_strided_slice %mul3A_56 {offsets = [9], sizes = [1], strides = [1]} : vector<16xi32> to vector<1xi32>
      %squeeze3A_706 = vector.extract %slice3A_705[0] : i32 from vector<1xi32>
      %slice3A_707 = vector.extract_strided_slice %sub3A {offsets = [9], sizes = [1], strides = [1]} : vector<16xf32> to vector<1xf32>
      %squeeze3A_708 = vector.extract %slice3A_707[0] : f32 from vector<1xf32>
      %sub3A_709 = arith.constant 1.000000e+00 : f32
      %sub3A_710 = arith.subf %sub3A_709, %squeeze3A_708 : f32
      %add3A_711 = arith.constant 0 : i32
      %add3A_712 = arith.addi %squeeze3A_704, %add3A_711 : i32
      %get3A_713 = arith.index_cast %add3A_712 : i32 to index
      %get3A_714 = tpu.vector_load %arg5[%get3A_713] {strides = array<i32>} : memref<98304xf32, #tpu.memory_space<vmem>>, vector<16xf32>,
      %get3A_715 = vector.shape_cast %get3A_714 : vector<16xf32> to vector<16xf32>
      %mul3A_716 = vector.broadcast %sub3A_710 : f32 to vector<16xf32>
      %mul3A_717 = arith.mulf %get3A_715, %mul3A_716 : vector<16xf32>
      %add3A_718 = arith.addf %add3A_654, %mul3A_717 : vector<16xf32>
      %add3A_719 = arith.constant 0 : i32
      %add3A_720 = arith.addi %squeeze3A_706, %add3A_719 : i32
      %get3A_721 = arith.index_cast %add3A_720 : i32 to index
      %get3A_722 = tpu.vector_load %arg5[%get3A_721] {strides = array<i32>} : memref<98304xf32, #tpu.memory_space<vmem>>, vector<16xf32>,
      %get3A_723 = vector.shape_cast %get3A_722 : vector<16xf32> to vector<16xf32>
      %mul3A_724 = vector.broadcast %squeeze3A_708 : f32 to vector<16xf32>
      %mul3A_725 = arith.mulf %get3A_723, %mul3A_724 : vector<16xf32>
      %add3A_726 = arith.addf %add3A_718, %mul3A_725 : vector<16xf32>
      %add3A_727 = arith.constant 16 : i32
      %add3A_728 = arith.addi %squeeze3A_704, %add3A_727 : i32
      %get3A_729 = arith.index_cast %add3A_728 : i32 to index
      %get3A_730 = tpu.vector_load %arg5[%get3A_729] {strides = array<i32>} : memref<98304xf32, #tpu.memory_space<vmem>>, vector<16xf32>,
      %get3A_731 = vector.shape_cast %get3A_730 : vector<16xf32> to vector<16xf32>
      %mul3A_732 = vector.broadcast %sub3A_710 : f32 to vector<16xf32>
      %mul3A_733 = arith.mulf %get3A_731, %mul3A_732 : vector<16xf32>
      %add3A_734 = arith.addf %add3A_670, %mul3A_733 : vector<16xf32>
      %add3A_735 = arith.constant 16 : i32
      %add3A_736 = arith.addi %squeeze3A_706, %add3A_735 : i32
      %get3A_737 = arith.index_cast %add3A_736 : i32 to index
      %get3A_738 = tpu.vector_load %arg5[%get3A_737] {strides = array<i32>} : memref<98304xf32, #tpu.memory_space<vmem>>, vector<16xf32>,
      %get3A_739 = vector.shape_cast %get3A_738 : vector<16xf32> to vector<16xf32>
      %mul3A_740 = vector.broadcast %squeeze3A_708 : f32 to vector<16xf32>
      %mul3A_741 = arith.mulf %get3A_739, %mul3A_740 : vector<16xf32>
      %add3A_742 = arith.addf %add3A_734, %mul3A_741 : vector<16xf32>
      %add3A_743 = arith.constant 32 : i32
      %add3A_744 = arith.addi %squeeze3A_704, %add3A_743 : i32
      %get3A_745 = arith.index_cast %add3A_744 : i32 to index
      %get3A_746 = tpu.vector_load %arg5[%get3A_745] {strides = array<i32>} : memref<98304xf32, #tpu.memory_space<vmem>>, vector<16xf32>,
      %get3A_747 = vector.shape_cast %get3A_746 : vector<16xf32> to vector<16xf32>
      %mul3A_748 = vector.broadcast %sub3A_710 : f32 to vector<16xf32>
      %mul3A_749 = arith.mulf %get3A_747, %mul3A_748 : vector<16xf32>
      %add3A_750 = arith.addf %add3A_686, %mul3A_749 : vector<16xf32>
      %add3A_751 = arith.constant 32 : i32
      %add3A_752 = arith.addi %squeeze3A_706, %add3A_751 : i32
      %get3A_753 = arith.index_cast %add3A_752 : i32 to index
      %get3A_754 = tpu.vector_load %arg5[%get3A_753] {strides = array<i32>} : memref<98304xf32, #tpu.memory_space<vmem>>, vector<16xf32>,
      %get3A_755 = vector.shape_cast %get3A_754 : vector<16xf32> to vector<16xf32>
      %mul3A_756 = vector.broadcast %squeeze3A_708 : f32 to vector<16xf32>
      %mul3A_757 = arith.mulf %get3A_755, %mul3A_756 : vector<16xf32>
      %add3A_758 = arith.addf %add3A_750, %mul3A_757 : vector<16xf32>
      %add3A_759 = arith.constant 48 : i32
      %add3A_760 = arith.addi %squeeze3A_704, %add3A_759 : i32
      %get3A_761 = arith.index_cast %add3A_760 : i32 to index
      %get3A_762 = tpu.vector_load %arg5[%get3A_761] {strides = array<i32>} : memref<98304xf32, #tpu.memory_space<vmem>>, vector<16xf32>,
      %get3A_763 = vector.shape_cast %get3A_762 : vector<16xf32> to vector<16xf32>
      %mul3A_764 = vector.broadcast %sub3A_710 : f32 to vector<16xf32>
      %mul3A_765 = arith.mulf %get3A_763, %mul3A_764 : vector<16xf32>
      %add3A_766 = arith.addf %add3A_702, %mul3A_765 : vector<16xf32>
      %add3A_767 = arith.constant 48 : i32
      %add3A_768 = arith.addi %squeeze3A_706, %add3A_767 : i32
      %get3A_769 = arith.index_cast %add3A_768 : i32 to index
      %get3A_770 = tpu.vector_load %arg5[%get3A_769] {strides = array<i32>} : memref<98304xf32, #tpu.memory_space<vmem>>, vector<16xf32>,
      %get3A_771 = vector.shape_cast %get3A_770 : vector<16xf32> to vector<16xf32>
      %mul3A_772 = vector.broadcast %squeeze3A_708 : f32 to vector<16xf32>
      %mul3A_773 = arith.mulf %get3A_771, %mul3A_772 : vector<16xf32>
      %add3A_774 = arith.addf %add3A_766, %mul3A_773 : vector<16xf32>
      %slice3A_775 = vector.extract_strided_slice %mul3A_49 {offsets = [10], sizes = [1], strides = [1]} : vector<16xi32> to vector<1xi32>
      %squeeze3A_776 = vector.extract %slice3A_775[0] : i32 from vector<1xi32>
      %slice3A_777 = vector.extract_strided_slice %mul3A_56 {offsets = [10], sizes = [1], strides = [1]} : vector<16xi32> to vector<1xi32>
      %squeeze3A_778 = vector.extract %slice3A_777[0] : i32 from vector<1xi32>
      %slice3A_779 = vector.extract_strided_slice %sub3A {offsets = [10], sizes = [1], strides = [1]} : vector<16xf32> to vector<1xf32>
      %squeeze3A_780 = vector.extract %slice3A_779[0] : f32 from vector<1xf32>
      %sub3A_781 = arith.constant 1.000000e+00 : f32
      %sub3A_782 = arith.subf %sub3A_781, %squeeze3A_780 : f32
      %add3A_783 = arith.constant 0 : i32
      %add3A_784 = arith.addi %squeeze3A_776, %add3A_783 : i32
      %get3A_785 = arith.index_cast %add3A_784 : i32 to index
      %get3A_786 = tpu.vector_load %arg5[%get3A_785] {strides = array<i32>} : memref<98304xf32, #tpu.memory_space<vmem>>, vector<16xf32>,
      %get3A_787 = vector.shape_cast %get3A_786 : vector<16xf32> to vector<16xf32>
      %mul3A_788 = vector.broadcast %sub3A_782 : f32 to vector<16xf32>
      %mul3A_789 = arith.mulf %get3A_787, %mul3A_788 : vector<16xf32>
      %add3A_790 = arith.addf %add3A_726, %mul3A_789 : vector<16xf32>
      %add3A_791 = arith.constant 0 : i32
      %add3A_792 = arith.addi %squeeze3A_778, %add3A_791 : i32
      %get3A_793 = arith.index_cast %add3A_792 : i32 to index
      %get3A_794 = tpu.vector_load %arg5[%get3A_793] {strides = array<i32>} : memref<98304xf32, #tpu.memory_space<vmem>>, vector<16xf32>,
      %get3A_795 = vector.shape_cast %get3A_794 : vector<16xf32> to vector<16xf32>
      %mul3A_796 = vector.broadcast %squeeze3A_780 : f32 to vector<16xf32>
      %mul3A_797 = arith.mulf %get3A_795, %mul3A_796 : vector<16xf32>
      %add3A_798 = arith.addf %add3A_790, %mul3A_797 : vector<16xf32>
      %add3A_799 = arith.constant 16 : i32
      %add3A_800 = arith.addi %squeeze3A_776, %add3A_799 : i32
      %get3A_801 = arith.index_cast %add3A_800 : i32 to index
      %get3A_802 = tpu.vector_load %arg5[%get3A_801] {strides = array<i32>} : memref<98304xf32, #tpu.memory_space<vmem>>, vector<16xf32>,
      %get3A_803 = vector.shape_cast %get3A_802 : vector<16xf32> to vector<16xf32>
      %mul3A_804 = vector.broadcast %sub3A_782 : f32 to vector<16xf32>
      %mul3A_805 = arith.mulf %get3A_803, %mul3A_804 : vector<16xf32>
      %add3A_806 = arith.addf %add3A_742, %mul3A_805 : vector<16xf32>
      %add3A_807 = arith.constant 16 : i32
      %add3A_808 = arith.addi %squeeze3A_778, %add3A_807 : i32
      %get3A_809 = arith.index_cast %add3A_808 : i32 to index
      %get3A_810 = tpu.vector_load %arg5[%get3A_809] {strides = array<i32>} : memref<98304xf32, #tpu.memory_space<vmem>>, vector<16xf32>,
      %get3A_811 = vector.shape_cast %get3A_810 : vector<16xf32> to vector<16xf32>
      %mul3A_812 = vector.broadcast %squeeze3A_780 : f32 to vector<16xf32>
      %mul3A_813 = arith.mulf %get3A_811, %mul3A_812 : vector<16xf32>
      %add3A_814 = arith.addf %add3A_806, %mul3A_813 : vector<16xf32>
      %add3A_815 = arith.constant 32 : i32
      %add3A_816 = arith.addi %squeeze3A_776, %add3A_815 : i32
      %get3A_817 = arith.index_cast %add3A_816 : i32 to index
      %get3A_818 = tpu.vector_load %arg5[%get3A_817] {strides = array<i32>} : memref<98304xf32, #tpu.memory_space<vmem>>, vector<16xf32>,
      %get3A_819 = vector.shape_cast %get3A_818 : vector<16xf32> to vector<16xf32>
      %mul3A_820 = vector.broadcast %sub3A_782 : f32 to vector<16xf32>
      %mul3A_821 = arith.mulf %get3A_819, %mul3A_820 : vector<16xf32>
      %add3A_822 = arith.addf %add3A_758, %mul3A_821 : vector<16xf32>
      %add3A_823 = arith.constant 32 : i32
      %add3A_824 = arith.addi %squeeze3A_778, %add3A_823 : i32
      %get3A_825 = arith.index_cast %add3A_824 : i32 to index
      %get3A_826 = tpu.vector_load %arg5[%get3A_825] {strides = array<i32>} : memref<98304xf32, #tpu.memory_space<vmem>>, vector<16xf32>,
      %get3A_827 = vector.shape_cast %get3A_826 : vector<16xf32> to vector<16xf32>
      %mul3A_828 = vector.broadcast %squeeze3A_780 : f32 to vector<16xf32>
      %mul3A_829 = arith.mulf %get3A_827, %mul3A_828 : vector<16xf32>
      %add3A_830 = arith.addf %add3A_822, %mul3A_829 : vector<16xf32>
      %add3A_831 = arith.constant 48 : i32
      %add3A_832 = arith.addi %squeeze3A_776, %add3A_831 : i32
      %get3A_833 = arith.index_cast %add3A_832 : i32 to index
      %get3A_834 = tpu.vector_load %arg5[%get3A_833] {strides = array<i32>} : memref<98304xf32, #tpu.memory_space<vmem>>, vector<16xf32>,
      %get3A_835 = vector.shape_cast %get3A_834 : vector<16xf32> to vector<16xf32>
      %mul3A_836 = vector.broadcast %sub3A_782 : f32 to vector<16xf32>
      %mul3A_837 = arith.mulf %get3A_835, %mul3A_836 : vector<16xf32>
      %add3A_838 = arith.addf %add3A_774, %mul3A_837 : vector<16xf32>
      %add3A_839 = arith.constant 48 : i32
      %add3A_840 = arith.addi %squeeze3A_778, %add3A_839 : i32
      %get3A_841 = arith.index_cast %add3A_840 : i32 to index
      %get3A_842 = tpu.vector_load %arg5[%get3A_841] {strides = array<i32>} : memref<98304xf32, #tpu.memory_space<vmem>>, vector<16xf32>,
      %get3A_843 = vector.shape_cast %get3A_842 : vector<16xf32> to vector<16xf32>
      %mul3A_844 = vector.broadcast %squeeze3A_780 : f32 to vector<16xf32>
      %mul3A_845 = arith.mulf %get3A_843, %mul3A_844 : vector<16xf32>
      %add3A_846 = arith.addf %add3A_838, %mul3A_845 : vector<16xf32>
      %slice3A_847 = vector.extract_strided_slice %mul3A_49 {offsets = [11], sizes = [1], strides = [1]} : vector<16xi32> to vector<1xi32>
      %squeeze3A_848 = vector.extract %slice3A_847[0] : i32 from vector<1xi32>
      %slice3A_849 = vector.extract_strided_slice %mul3A_56 {offsets = [11], sizes = [1], strides = [1]} : vector<16xi32> to vector<1xi32>
      %squeeze3A_850 = vector.extract %slice3A_849[0] : i32 from vector<1xi32>
      %slice3A_851 = vector.extract_strided_slice %sub3A {offsets = [11], sizes = [1], strides = [1]} : vector<16xf32> to vector<1xf32>
      %squeeze3A_852 = vector.extract %slice3A_851[0] : f32 from vector<1xf32>
      %sub3A_853 = arith.constant 1.000000e+00 : f32
      %sub3A_854 = arith.subf %sub3A_853, %squeeze3A_852 : f32
      %add3A_855 = arith.constant 0 : i32
      %add3A_856 = arith.addi %squeeze3A_848, %add3A_855 : i32
      %get3A_857 = arith.index_cast %add3A_856 : i32 to index
      %get3A_858 = tpu.vector_load %arg5[%get3A_857] {strides = array<i32>} : memref<98304xf32, #tpu.memory_space<vmem>>, vector<16xf32>,
      %get3A_859 = vector.shape_cast %get3A_858 : vector<16xf32> to vector<16xf32>
      %mul3A_860 = vector.broadcast %sub3A_854 : f32 to vector<16xf32>
      %mul3A_861 = arith.mulf %get3A_859, %mul3A_860 : vector<16xf32>
      %add3A_862 = arith.addf %add3A_798, %mul3A_861 : vector<16xf32>
      %add3A_863 = arith.constant 0 : i32
      %add3A_864 = arith.addi %squeeze3A_850, %add3A_863 : i32
      %get3A_865 = arith.index_cast %add3A_864 : i32 to index
      %get3A_866 = tpu.vector_load %arg5[%get3A_865] {strides = array<i32>} : memref<98304xf32, #tpu.memory_space<vmem>>, vector<16xf32>,
      %get3A_867 = vector.shape_cast %get3A_866 : vector<16xf32> to vector<16xf32>
      %mul3A_868 = vector.broadcast %squeeze3A_852 : f32 to vector<16xf32>
      %mul3A_869 = arith.mulf %get3A_867, %mul3A_868 : vector<16xf32>
      %add3A_870 = arith.addf %add3A_862, %mul3A_869 : vector<16xf32>
      %add3A_871 = arith.constant 16 : i32
      %add3A_872 = arith.addi %squeeze3A_848, %add3A_871 : i32
      %get3A_873 = arith.index_cast %add3A_872 : i32 to index
      %get3A_874 = tpu.vector_load %arg5[%get3A_873] {strides = array<i32>} : memref<98304xf32, #tpu.memory_space<vmem>>, vector<16xf32>,
      %get3A_875 = vector.shape_cast %get3A_874 : vector<16xf32> to vector<16xf32>
      %mul3A_876 = vector.broadcast %sub3A_854 : f32 to vector<16xf32>
      %mul3A_877 = arith.mulf %get3A_875, %mul3A_876 : vector<16xf32>
      %add3A_878 = arith.addf %add3A_814, %mul3A_877 : vector<16xf32>
      %add3A_879 = arith.constant 16 : i32
      %add3A_880 = arith.addi %squeeze3A_850, %add3A_879 : i32
      %get3A_881 = arith.index_cast %add3A_880 : i32 to index
      %get3A_882 = tpu.vector_load %arg5[%get3A_881] {strides = array<i32>} : memref<98304xf32, #tpu.memory_space<vmem>>, vector<16xf32>,
      %get3A_883 = vector.shape_cast %get3A_882 : vector<16xf32> to vector<16xf32>
      %mul3A_884 = vector.broadcast %squeeze3A_852 : f32 to vector<16xf32>
      %mul3A_885 = arith.mulf %get3A_883, %mul3A_884 : vector<16xf32>
      %add3A_886 = arith.addf %add3A_878, %mul3A_885 : vector<16xf32>
      %add3A_887 = arith.constant 32 : i32
      %add3A_888 = arith.addi %squeeze3A_848, %add3A_887 : i32
      %get3A_889 = arith.index_cast %add3A_888 : i32 to index
      %get3A_890 = tpu.vector_load %arg5[%get3A_889] {strides = array<i32>} : memref<98304xf32, #tpu.memory_space<vmem>>, vector<16xf32>,
      %get3A_891 = vector.shape_cast %get3A_890 : vector<16xf32> to vector<16xf32>
      %mul3A_892 = vector.broadcast %sub3A_854 : f32 to vector<16xf32>
      %mul3A_893 = arith.mulf %get3A_891, %mul3A_892 : vector<16xf32>
      %add3A_894 = arith.addf %add3A_830, %mul3A_893 : vector<16xf32>
      %add3A_895 = arith.constant 32 : i32
      %add3A_896 = arith.addi %squeeze3A_850, %add3A_895 : i32
      %get3A_897 = arith.index_cast %add3A_896 : i32 to index
      %get3A_898 = tpu.vector_load %arg5[%get3A_897] {strides = array<i32>} : memref<98304xf32, #tpu.memory_space<vmem>>, vector<16xf32>,
      %get3A_899 = vector.shape_cast %get3A_898 : vector<16xf32> to vector<16xf32>
      %mul3A_900 = vector.broadcast %squeeze3A_852 : f32 to vector<16xf32>
      %mul3A_901 = arith.mulf %get3A_899, %mul3A_900 : vector<16xf32>
      %add3A_902 = arith.addf %add3A_894, %mul3A_901 : vector<16xf32>
      %add3A_903 = arith.constant 48 : i32
      %add3A_904 = arith.addi %squeeze3A_848, %add3A_903 : i32
      %get3A_905 = arith.index_cast %add3A_904 : i32 to index
      %get3A_906 = tpu.vector_load %arg5[%get3A_905] {strides = array<i32>} : memref<98304xf32, #tpu.memory_space<vmem>>, vector<16xf32>,
      %get3A_907 = vector.shape_cast %get3A_906 : vector<16xf32> to vector<16xf32>
      %mul3A_908 = vector.broadcast %sub3A_854 : f32 to vector<16xf32>
      %mul3A_909 = arith.mulf %get3A_907, %mul3A_908 : vector<16xf32>
      %add3A_910 = arith.addf %add3A_846, %mul3A_909 : vector<16xf32>
      %add3A_911 = arith.constant 48 : i32
      %add3A_912 = arith.addi %squeeze3A_850, %add3A_911 : i32
      %get3A_913 = arith.index_cast %add3A_912 : i32 to index
      %get3A_914 = tpu.vector_load %arg5[%get3A_913] {strides = array<i32>} : memref<98304xf32, #tpu.memory_space<vmem>>, vector<16xf32>,
      %get3A_915 = vector.shape_cast %get3A_914 : vector<16xf32> to vector<16xf32>
      %mul3A_916 = vector.broadcast %squeeze3A_852 : f32 to vector<16xf32>
      %mul3A_917 = arith.mulf %get3A_915, %mul3A_916 : vector<16xf32>
      %add3A_918 = arith.addf %add3A_910, %mul3A_917 : vector<16xf32>
      %slice3A_919 = vector.extract_strided_slice %mul3A_49 {offsets = [12], sizes = [1], strides = [1]} : vector<16xi32> to vector<1xi32>
      %squeeze3A_920 = vector.extract %slice3A_919[0] : i32 from vector<1xi32>
      %slice3A_921 = vector.extract_strided_slice %mul3A_56 {offsets = [12], sizes = [1], strides = [1]} : vector<16xi32> to vector<1xi32>
      %squeeze3A_922 = vector.extract %slice3A_921[0] : i32 from vector<1xi32>
      %slice3A_923 = vector.extract_strided_slice %sub3A {offsets = [12], sizes = [1], strides = [1]} : vector<16xf32> to vector<1xf32>
      %squeeze3A_924 = vector.extract %slice3A_923[0] : f32 from vector<1xf32>
      %sub3A_925 = arith.constant 1.000000e+00 : f32
      %sub3A_926 = arith.subf %sub3A_925, %squeeze3A_924 : f32
      %add3A_927 = arith.constant 0 : i32
      %add3A_928 = arith.addi %squeeze3A_920, %add3A_927 : i32
      %get3A_929 = arith.index_cast %add3A_928 : i32 to index
      %get3A_930 = tpu.vector_load %arg5[%get3A_929] {strides = array<i32>} : memref<98304xf32, #tpu.memory_space<vmem>>, vector<16xf32>,
      %get3A_931 = vector.shape_cast %get3A_930 : vector<16xf32> to vector<16xf32>
      %mul3A_932 = vector.broadcast %sub3A_926 : f32 to vector<16xf32>
      %mul3A_933 = arith.mulf %get3A_931, %mul3A_932 : vector<16xf32>
      %add3A_934 = arith.addf %add3A_870, %mul3A_933 : vector<16xf32>
      %add3A_935 = arith.constant 0 : i32
      %add3A_936 = arith.addi %squeeze3A_922, %add3A_935 : i32
      %get3A_937 = arith.index_cast %add3A_936 : i32 to index
      %get3A_938 = tpu.vector_load %arg5[%get3A_937] {strides = array<i32>} : memref<98304xf32, #tpu.memory_space<vmem>>, vector<16xf32>,
      %get3A_939 = vector.shape_cast %get3A_938 : vector<16xf32> to vector<16xf32>
      %mul3A_940 = vector.broadcast %squeeze3A_924 : f32 to vector<16xf32>
      %mul3A_941 = arith.mulf %get3A_939, %mul3A_940 : vector<16xf32>
      %add3A_942 = arith.addf %add3A_934, %mul3A_941 : vector<16xf32>
      %add3A_943 = arith.constant 16 : i32
      %add3A_944 = arith.addi %squeeze3A_920, %add3A_943 : i32
      %get3A_945 = arith.index_cast %add3A_944 : i32 to index
      %get3A_946 = tpu.vector_load %arg5[%get3A_945] {strides = array<i32>} : memref<98304xf32, #tpu.memory_space<vmem>>, vector<16xf32>,
      %get3A_947 = vector.shape_cast %get3A_946 : vector<16xf32> to vector<16xf32>
      %mul3A_948 = vector.broadcast %sub3A_926 : f32 to vector<16xf32>
      %mul3A_949 = arith.mulf %get3A_947, %mul3A_948 : vector<16xf32>
      %add3A_950 = arith.addf %add3A_886, %mul3A_949 : vector<16xf32>
      %add3A_951 = arith.constant 16 : i32
      %add3A_952 = arith.addi %squeeze3A_922, %add3A_951 : i32
      %get3A_953 = arith.index_cast %add3A_952 : i32 to index
      %get3A_954 = tpu.vector_load %arg5[%get3A_953] {strides = array<i32>} : memref<98304xf32, #tpu.memory_space<vmem>>, vector<16xf32>,
      %get3A_955 = vector.shape_cast %get3A_954 : vector<16xf32> to vector<16xf32>
      %mul3A_956 = vector.broadcast %squeeze3A_924 : f32 to vector<16xf32>
      %mul3A_957 = arith.mulf %get3A_955, %mul3A_956 : vector<16xf32>
      %add3A_958 = arith.addf %add3A_950, %mul3A_957 : vector<16xf32>
      %add3A_959 = arith.constant 32 : i32
      %add3A_960 = arith.addi %squeeze3A_920, %add3A_959 : i32
      %get3A_961 = arith.index_cast %add3A_960 : i32 to index
      %get3A_962 = tpu.vector_load %arg5[%get3A_961] {strides = array<i32>} : memref<98304xf32, #tpu.memory_space<vmem>>, vector<16xf32>,
      %get3A_963 = vector.shape_cast %get3A_962 : vector<16xf32> to vector<16xf32>
      %mul3A_964 = vector.broadcast %sub3A_926 : f32 to vector<16xf32>
      %mul3A_965 = arith.mulf %get3A_963, %mul3A_964 : vector<16xf32>
      %add3A_966 = arith.addf %add3A_902, %mul3A_965 : vector<16xf32>
      %add3A_967 = arith.constant 32 : i32
      %add3A_968 = arith.addi %squeeze3A_922, %add3A_967 : i32
      %get3A_969 = arith.index_cast %add3A_968 : i32 to index
      %get3A_970 = tpu.vector_load %arg5[%get3A_969] {strides = array<i32>} : memref<98304xf32, #tpu.memory_space<vmem>>, vector<16xf32>,
      %get3A_971 = vector.shape_cast %get3A_970 : vector<16xf32> to vector<16xf32>
      %mul3A_972 = vector.broadcast %squeeze3A_924 : f32 to vector<16xf32>
      %mul3A_973 = arith.mulf %get3A_971, %mul3A_972 : vector<16xf32>
      %add3A_974 = arith.addf %add3A_966, %mul3A_973 : vector<16xf32>
      %add3A_975 = arith.constant 48 : i32
      %add3A_976 = arith.addi %squeeze3A_920, %add3A_975 : i32
      %get3A_977 = arith.index_cast %add3A_976 : i32 to index
      %get3A_978 = tpu.vector_load %arg5[%get3A_977] {strides = array<i32>} : memref<98304xf32, #tpu.memory_space<vmem>>, vector<16xf32>,
      %get3A_979 = vector.shape_cast %get3A_978 : vector<16xf32> to vector<16xf32>
      %mul3A_980 = vector.broadcast %sub3A_926 : f32 to vector<16xf32>
      %mul3A_981 = arith.mulf %get3A_979, %mul3A_980 : vector<16xf32>
      %add3A_982 = arith.addf %add3A_918, %mul3A_981 : vector<16xf32>
      %add3A_983 = arith.constant 48 : i32
      %add3A_984 = arith.addi %squeeze3A_922, %add3A_983 : i32
      %get3A_985 = arith.index_cast %add3A_984 : i32 to index
      %get3A_986 = tpu.vector_load %arg5[%get3A_985] {strides = array<i32>} : memref<98304xf32, #tpu.memory_space<vmem>>, vector<16xf32>,
      %get3A_987 = vector.shape_cast %get3A_986 : vector<16xf32> to vector<16xf32>
      %mul3A_988 = vector.broadcast %squeeze3A_924 : f32 to vector<16xf32>
      %mul3A_989 = arith.mulf %get3A_987, %mul3A_988 : vector<16xf32>
      %add3A_990 = arith.addf %add3A_982, %mul3A_989 : vector<16xf32>
      %slice3A_991 = vector.extract_strided_slice %mul3A_49 {offsets = [13], sizes = [1], strides = [1]} : vector<16xi32> to vector<1xi32>
      %squeeze3A_992 = vector.extract %slice3A_991[0] : i32 from vector<1xi32>
      %slice3A_993 = vector.extract_strided_slice %mul3A_56 {offsets = [13], sizes = [1], strides = [1]} : vector<16xi32> to vector<1xi32>
      %squeeze3A_994 = vector.extract %slice3A_993[0] : i32 from vector<1xi32>
      %slice3A_995 = vector.extract_strided_slice %sub3A {offsets = [13], sizes = [1], strides = [1]} : vector<16xf32> to vector<1xf32>
      %squeeze3A_996 = vector.extract %slice3A_995[0] : f32 from vector<1xf32>
      %sub3A_997 = arith.constant 1.000000e+00 : f32
      %sub3A_998 = arith.subf %sub3A_997, %squeeze3A_996 : f32
      %add3A_999 = arith.constant 0 : i32
      %add3A_1000 = arith.addi %squeeze3A_992, %add3A_999 : i32
      %get3A_1001 = arith.index_cast %add3A_1000 : i32 to index
      %get3A_1002 = tpu.vector_load %arg5[%get3A_1001] {strides = array<i32>} : memref<98304xf32, #tpu.memory_space<vmem>>, vector<16xf32>,
      %get3A_1003 = vector.shape_cast %get3A_1002 : vector<16xf32> to vector<16xf32>
      %mul3A_1004 = vector.broadcast %sub3A_998 : f32 to vector<16xf32>
      %mul3A_1005 = arith.mulf %get3A_1003, %mul3A_1004 : vector<16xf32>
      %add3A_1006 = arith.addf %add3A_942, %mul3A_1005 : vector<16xf32>
      %add3A_1007 = arith.constant 0 : i32
      %add3A_1008 = arith.addi %squeeze3A_994, %add3A_1007 : i32
      %get3A_1009 = arith.index_cast %add3A_1008 : i32 to index
      %get3A_1010 = tpu.vector_load %arg5[%get3A_1009] {strides = array<i32>} : memref<98304xf32, #tpu.memory_space<vmem>>, vector<16xf32>,
      %get3A_1011 = vector.shape_cast %get3A_1010 : vector<16xf32> to vector<16xf32>
      %mul3A_1012 = vector.broadcast %squeeze3A_996 : f32 to vector<16xf32>
      %mul3A_1013 = arith.mulf %get3A_1011, %mul3A_1012 : vector<16xf32>
      %add3A_1014 = arith.addf %add3A_1006, %mul3A_1013 : vector<16xf32>
      %add3A_1015 = arith.constant 16 : i32
      %add3A_1016 = arith.addi %squeeze3A_992, %add3A_1015 : i32
      %get3A_1017 = arith.index_cast %add3A_1016 : i32 to index
      %get3A_1018 = tpu.vector_load %arg5[%get3A_1017] {strides = array<i32>} : memref<98304xf32, #tpu.memory_space<vmem>>, vector<16xf32>,
      %get3A_1019 = vector.shape_cast %get3A_1018 : vector<16xf32> to vector<16xf32>
      %mul3A_1020 = vector.broadcast %sub3A_998 : f32 to vector<16xf32>
      %mul3A_1021 = arith.mulf %get3A_1019, %mul3A_1020 : vector<16xf32>
      %add3A_1022 = arith.addf %add3A_958, %mul3A_1021 : vector<16xf32>
      %add3A_1023 = arith.constant 16 : i32
      %add3A_1024 = arith.addi %squeeze3A_994, %add3A_1023 : i32
      %get3A_1025 = arith.index_cast %add3A_1024 : i32 to index
      %get3A_1026 = tpu.vector_load %arg5[%get3A_1025] {strides = array<i32>} : memref<98304xf32, #tpu.memory_space<vmem>>, vector<16xf32>,
      %get3A_1027 = vector.shape_cast %get3A_1026 : vector<16xf32> to vector<16xf32>
      %mul3A_1028 = vector.broadcast %squeeze3A_996 : f32 to vector<16xf32>
      %mul3A_1029 = arith.mulf %get3A_1027, %mul3A_1028 : vector<16xf32>
      %add3A_1030 = arith.addf %add3A_1022, %mul3A_1029 : vector<16xf32>
      %add3A_1031 = arith.constant 32 : i32
      %add3A_1032 = arith.addi %squeeze3A_992, %add3A_1031 : i32
      %get3A_1033 = arith.index_cast %add3A_1032 : i32 to index
      %get3A_1034 = tpu.vector_load %arg5[%get3A_1033] {strides = array<i32>} : memref<98304xf32, #tpu.memory_space<vmem>>, vector<16xf32>,
      %get3A_1035 = vector.shape_cast %get3A_1034 : vector<16xf32> to vector<16xf32>
      %mul3A_1036 = vector.broadcast %sub3A_998 : f32 to vector<16xf32>
      %mul3A_1037 = arith.mulf %get3A_1035, %mul3A_1036 : vector<16xf32>
      %add3A_1038 = arith.addf %add3A_974, %mul3A_1037 : vector<16xf32>
      %add3A_1039 = arith.constant 32 : i32
      %add3A_1040 = arith.addi %squeeze3A_994, %add3A_1039 : i32
      %get3A_1041 = arith.index_cast %add3A_1040 : i32 to index
      %get3A_1042 = tpu.vector_load %arg5[%get3A_1041] {strides = array<i32>} : memref<98304xf32, #tpu.memory_space<vmem>>, vector<16xf32>,
      %get3A_1043 = vector.shape_cast %get3A_1042 : vector<16xf32> to vector<16xf32>
      %mul3A_1044 = vector.broadcast %squeeze3A_996 : f32 to vector<16xf32>
      %mul3A_1045 = arith.mulf %get3A_1043, %mul3A_1044 : vector<16xf32>
      %add3A_1046 = arith.addf %add3A_1038, %mul3A_1045 : vector<16xf32>
      %add3A_1047 = arith.constant 48 : i32
      %add3A_1048 = arith.addi %squeeze3A_992, %add3A_1047 : i32
      %get3A_1049 = arith.index_cast %add3A_1048 : i32 to index
      %get3A_1050 = tpu.vector_load %arg5[%get3A_1049] {strides = array<i32>} : memref<98304xf32, #tpu.memory_space<vmem>>, vector<16xf32>,
      %get3A_1051 = vector.shape_cast %get3A_1050 : vector<16xf32> to vector<16xf32>
      %mul3A_1052 = vector.broadcast %sub3A_998 : f32 to vector<16xf32>
      %mul3A_1053 = arith.mulf %get3A_1051, %mul3A_1052 : vector<16xf32>
      %add3A_1054 = arith.addf %add3A_990, %mul3A_1053 : vector<16xf32>
      %add3A_1055 = arith.constant 48 : i32
      %add3A_1056 = arith.addi %squeeze3A_994, %add3A_1055 : i32
      %get3A_1057 = arith.index_cast %add3A_1056 : i32 to index
      %get3A_1058 = tpu.vector_load %arg5[%get3A_1057] {strides = array<i32>} : memref<98304xf32, #tpu.memory_space<vmem>>, vector<16xf32>,
      %get3A_1059 = vector.shape_cast %get3A_1058 : vector<16xf32> to vector<16xf32>
      %mul3A_1060 = vector.broadcast %squeeze3A_996 : f32 to vector<16xf32>
      %mul3A_1061 = arith.mulf %get3A_1059, %mul3A_1060 : vector<16xf32>
      %add3A_1062 = arith.addf %add3A_1054, %mul3A_1061 : vector<16xf32>
      %slice3A_1063 = vector.extract_strided_slice %mul3A_49 {offsets = [14], sizes = [1], strides = [1]} : vector<16xi32> to vector<1xi32>
      %squeeze3A_1064 = vector.extract %slice3A_1063[0] : i32 from vector<1xi32>
      %slice3A_1065 = vector.extract_strided_slice %mul3A_56 {offsets = [14], sizes = [1], strides = [1]} : vector<16xi32> to vector<1xi32>
      %squeeze3A_1066 = vector.extract %slice3A_1065[0] : i32 from vector<1xi32>
      %slice3A_1067 = vector.extract_strided_slice %sub3A {offsets = [14], sizes = [1], strides = [1]} : vector<16xf32> to vector<1xf32>
      %squeeze3A_1068 = vector.extract %slice3A_1067[0] : f32 from vector<1xf32>
      %sub3A_1069 = arith.constant 1.000000e+00 : f32
      %sub3A_1070 = arith.subf %sub3A_1069, %squeeze3A_1068 : f32
      %add3A_1071 = arith.constant 0 : i32
      %add3A_1072 = arith.addi %squeeze3A_1064, %add3A_1071 : i32
      %get3A_1073 = arith.index_cast %add3A_1072 : i32 to index
      %get3A_1074 = tpu.vector_load %arg5[%get3A_1073] {strides = array<i32>} : memref<98304xf32, #tpu.memory_space<vmem>>, vector<16xf32>,
      %get3A_1075 = vector.shape_cast %get3A_1074 : vector<16xf32> to vector<16xf32>
      %mul3A_1076 = vector.broadcast %sub3A_1070 : f32 to vector<16xf32>
      %mul3A_1077 = arith.mulf %get3A_1075, %mul3A_1076 : vector<16xf32>
      %add3A_1078 = arith.addf %add3A_1014, %mul3A_1077 : vector<16xf32>
      %add3A_1079 = arith.constant 0 : i32
      %add3A_1080 = arith.addi %squeeze3A_1066, %add3A_1079 : i32
      %get3A_1081 = arith.index_cast %add3A_1080 : i32 to index
      %get3A_1082 = tpu.vector_load %arg5[%get3A_1081] {strides = array<i32>} : memref<98304xf32, #tpu.memory_space<vmem>>, vector<16xf32>,
      %get3A_1083 = vector.shape_cast %get3A_1082 : vector<16xf32> to vector<16xf32>
      %mul3A_1084 = vector.broadcast %squeeze3A_1068 : f32 to vector<16xf32>
      %mul3A_1085 = arith.mulf %get3A_1083, %mul3A_1084 : vector<16xf32>
      %add3A_1086 = arith.addf %add3A_1078, %mul3A_1085 : vector<16xf32>
      %add3A_1087 = arith.constant 16 : i32
      %add3A_1088 = arith.addi %squeeze3A_1064, %add3A_1087 : i32
      %get3A_1089 = arith.index_cast %add3A_1088 : i32 to index
      %get3A_1090 = tpu.vector_load %arg5[%get3A_1089] {strides = array<i32>} : memref<98304xf32, #tpu.memory_space<vmem>>, vector<16xf32>,
      %get3A_1091 = vector.shape_cast %get3A_1090 : vector<16xf32> to vector<16xf32>
      %mul3A_1092 = vector.broadcast %sub3A_1070 : f32 to vector<16xf32>
      %mul3A_1093 = arith.mulf %get3A_1091, %mul3A_1092 : vector<16xf32>
      %add3A_1094 = arith.addf %add3A_1030, %mul3A_1093 : vector<16xf32>
      %add3A_1095 = arith.constant 16 : i32
      %add3A_1096 = arith.addi %squeeze3A_1066, %add3A_1095 : i32
      %get3A_1097 = arith.index_cast %add3A_1096 : i32 to index
      %get3A_1098 = tpu.vector_load %arg5[%get3A_1097] {strides = array<i32>} : memref<98304xf32, #tpu.memory_space<vmem>>, vector<16xf32>,
      %get3A_1099 = vector.shape_cast %get3A_1098 : vector<16xf32> to vector<16xf32>
      %mul3A_1100 = vector.broadcast %squeeze3A_1068 : f32 to vector<16xf32>
      %mul3A_1101 = arith.mulf %get3A_1099, %mul3A_1100 : vector<16xf32>
      %add3A_1102 = arith.addf %add3A_1094, %mul3A_1101 : vector<16xf32>
      %add3A_1103 = arith.constant 32 : i32
      %add3A_1104 = arith.addi %squeeze3A_1064, %add3A_1103 : i32
      %get3A_1105 = arith.index_cast %add3A_1104 : i32 to index
      %get3A_1106 = tpu.vector_load %arg5[%get3A_1105] {strides = array<i32>} : memref<98304xf32, #tpu.memory_space<vmem>>, vector<16xf32>,
      %get3A_1107 = vector.shape_cast %get3A_1106 : vector<16xf32> to vector<16xf32>
      %mul3A_1108 = vector.broadcast %sub3A_1070 : f32 to vector<16xf32>
      %mul3A_1109 = arith.mulf %get3A_1107, %mul3A_1108 : vector<16xf32>
      %add3A_1110 = arith.addf %add3A_1046, %mul3A_1109 : vector<16xf32>
      %add3A_1111 = arith.constant 32 : i32
      %add3A_1112 = arith.addi %squeeze3A_1066, %add3A_1111 : i32
      %get3A_1113 = arith.index_cast %add3A_1112 : i32 to index
      %get3A_1114 = tpu.vector_load %arg5[%get3A_1113] {strides = array<i32>} : memref<98304xf32, #tpu.memory_space<vmem>>, vector<16xf32>,
      %get3A_1115 = vector.shape_cast %get3A_1114 : vector<16xf32> to vector<16xf32>
      %mul3A_1116 = vector.broadcast %squeeze3A_1068 : f32 to vector<16xf32>
      %mul3A_1117 = arith.mulf %get3A_1115, %mul3A_1116 : vector<16xf32>
      %add3A_1118 = arith.addf %add3A_1110, %mul3A_1117 : vector<16xf32>
      %add3A_1119 = arith.constant 48 : i32
      %add3A_1120 = arith.addi %squeeze3A_1064, %add3A_1119 : i32
      %get3A_1121 = arith.index_cast %add3A_1120 : i32 to index
      %get3A_1122 = tpu.vector_load %arg5[%get3A_1121] {strides = array<i32>} : memref<98304xf32, #tpu.memory_space<vmem>>, vector<16xf32>,
      %get3A_1123 = vector.shape_cast %get3A_1122 : vector<16xf32> to vector<16xf32>
      %mul3A_1124 = vector.broadcast %sub3A_1070 : f32 to vector<16xf32>
      %mul3A_1125 = arith.mulf %get3A_1123, %mul3A_1124 : vector<16xf32>
      %add3A_1126 = arith.addf %add3A_1062, %mul3A_1125 : vector<16xf32>
      %add3A_1127 = arith.constant 48 : i32
      %add3A_1128 = arith.addi %squeeze3A_1066, %add3A_1127 : i32
      %get3A_1129 = arith.index_cast %add3A_1128 : i32 to index
      %get3A_1130 = tpu.vector_load %arg5[%get3A_1129] {strides = array<i32>} : memref<98304xf32, #tpu.memory_space<vmem>>, vector<16xf32>,
      %get3A_1131 = vector.shape_cast %get3A_1130 : vector<16xf32> to vector<16xf32>
      %mul3A_1132 = vector.broadcast %squeeze3A_1068 : f32 to vector<16xf32>
      %mul3A_1133 = arith.mulf %get3A_1131, %mul3A_1132 : vector<16xf32>
      %add3A_1134 = arith.addf %add3A_1126, %mul3A_1133 : vector<16xf32>
      %slice3A_1135 = vector.extract_strided_slice %mul3A_49 {offsets = [15], sizes = [1], strides = [1]} : vector<16xi32> to vector<1xi32>
      %squeeze3A_1136 = vector.extract %slice3A_1135[0] : i32 from vector<1xi32>
      %slice3A_1137 = vector.extract_strided_slice %mul3A_56 {offsets = [15], sizes = [1], strides = [1]} : vector<16xi32> to vector<1xi32>
      %squeeze3A_1138 = vector.extract %slice3A_1137[0] : i32 from vector<1xi32>
      %slice3A_1139 = vector.extract_strided_slice %sub3A {offsets = [15], sizes = [1], strides = [1]} : vector<16xf32> to vector<1xf32>
      %squeeze3A_1140 = vector.extract %slice3A_1139[0] : f32 from vector<1xf32>
      %sub3A_1141 = arith.constant 1.000000e+00 : f32
      %sub3A_1142 = arith.subf %sub3A_1141, %squeeze3A_1140 : f32
      %add3A_1143 = arith.constant 0 : i32
      %add3A_1144 = arith.addi %squeeze3A_1136, %add3A_1143 : i32
      %get3A_1145 = arith.index_cast %add3A_1144 : i32 to index
      %get3A_1146 = tpu.vector_load %arg5[%get3A_1145] {strides = array<i32>} : memref<98304xf32, #tpu.memory_space<vmem>>, vector<16xf32>,
      %get3A_1147 = vector.shape_cast %get3A_1146 : vector<16xf32> to vector<16xf32>
      %mul3A_1148 = vector.broadcast %sub3A_1142 : f32 to vector<16xf32>
      %mul3A_1149 = arith.mulf %get3A_1147, %mul3A_1148 : vector<16xf32>
      %add3A_1150 = arith.addf %add3A_1086, %mul3A_1149 : vector<16xf32>
      %add3A_1151 = arith.constant 0 : i32
      %add3A_1152 = arith.addi %squeeze3A_1138, %add3A_1151 : i32
      %get3A_1153 = arith.index_cast %add3A_1152 : i32 to index
      %get3A_1154 = tpu.vector_load %arg5[%get3A_1153] {strides = array<i32>} : memref<98304xf32, #tpu.memory_space<vmem>>, vector<16xf32>,
      %get3A_1155 = vector.shape_cast %get3A_1154 : vector<16xf32> to vector<16xf32>
      %mul3A_1156 = vector.broadcast %squeeze3A_1140 : f32 to vector<16xf32>
      %mul3A_1157 = arith.mulf %get3A_1155, %mul3A_1156 : vector<16xf32>
      %add3A_1158 = arith.addf %add3A_1150, %mul3A_1157 : vector<16xf32>
      %add3A_1159 = arith.constant 16 : i32
      %add3A_1160 = arith.addi %squeeze3A_1136, %add3A_1159 : i32
      %get3A_1161 = arith.index_cast %add3A_1160 : i32 to index
      %get3A_1162 = tpu.vector_load %arg5[%get3A_1161] {strides = array<i32>} : memref<98304xf32, #tpu.memory_space<vmem>>, vector<16xf32>,
      %get3A_1163 = vector.shape_cast %get3A_1162 : vector<16xf32> to vector<16xf32>
      %mul3A_1164 = vector.broadcast %sub3A_1142 : f32 to vector<16xf32>
      %mul3A_1165 = arith.mulf %get3A_1163, %mul3A_1164 : vector<16xf32>
      %add3A_1166 = arith.addf %add3A_1102, %mul3A_1165 : vector<16xf32>
      %add3A_1167 = arith.constant 16 : i32
      %add3A_1168 = arith.addi %squeeze3A_1138, %add3A_1167 : i32
      %get3A_1169 = arith.index_cast %add3A_1168 : i32 to index
      %get3A_1170 = tpu.vector_load %arg5[%get3A_1169] {strides = array<i32>} : memref<98304xf32, #tpu.memory_space<vmem>>, vector<16xf32>,
      %get3A_1171 = vector.shape_cast %get3A_1170 : vector<16xf32> to vector<16xf32>
      %mul3A_1172 = vector.broadcast %squeeze3A_1140 : f32 to vector<16xf32>
      %mul3A_1173 = arith.mulf %get3A_1171, %mul3A_1172 : vector<16xf32>
      %add3A_1174 = arith.addf %add3A_1166, %mul3A_1173 : vector<16xf32>
      %add3A_1175 = arith.constant 32 : i32
      %add3A_1176 = arith.addi %squeeze3A_1136, %add3A_1175 : i32
      %get3A_1177 = arith.index_cast %add3A_1176 : i32 to index
      %get3A_1178 = tpu.vector_load %arg5[%get3A_1177] {strides = array<i32>} : memref<98304xf32, #tpu.memory_space<vmem>>, vector<16xf32>,
      %get3A_1179 = vector.shape_cast %get3A_1178 : vector<16xf32> to vector<16xf32>
      %mul3A_1180 = vector.broadcast %sub3A_1142 : f32 to vector<16xf32>
      %mul3A_1181 = arith.mulf %get3A_1179, %mul3A_1180 : vector<16xf32>
      %add3A_1182 = arith.addf %add3A_1118, %mul3A_1181 : vector<16xf32>
      %add3A_1183 = arith.constant 32 : i32
      %add3A_1184 = arith.addi %squeeze3A_1138, %add3A_1183 : i32
      %get3A_1185 = arith.index_cast %add3A_1184 : i32 to index
      %get3A_1186 = tpu.vector_load %arg5[%get3A_1185] {strides = array<i32>} : memref<98304xf32, #tpu.memory_space<vmem>>, vector<16xf32>,
      %get3A_1187 = vector.shape_cast %get3A_1186 : vector<16xf32> to vector<16xf32>
      %mul3A_1188 = vector.broadcast %squeeze3A_1140 : f32 to vector<16xf32>
      %mul3A_1189 = arith.mulf %get3A_1187, %mul3A_1188 : vector<16xf32>
      %add3A_1190 = arith.addf %add3A_1182, %mul3A_1189 : vector<16xf32>
      %add3A_1191 = arith.constant 48 : i32
      %add3A_1192 = arith.addi %squeeze3A_1136, %add3A_1191 : i32
      %get3A_1193 = arith.index_cast %add3A_1192 : i32 to index
      %get3A_1194 = tpu.vector_load %arg5[%get3A_1193] {strides = array<i32>} : memref<98304xf32, #tpu.memory_space<vmem>>, vector<16xf32>,
      %get3A_1195 = vector.shape_cast %get3A_1194 : vector<16xf32> to vector<16xf32>
      %mul3A_1196 = vector.broadcast %sub3A_1142 : f32 to vector<16xf32>
      %mul3A_1197 = arith.mulf %get3A_1195, %mul3A_1196 : vector<16xf32>
      %add3A_1198 = arith.addf %add3A_1134, %mul3A_1197 : vector<16xf32>
      %add3A_1199 = arith.constant 48 : i32
      %add3A_1200 = arith.addi %squeeze3A_1138, %add3A_1199 : i32
      %get3A_1201 = arith.index_cast %add3A_1200 : i32 to index
      %get3A_1202 = tpu.vector_load %arg5[%get3A_1201] {strides = array<i32>} : memref<98304xf32, #tpu.memory_space<vmem>>, vector<16xf32>,
      %get3A_1203 = vector.shape_cast %get3A_1202 : vector<16xf32> to vector<16xf32>
      %mul3A_1204 = vector.broadcast %squeeze3A_1140 : f32 to vector<16xf32>
      %mul3A_1205 = arith.mulf %get3A_1203, %mul3A_1204 : vector<16xf32>
      %add3A_1206 = arith.addf %add3A_1198, %mul3A_1205 : vector<16xf32>
      %get3A_1207 = arith.index_cast %scan3A_12 : i32 to index
      %get3A_1208 = arith.constant 16 : index
      %get3A_1209 = tpu.vector_load %arg6[%get3A_1207, %get3A_1208] {strides = array<i32>} : memref<64x64xf32, #tpu.memory_space<vmem>>, vector<1x16xf32>,
      %get3A_1210 = vector.shape_cast %get3A_1209 : vector<1x16xf32> to vector<16xf32>
      %neg3A_1211 = arith.constant 0.000000e+00 : f32
      %neg3A_1212 = vector.broadcast %neg3A_1211 : f32 to vector<16xf32>
      %neg3A_1213 = arith.subf %neg3A_1212, %get3A_1210 : vector<16xf32>
      %exp3A_1214 = math.exp %neg3A_1213 : vector<16xf32>
      %add3A_1215 = arith.constant 1.000000e+00 : f32
      %add3A_1216 = vector.broadcast %add3A_1215 : f32 to vector<16xf32>
      %add3A_1217 = arith.addf %add3A_1216, %exp3A_1214 : vector<16xf32>
      %div3A_1218 = arith.constant 1.000000e+00 : f32
      %div3A_1219 = vector.broadcast %div3A_1218 : f32 to vector<16xf32>
      %div3A_1220 = arith.divf %div3A_1219, %add3A_1217 : vector<16xf32>
      %mul3A_1221 = arith.constant 1.900000e+01 : f32
      %mul3A_1222 = vector.broadcast %mul3A_1221 : f32 to vector<16xf32>
      %mul3A_1223 = arith.mulf %div3A_1220, %mul3A_1222 : vector<16xf32>
      %convert_element_type3A_1224 = arith.fptosi %mul3A_1223 : vector<16xf32> to vector<16xi32>
      %convert_element_type3A_1225 = arith.sitofp %convert_element_type3A_1224 : vector<16xi32> to vector<16xf32>
      %sub3A_1226 = arith.subf %mul3A_1223, %convert_element_type3A_1225 : vector<16xf32>
      %jit3A_1227 = arith.constant 0 : i32
      %jit3A_1228 = arith.constant 22 : i32
      %max3A_1229 = vector.broadcast %jit3A_1227 : i32 to vector<16xi32>
      %max3A_1230 = arith.maxsi %max3A_1229, %convert_element_type3A_1224 : vector<16xi32>
      %min3A_1231 = vector.broadcast %jit3A_1228 : i32 to vector<16xi32>
      %min3A_1232 = arith.minsi %min3A_1231, %max3A_1230 : vector<16xi32>
      %add3A_1233 = arith.constant 1 : i32
      %add3A_1234 = vector.broadcast %add3A_1233 : i32 to vector<16xi32>
      %add3A_1235 = arith.addi %convert_element_type3A_1224, %add3A_1234 : vector<16xi32>
      %jit3A_1236 = arith.constant 0 : i32
      %jit3A_1237 = arith.constant 22 : i32
      %max3A_1238 = vector.broadcast %jit3A_1236 : i32 to vector<16xi32>
      %max3A_1239 = arith.maxsi %max3A_1238, %add3A_1235 : vector<16xi32>
      %min3A_1240 = vector.broadcast %jit3A_1237 : i32 to vector<16xi32>
      %min3A_1241 = arith.minsi %min3A_1240, %max3A_1239 : vector<16xi32>
      %iota3A_1242 = tpu.iota {dimensions = array<i32: 0>} : vector<16xi32>
      %add3A_1243 = arith.constant 16 : i32
      %add3A_1244 = vector.broadcast %add3A_1243 : i32 to vector<16xi32>
      %add3A_1245 = arith.addi %iota3A_1242, %add3A_1244 : vector<16xi32>
      %mul3A_1246 = arith.constant 24 : i32
      %mul3A_1247 = vector.broadcast %mul3A_1246 : i32 to vector<16xi32>
      %mul3A_1248 = arith.muli %add3A_1245, %mul3A_1247 : vector<16xi32>
      %add3A_1249 = arith.addi %mul3A_1248, %min3A_1232 : vector<16xi32>
      %mul3A_1250 = arith.constant 64 : i32
      %mul3A_1251 = vector.broadcast %mul3A_1250 : i32 to vector<16xi32>
      %mul3A_1252 = arith.muli %add3A_1249, %mul3A_1251 : vector<16xi32>
      %mul3A_1253 = arith.constant 24 : i32
      %mul3A_1254 = vector.broadcast %mul3A_1253 : i32 to vector<16xi32>
      %mul3A_1255 = arith.muli %add3A_1245, %mul3A_1254 : vector<16xi32>
      %add3A_1256 = arith.addi %mul3A_1255, %min3A_1241 : vector<16xi32>
      %mul3A_1257 = arith.constant 64 : i32
      %mul3A_1258 = vector.broadcast %mul3A_1257 : i32 to vector<16xi32>
      %mul3A_1259 = arith.muli %add3A_1256, %mul3A_1258 : vector<16xi32>
      %slice3A_1260 = vector.extract_strided_slice %mul3A_1252 {offsets = [0], sizes = [1], strides = [1]} : vector<16xi32> to vector<1xi32>
      %squeeze3A_1261 = vector.extract %slice3A_1260[0] : i32 from vector<1xi32>
      %slice3A_1262 = vector.extract_strided_slice %mul3A_1259 {offsets = [0], sizes = [1], strides = [1]} : vector<16xi32> to vector<1xi32>
      %squeeze3A_1263 = vector.extract %slice3A_1262[0] : i32 from vector<1xi32>
      %slice3A_1264 = vector.extract_strided_slice %sub3A_1226 {offsets = [0], sizes = [1], strides = [1]} : vector<16xf32> to vector<1xf32>
      %squeeze3A_1265 = vector.extract %slice3A_1264[0] : f32 from vector<1xf32>
      %sub3A_1266 = arith.constant 1.000000e+00 : f32
      %sub3A_1267 = arith.subf %sub3A_1266, %squeeze3A_1265 : f32
      %add3A_1268 = arith.constant 0 : i32
      %add3A_1269 = arith.addi %squeeze3A_1261, %add3A_1268 : i32
      %get3A_1270 = arith.index_cast %add3A_1269 : i32 to index
      %get3A_1271 = tpu.vector_load %arg5[%get3A_1270] {strides = array<i32>} : memref<98304xf32, #tpu.memory_space<vmem>>, vector<16xf32>,
      %get3A_1272 = vector.shape_cast %get3A_1271 : vector<16xf32> to vector<16xf32>
      %mul3A_1273 = vector.broadcast %sub3A_1267 : f32 to vector<16xf32>
      %mul3A_1274 = arith.mulf %get3A_1272, %mul3A_1273 : vector<16xf32>
      %add3A_1275 = arith.addf %add3A_1158, %mul3A_1274 : vector<16xf32>
      %add3A_1276 = arith.constant 0 : i32
      %add3A_1277 = arith.addi %squeeze3A_1263, %add3A_1276 : i32
      %get3A_1278 = arith.index_cast %add3A_1277 : i32 to index
      %get3A_1279 = tpu.vector_load %arg5[%get3A_1278] {strides = array<i32>} : memref<98304xf32, #tpu.memory_space<vmem>>, vector<16xf32>,
      %get3A_1280 = vector.shape_cast %get3A_1279 : vector<16xf32> to vector<16xf32>
      %mul3A_1281 = vector.broadcast %squeeze3A_1265 : f32 to vector<16xf32>
      %mul3A_1282 = arith.mulf %get3A_1280, %mul3A_1281 : vector<16xf32>
      %add3A_1283 = arith.addf %add3A_1275, %mul3A_1282 : vector<16xf32>
      %add3A_1284 = arith.constant 16 : i32
      %add3A_1285 = arith.addi %squeeze3A_1261, %add3A_1284 : i32
      %get3A_1286 = arith.index_cast %add3A_1285 : i32 to index
      %get3A_1287 = tpu.vector_load %arg5[%get3A_1286] {strides = array<i32>} : memref<98304xf32, #tpu.memory_space<vmem>>, vector<16xf32>,
      %get3A_1288 = vector.shape_cast %get3A_1287 : vector<16xf32> to vector<16xf32>
      %mul3A_1289 = vector.broadcast %sub3A_1267 : f32 to vector<16xf32>
      %mul3A_1290 = arith.mulf %get3A_1288, %mul3A_1289 : vector<16xf32>
      %add3A_1291 = arith.addf %add3A_1174, %mul3A_1290 : vector<16xf32>
      %add3A_1292 = arith.constant 16 : i32
      %add3A_1293 = arith.addi %squeeze3A_1263, %add3A_1292 : i32
      %get3A_1294 = arith.index_cast %add3A_1293 : i32 to index
      %get3A_1295 = tpu.vector_load %arg5[%get3A_1294] {strides = array<i32>} : memref<98304xf32, #tpu.memory_space<vmem>>, vector<16xf32>,
      %get3A_1296 = vector.shape_cast %get3A_1295 : vector<16xf32> to vector<16xf32>
      %mul3A_1297 = vector.broadcast %squeeze3A_1265 : f32 to vector<16xf32>
      %mul3A_1298 = arith.mulf %get3A_1296, %mul3A_1297 : vector<16xf32>
      %add3A_1299 = arith.addf %add3A_1291, %mul3A_1298 : vector<16xf32>
      %add3A_1300 = arith.constant 32 : i32
      %add3A_1301 = arith.addi %squeeze3A_1261, %add3A_1300 : i32
      %get3A_1302 = arith.index_cast %add3A_1301 : i32 to index
      %get3A_1303 = tpu.vector_load %arg5[%get3A_1302] {strides = array<i32>} : memref<98304xf32, #tpu.memory_space<vmem>>, vector<16xf32>,
      %get3A_1304 = vector.shape_cast %get3A_1303 : vector<16xf32> to vector<16xf32>
      %mul3A_1305 = vector.broadcast %sub3A_1267 : f32 to vector<16xf32>
      %mul3A_1306 = arith.mulf %get3A_1304, %mul3A_1305 : vector<16xf32>
      %add3A_1307 = arith.addf %add3A_1190, %mul3A_1306 : vector<16xf32>
      %add3A_1308 = arith.constant 32 : i32
      %add3A_1309 = arith.addi %squeeze3A_1263, %add3A_1308 : i32
      %get3A_1310 = arith.index_cast %add3A_1309 : i32 to index
      %get3A_1311 = tpu.vector_load %arg5[%get3A_1310] {strides = array<i32>} : memref<98304xf32, #tpu.memory_space<vmem>>, vector<16xf32>,
      %get3A_1312 = vector.shape_cast %get3A_1311 : vector<16xf32> to vector<16xf32>
      %mul3A_1313 = vector.broadcast %squeeze3A_1265 : f32 to vector<16xf32>
      %mul3A_1314 = arith.mulf %get3A_1312, %mul3A_1313 : vector<16xf32>
      %add3A_1315 = arith.addf %add3A_1307, %mul3A_1314 : vector<16xf32>
      %add3A_1316 = arith.constant 48 : i32
      %add3A_1317 = arith.addi %squeeze3A_1261, %add3A_1316 : i32
      %get3A_1318 = arith.index_cast %add3A_1317 : i32 to index
      %get3A_1319 = tpu.vector_load %arg5[%get3A_1318] {strides = array<i32>} : memref<98304xf32, #tpu.memory_space<vmem>>, vector<16xf32>,
      %get3A_1320 = vector.shape_cast %get3A_1319 : vector<16xf32> to vector<16xf32>
      %mul3A_1321 = vector.broadcast %sub3A_1267 : f32 to vector<16xf32>
      %mul3A_1322 = arith.mulf %get3A_1320, %mul3A_1321 : vector<16xf32>
      %add3A_1323 = arith.addf %add3A_1206, %mul3A_1322 : vector<16xf32>
      %add3A_1324 = arith.constant 48 : i32
      %add3A_1325 = arith.addi %squeeze3A_1263, %add3A_1324 : i32
      %get3A_1326 = arith.index_cast %add3A_1325 : i32 to index
      %get3A_1327 = tpu.vector_load %arg5[%get3A_1326] {strides = array<i32>} : memref<98304xf32, #tpu.memory_space<vmem>>, vector<16xf32>,
      %get3A_1328 = vector.shape_cast %get3A_1327 : vector<16xf32> to vector<16xf32>
      %mul3A_1329 = vector.broadcast %squeeze3A_1265 : f32 to vector<16xf32>
      %mul3A_1330 = arith.mulf %get3A_1328, %mul3A_1329 : vector<16xf32>
      %add3A_1331 = arith.addf %add3A_1323, %mul3A_1330 : vector<16xf32>
      %slice3A_1332 = vector.extract_strided_slice %mul3A_1252 {offsets = [1], sizes = [1], strides = [1]} : vector<16xi32> to vector<1xi32>
      %squeeze3A_1333 = vector.extract %slice3A_1332[0] : i32 from vector<1xi32>
      %slice3A_1334 = vector.extract_strided_slice %mul3A_1259 {offsets = [1], sizes = [1], strides = [1]} : vector<16xi32> to vector<1xi32>
      %squeeze3A_1335 = vector.extract %slice3A_1334[0] : i32 from vector<1xi32>
      %slice3A_1336 = vector.extract_strided_slice %sub3A_1226 {offsets = [1], sizes = [1], strides = [1]} : vector<16xf32> to vector<1xf32>
      %squeeze3A_1337 = vector.extract %slice3A_1336[0] : f32 from vector<1xf32>
      %sub3A_1338 = arith.constant 1.000000e+00 : f32
      %sub3A_1339 = arith.subf %sub3A_1338, %squeeze3A_1337 : f32
      %add3A_1340 = arith.constant 0 : i32
      %add3A_1341 = arith.addi %squeeze3A_1333, %add3A_1340 : i32
      %get3A_1342 = arith.index_cast %add3A_1341 : i32 to index
      %get3A_1343 = tpu.vector_load %arg5[%get3A_1342] {strides = array<i32>} : memref<98304xf32, #tpu.memory_space<vmem>>, vector<16xf32>,
      %get3A_1344 = vector.shape_cast %get3A_1343 : vector<16xf32> to vector<16xf32>
      %mul3A_1345 = vector.broadcast %sub3A_1339 : f32 to vector<16xf32>
      %mul3A_1346 = arith.mulf %get3A_1344, %mul3A_1345 : vector<16xf32>
      %add3A_1347 = arith.addf %add3A_1283, %mul3A_1346 : vector<16xf32>
      %add3A_1348 = arith.constant 0 : i32
      %add3A_1349 = arith.addi %squeeze3A_1335, %add3A_1348 : i32
      %get3A_1350 = arith.index_cast %add3A_1349 : i32 to index
      %get3A_1351 = tpu.vector_load %arg5[%get3A_1350] {strides = array<i32>} : memref<98304xf32, #tpu.memory_space<vmem>>, vector<16xf32>,
      %get3A_1352 = vector.shape_cast %get3A_1351 : vector<16xf32> to vector<16xf32>
      %mul3A_1353 = vector.broadcast %squeeze3A_1337 : f32 to vector<16xf32>
      %mul3A_1354 = arith.mulf %get3A_1352, %mul3A_1353 : vector<16xf32>
      %add3A_1355 = arith.addf %add3A_1347, %mul3A_1354 : vector<16xf32>
      %add3A_1356 = arith.constant 16 : i32
      %add3A_1357 = arith.addi %squeeze3A_1333, %add3A_1356 : i32
      %get3A_1358 = arith.index_cast %add3A_1357 : i32 to index
      %get3A_1359 = tpu.vector_load %arg5[%get3A_1358] {strides = array<i32>} : memref<98304xf32, #tpu.memory_space<vmem>>, vector<16xf32>,
      %get3A_1360 = vector.shape_cast %get3A_1359 : vector<16xf32> to vector<16xf32>
      %mul3A_1361 = vector.broadcast %sub3A_1339 : f32 to vector<16xf32>
      %mul3A_1362 = arith.mulf %get3A_1360, %mul3A_1361 : vector<16xf32>
      %add3A_1363 = arith.addf %add3A_1299, %mul3A_1362 : vector<16xf32>
      %add3A_1364 = arith.constant 16 : i32
      %add3A_1365 = arith.addi %squeeze3A_1335, %add3A_1364 : i32
      %get3A_1366 = arith.index_cast %add3A_1365 : i32 to index
      %get3A_1367 = tpu.vector_load %arg5[%get3A_1366] {strides = array<i32>} : memref<98304xf32, #tpu.memory_space<vmem>>, vector<16xf32>,
      %get3A_1368 = vector.shape_cast %get3A_1367 : vector<16xf32> to vector<16xf32>
      %mul3A_1369 = vector.broadcast %squeeze3A_1337 : f32 to vector<16xf32>
      %mul3A_1370 = arith.mulf %get3A_1368, %mul3A_1369 : vector<16xf32>
      %add3A_1371 = arith.addf %add3A_1363, %mul3A_1370 : vector<16xf32>
      %add3A_1372 = arith.constant 32 : i32
      %add3A_1373 = arith.addi %squeeze3A_1333, %add3A_1372 : i32
      %get3A_1374 = arith.index_cast %add3A_1373 : i32 to index
      %get3A_1375 = tpu.vector_load %arg5[%get3A_1374] {strides = array<i32>} : memref<98304xf32, #tpu.memory_space<vmem>>, vector<16xf32>,
      %get3A_1376 = vector.shape_cast %get3A_1375 : vector<16xf32> to vector<16xf32>
      %mul3A_1377 = vector.broadcast %sub3A_1339 : f32 to vector<16xf32>
      %mul3A_1378 = arith.mulf %get3A_1376, %mul3A_1377 : vector<16xf32>
      %add3A_1379 = arith.addf %add3A_1315, %mul3A_1378 : vector<16xf32>
      %add3A_1380 = arith.constant 32 : i32
      %add3A_1381 = arith.addi %squeeze3A_1335, %add3A_1380 : i32
      %get3A_1382 = arith.index_cast %add3A_1381 : i32 to index
      %get3A_1383 = tpu.vector_load %arg5[%get3A_1382] {strides = array<i32>} : memref<98304xf32, #tpu.memory_space<vmem>>, vector<16xf32>,
      %get3A_1384 = vector.shape_cast %get3A_1383 : vector<16xf32> to vector<16xf32>
      %mul3A_1385 = vector.broadcast %squeeze3A_1337 : f32 to vector<16xf32>
      %mul3A_1386 = arith.mulf %get3A_1384, %mul3A_1385 : vector<16xf32>
      %add3A_1387 = arith.addf %add3A_1379, %mul3A_1386 : vector<16xf32>
      %add3A_1388 = arith.constant 48 : i32
      %add3A_1389 = arith.addi %squeeze3A_1333, %add3A_1388 : i32
      %get3A_1390 = arith.index_cast %add3A_1389 : i32 to index
      %get3A_1391 = tpu.vector_load %arg5[%get3A_1390] {strides = array<i32>} : memref<98304xf32, #tpu.memory_space<vmem>>, vector<16xf32>,
      %get3A_1392 = vector.shape_cast %get3A_1391 : vector<16xf32> to vector<16xf32>
      %mul3A_1393 = vector.broadcast %sub3A_1339 : f32 to vector<16xf32>
      %mul3A_1394 = arith.mulf %get3A_1392, %mul3A_1393 : vector<16xf32>
      %add3A_1395 = arith.addf %add3A_1331, %mul3A_1394 : vector<16xf32>
      %add3A_1396 = arith.constant 48 : i32
      %add3A_1397 = arith.addi %squeeze3A_1335, %add3A_1396 : i32
      %get3A_1398 = arith.index_cast %add3A_1397 : i32 to index
      %get3A_1399 = tpu.vector_load %arg5[%get3A_1398] {strides = array<i32>} : memref<98304xf32, #tpu.memory_space<vmem>>, vector<16xf32>,
      %get3A_1400 = vector.shape_cast %get3A_1399 : vector<16xf32> to vector<16xf32>
      %mul3A_1401 = vector.broadcast %squeeze3A_1337 : f32 to vector<16xf32>
      %mul3A_1402 = arith.mulf %get3A_1400, %mul3A_1401 : vector<16xf32>
      %add3A_1403 = arith.addf %add3A_1395, %mul3A_1402 : vector<16xf32>
      %slice3A_1404 = vector.extract_strided_slice %mul3A_1252 {offsets = [2], sizes = [1], strides = [1]} : vector<16xi32> to vector<1xi32>
      %squeeze3A_1405 = vector.extract %slice3A_1404[0] : i32 from vector<1xi32>
      %slice3A_1406 = vector.extract_strided_slice %mul3A_1259 {offsets = [2], sizes = [1], strides = [1]} : vector<16xi32> to vector<1xi32>
      %squeeze3A_1407 = vector.extract %slice3A_1406[0] : i32 from vector<1xi32>
      %slice3A_1408 = vector.extract_strided_slice %sub3A_1226 {offsets = [2], sizes = [1], strides = [1]} : vector<16xf32> to vector<1xf32>
      %squeeze3A_1409 = vector.extract %slice3A_1408[0] : f32 from vector<1xf32>
      %sub3A_1410 = arith.constant 1.000000e+00 : f32
      %sub3A_1411 = arith.subf %sub3A_1410, %squeeze3A_1409 : f32
      %add3A_1412 = arith.constant 0 : i32
      %add3A_1413 = arith.addi %squeeze3A_1405, %add3A_1412 : i32
      %get3A_1414 = arith.index_cast %add3A_1413 : i32 to index
      %get3A_1415 = tpu.vector_load %arg5[%get3A_1414] {strides = array<i32>} : memref<98304xf32, #tpu.memory_space<vmem>>, vector<16xf32>,
      %get3A_1416 = vector.shape_cast %get3A_1415 : vector<16xf32> to vector<16xf32>
      %mul3A_1417 = vector.broadcast %sub3A_1411 : f32 to vector<16xf32>
      %mul3A_1418 = arith.mulf %get3A_1416, %mul3A_1417 : vector<16xf32>
      %add3A_1419 = arith.addf %add3A_1355, %mul3A_1418 : vector<16xf32>
      %add3A_1420 = arith.constant 0 : i32
      %add3A_1421 = arith.addi %squeeze3A_1407, %add3A_1420 : i32
      %get3A_1422 = arith.index_cast %add3A_1421 : i32 to index
      %get3A_1423 = tpu.vector_load %arg5[%get3A_1422] {strides = array<i32>} : memref<98304xf32, #tpu.memory_space<vmem>>, vector<16xf32>,
      %get3A_1424 = vector.shape_cast %get3A_1423 : vector<16xf32> to vector<16xf32>
      %mul3A_1425 = vector.broadcast %squeeze3A_1409 : f32 to vector<16xf32>
      %mul3A_1426 = arith.mulf %get3A_1424, %mul3A_1425 : vector<16xf32>
      %add3A_1427 = arith.addf %add3A_1419, %mul3A_1426 : vector<16xf32>
      %add3A_1428 = arith.constant 16 : i32
      %add3A_1429 = arith.addi %squeeze3A_1405, %add3A_1428 : i32
      %get3A_1430 = arith.index_cast %add3A_1429 : i32 to index
      %get3A_1431 = tpu.vector_load %arg5[%get3A_1430] {strides = array<i32>} : memref<98304xf32, #tpu.memory_space<vmem>>, vector<16xf32>,
      %get3A_1432 = vector.shape_cast %get3A_1431 : vector<16xf32> to vector<16xf32>
      %mul3A_1433 = vector.broadcast %sub3A_1411 : f32 to vector<16xf32>
      %mul3A_1434 = arith.mulf %get3A_1432, %mul3A_1433 : vector<16xf32>
      %add3A_1435 = arith.addf %add3A_1371, %mul3A_1434 : vector<16xf32>
      %add3A_1436 = arith.constant 16 : i32
      %add3A_1437 = arith.addi %squeeze3A_1407, %add3A_1436 : i32
      %get3A_1438 = arith.index_cast %add3A_1437 : i32 to index
      %get3A_1439 = tpu.vector_load %arg5[%get3A_1438] {strides = array<i32>} : memref<98304xf32, #tpu.memory_space<vmem>>, vector<16xf32>,
      %get3A_1440 = vector.shape_cast %get3A_1439 : vector<16xf32> to vector<16xf32>
      %mul3A_1441 = vector.broadcast %squeeze3A_1409 : f32 to vector<16xf32>
      %mul3A_1442 = arith.mulf %get3A_1440, %mul3A_1441 : vector<16xf32>
      %add3A_1443 = arith.addf %add3A_1435, %mul3A_1442 : vector<16xf32>
      %add3A_1444 = arith.constant 32 : i32
      %add3A_1445 = arith.addi %squeeze3A_1405, %add3A_1444 : i32
      %get3A_1446 = arith.index_cast %add3A_1445 : i32 to index
      %get3A_1447 = tpu.vector_load %arg5[%get3A_1446] {strides = array<i32>} : memref<98304xf32, #tpu.memory_space<vmem>>, vector<16xf32>,
      %get3A_1448 = vector.shape_cast %get3A_1447 : vector<16xf32> to vector<16xf32>
      %mul3A_1449 = vector.broadcast %sub3A_1411 : f32 to vector<16xf32>
      %mul3A_1450 = arith.mulf %get3A_1448, %mul3A_1449 : vector<16xf32>
      %add3A_1451 = arith.addf %add3A_1387, %mul3A_1450 : vector<16xf32>
      %add3A_1452 = arith.constant 32 : i32
      %add3A_1453 = arith.addi %squeeze3A_1407, %add3A_1452 : i32
      %get3A_1454 = arith.index_cast %add3A_1453 : i32 to index
      %get3A_1455 = tpu.vector_load %arg5[%get3A_1454] {strides = array<i32>} : memref<98304xf32, #tpu.memory_space<vmem>>, vector<16xf32>,
      %get3A_1456 = vector.shape_cast %get3A_1455 : vector<16xf32> to vector<16xf32>
      %mul3A_1457 = vector.broadcast %squeeze3A_1409 : f32 to vector<16xf32>
      %mul3A_1458 = arith.mulf %get3A_1456, %mul3A_1457 : vector<16xf32>
      %add3A_1459 = arith.addf %add3A_1451, %mul3A_1458 : vector<16xf32>
      %add3A_1460 = arith.constant 48 : i32
      %add3A_1461 = arith.addi %squeeze3A_1405, %add3A_1460 : i32
      %get3A_1462 = arith.index_cast %add3A_1461 : i32 to index
      %get3A_1463 = tpu.vector_load %arg5[%get3A_1462] {strides = array<i32>} : memref<98304xf32, #tpu.memory_space<vmem>>, vector<16xf32>,
      %get3A_1464 = vector.shape_cast %get3A_1463 : vector<16xf32> to vector<16xf32>
      %mul3A_1465 = vector.broadcast %sub3A_1411 : f32 to vector<16xf32>
      %mul3A_1466 = arith.mulf %get3A_1464, %mul3A_1465 : vector<16xf32>
      %add3A_1467 = arith.addf %add3A_1403, %mul3A_1466 : vector<16xf32>
      %add3A_1468 = arith.constant 48 : i32
      %add3A_1469 = arith.addi %squeeze3A_1407, %add3A_1468 : i32
      %get3A_1470 = arith.index_cast %add3A_1469 : i32 to index
      %get3A_1471 = tpu.vector_load %arg5[%get3A_1470] {strides = array<i32>} : memref<98304xf32, #tpu.memory_space<vmem>>, vector<16xf32>,
      %get3A_1472 = vector.shape_cast %get3A_1471 : vector<16xf32> to vector<16xf32>
      %mul3A_1473 = vector.broadcast %squeeze3A_1409 : f32 to vector<16xf32>
      %mul3A_1474 = arith.mulf %get3A_1472, %mul3A_1473 : vector<16xf32>
      %add3A_1475 = arith.addf %add3A_1467, %mul3A_1474 : vector<16xf32>
      %slice3A_1476 = vector.extract_strided_slice %mul3A_1252 {offsets = [3], sizes = [1], strides = [1]} : vector<16xi32> to vector<1xi32>
      %squeeze3A_1477 = vector.extract %slice3A_1476[0] : i32 from vector<1xi32>
      %slice3A_1478 = vector.extract_strided_slice %mul3A_1259 {offsets = [3], sizes = [1], strides = [1]} : vector<16xi32> to vector<1xi32>
      %squeeze3A_1479 = vector.extract %slice3A_1478[0] : i32 from vector<1xi32>
      %slice3A_1480 = vector.extract_strided_slice %sub3A_1226 {offsets = [3], sizes = [1], strides = [1]} : vector<16xf32> to vector<1xf32>
      %squeeze3A_1481 = vector.extract %slice3A_1480[0] : f32 from vector<1xf32>
      %sub3A_1482 = arith.constant 1.000000e+00 : f32
      %sub3A_1483 = arith.subf %sub3A_1482, %squeeze3A_1481 : f32
      %add3A_1484 = arith.constant 0 : i32
      %add3A_1485 = arith.addi %squeeze3A_1477, %add3A_1484 : i32
      %get3A_1486 = arith.index_cast %add3A_1485 : i32 to index
      %get3A_1487 = tpu.vector_load %arg5[%get3A_1486] {strides = array<i32>} : memref<98304xf32, #tpu.memory_space<vmem>>, vector<16xf32>,
      %get3A_1488 = vector.shape_cast %get3A_1487 : vector<16xf32> to vector<16xf32>
      %mul3A_1489 = vector.broadcast %sub3A_1483 : f32 to vector<16xf32>
      %mul3A_1490 = arith.mulf %get3A_1488, %mul3A_1489 : vector<16xf32>
      %add3A_1491 = arith.addf %add3A_1427, %mul3A_1490 : vector<16xf32>
      %add3A_1492 = arith.constant 0 : i32
      %add3A_1493 = arith.addi %squeeze3A_1479, %add3A_1492 : i32
      %get3A_1494 = arith.index_cast %add3A_1493 : i32 to index
      %get3A_1495 = tpu.vector_load %arg5[%get3A_1494] {strides = array<i32>} : memref<98304xf32, #tpu.memory_space<vmem>>, vector<16xf32>,
      %get3A_1496 = vector.shape_cast %get3A_1495 : vector<16xf32> to vector<16xf32>
      %mul3A_1497 = vector.broadcast %squeeze3A_1481 : f32 to vector<16xf32>
      %mul3A_1498 = arith.mulf %get3A_1496, %mul3A_1497 : vector<16xf32>
      %add3A_1499 = arith.addf %add3A_1491, %mul3A_1498 : vector<16xf32>
      %add3A_1500 = arith.constant 16 : i32
      %add3A_1501 = arith.addi %squeeze3A_1477, %add3A_1500 : i32
      %get3A_1502 = arith.index_cast %add3A_1501 : i32 to index
      %get3A_1503 = tpu.vector_load %arg5[%get3A_1502] {strides = array<i32>} : memref<98304xf32, #tpu.memory_space<vmem>>, vector<16xf32>,
      %get3A_1504 = vector.shape_cast %get3A_1503 : vector<16xf32> to vector<16xf32>
      %mul3A_1505 = vector.broadcast %sub3A_1483 : f32 to vector<16xf32>
      %mul3A_1506 = arith.mulf %get3A_1504, %mul3A_1505 : vector<16xf32>
      %add3A_1507 = arith.addf %add3A_1443, %mul3A_1506 : vector<16xf32>
      %add3A_1508 = arith.constant 16 : i32
      %add3A_1509 = arith.addi %squeeze3A_1479, %add3A_1508 : i32
      %get3A_1510 = arith.index_cast %add3A_1509 : i32 to index
      %get3A_1511 = tpu.vector_load %arg5[%get3A_1510] {strides = array<i32>} : memref<98304xf32, #tpu.memory_space<vmem>>, vector<16xf32>,
      %get3A_1512 = vector.shape_cast %get3A_1511 : vector<16xf32> to vector<16xf32>
      %mul3A_1513 = vector.broadcast %squeeze3A_1481 : f32 to vector<16xf32>
      %mul3A_1514 = arith.mulf %get3A_1512, %mul3A_1513 : vector<16xf32>
      %add3A_1515 = arith.addf %add3A_1507, %mul3A_1514 : vector<16xf32>
      %add3A_1516 = arith.constant 32 : i32
      %add3A_1517 = arith.addi %squeeze3A_1477, %add3A_1516 : i32
      %get3A_1518 = arith.index_cast %add3A_1517 : i32 to index
      %get3A_1519 = tpu.vector_load %arg5[%get3A_1518] {strides = array<i32>} : memref<98304xf32, #tpu.memory_space<vmem>>, vector<16xf32>,
      %get3A_1520 = vector.shape_cast %get3A_1519 : vector<16xf32> to vector<16xf32>
      %mul3A_1521 = vector.broadcast %sub3A_1483 : f32 to vector<16xf32>
      %mul3A_1522 = arith.mulf %get3A_1520, %mul3A_1521 : vector<16xf32>
      %add3A_1523 = arith.addf %add3A_1459, %mul3A_1522 : vector<16xf32>
      %add3A_1524 = arith.constant 32 : i32
      %add3A_1525 = arith.addi %squeeze3A_1479, %add3A_1524 : i32
      %get3A_1526 = arith.index_cast %add3A_1525 : i32 to index
      %get3A_1527 = tpu.vector_load %arg5[%get3A_1526] {strides = array<i32>} : memref<98304xf32, #tpu.memory_space<vmem>>, vector<16xf32>,
      %get3A_1528 = vector.shape_cast %get3A_1527 : vector<16xf32> to vector<16xf32>
      %mul3A_1529 = vector.broadcast %squeeze3A_1481 : f32 to vector<16xf32>
      %mul3A_1530 = arith.mulf %get3A_1528, %mul3A_1529 : vector<16xf32>
      %add3A_1531 = arith.addf %add3A_1523, %mul3A_1530 : vector<16xf32>
      %add3A_1532 = arith.constant 48 : i32
      %add3A_1533 = arith.addi %squeeze3A_1477, %add3A_1532 : i32
      %get3A_1534 = arith.index_cast %add3A_1533 : i32 to index
      %get3A_1535 = tpu.vector_load %arg5[%get3A_1534] {strides = array<i32>} : memref<98304xf32, #tpu.memory_space<vmem>>, vector<16xf32>,
      %get3A_1536 = vector.shape_cast %get3A_1535 : vector<16xf32> to vector<16xf32>
      %mul3A_1537 = vector.broadcast %sub3A_1483 : f32 to vector<16xf32>
      %mul3A_1538 = arith.mulf %get3A_1536, %mul3A_1537 : vector<16xf32>
      %add3A_1539 = arith.addf %add3A_1475, %mul3A_1538 : vector<16xf32>
      %add3A_1540 = arith.constant 48 : i32
      %add3A_1541 = arith.addi %squeeze3A_1479, %add3A_1540 : i32
      %get3A_1542 = arith.index_cast %add3A_1541 : i32 to index
      %get3A_1543 = tpu.vector_load %arg5[%get3A_1542] {strides = array<i32>} : memref<98304xf32, #tpu.memory_space<vmem>>, vector<16xf32>,
      %get3A_1544 = vector.shape_cast %get3A_1543 : vector<16xf32> to vector<16xf32>
      %mul3A_1545 = vector.broadcast %squeeze3A_1481 : f32 to vector<16xf32>
      %mul3A_1546 = arith.mulf %get3A_1544, %mul3A_1545 : vector<16xf32>
      %add3A_1547 = arith.addf %add3A_1539, %mul3A_1546 : vector<16xf32>
      %slice3A_1548 = vector.extract_strided_slice %mul3A_1252 {offsets = [4], sizes = [1], strides = [1]} : vector<16xi32> to vector<1xi32>
      %squeeze3A_1549 = vector.extract %slice3A_1548[0] : i32 from vector<1xi32>
      %slice3A_1550 = vector.extract_strided_slice %mul3A_1259 {offsets = [4], sizes = [1], strides = [1]} : vector<16xi32> to vector<1xi32>
      %squeeze3A_1551 = vector.extract %slice3A_1550[0] : i32 from vector<1xi32>
      %slice3A_1552 = vector.extract_strided_slice %sub3A_1226 {offsets = [4], sizes = [1], strides = [1]} : vector<16xf32> to vector<1xf32>
      %squeeze3A_1553 = vector.extract %slice3A_1552[0] : f32 from vector<1xf32>
      %sub3A_1554 = arith.constant 1.000000e+00 : f32
      %sub3A_1555 = arith.subf %sub3A_1554, %squeeze3A_1553 : f32
      %add3A_1556 = arith.constant 0 : i32
      %add3A_1557 = arith.addi %squeeze3A_1549, %add3A_1556 : i32
      %get3A_1558 = arith.index_cast %add3A_1557 : i32 to index
      %get3A_1559 = tpu.vector_load %arg5[%get3A_1558] {strides = array<i32>} : memref<98304xf32, #tpu.memory_space<vmem>>, vector<16xf32>,
      %get3A_1560 = vector.shape_cast %get3A_1559 : vector<16xf32> to vector<16xf32>
      %mul3A_1561 = vector.broadcast %sub3A_1555 : f32 to vector<16xf32>
      %mul3A_1562 = arith.mulf %get3A_1560, %mul3A_1561 : vector<16xf32>
      %add3A_1563 = arith.addf %add3A_1499, %mul3A_1562 : vector<16xf32>
      %add3A_1564 = arith.constant 0 : i32
      %add3A_1565 = arith.addi %squeeze3A_1551, %add3A_1564 : i32
      %get3A_1566 = arith.index_cast %add3A_1565 : i32 to index
      %get3A_1567 = tpu.vector_load %arg5[%get3A_1566] {strides = array<i32>} : memref<98304xf32, #tpu.memory_space<vmem>>, vector<16xf32>,
      %get3A_1568 = vector.shape_cast %get3A_1567 : vector<16xf32> to vector<16xf32>
      %mul3A_1569 = vector.broadcast %squeeze3A_1553 : f32 to vector<16xf32>
      %mul3A_1570 = arith.mulf %get3A_1568, %mul3A_1569 : vector<16xf32>
      %add3A_1571 = arith.addf %add3A_1563, %mul3A_1570 : vector<16xf32>
      %add3A_1572 = arith.constant 16 : i32
      %add3A_1573 = arith.addi %squeeze3A_1549, %add3A_1572 : i32
      %get3A_1574 = arith.index_cast %add3A_1573 : i32 to index
      %get3A_1575 = tpu.vector_load %arg5[%get3A_1574] {strides = array<i32>} : memref<98304xf32, #tpu.memory_space<vmem>>, vector<16xf32>,
      %get3A_1576 = vector.shape_cast %get3A_1575 : vector<16xf32> to vector<16xf32>
      %mul3A_1577 = vector.broadcast %sub3A_1555 : f32 to vector<16xf32>
      %mul3A_1578 = arith.mulf %get3A_1576, %mul3A_1577 : vector<16xf32>
      %add3A_1579 = arith.addf %add3A_1515, %mul3A_1578 : vector<16xf32>
      %add3A_1580 = arith.constant 16 : i32
      %add3A_1581 = arith.addi %squeeze3A_1551, %add3A_1580 : i32
      %get3A_1582 = arith.index_cast %add3A_1581 : i32 to index
      %get3A_1583 = tpu.vector_load %arg5[%get3A_1582] {strides = array<i32>} : memref<98304xf32, #tpu.memory_space<vmem>>, vector<16xf32>,
      %get3A_1584 = vector.shape_cast %get3A_1583 : vector<16xf32> to vector<16xf32>
      %mul3A_1585 = vector.broadcast %squeeze3A_1553 : f32 to vector<16xf32>
      %mul3A_1586 = arith.mulf %get3A_1584, %mul3A_1585 : vector<16xf32>
      %add3A_1587 = arith.addf %add3A_1579, %mul3A_1586 : vector<16xf32>
      %add3A_1588 = arith.constant 32 : i32
      %add3A_1589 = arith.addi %squeeze3A_1549, %add3A_1588 : i32
      %get3A_1590 = arith.index_cast %add3A_1589 : i32 to index
      %get3A_1591 = tpu.vector_load %arg5[%get3A_1590] {strides = array<i32>} : memref<98304xf32, #tpu.memory_space<vmem>>, vector<16xf32>,
      %get3A_1592 = vector.shape_cast %get3A_1591 : vector<16xf32> to vector<16xf32>
      %mul3A_1593 = vector.broadcast %sub3A_1555 : f32 to vector<16xf32>
      %mul3A_1594 = arith.mulf %get3A_1592, %mul3A_1593 : vector<16xf32>
      %add3A_1595 = arith.addf %add3A_1531, %mul3A_1594 : vector<16xf32>
      %add3A_1596 = arith.constant 32 : i32
      %add3A_1597 = arith.addi %squeeze3A_1551, %add3A_1596 : i32
      %get3A_1598 = arith.index_cast %add3A_1597 : i32 to index
      %get3A_1599 = tpu.vector_load %arg5[%get3A_1598] {strides = array<i32>} : memref<98304xf32, #tpu.memory_space<vmem>>, vector<16xf32>,
      %get3A_1600 = vector.shape_cast %get3A_1599 : vector<16xf32> to vector<16xf32>
      %mul3A_1601 = vector.broadcast %squeeze3A_1553 : f32 to vector<16xf32>
      %mul3A_1602 = arith.mulf %get3A_1600, %mul3A_1601 : vector<16xf32>
      %add3A_1603 = arith.addf %add3A_1595, %mul3A_1602 : vector<16xf32>
      %add3A_1604 = arith.constant 48 : i32
      %add3A_1605 = arith.addi %squeeze3A_1549, %add3A_1604 : i32
      %get3A_1606 = arith.index_cast %add3A_1605 : i32 to index
      %get3A_1607 = tpu.vector_load %arg5[%get3A_1606] {strides = array<i32>} : memref<98304xf32, #tpu.memory_space<vmem>>, vector<16xf32>,
      %get3A_1608 = vector.shape_cast %get3A_1607 : vector<16xf32> to vector<16xf32>
      %mul3A_1609 = vector.broadcast %sub3A_1555 : f32 to vector<16xf32>
      %mul3A_1610 = arith.mulf %get3A_1608, %mul3A_1609 : vector<16xf32>
      %add3A_1611 = arith.addf %add3A_1547, %mul3A_1610 : vector<16xf32>
      %add3A_1612 = arith.constant 48 : i32
      %add3A_1613 = arith.addi %squeeze3A_1551, %add3A_1612 : i32
      %get3A_1614 = arith.index_cast %add3A_1613 : i32 to index
      %get3A_1615 = tpu.vector_load %arg5[%get3A_1614] {strides = array<i32>} : memref<98304xf32, #tpu.memory_space<vmem>>, vector<16xf32>,
      %get3A_1616 = vector.shape_cast %get3A_1615 : vector<16xf32> to vector<16xf32>
      %mul3A_1617 = vector.broadcast %squeeze3A_1553 : f32 to vector<16xf32>
      %mul3A_1618 = arith.mulf %get3A_1616, %mul3A_1617 : vector<16xf32>
      %add3A_1619 = arith.addf %add3A_1611, %mul3A_1618 : vector<16xf32>
      %slice3A_1620 = vector.extract_strided_slice %mul3A_1252 {offsets = [5], sizes = [1], strides = [1]} : vector<16xi32> to vector<1xi32>
      %squeeze3A_1621 = vector.extract %slice3A_1620[0] : i32 from vector<1xi32>
      %slice3A_1622 = vector.extract_strided_slice %mul3A_1259 {offsets = [5], sizes = [1], strides = [1]} : vector<16xi32> to vector<1xi32>
      %squeeze3A_1623 = vector.extract %slice3A_1622[0] : i32 from vector<1xi32>
      %slice3A_1624 = vector.extract_strided_slice %sub3A_1226 {offsets = [5], sizes = [1], strides = [1]} : vector<16xf32> to vector<1xf32>
      %squeeze3A_1625 = vector.extract %slice3A_1624[0] : f32 from vector<1xf32>
      %sub3A_1626 = arith.constant 1.000000e+00 : f32
      %sub3A_1627 = arith.subf %sub3A_1626, %squeeze3A_1625 : f32
      %add3A_1628 = arith.constant 0 : i32
      %add3A_1629 = arith.addi %squeeze3A_1621, %add3A_1628 : i32
      %get3A_1630 = arith.index_cast %add3A_1629 : i32 to index
      %get3A_1631 = tpu.vector_load %arg5[%get3A_1630] {strides = array<i32>} : memref<98304xf32, #tpu.memory_space<vmem>>, vector<16xf32>,
      %get3A_1632 = vector.shape_cast %get3A_1631 : vector<16xf32> to vector<16xf32>
      %mul3A_1633 = vector.broadcast %sub3A_1627 : f32 to vector<16xf32>
      %mul3A_1634 = arith.mulf %get3A_1632, %mul3A_1633 : vector<16xf32>
      %add3A_1635 = arith.addf %add3A_1571, %mul3A_1634 : vector<16xf32>
      %add3A_1636 = arith.constant 0 : i32
      %add3A_1637 = arith.addi %squeeze3A_1623, %add3A_1636 : i32
      %get3A_1638 = arith.index_cast %add3A_1637 : i32 to index
      %get3A_1639 = tpu.vector_load %arg5[%get3A_1638] {strides = array<i32>} : memref<98304xf32, #tpu.memory_space<vmem>>, vector<16xf32>,
      %get3A_1640 = vector.shape_cast %get3A_1639 : vector<16xf32> to vector<16xf32>
      %mul3A_1641 = vector.broadcast %squeeze3A_1625 : f32 to vector<16xf32>
      %mul3A_1642 = arith.mulf %get3A_1640, %mul3A_1641 : vector<16xf32>
      %add3A_1643 = arith.addf %add3A_1635, %mul3A_1642 : vector<16xf32>
      %add3A_1644 = arith.constant 16 : i32
      %add3A_1645 = arith.addi %squeeze3A_1621, %add3A_1644 : i32
      %get3A_1646 = arith.index_cast %add3A_1645 : i32 to index
      %get3A_1647 = tpu.vector_load %arg5[%get3A_1646] {strides = array<i32>} : memref<98304xf32, #tpu.memory_space<vmem>>, vector<16xf32>,
      %get3A_1648 = vector.shape_cast %get3A_1647 : vector<16xf32> to vector<16xf32>
      %mul3A_1649 = vector.broadcast %sub3A_1627 : f32 to vector<16xf32>
      %mul3A_1650 = arith.mulf %get3A_1648, %mul3A_1649 : vector<16xf32>
      %add3A_1651 = arith.addf %add3A_1587, %mul3A_1650 : vector<16xf32>
      %add3A_1652 = arith.constant 16 : i32
      %add3A_1653 = arith.addi %squeeze3A_1623, %add3A_1652 : i32
      %get3A_1654 = arith.index_cast %add3A_1653 : i32 to index
      %get3A_1655 = tpu.vector_load %arg5[%get3A_1654] {strides = array<i32>} : memref<98304xf32, #tpu.memory_space<vmem>>, vector<16xf32>,
      %get3A_1656 = vector.shape_cast %get3A_1655 : vector<16xf32> to vector<16xf32>
      %mul3A_1657 = vector.broadcast %squeeze3A_1625 : f32 to vector<16xf32>
      %mul3A_1658 = arith.mulf %get3A_1656, %mul3A_1657 : vector<16xf32>
      %add3A_1659 = arith.addf %add3A_1651, %mul3A_1658 : vector<16xf32>
      %add3A_1660 = arith.constant 32 : i32
      %add3A_1661 = arith.addi %squeeze3A_1621, %add3A_1660 : i32
      %get3A_1662 = arith.index_cast %add3A_1661 : i32 to index
      %get3A_1663 = tpu.vector_load %arg5[%get3A_1662] {strides = array<i32>} : memref<98304xf32, #tpu.memory_space<vmem>>, vector<16xf32>,
      %get3A_1664 = vector.shape_cast %get3A_1663 : vector<16xf32> to vector<16xf32>
      %mul3A_1665 = vector.broadcast %sub3A_1627 : f32 to vector<16xf32>
      %mul3A_1666 = arith.mulf %get3A_1664, %mul3A_1665 : vector<16xf32>
      %add3A_1667 = arith.addf %add3A_1603, %mul3A_1666 : vector<16xf32>
      %add3A_1668 = arith.constant 32 : i32
      %add3A_1669 = arith.addi %squeeze3A_1623, %add3A_1668 : i32
      %get3A_1670 = arith.index_cast %add3A_1669 : i32 to index
      %get3A_1671 = tpu.vector_load %arg5[%get3A_1670] {strides = array<i32>} : memref<98304xf32, #tpu.memory_space<vmem>>, vector<16xf32>,
      %get3A_1672 = vector.shape_cast %get3A_1671 : vector<16xf32> to vector<16xf32>
      %mul3A_1673 = vector.broadcast %squeeze3A_1625 : f32 to vector<16xf32>
      %mul3A_1674 = arith.mulf %get3A_1672, %mul3A_1673 : vector<16xf32>
      %add3A_1675 = arith.addf %add3A_1667, %mul3A_1674 : vector<16xf32>
      %add3A_1676 = arith.constant 48 : i32
      %add3A_1677 = arith.addi %squeeze3A_1621, %add3A_1676 : i32
      %get3A_1678 = arith.index_cast %add3A_1677 : i32 to index
      %get3A_1679 = tpu.vector_load %arg5[%get3A_1678] {strides = array<i32>} : memref<98304xf32, #tpu.memory_space<vmem>>, vector<16xf32>,
      %get3A_1680 = vector.shape_cast %get3A_1679 : vector<16xf32> to vector<16xf32>
      %mul3A_1681 = vector.broadcast %sub3A_1627 : f32 to vector<16xf32>
      %mul3A_1682 = arith.mulf %get3A_1680, %mul3A_1681 : vector<16xf32>
      %add3A_1683 = arith.addf %add3A_1619, %mul3A_1682 : vector<16xf32>
      %add3A_1684 = arith.constant 48 : i32
      %add3A_1685 = arith.addi %squeeze3A_1623, %add3A_1684 : i32
      %get3A_1686 = arith.index_cast %add3A_1685 : i32 to index
      %get3A_1687 = tpu.vector_load %arg5[%get3A_1686] {strides = array<i32>} : memref<98304xf32, #tpu.memory_space<vmem>>, vector<16xf32>,
      %get3A_1688 = vector.shape_cast %get3A_1687 : vector<16xf32> to vector<16xf32>
      %mul3A_1689 = vector.broadcast %squeeze3A_1625 : f32 to vector<16xf32>
      %mul3A_1690 = arith.mulf %get3A_1688, %mul3A_1689 : vector<16xf32>
      %add3A_1691 = arith.addf %add3A_1683, %mul3A_1690 : vector<16xf32>
      %slice3A_1692 = vector.extract_strided_slice %mul3A_1252 {offsets = [6], sizes = [1], strides = [1]} : vector<16xi32> to vector<1xi32>
      %squeeze3A_1693 = vector.extract %slice3A_1692[0] : i32 from vector<1xi32>
      %slice3A_1694 = vector.extract_strided_slice %mul3A_1259 {offsets = [6], sizes = [1], strides = [1]} : vector<16xi32> to vector<1xi32>
      %squeeze3A_1695 = vector.extract %slice3A_1694[0] : i32 from vector<1xi32>
      %slice3A_1696 = vector.extract_strided_slice %sub3A_1226 {offsets = [6], sizes = [1], strides = [1]} : vector<16xf32> to vector<1xf32>
      %squeeze3A_1697 = vector.extract %slice3A_1696[0] : f32 from vector<1xf32>
      %sub3A_1698 = arith.constant 1.000000e+00 : f32
      %sub3A_1699 = arith.subf %sub3A_1698, %squeeze3A_1697 : f32
      %add3A_1700 = arith.constant 0 : i32
      %add3A_1701 = arith.addi %squeeze3A_1693, %add3A_1700 : i32
      %get3A_1702 = arith.index_cast %add3A_1701 : i32 to index
      %get3A_1703 = tpu.vector_load %arg5[%get3A_1702] {strides = array<i32>} : memref<98304xf32, #tpu.memory_space<vmem>>, vector<16xf32>,
      %get3A_1704 = vector.shape_cast %get3A_1703 : vector<16xf32> to vector<16xf32>
      %mul3A_1705 = vector.broadcast %sub3A_1699 : f32 to vector<16xf32>
      %mul3A_1706 = arith.mulf %get3A_1704, %mul3A_1705 : vector<16xf32>
      %add3A_1707 = arith.addf %add3A_1643, %mul3A_1706 : vector<16xf32>
      %add3A_1708 = arith.constant 0 : i32
      %add3A_1709 = arith.addi %squeeze3A_1695, %add3A_1708 : i32
      %get3A_1710 = arith.index_cast %add3A_1709 : i32 to index
      %get3A_1711 = tpu.vector_load %arg5[%get3A_1710] {strides = array<i32>} : memref<98304xf32, #tpu.memory_space<vmem>>, vector<16xf32>,
      %get3A_1712 = vector.shape_cast %get3A_1711 : vector<16xf32> to vector<16xf32>
      %mul3A_1713 = vector.broadcast %squeeze3A_1697 : f32 to vector<16xf32>
      %mul3A_1714 = arith.mulf %get3A_1712, %mul3A_1713 : vector<16xf32>
      %add3A_1715 = arith.addf %add3A_1707, %mul3A_1714 : vector<16xf32>
      %add3A_1716 = arith.constant 16 : i32
      %add3A_1717 = arith.addi %squeeze3A_1693, %add3A_1716 : i32
      %get3A_1718 = arith.index_cast %add3A_1717 : i32 to index
      %get3A_1719 = tpu.vector_load %arg5[%get3A_1718] {strides = array<i32>} : memref<98304xf32, #tpu.memory_space<vmem>>, vector<16xf32>,
      %get3A_1720 = vector.shape_cast %get3A_1719 : vector<16xf32> to vector<16xf32>
      %mul3A_1721 = vector.broadcast %sub3A_1699 : f32 to vector<16xf32>
      %mul3A_1722 = arith.mulf %get3A_1720, %mul3A_1721 : vector<16xf32>
      %add3A_1723 = arith.addf %add3A_1659, %mul3A_1722 : vector<16xf32>
      %add3A_1724 = arith.constant 16 : i32
      %add3A_1725 = arith.addi %squeeze3A_1695, %add3A_1724 : i32
      %get3A_1726 = arith.index_cast %add3A_1725 : i32 to index
      %get3A_1727 = tpu.vector_load %arg5[%get3A_1726] {strides = array<i32>} : memref<98304xf32, #tpu.memory_space<vmem>>, vector<16xf32>,
      %get3A_1728 = vector.shape_cast %get3A_1727 : vector<16xf32> to vector<16xf32>
      %mul3A_1729 = vector.broadcast %squeeze3A_1697 : f32 to vector<16xf32>
      %mul3A_1730 = arith.mulf %get3A_1728, %mul3A_1729 : vector<16xf32>
      %add3A_1731 = arith.addf %add3A_1723, %mul3A_1730 : vector<16xf32>
      %add3A_1732 = arith.constant 32 : i32
      %add3A_1733 = arith.addi %squeeze3A_1693, %add3A_1732 : i32
      %get3A_1734 = arith.index_cast %add3A_1733 : i32 to index
      %get3A_1735 = tpu.vector_load %arg5[%get3A_1734] {strides = array<i32>} : memref<98304xf32, #tpu.memory_space<vmem>>, vector<16xf32>,
      %get3A_1736 = vector.shape_cast %get3A_1735 : vector<16xf32> to vector<16xf32>
      %mul3A_1737 = vector.broadcast %sub3A_1699 : f32 to vector<16xf32>
      %mul3A_1738 = arith.mulf %get3A_1736, %mul3A_1737 : vector<16xf32>
      %add3A_1739 = arith.addf %add3A_1675, %mul3A_1738 : vector<16xf32>
      %add3A_1740 = arith.constant 32 : i32
      %add3A_1741 = arith.addi %squeeze3A_1695, %add3A_1740 : i32
      %get3A_1742 = arith.index_cast %add3A_1741 : i32 to index
      %get3A_1743 = tpu.vector_load %arg5[%get3A_1742] {strides = array<i32>} : memref<98304xf32, #tpu.memory_space<vmem>>, vector<16xf32>,
      %get3A_1744 = vector.shape_cast %get3A_1743 : vector<16xf32> to vector<16xf32>
      %mul3A_1745 = vector.broadcast %squeeze3A_1697 : f32 to vector<16xf32>
      %mul3A_1746 = arith.mulf %get3A_1744, %mul3A_1745 : vector<16xf32>
      %add3A_1747 = arith.addf %add3A_1739, %mul3A_1746 : vector<16xf32>
      %add3A_1748 = arith.constant 48 : i32
      %add3A_1749 = arith.addi %squeeze3A_1693, %add3A_1748 : i32
      %get3A_1750 = arith.index_cast %add3A_1749 : i32 to index
      %get3A_1751 = tpu.vector_load %arg5[%get3A_1750] {strides = array<i32>} : memref<98304xf32, #tpu.memory_space<vmem>>, vector<16xf32>,
      %get3A_1752 = vector.shape_cast %get3A_1751 : vector<16xf32> to vector<16xf32>
      %mul3A_1753 = vector.broadcast %sub3A_1699 : f32 to vector<16xf32>
      %mul3A_1754 = arith.mulf %get3A_1752, %mul3A_1753 : vector<16xf32>
      %add3A_1755 = arith.addf %add3A_1691, %mul3A_1754 : vector<16xf32>
      %add3A_1756 = arith.constant 48 : i32
      %add3A_1757 = arith.addi %squeeze3A_1695, %add3A_1756 : i32
      %get3A_1758 = arith.index_cast %add3A_1757 : i32 to index
      %get3A_1759 = tpu.vector_load %arg5[%get3A_1758] {strides = array<i32>} : memref<98304xf32, #tpu.memory_space<vmem>>, vector<16xf32>,
      %get3A_1760 = vector.shape_cast %get3A_1759 : vector<16xf32> to vector<16xf32>
      %mul3A_1761 = vector.broadcast %squeeze3A_1697 : f32 to vector<16xf32>
      %mul3A_1762 = arith.mulf %get3A_1760, %mul3A_1761 : vector<16xf32>
      %add3A_1763 = arith.addf %add3A_1755, %mul3A_1762 : vector<16xf32>
      %slice3A_1764 = vector.extract_strided_slice %mul3A_1252 {offsets = [7], sizes = [1], strides = [1]} : vector<16xi32> to vector<1xi32>
      %squeeze3A_1765 = vector.extract %slice3A_1764[0] : i32 from vector<1xi32>
      %slice3A_1766 = vector.extract_strided_slice %mul3A_1259 {offsets = [7], sizes = [1], strides = [1]} : vector<16xi32> to vector<1xi32>
      %squeeze3A_1767 = vector.extract %slice3A_1766[0] : i32 from vector<1xi32>
      %slice3A_1768 = vector.extract_strided_slice %sub3A_1226 {offsets = [7], sizes = [1], strides = [1]} : vector<16xf32> to vector<1xf32>
      %squeeze3A_1769 = vector.extract %slice3A_1768[0] : f32 from vector<1xf32>
      %sub3A_1770 = arith.constant 1.000000e+00 : f32
      %sub3A_1771 = arith.subf %sub3A_1770, %squeeze3A_1769 : f32
      %add3A_1772 = arith.constant 0 : i32
      %add3A_1773 = arith.addi %squeeze3A_1765, %add3A_1772 : i32
      %get3A_1774 = arith.index_cast %add3A_1773 : i32 to index
      %get3A_1775 = tpu.vector_load %arg5[%get3A_1774] {strides = array<i32>} : memref<98304xf32, #tpu.memory_space<vmem>>, vector<16xf32>,
      %get3A_1776 = vector.shape_cast %get3A_1775 : vector<16xf32> to vector<16xf32>
      %mul3A_1777 = vector.broadcast %sub3A_1771 : f32 to vector<16xf32>
      %mul3A_1778 = arith.mulf %get3A_1776, %mul3A_1777 : vector<16xf32>
      %add3A_1779 = arith.addf %add3A_1715, %mul3A_1778 : vector<16xf32>
      %add3A_1780 = arith.constant 0 : i32
      %add3A_1781 = arith.addi %squeeze3A_1767, %add3A_1780 : i32
      %get3A_1782 = arith.index_cast %add3A_1781 : i32 to index
      %get3A_1783 = tpu.vector_load %arg5[%get3A_1782] {strides = array<i32>} : memref<98304xf32, #tpu.memory_space<vmem>>, vector<16xf32>,
      %get3A_1784 = vector.shape_cast %get3A_1783 : vector<16xf32> to vector<16xf32>
      %mul3A_1785 = vector.broadcast %squeeze3A_1769 : f32 to vector<16xf32>
      %mul3A_1786 = arith.mulf %get3A_1784, %mul3A_1785 : vector<16xf32>
      %add3A_1787 = arith.addf %add3A_1779, %mul3A_1786 : vector<16xf32>
      %add3A_1788 = arith.constant 16 : i32
      %add3A_1789 = arith.addi %squeeze3A_1765, %add3A_1788 : i32
      %get3A_1790 = arith.index_cast %add3A_1789 : i32 to index
      %get3A_1791 = tpu.vector_load %arg5[%get3A_1790] {strides = array<i32>} : memref<98304xf32, #tpu.memory_space<vmem>>, vector<16xf32>,
      %get3A_1792 = vector.shape_cast %get3A_1791 : vector<16xf32> to vector<16xf32>
      %mul3A_1793 = vector.broadcast %sub3A_1771 : f32 to vector<16xf32>
      %mul3A_1794 = arith.mulf %get3A_1792, %mul3A_1793 : vector<16xf32>
      %add3A_1795 = arith.addf %add3A_1731, %mul3A_1794 : vector<16xf32>
      %add3A_1796 = arith.constant 16 : i32
      %add3A_1797 = arith.addi %squeeze3A_1767, %add3A_1796 : i32
      %get3A_1798 = arith.index_cast %add3A_1797 : i32 to index
      %get3A_1799 = tpu.vector_load %arg5[%get3A_1798] {strides = array<i32>} : memref<98304xf32, #tpu.memory_space<vmem>>, vector<16xf32>,
      %get3A_1800 = vector.shape_cast %get3A_1799 : vector<16xf32> to vector<16xf32>
      %mul3A_1801 = vector.broadcast %squeeze3A_1769 : f32 to vector<16xf32>
      %mul3A_1802 = arith.mulf %get3A_1800, %mul3A_1801 : vector<16xf32>
      %add3A_1803 = arith.addf %add3A_1795, %mul3A_1802 : vector<16xf32>
      %add3A_1804 = arith.constant 32 : i32
      %add3A_1805 = arith.addi %squeeze3A_1765, %add3A_1804 : i32
      %get3A_1806 = arith.index_cast %add3A_1805 : i32 to index
      %get3A_1807 = tpu.vector_load %arg5[%get3A_1806] {strides = array<i32>} : memref<98304xf32, #tpu.memory_space<vmem>>, vector<16xf32>,
      %get3A_1808 = vector.shape_cast %get3A_1807 : vector<16xf32> to vector<16xf32>
      %mul3A_1809 = vector.broadcast %sub3A_1771 : f32 to vector<16xf32>
      %mul3A_1810 = arith.mulf %get3A_1808, %mul3A_1809 : vector<16xf32>
      %add3A_1811 = arith.addf %add3A_1747, %mul3A_1810 : vector<16xf32>
      %add3A_1812 = arith.constant 32 : i32
      %add3A_1813 = arith.addi %squeeze3A_1767, %add3A_1812 : i32
      %get3A_1814 = arith.index_cast %add3A_1813 : i32 to index
      %get3A_1815 = tpu.vector_load %arg5[%get3A_1814] {strides = array<i32>} : memref<98304xf32, #tpu.memory_space<vmem>>, vector<16xf32>,
      %get3A_1816 = vector.shape_cast %get3A_1815 : vector<16xf32> to vector<16xf32>
      %mul3A_1817 = vector.broadcast %squeeze3A_1769 : f32 to vector<16xf32>
      %mul3A_1818 = arith.mulf %get3A_1816, %mul3A_1817 : vector<16xf32>
      %add3A_1819 = arith.addf %add3A_1811, %mul3A_1818 : vector<16xf32>
      %add3A_1820 = arith.constant 48 : i32
      %add3A_1821 = arith.addi %squeeze3A_1765, %add3A_1820 : i32
      %get3A_1822 = arith.index_cast %add3A_1821 : i32 to index
      %get3A_1823 = tpu.vector_load %arg5[%get3A_1822] {strides = array<i32>} : memref<98304xf32, #tpu.memory_space<vmem>>, vector<16xf32>,
      %get3A_1824 = vector.shape_cast %get3A_1823 : vector<16xf32> to vector<16xf32>
      %mul3A_1825 = vector.broadcast %sub3A_1771 : f32 to vector<16xf32>
      %mul3A_1826 = arith.mulf %get3A_1824, %mul3A_1825 : vector<16xf32>
      %add3A_1827 = arith.addf %add3A_1763, %mul3A_1826 : vector<16xf32>
      %add3A_1828 = arith.constant 48 : i32
      %add3A_1829 = arith.addi %squeeze3A_1767, %add3A_1828 : i32
      %get3A_1830 = arith.index_cast %add3A_1829 : i32 to index
      %get3A_1831 = tpu.vector_load %arg5[%get3A_1830] {strides = array<i32>} : memref<98304xf32, #tpu.memory_space<vmem>>, vector<16xf32>,
      %get3A_1832 = vector.shape_cast %get3A_1831 : vector<16xf32> to vector<16xf32>
      %mul3A_1833 = vector.broadcast %squeeze3A_1769 : f32 to vector<16xf32>
      %mul3A_1834 = arith.mulf %get3A_1832, %mul3A_1833 : vector<16xf32>
      %add3A_1835 = arith.addf %add3A_1827, %mul3A_1834 : vector<16xf32>
      %slice3A_1836 = vector.extract_strided_slice %mul3A_1252 {offsets = [8], sizes = [1], strides = [1]} : vector<16xi32> to vector<1xi32>
      %squeeze3A_1837 = vector.extract %slice3A_1836[0] : i32 from vector<1xi32>
      %slice3A_1838 = vector.extract_strided_slice %mul3A_1259 {offsets = [8], sizes = [1], strides = [1]} : vector<16xi32> to vector<1xi32>
      %squeeze3A_1839 = vector.extract %slice3A_1838[0] : i32 from vector<1xi32>
      %slice3A_1840 = vector.extract_strided_slice %sub3A_1226 {offsets = [8], sizes = [1], strides = [1]} : vector<16xf32> to vector<1xf32>
      %squeeze3A_1841 = vector.extract %slice3A_1840[0] : f32 from vector<1xf32>
      %sub3A_1842 = arith.constant 1.000000e+00 : f32
      %sub3A_1843 = arith.subf %sub3A_1842, %squeeze3A_1841 : f32
      %add3A_1844 = arith.constant 0 : i32
      %add3A_1845 = arith.addi %squeeze3A_1837, %add3A_1844 : i32
      %get3A_1846 = arith.index_cast %add3A_1845 : i32 to index
      %get3A_1847 = tpu.vector_load %arg5[%get3A_1846] {strides = array<i32>} : memref<98304xf32, #tpu.memory_space<vmem>>, vector<16xf32>,
      %get3A_1848 = vector.shape_cast %get3A_1847 : vector<16xf32> to vector<16xf32>
      %mul3A_1849 = vector.broadcast %sub3A_1843 : f32 to vector<16xf32>
      %mul3A_1850 = arith.mulf %get3A_1848, %mul3A_1849 : vector<16xf32>
      %add3A_1851 = arith.addf %add3A_1787, %mul3A_1850 : vector<16xf32>
      %add3A_1852 = arith.constant 0 : i32
      %add3A_1853 = arith.addi %squeeze3A_1839, %add3A_1852 : i32
      %get3A_1854 = arith.index_cast %add3A_1853 : i32 to index
      %get3A_1855 = tpu.vector_load %arg5[%get3A_1854] {strides = array<i32>} : memref<98304xf32, #tpu.memory_space<vmem>>, vector<16xf32>,
      %get3A_1856 = vector.shape_cast %get3A_1855 : vector<16xf32> to vector<16xf32>
      %mul3A_1857 = vector.broadcast %squeeze3A_1841 : f32 to vector<16xf32>
      %mul3A_1858 = arith.mulf %get3A_1856, %mul3A_1857 : vector<16xf32>
      %add3A_1859 = arith.addf %add3A_1851, %mul3A_1858 : vector<16xf32>
      %add3A_1860 = arith.constant 16 : i32
      %add3A_1861 = arith.addi %squeeze3A_1837, %add3A_1860 : i32
      %get3A_1862 = arith.index_cast %add3A_1861 : i32 to index
      %get3A_1863 = tpu.vector_load %arg5[%get3A_1862] {strides = array<i32>} : memref<98304xf32, #tpu.memory_space<vmem>>, vector<16xf32>,
      %get3A_1864 = vector.shape_cast %get3A_1863 : vector<16xf32> to vector<16xf32>
      %mul3A_1865 = vector.broadcast %sub3A_1843 : f32 to vector<16xf32>
      %mul3A_1866 = arith.mulf %get3A_1864, %mul3A_1865 : vector<16xf32>
      %add3A_1867 = arith.addf %add3A_1803, %mul3A_1866 : vector<16xf32>
      %add3A_1868 = arith.constant 16 : i32
      %add3A_1869 = arith.addi %squeeze3A_1839, %add3A_1868 : i32
      %get3A_1870 = arith.index_cast %add3A_1869 : i32 to index
      %get3A_1871 = tpu.vector_load %arg5[%get3A_1870] {strides = array<i32>} : memref<98304xf32, #tpu.memory_space<vmem>>, vector<16xf32>,
      %get3A_1872 = vector.shape_cast %get3A_1871 : vector<16xf32> to vector<16xf32>
      %mul3A_1873 = vector.broadcast %squeeze3A_1841 : f32 to vector<16xf32>
      %mul3A_1874 = arith.mulf %get3A_1872, %mul3A_1873 : vector<16xf32>
      %add3A_1875 = arith.addf %add3A_1867, %mul3A_1874 : vector<16xf32>
      %add3A_1876 = arith.constant 32 : i32
      %add3A_1877 = arith.addi %squeeze3A_1837, %add3A_1876 : i32
      %get3A_1878 = arith.index_cast %add3A_1877 : i32 to index
      %get3A_1879 = tpu.vector_load %arg5[%get3A_1878] {strides = array<i32>} : memref<98304xf32, #tpu.memory_space<vmem>>, vector<16xf32>,
      %get3A_1880 = vector.shape_cast %get3A_1879 : vector<16xf32> to vector<16xf32>
      %mul3A_1881 = vector.broadcast %sub3A_1843 : f32 to vector<16xf32>
      %mul3A_1882 = arith.mulf %get3A_1880, %mul3A_1881 : vector<16xf32>
      %add3A_1883 = arith.addf %add3A_1819, %mul3A_1882 : vector<16xf32>
      %add3A_1884 = arith.constant 32 : i32
      %add3A_1885 = arith.addi %squeeze3A_1839, %add3A_1884 : i32
      %get3A_1886 = arith.index_cast %add3A_1885 : i32 to index
      %get3A_1887 = tpu.vector_load %arg5[%get3A_1886] {strides = array<i32>} : memref<98304xf32, #tpu.memory_space<vmem>>, vector<16xf32>,
      %get3A_1888 = vector.shape_cast %get3A_1887 : vector<16xf32> to vector<16xf32>
      %mul3A_1889 = vector.broadcast %squeeze3A_1841 : f32 to vector<16xf32>
      %mul3A_1890 = arith.mulf %get3A_1888, %mul3A_1889 : vector<16xf32>
      %add3A_1891 = arith.addf %add3A_1883, %mul3A_1890 : vector<16xf32>
      %add3A_1892 = arith.constant 48 : i32
      %add3A_1893 = arith.addi %squeeze3A_1837, %add3A_1892 : i32
      %get3A_1894 = arith.index_cast %add3A_1893 : i32 to index
      %get3A_1895 = tpu.vector_load %arg5[%get3A_1894] {strides = array<i32>} : memref<98304xf32, #tpu.memory_space<vmem>>, vector<16xf32>,
      %get3A_1896 = vector.shape_cast %get3A_1895 : vector<16xf32> to vector<16xf32>
      %mul3A_1897 = vector.broadcast %sub3A_1843 : f32 to vector<16xf32>
      %mul3A_1898 = arith.mulf %get3A_1896, %mul3A_1897 : vector<16xf32>
      %add3A_1899 = arith.addf %add3A_1835, %mul3A_1898 : vector<16xf32>
      %add3A_1900 = arith.constant 48 : i32
      %add3A_1901 = arith.addi %squeeze3A_1839, %add3A_1900 : i32
      %get3A_1902 = arith.index_cast %add3A_1901 : i32 to index
      %get3A_1903 = tpu.vector_load %arg5[%get3A_1902] {strides = array<i32>} : memref<98304xf32, #tpu.memory_space<vmem>>, vector<16xf32>,
      %get3A_1904 = vector.shape_cast %get3A_1903 : vector<16xf32> to vector<16xf32>
      %mul3A_1905 = vector.broadcast %squeeze3A_1841 : f32 to vector<16xf32>
      %mul3A_1906 = arith.mulf %get3A_1904, %mul3A_1905 : vector<16xf32>
      %add3A_1907 = arith.addf %add3A_1899, %mul3A_1906 : vector<16xf32>
      %slice3A_1908 = vector.extract_strided_slice %mul3A_1252 {offsets = [9], sizes = [1], strides = [1]} : vector<16xi32> to vector<1xi32>
      %squeeze3A_1909 = vector.extract %slice3A_1908[0] : i32 from vector<1xi32>
      %slice3A_1910 = vector.extract_strided_slice %mul3A_1259 {offsets = [9], sizes = [1], strides = [1]} : vector<16xi32> to vector<1xi32>
      %squeeze3A_1911 = vector.extract %slice3A_1910[0] : i32 from vector<1xi32>
      %slice3A_1912 = vector.extract_strided_slice %sub3A_1226 {offsets = [9], sizes = [1], strides = [1]} : vector<16xf32> to vector<1xf32>
      %squeeze3A_1913 = vector.extract %slice3A_1912[0] : f32 from vector<1xf32>
      %sub3A_1914 = arith.constant 1.000000e+00 : f32
      %sub3A_1915 = arith.subf %sub3A_1914, %squeeze3A_1913 : f32
      %add3A_1916 = arith.constant 0 : i32
      %add3A_1917 = arith.addi %squeeze3A_1909, %add3A_1916 : i32
      %get3A_1918 = arith.index_cast %add3A_1917 : i32 to index
      %get3A_1919 = tpu.vector_load %arg5[%get3A_1918] {strides = array<i32>} : memref<98304xf32, #tpu.memory_space<vmem>>, vector<16xf32>,
      %get3A_1920 = vector.shape_cast %get3A_1919 : vector<16xf32> to vector<16xf32>
      %mul3A_1921 = vector.broadcast %sub3A_1915 : f32 to vector<16xf32>
      %mul3A_1922 = arith.mulf %get3A_1920, %mul3A_1921 : vector<16xf32>
      %add3A_1923 = arith.addf %add3A_1859, %mul3A_1922 : vector<16xf32>
      %add3A_1924 = arith.constant 0 : i32
      %add3A_1925 = arith.addi %squeeze3A_1911, %add3A_1924 : i32
      %get3A_1926 = arith.index_cast %add3A_1925 : i32 to index
      %get3A_1927 = tpu.vector_load %arg5[%get3A_1926] {strides = array<i32>} : memref<98304xf32, #tpu.memory_space<vmem>>, vector<16xf32>,
      %get3A_1928 = vector.shape_cast %get3A_1927 : vector<16xf32> to vector<16xf32>
      %mul3A_1929 = vector.broadcast %squeeze3A_1913 : f32 to vector<16xf32>
      %mul3A_1930 = arith.mulf %get3A_1928, %mul3A_1929 : vector<16xf32>
      %add3A_1931 = arith.addf %add3A_1923, %mul3A_1930 : vector<16xf32>
      %add3A_1932 = arith.constant 16 : i32
      %add3A_1933 = arith.addi %squeeze3A_1909, %add3A_1932 : i32
      %get3A_1934 = arith.index_cast %add3A_1933 : i32 to index
      %get3A_1935 = tpu.vector_load %arg5[%get3A_1934] {strides = array<i32>} : memref<98304xf32, #tpu.memory_space<vmem>>, vector<16xf32>,
      %get3A_1936 = vector.shape_cast %get3A_1935 : vector<16xf32> to vector<16xf32>
      %mul3A_1937 = vector.broadcast %sub3A_1915 : f32 to vector<16xf32>
      %mul3A_1938 = arith.mulf %get3A_1936, %mul3A_1937 : vector<16xf32>
      %add3A_1939 = arith.addf %add3A_1875, %mul3A_1938 : vector<16xf32>
      %add3A_1940 = arith.constant 16 : i32
      %add3A_1941 = arith.addi %squeeze3A_1911, %add3A_1940 : i32
      %get3A_1942 = arith.index_cast %add3A_1941 : i32 to index
      %get3A_1943 = tpu.vector_load %arg5[%get3A_1942] {strides = array<i32>} : memref<98304xf32, #tpu.memory_space<vmem>>, vector<16xf32>,
      %get3A_1944 = vector.shape_cast %get3A_1943 : vector<16xf32> to vector<16xf32>
      %mul3A_1945 = vector.broadcast %squeeze3A_1913 : f32 to vector<16xf32>
      %mul3A_1946 = arith.mulf %get3A_1944, %mul3A_1945 : vector<16xf32>
      %add3A_1947 = arith.addf %add3A_1939, %mul3A_1946 : vector<16xf32>
      %add3A_1948 = arith.constant 32 : i32
      %add3A_1949 = arith.addi %squeeze3A_1909, %add3A_1948 : i32
      %get3A_1950 = arith.index_cast %add3A_1949 : i32 to index
      %get3A_1951 = tpu.vector_load %arg5[%get3A_1950] {strides = array<i32>} : memref<98304xf32, #tpu.memory_space<vmem>>, vector<16xf32>,
      %get3A_1952 = vector.shape_cast %get3A_1951 : vector<16xf32> to vector<16xf32>
      %mul3A_1953 = vector.broadcast %sub3A_1915 : f32 to vector<16xf32>
      %mul3A_1954 = arith.mulf %get3A_1952, %mul3A_1953 : vector<16xf32>
      %add3A_1955 = arith.addf %add3A_1891, %mul3A_1954 : vector<16xf32>
      %add3A_1956 = arith.constant 32 : i32
      %add3A_1957 = arith.addi %squeeze3A_1911, %add3A_1956 : i32
      %get3A_1958 = arith.index_cast %add3A_1957 : i32 to index
      %get3A_1959 = tpu.vector_load %arg5[%get3A_1958] {strides = array<i32>} : memref<98304xf32, #tpu.memory_space<vmem>>, vector<16xf32>,
      %get3A_1960 = vector.shape_cast %get3A_1959 : vector<16xf32> to vector<16xf32>
      %mul3A_1961 = vector.broadcast %squeeze3A_1913 : f32 to vector<16xf32>
      %mul3A_1962 = arith.mulf %get3A_1960, %mul3A_1961 : vector<16xf32>
      %add3A_1963 = arith.addf %add3A_1955, %mul3A_1962 : vector<16xf32>
      %add3A_1964 = arith.constant 48 : i32
      %add3A_1965 = arith.addi %squeeze3A_1909, %add3A_1964 : i32
      %get3A_1966 = arith.index_cast %add3A_1965 : i32 to index
      %get3A_1967 = tpu.vector_load %arg5[%get3A_1966] {strides = array<i32>} : memref<98304xf32, #tpu.memory_space<vmem>>, vector<16xf32>,
      %get3A_1968 = vector.shape_cast %get3A_1967 : vector<16xf32> to vector<16xf32>
      %mul3A_1969 = vector.broadcast %sub3A_1915 : f32 to vector<16xf32>
      %mul3A_1970 = arith.mulf %get3A_1968, %mul3A_1969 : vector<16xf32>
      %add3A_1971 = arith.addf %add3A_1907, %mul3A_1970 : vector<16xf32>
      %add3A_1972 = arith.constant 48 : i32
      %add3A_1973 = arith.addi %squeeze3A_1911, %add3A_1972 : i32
      %get3A_1974 = arith.index_cast %add3A_1973 : i32 to index
      %get3A_1975 = tpu.vector_load %arg5[%get3A_1974] {strides = array<i32>} : memref<98304xf32, #tpu.memory_space<vmem>>, vector<16xf32>,
      %get3A_1976 = vector.shape_cast %get3A_1975 : vector<16xf32> to vector<16xf32>
      %mul3A_1977 = vector.broadcast %squeeze3A_1913 : f32 to vector<16xf32>
      %mul3A_1978 = arith.mulf %get3A_1976, %mul3A_1977 : vector<16xf32>
      %add3A_1979 = arith.addf %add3A_1971, %mul3A_1978 : vector<16xf32>
      %slice3A_1980 = vector.extract_strided_slice %mul3A_1252 {offsets = [10], sizes = [1], strides = [1]} : vector<16xi32> to vector<1xi32>
      %squeeze3A_1981 = vector.extract %slice3A_1980[0] : i32 from vector<1xi32>
      %slice3A_1982 = vector.extract_strided_slice %mul3A_1259 {offsets = [10], sizes = [1], strides = [1]} : vector<16xi32> to vector<1xi32>
      %squeeze3A_1983 = vector.extract %slice3A_1982[0] : i32 from vector<1xi32>
      %slice3A_1984 = vector.extract_strided_slice %sub3A_1226 {offsets = [10], sizes = [1], strides = [1]} : vector<16xf32> to vector<1xf32>
      %squeeze3A_1985 = vector.extract %slice3A_1984[0] : f32 from vector<1xf32>
      %sub3A_1986 = arith.constant 1.000000e+00 : f32
      %sub3A_1987 = arith.subf %sub3A_1986, %squeeze3A_1985 : f32
      %add3A_1988 = arith.constant 0 : i32
      %add3A_1989 = arith.addi %squeeze3A_1981, %add3A_1988 : i32
      %get3A_1990 = arith.index_cast %add3A_1989 : i32 to index
      %get3A_1991 = tpu.vector_load %arg5[%get3A_1990] {strides = array<i32>} : memref<98304xf32, #tpu.memory_space<vmem>>, vector<16xf32>,
      %get3A_1992 = vector.shape_cast %get3A_1991 : vector<16xf32> to vector<16xf32>
      %mul3A_1993 = vector.broadcast %sub3A_1987 : f32 to vector<16xf32>
      %mul3A_1994 = arith.mulf %get3A_1992, %mul3A_1993 : vector<16xf32>
      %add3A_1995 = arith.addf %add3A_1931, %mul3A_1994 : vector<16xf32>
      %add3A_1996 = arith.constant 0 : i32
      %add3A_1997 = arith.addi %squeeze3A_1983, %add3A_1996 : i32
      %get3A_1998 = arith.index_cast %add3A_1997 : i32 to index
      %get3A_1999 = tpu.vector_load %arg5[%get3A_1998] {strides = array<i32>} : memref<98304xf32, #tpu.memory_space<vmem>>, vector<16xf32>,
      %get3A_2000 = vector.shape_cast %get3A_1999 : vector<16xf32> to vector<16xf32>
      %mul3A_2001 = vector.broadcast %squeeze3A_1985 : f32 to vector<16xf32>
      %mul3A_2002 = arith.mulf %get3A_2000, %mul3A_2001 : vector<16xf32>
      %add3A_2003 = arith.addf %add3A_1995, %mul3A_2002 : vector<16xf32>
      %add3A_2004 = arith.constant 16 : i32
      %add3A_2005 = arith.addi %squeeze3A_1981, %add3A_2004 : i32
      %get3A_2006 = arith.index_cast %add3A_2005 : i32 to index
      %get3A_2007 = tpu.vector_load %arg5[%get3A_2006] {strides = array<i32>} : memref<98304xf32, #tpu.memory_space<vmem>>, vector<16xf32>,
      %get3A_2008 = vector.shape_cast %get3A_2007 : vector<16xf32> to vector<16xf32>
      %mul3A_2009 = vector.broadcast %sub3A_1987 : f32 to vector<16xf32>
      %mul3A_2010 = arith.mulf %get3A_2008, %mul3A_2009 : vector<16xf32>
      %add3A_2011 = arith.addf %add3A_1947, %mul3A_2010 : vector<16xf32>
      %add3A_2012 = arith.constant 16 : i32
      %add3A_2013 = arith.addi %squeeze3A_1983, %add3A_2012 : i32
      %get3A_2014 = arith.index_cast %add3A_2013 : i32 to index
      %get3A_2015 = tpu.vector_load %arg5[%get3A_2014] {strides = array<i32>} : memref<98304xf32, #tpu.memory_space<vmem>>, vector<16xf32>,
      %get3A_2016 = vector.shape_cast %get3A_2015 : vector<16xf32> to vector<16xf32>
      %mul3A_2017 = vector.broadcast %squeeze3A_1985 : f32 to vector<16xf32>
      %mul3A_2018 = arith.mulf %get3A_2016, %mul3A_2017 : vector<16xf32>
      %add3A_2019 = arith.addf %add3A_2011, %mul3A_2018 : vector<16xf32>
      %add3A_2020 = arith.constant 32 : i32
      %add3A_2021 = arith.addi %squeeze3A_1981, %add3A_2020 : i32
      %get3A_2022 = arith.index_cast %add3A_2021 : i32 to index
      %get3A_2023 = tpu.vector_load %arg5[%get3A_2022] {strides = array<i32>} : memref<98304xf32, #tpu.memory_space<vmem>>, vector<16xf32>,
      %get3A_2024 = vector.shape_cast %get3A_2023 : vector<16xf32> to vector<16xf32>
      %mul3A_2025 = vector.broadcast %sub3A_1987 : f32 to vector<16xf32>
      %mul3A_2026 = arith.mulf %get3A_2024, %mul3A_2025 : vector<16xf32>
      %add3A_2027 = arith.addf %add3A_1963, %mul3A_2026 : vector<16xf32>
      %add3A_2028 = arith.constant 32 : i32
      %add3A_2029 = arith.addi %squeeze3A_1983, %add3A_2028 : i32
      %get3A_2030 = arith.index_cast %add3A_2029 : i32 to index
      %get3A_2031 = tpu.vector_load %arg5[%get3A_2030] {strides = array<i32>} : memref<98304xf32, #tpu.memory_space<vmem>>, vector<16xf32>,
      %get3A_2032 = vector.shape_cast %get3A_2031 : vector<16xf32> to vector<16xf32>
      %mul3A_2033 = vector.broadcast %squeeze3A_1985 : f32 to vector<16xf32>
      %mul3A_2034 = arith.mulf %get3A_2032, %mul3A_2033 : vector<16xf32>
      %add3A_2035 = arith.addf %add3A_2027, %mul3A_2034 : vector<16xf32>
      %add3A_2036 = arith.constant 48 : i32
      %add3A_2037 = arith.addi %squeeze3A_1981, %add3A_2036 : i32
      %get3A_2038 = arith.index_cast %add3A_2037 : i32 to index
      %get3A_2039 = tpu.vector_load %arg5[%get3A_2038] {strides = array<i32>} : memref<98304xf32, #tpu.memory_space<vmem>>, vector<16xf32>,
      %get3A_2040 = vector.shape_cast %get3A_2039 : vector<16xf32> to vector<16xf32>
      %mul3A_2041 = vector.broadcast %sub3A_1987 : f32 to vector<16xf32>
      %mul3A_2042 = arith.mulf %get3A_2040, %mul3A_2041 : vector<16xf32>
      %add3A_2043 = arith.addf %add3A_1979, %mul3A_2042 : vector<16xf32>
      %add3A_2044 = arith.constant 48 : i32
      %add3A_2045 = arith.addi %squeeze3A_1983, %add3A_2044 : i32
      %get3A_2046 = arith.index_cast %add3A_2045 : i32 to index
      %get3A_2047 = tpu.vector_load %arg5[%get3A_2046] {strides = array<i32>} : memref<98304xf32, #tpu.memory_space<vmem>>, vector<16xf32>,
      %get3A_2048 = vector.shape_cast %get3A_2047 : vector<16xf32> to vector<16xf32>
      %mul3A_2049 = vector.broadcast %squeeze3A_1985 : f32 to vector<16xf32>
      %mul3A_2050 = arith.mulf %get3A_2048, %mul3A_2049 : vector<16xf32>
      %add3A_2051 = arith.addf %add3A_2043, %mul3A_2050 : vector<16xf32>
      %slice3A_2052 = vector.extract_strided_slice %mul3A_1252 {offsets = [11], sizes = [1], strides = [1]} : vector<16xi32> to vector<1xi32>
      %squeeze3A_2053 = vector.extract %slice3A_2052[0] : i32 from vector<1xi32>
      %slice3A_2054 = vector.extract_strided_slice %mul3A_1259 {offsets = [11], sizes = [1], strides = [1]} : vector<16xi32> to vector<1xi32>
      %squeeze3A_2055 = vector.extract %slice3A_2054[0] : i32 from vector<1xi32>
      %slice3A_2056 = vector.extract_strided_slice %sub3A_1226 {offsets = [11], sizes = [1], strides = [1]} : vector<16xf32> to vector<1xf32>
      %squeeze3A_2057 = vector.extract %slice3A_2056[0] : f32 from vector<1xf32>
      %sub3A_2058 = arith.constant 1.000000e+00 : f32
      %sub3A_2059 = arith.subf %sub3A_2058, %squeeze3A_2057 : f32
      %add3A_2060 = arith.constant 0 : i32
      %add3A_2061 = arith.addi %squeeze3A_2053, %add3A_2060 : i32
      %get3A_2062 = arith.index_cast %add3A_2061 : i32 to index
      %get3A_2063 = tpu.vector_load %arg5[%get3A_2062] {strides = array<i32>} : memref<98304xf32, #tpu.memory_space<vmem>>, vector<16xf32>,
      %get3A_2064 = vector.shape_cast %get3A_2063 : vector<16xf32> to vector<16xf32>
      %mul3A_2065 = vector.broadcast %sub3A_2059 : f32 to vector<16xf32>
      %mul3A_2066 = arith.mulf %get3A_2064, %mul3A_2065 : vector<16xf32>
      %add3A_2067 = arith.addf %add3A_2003, %mul3A_2066 : vector<16xf32>
      %add3A_2068 = arith.constant 0 : i32
      %add3A_2069 = arith.addi %squeeze3A_2055, %add3A_2068 : i32
      %get3A_2070 = arith.index_cast %add3A_2069 : i32 to index
      %get3A_2071 = tpu.vector_load %arg5[%get3A_2070] {strides = array<i32>} : memref<98304xf32, #tpu.memory_space<vmem>>, vector<16xf32>,
      %get3A_2072 = vector.shape_cast %get3A_2071 : vector<16xf32> to vector<16xf32>
      %mul3A_2073 = vector.broadcast %squeeze3A_2057 : f32 to vector<16xf32>
      %mul3A_2074 = arith.mulf %get3A_2072, %mul3A_2073 : vector<16xf32>
      %add3A_2075 = arith.addf %add3A_2067, %mul3A_2074 : vector<16xf32>
      %add3A_2076 = arith.constant 16 : i32
      %add3A_2077 = arith.addi %squeeze3A_2053, %add3A_2076 : i32
      %get3A_2078 = arith.index_cast %add3A_2077 : i32 to index
      %get3A_2079 = tpu.vector_load %arg5[%get3A_2078] {strides = array<i32>} : memref<98304xf32, #tpu.memory_space<vmem>>, vector<16xf32>,
      %get3A_2080 = vector.shape_cast %get3A_2079 : vector<16xf32> to vector<16xf32>
      %mul3A_2081 = vector.broadcast %sub3A_2059 : f32 to vector<16xf32>
      %mul3A_2082 = arith.mulf %get3A_2080, %mul3A_2081 : vector<16xf32>
      %add3A_2083 = arith.addf %add3A_2019, %mul3A_2082 : vector<16xf32>
      %add3A_2084 = arith.constant 16 : i32
      %add3A_2085 = arith.addi %squeeze3A_2055, %add3A_2084 : i32
      %get3A_2086 = arith.index_cast %add3A_2085 : i32 to index
      %get3A_2087 = tpu.vector_load %arg5[%get3A_2086] {strides = array<i32>} : memref<98304xf32, #tpu.memory_space<vmem>>, vector<16xf32>,
      %get3A_2088 = vector.shape_cast %get3A_2087 : vector<16xf32> to vector<16xf32>
      %mul3A_2089 = vector.broadcast %squeeze3A_2057 : f32 to vector<16xf32>
      %mul3A_2090 = arith.mulf %get3A_2088, %mul3A_2089 : vector<16xf32>
      %add3A_2091 = arith.addf %add3A_2083, %mul3A_2090 : vector<16xf32>
      %add3A_2092 = arith.constant 32 : i32
      %add3A_2093 = arith.addi %squeeze3A_2053, %add3A_2092 : i32
      %get3A_2094 = arith.index_cast %add3A_2093 : i32 to index
      %get3A_2095 = tpu.vector_load %arg5[%get3A_2094] {strides = array<i32>} : memref<98304xf32, #tpu.memory_space<vmem>>, vector<16xf32>,
      %get3A_2096 = vector.shape_cast %get3A_2095 : vector<16xf32> to vector<16xf32>
      %mul3A_2097 = vector.broadcast %sub3A_2059 : f32 to vector<16xf32>
      %mul3A_2098 = arith.mulf %get3A_2096, %mul3A_2097 : vector<16xf32>
      %add3A_2099 = arith.addf %add3A_2035, %mul3A_2098 : vector<16xf32>
      %add3A_2100 = arith.constant 32 : i32
      %add3A_2101 = arith.addi %squeeze3A_2055, %add3A_2100 : i32
      %get3A_2102 = arith.index_cast %add3A_2101 : i32 to index
      %get3A_2103 = tpu.vector_load %arg5[%get3A_2102] {strides = array<i32>} : memref<98304xf32, #tpu.memory_space<vmem>>, vector<16xf32>,
      %get3A_2104 = vector.shape_cast %get3A_2103 : vector<16xf32> to vector<16xf32>
      %mul3A_2105 = vector.broadcast %squeeze3A_2057 : f32 to vector<16xf32>
      %mul3A_2106 = arith.mulf %get3A_2104, %mul3A_2105 : vector<16xf32>
      %add3A_2107 = arith.addf %add3A_2099, %mul3A_2106 : vector<16xf32>
      %add3A_2108 = arith.constant 48 : i32
      %add3A_2109 = arith.addi %squeeze3A_2053, %add3A_2108 : i32
      %get3A_2110 = arith.index_cast %add3A_2109 : i32 to index
      %get3A_2111 = tpu.vector_load %arg5[%get3A_2110] {strides = array<i32>} : memref<98304xf32, #tpu.memory_space<vmem>>, vector<16xf32>,
      %get3A_2112 = vector.shape_cast %get3A_2111 : vector<16xf32> to vector<16xf32>
      %mul3A_2113 = vector.broadcast %sub3A_2059 : f32 to vector<16xf32>
      %mul3A_2114 = arith.mulf %get3A_2112, %mul3A_2113 : vector<16xf32>
      %add3A_2115 = arith.addf %add3A_2051, %mul3A_2114 : vector<16xf32>
      %add3A_2116 = arith.constant 48 : i32
      %add3A_2117 = arith.addi %squeeze3A_2055, %add3A_2116 : i32
      %get3A_2118 = arith.index_cast %add3A_2117 : i32 to index
      %get3A_2119 = tpu.vector_load %arg5[%get3A_2118] {strides = array<i32>} : memref<98304xf32, #tpu.memory_space<vmem>>, vector<16xf32>,
      %get3A_2120 = vector.shape_cast %get3A_2119 : vector<16xf32> to vector<16xf32>
      %mul3A_2121 = vector.broadcast %squeeze3A_2057 : f32 to vector<16xf32>
      %mul3A_2122 = arith.mulf %get3A_2120, %mul3A_2121 : vector<16xf32>
      %add3A_2123 = arith.addf %add3A_2115, %mul3A_2122 : vector<16xf32>
      %slice3A_2124 = vector.extract_strided_slice %mul3A_1252 {offsets = [12], sizes = [1], strides = [1]} : vector<16xi32> to vector<1xi32>
      %squeeze3A_2125 = vector.extract %slice3A_2124[0] : i32 from vector<1xi32>
      %slice3A_2126 = vector.extract_strided_slice %mul3A_1259 {offsets = [12], sizes = [1], strides = [1]} : vector<16xi32> to vector<1xi32>
      %squeeze3A_2127 = vector.extract %slice3A_2126[0] : i32 from vector<1xi32>
      %slice3A_2128 = vector.extract_strided_slice %sub3A_1226 {offsets = [12], sizes = [1], strides = [1]} : vector<16xf32> to vector<1xf32>
      %squeeze3A_2129 = vector.extract %slice3A_2128[0] : f32 from vector<1xf32>
      %sub3A_2130 = arith.constant 1.000000e+00 : f32
      %sub3A_2131 = arith.subf %sub3A_2130, %squeeze3A_2129 : f32
      %add3A_2132 = arith.constant 0 : i32
      %add3A_2133 = arith.addi %squeeze3A_2125, %add3A_2132 : i32
      %get3A_2134 = arith.index_cast %add3A_2133 : i32 to index
      %get3A_2135 = tpu.vector_load %arg5[%get3A_2134] {strides = array<i32>} : memref<98304xf32, #tpu.memory_space<vmem>>, vector<16xf32>,
      %get3A_2136 = vector.shape_cast %get3A_2135 : vector<16xf32> to vector<16xf32>
      %mul3A_2137 = vector.broadcast %sub3A_2131 : f32 to vector<16xf32>
      %mul3A_2138 = arith.mulf %get3A_2136, %mul3A_2137 : vector<16xf32>
      %add3A_2139 = arith.addf %add3A_2075, %mul3A_2138 : vector<16xf32>
      %add3A_2140 = arith.constant 0 : i32
      %add3A_2141 = arith.addi %squeeze3A_2127, %add3A_2140 : i32
      %get3A_2142 = arith.index_cast %add3A_2141 : i32 to index
      %get3A_2143 = tpu.vector_load %arg5[%get3A_2142] {strides = array<i32>} : memref<98304xf32, #tpu.memory_space<vmem>>, vector<16xf32>,
      %get3A_2144 = vector.shape_cast %get3A_2143 : vector<16xf32> to vector<16xf32>
      %mul3A_2145 = vector.broadcast %squeeze3A_2129 : f32 to vector<16xf32>
      %mul3A_2146 = arith.mulf %get3A_2144, %mul3A_2145 : vector<16xf32>
      %add3A_2147 = arith.addf %add3A_2139, %mul3A_2146 : vector<16xf32>
      %add3A_2148 = arith.constant 16 : i32
      %add3A_2149 = arith.addi %squeeze3A_2125, %add3A_2148 : i32
      %get3A_2150 = arith.index_cast %add3A_2149 : i32 to index
      %get3A_2151 = tpu.vector_load %arg5[%get3A_2150] {strides = array<i32>} : memref<98304xf32, #tpu.memory_space<vmem>>, vector<16xf32>,
      %get3A_2152 = vector.shape_cast %get3A_2151 : vector<16xf32> to vector<16xf32>
      %mul3A_2153 = vector.broadcast %sub3A_2131 : f32 to vector<16xf32>
      %mul3A_2154 = arith.mulf %get3A_2152, %mul3A_2153 : vector<16xf32>
      %add3A_2155 = arith.addf %add3A_2091, %mul3A_2154 : vector<16xf32>
      %add3A_2156 = arith.constant 16 : i32
      %add3A_2157 = arith.addi %squeeze3A_2127, %add3A_2156 : i32
      %get3A_2158 = arith.index_cast %add3A_2157 : i32 to index
      %get3A_2159 = tpu.vector_load %arg5[%get3A_2158] {strides = array<i32>} : memref<98304xf32, #tpu.memory_space<vmem>>, vector<16xf32>,
      %get3A_2160 = vector.shape_cast %get3A_2159 : vector<16xf32> to vector<16xf32>
      %mul3A_2161 = vector.broadcast %squeeze3A_2129 : f32 to vector<16xf32>
      %mul3A_2162 = arith.mulf %get3A_2160, %mul3A_2161 : vector<16xf32>
      %add3A_2163 = arith.addf %add3A_2155, %mul3A_2162 : vector<16xf32>
      %add3A_2164 = arith.constant 32 : i32
      %add3A_2165 = arith.addi %squeeze3A_2125, %add3A_2164 : i32
      %get3A_2166 = arith.index_cast %add3A_2165 : i32 to index
      %get3A_2167 = tpu.vector_load %arg5[%get3A_2166] {strides = array<i32>} : memref<98304xf32, #tpu.memory_space<vmem>>, vector<16xf32>,
      %get3A_2168 = vector.shape_cast %get3A_2167 : vector<16xf32> to vector<16xf32>
      %mul3A_2169 = vector.broadcast %sub3A_2131 : f32 to vector<16xf32>
      %mul3A_2170 = arith.mulf %get3A_2168, %mul3A_2169 : vector<16xf32>
      %add3A_2171 = arith.addf %add3A_2107, %mul3A_2170 : vector<16xf32>
      %add3A_2172 = arith.constant 32 : i32
      %add3A_2173 = arith.addi %squeeze3A_2127, %add3A_2172 : i32
      %get3A_2174 = arith.index_cast %add3A_2173 : i32 to index
      %get3A_2175 = tpu.vector_load %arg5[%get3A_2174] {strides = array<i32>} : memref<98304xf32, #tpu.memory_space<vmem>>, vector<16xf32>,
      %get3A_2176 = vector.shape_cast %get3A_2175 : vector<16xf32> to vector<16xf32>
      %mul3A_2177 = vector.broadcast %squeeze3A_2129 : f32 to vector<16xf32>
      %mul3A_2178 = arith.mulf %get3A_2176, %mul3A_2177 : vector<16xf32>
      %add3A_2179 = arith.addf %add3A_2171, %mul3A_2178 : vector<16xf32>
      %add3A_2180 = arith.constant 48 : i32
      %add3A_2181 = arith.addi %squeeze3A_2125, %add3A_2180 : i32
      %get3A_2182 = arith.index_cast %add3A_2181 : i32 to index
      %get3A_2183 = tpu.vector_load %arg5[%get3A_2182] {strides = array<i32>} : memref<98304xf32, #tpu.memory_space<vmem>>, vector<16xf32>,
      %get3A_2184 = vector.shape_cast %get3A_2183 : vector<16xf32> to vector<16xf32>
      %mul3A_2185 = vector.broadcast %sub3A_2131 : f32 to vector<16xf32>
      %mul3A_2186 = arith.mulf %get3A_2184, %mul3A_2185 : vector<16xf32>
      %add3A_2187 = arith.addf %add3A_2123, %mul3A_2186 : vector<16xf32>
      %add3A_2188 = arith.constant 48 : i32
      %add3A_2189 = arith.addi %squeeze3A_2127, %add3A_2188 : i32
      %get3A_2190 = arith.index_cast %add3A_2189 : i32 to index
      %get3A_2191 = tpu.vector_load %arg5[%get3A_2190] {strides = array<i32>} : memref<98304xf32, #tpu.memory_space<vmem>>, vector<16xf32>,
      %get3A_2192 = vector.shape_cast %get3A_2191 : vector<16xf32> to vector<16xf32>
      %mul3A_2193 = vector.broadcast %squeeze3A_2129 : f32 to vector<16xf32>
      %mul3A_2194 = arith.mulf %get3A_2192, %mul3A_2193 : vector<16xf32>
      %add3A_2195 = arith.addf %add3A_2187, %mul3A_2194 : vector<16xf32>
      %slice3A_2196 = vector.extract_strided_slice %mul3A_1252 {offsets = [13], sizes = [1], strides = [1]} : vector<16xi32> to vector<1xi32>
      %squeeze3A_2197 = vector.extract %slice3A_2196[0] : i32 from vector<1xi32>
      %slice3A_2198 = vector.extract_strided_slice %mul3A_1259 {offsets = [13], sizes = [1], strides = [1]} : vector<16xi32> to vector<1xi32>
      %squeeze3A_2199 = vector.extract %slice3A_2198[0] : i32 from vector<1xi32>
      %slice3A_2200 = vector.extract_strided_slice %sub3A_1226 {offsets = [13], sizes = [1], strides = [1]} : vector<16xf32> to vector<1xf32>
      %squeeze3A_2201 = vector.extract %slice3A_2200[0] : f32 from vector<1xf32>
      %sub3A_2202 = arith.constant 1.000000e+00 : f32
      %sub3A_2203 = arith.subf %sub3A_2202, %squeeze3A_2201 : f32
      %add3A_2204 = arith.constant 0 : i32
      %add3A_2205 = arith.addi %squeeze3A_2197, %add3A_2204 : i32
      %get3A_2206 = arith.index_cast %add3A_2205 : i32 to index
      %get3A_2207 = tpu.vector_load %arg5[%get3A_2206] {strides = array<i32>} : memref<98304xf32, #tpu.memory_space<vmem>>, vector<16xf32>,
      %get3A_2208 = vector.shape_cast %get3A_2207 : vector<16xf32> to vector<16xf32>
      %mul3A_2209 = vector.broadcast %sub3A_2203 : f32 to vector<16xf32>
      %mul3A_2210 = arith.mulf %get3A_2208, %mul3A_2209 : vector<16xf32>
      %add3A_2211 = arith.addf %add3A_2147, %mul3A_2210 : vector<16xf32>
      %add3A_2212 = arith.constant 0 : i32
      %add3A_2213 = arith.addi %squeeze3A_2199, %add3A_2212 : i32
      %get3A_2214 = arith.index_cast %add3A_2213 : i32 to index
      %get3A_2215 = tpu.vector_load %arg5[%get3A_2214] {strides = array<i32>} : memref<98304xf32, #tpu.memory_space<vmem>>, vector<16xf32>,
      %get3A_2216 = vector.shape_cast %get3A_2215 : vector<16xf32> to vector<16xf32>
      %mul3A_2217 = vector.broadcast %squeeze3A_2201 : f32 to vector<16xf32>
      %mul3A_2218 = arith.mulf %get3A_2216, %mul3A_2217 : vector<16xf32>
      %add3A_2219 = arith.addf %add3A_2211, %mul3A_2218 : vector<16xf32>
      %add3A_2220 = arith.constant 16 : i32
      %add3A_2221 = arith.addi %squeeze3A_2197, %add3A_2220 : i32
      %get3A_2222 = arith.index_cast %add3A_2221 : i32 to index
      %get3A_2223 = tpu.vector_load %arg5[%get3A_2222] {strides = array<i32>} : memref<98304xf32, #tpu.memory_space<vmem>>, vector<16xf32>,
      %get3A_2224 = vector.shape_cast %get3A_2223 : vector<16xf32> to vector<16xf32>
      %mul3A_2225 = vector.broadcast %sub3A_2203 : f32 to vector<16xf32>
      %mul3A_2226 = arith.mulf %get3A_2224, %mul3A_2225 : vector<16xf32>
      %add3A_2227 = arith.addf %add3A_2163, %mul3A_2226 : vector<16xf32>
      %add3A_2228 = arith.constant 16 : i32
      %add3A_2229 = arith.addi %squeeze3A_2199, %add3A_2228 : i32
      %get3A_2230 = arith.index_cast %add3A_2229 : i32 to index
      %get3A_2231 = tpu.vector_load %arg5[%get3A_2230] {strides = array<i32>} : memref<98304xf32, #tpu.memory_space<vmem>>, vector<16xf32>,
      %get3A_2232 = vector.shape_cast %get3A_2231 : vector<16xf32> to vector<16xf32>
      %mul3A_2233 = vector.broadcast %squeeze3A_2201 : f32 to vector<16xf32>
      %mul3A_2234 = arith.mulf %get3A_2232, %mul3A_2233 : vector<16xf32>
      %add3A_2235 = arith.addf %add3A_2227, %mul3A_2234 : vector<16xf32>
      %add3A_2236 = arith.constant 32 : i32
      %add3A_2237 = arith.addi %squeeze3A_2197, %add3A_2236 : i32
      %get3A_2238 = arith.index_cast %add3A_2237 : i32 to index
      %get3A_2239 = tpu.vector_load %arg5[%get3A_2238] {strides = array<i32>} : memref<98304xf32, #tpu.memory_space<vmem>>, vector<16xf32>,
      %get3A_2240 = vector.shape_cast %get3A_2239 : vector<16xf32> to vector<16xf32>
      %mul3A_2241 = vector.broadcast %sub3A_2203 : f32 to vector<16xf32>
      %mul3A_2242 = arith.mulf %get3A_2240, %mul3A_2241 : vector<16xf32>
      %add3A_2243 = arith.addf %add3A_2179, %mul3A_2242 : vector<16xf32>
      %add3A_2244 = arith.constant 32 : i32
      %add3A_2245 = arith.addi %squeeze3A_2199, %add3A_2244 : i32
      %get3A_2246 = arith.index_cast %add3A_2245 : i32 to index
      %get3A_2247 = tpu.vector_load %arg5[%get3A_2246] {strides = array<i32>} : memref<98304xf32, #tpu.memory_space<vmem>>, vector<16xf32>,
      %get3A_2248 = vector.shape_cast %get3A_2247 : vector<16xf32> to vector<16xf32>
      %mul3A_2249 = vector.broadcast %squeeze3A_2201 : f32 to vector<16xf32>
      %mul3A_2250 = arith.mulf %get3A_2248, %mul3A_2249 : vector<16xf32>
      %add3A_2251 = arith.addf %add3A_2243, %mul3A_2250 : vector<16xf32>
      %add3A_2252 = arith.constant 48 : i32
      %add3A_2253 = arith.addi %squeeze3A_2197, %add3A_2252 : i32
      %get3A_2254 = arith.index_cast %add3A_2253 : i32 to index
      %get3A_2255 = tpu.vector_load %arg5[%get3A_2254] {strides = array<i32>} : memref<98304xf32, #tpu.memory_space<vmem>>, vector<16xf32>,
      %get3A_2256 = vector.shape_cast %get3A_2255 : vector<16xf32> to vector<16xf32>
      %mul3A_2257 = vector.broadcast %sub3A_2203 : f32 to vector<16xf32>
      %mul3A_2258 = arith.mulf %get3A_2256, %mul3A_2257 : vector<16xf32>
      %add3A_2259 = arith.addf %add3A_2195, %mul3A_2258 : vector<16xf32>
      %add3A_2260 = arith.constant 48 : i32
      %add3A_2261 = arith.addi %squeeze3A_2199, %add3A_2260 : i32
      %get3A_2262 = arith.index_cast %add3A_2261 : i32 to index
      %get3A_2263 = tpu.vector_load %arg5[%get3A_2262] {strides = array<i32>} : memref<98304xf32, #tpu.memory_space<vmem>>, vector<16xf32>,
      %get3A_2264 = vector.shape_cast %get3A_2263 : vector<16xf32> to vector<16xf32>
      %mul3A_2265 = vector.broadcast %squeeze3A_2201 : f32 to vector<16xf32>
      %mul3A_2266 = arith.mulf %get3A_2264, %mul3A_2265 : vector<16xf32>
      %add3A_2267 = arith.addf %add3A_2259, %mul3A_2266 : vector<16xf32>
      %slice3A_2268 = vector.extract_strided_slice %mul3A_1252 {offsets = [14], sizes = [1], strides = [1]} : vector<16xi32> to vector<1xi32>
      %squeeze3A_2269 = vector.extract %slice3A_2268[0] : i32 from vector<1xi32>
      %slice3A_2270 = vector.extract_strided_slice %mul3A_1259 {offsets = [14], sizes = [1], strides = [1]} : vector<16xi32> to vector<1xi32>
      %squeeze3A_2271 = vector.extract %slice3A_2270[0] : i32 from vector<1xi32>
      %slice3A_2272 = vector.extract_strided_slice %sub3A_1226 {offsets = [14], sizes = [1], strides = [1]} : vector<16xf32> to vector<1xf32>
      %squeeze3A_2273 = vector.extract %slice3A_2272[0] : f32 from vector<1xf32>
      %sub3A_2274 = arith.constant 1.000000e+00 : f32
      %sub3A_2275 = arith.subf %sub3A_2274, %squeeze3A_2273 : f32
      %add3A_2276 = arith.constant 0 : i32
      %add3A_2277 = arith.addi %squeeze3A_2269, %add3A_2276 : i32
      %get3A_2278 = arith.index_cast %add3A_2277 : i32 to index
      %get3A_2279 = tpu.vector_load %arg5[%get3A_2278] {strides = array<i32>} : memref<98304xf32, #tpu.memory_space<vmem>>, vector<16xf32>,
      %get3A_2280 = vector.shape_cast %get3A_2279 : vector<16xf32> to vector<16xf32>
      %mul3A_2281 = vector.broadcast %sub3A_2275 : f32 to vector<16xf32>
      %mul3A_2282 = arith.mulf %get3A_2280, %mul3A_2281 : vector<16xf32>
      %add3A_2283 = arith.addf %add3A_2219, %mul3A_2282 : vector<16xf32>
      %add3A_2284 = arith.constant 0 : i32
      %add3A_2285 = arith.addi %squeeze3A_2271, %add3A_2284 : i32
      %get3A_2286 = arith.index_cast %add3A_2285 : i32 to index
      %get3A_2287 = tpu.vector_load %arg5[%get3A_2286] {strides = array<i32>} : memref<98304xf32, #tpu.memory_space<vmem>>, vector<16xf32>,
      %get3A_2288 = vector.shape_cast %get3A_2287 : vector<16xf32> to vector<16xf32>
      %mul3A_2289 = vector.broadcast %squeeze3A_2273 : f32 to vector<16xf32>
      %mul3A_2290 = arith.mulf %get3A_2288, %mul3A_2289 : vector<16xf32>
      %add3A_2291 = arith.addf %add3A_2283, %mul3A_2290 : vector<16xf32>
      %add3A_2292 = arith.constant 16 : i32
      %add3A_2293 = arith.addi %squeeze3A_2269, %add3A_2292 : i32
      %get3A_2294 = arith.index_cast %add3A_2293 : i32 to index
      %get3A_2295 = tpu.vector_load %arg5[%get3A_2294] {strides = array<i32>} : memref<98304xf32, #tpu.memory_space<vmem>>, vector<16xf32>,
      %get3A_2296 = vector.shape_cast %get3A_2295 : vector<16xf32> to vector<16xf32>
      %mul3A_2297 = vector.broadcast %sub3A_2275 : f32 to vector<16xf32>
      %mul3A_2298 = arith.mulf %get3A_2296, %mul3A_2297 : vector<16xf32>
      %add3A_2299 = arith.addf %add3A_2235, %mul3A_2298 : vector<16xf32>
      %add3A_2300 = arith.constant 16 : i32
      %add3A_2301 = arith.addi %squeeze3A_2271, %add3A_2300 : i32
      %get3A_2302 = arith.index_cast %add3A_2301 : i32 to index
      %get3A_2303 = tpu.vector_load %arg5[%get3A_2302] {strides = array<i32>} : memref<98304xf32, #tpu.memory_space<vmem>>, vector<16xf32>,
      %get3A_2304 = vector.shape_cast %get3A_2303 : vector<16xf32> to vector<16xf32>
      %mul3A_2305 = vector.broadcast %squeeze3A_2273 : f32 to vector<16xf32>
      %mul3A_2306 = arith.mulf %get3A_2304, %mul3A_2305 : vector<16xf32>
      %add3A_2307 = arith.addf %add3A_2299, %mul3A_2306 : vector<16xf32>
      %add3A_2308 = arith.constant 32 : i32
      %add3A_2309 = arith.addi %squeeze3A_2269, %add3A_2308 : i32
      %get3A_2310 = arith.index_cast %add3A_2309 : i32 to index
      %get3A_2311 = tpu.vector_load %arg5[%get3A_2310] {strides = array<i32>} : memref<98304xf32, #tpu.memory_space<vmem>>, vector<16xf32>,
      %get3A_2312 = vector.shape_cast %get3A_2311 : vector<16xf32> to vector<16xf32>
      %mul3A_2313 = vector.broadcast %sub3A_2275 : f32 to vector<16xf32>
      %mul3A_2314 = arith.mulf %get3A_2312, %mul3A_2313 : vector<16xf32>
      %add3A_2315 = arith.addf %add3A_2251, %mul3A_2314 : vector<16xf32>
      %add3A_2316 = arith.constant 32 : i32
      %add3A_2317 = arith.addi %squeeze3A_2271, %add3A_2316 : i32
      %get3A_2318 = arith.index_cast %add3A_2317 : i32 to index
      %get3A_2319 = tpu.vector_load %arg5[%get3A_2318] {strides = array<i32>} : memref<98304xf32, #tpu.memory_space<vmem>>, vector<16xf32>,
      %get3A_2320 = vector.shape_cast %get3A_2319 : vector<16xf32> to vector<16xf32>
      %mul3A_2321 = vector.broadcast %squeeze3A_2273 : f32 to vector<16xf32>
      %mul3A_2322 = arith.mulf %get3A_2320, %mul3A_2321 : vector<16xf32>
      %add3A_2323 = arith.addf %add3A_2315, %mul3A_2322 : vector<16xf32>
      %add3A_2324 = arith.constant 48 : i32
      %add3A_2325 = arith.addi %squeeze3A_2269, %add3A_2324 : i32
      %get3A_2326 = arith.index_cast %add3A_2325 : i32 to index
      %get3A_2327 = tpu.vector_load %arg5[%get3A_2326] {strides = array<i32>} : memref<98304xf32, #tpu.memory_space<vmem>>, vector<16xf32>,
      %get3A_2328 = vector.shape_cast %get3A_2327 : vector<16xf32> to vector<16xf32>
      %mul3A_2329 = vector.broadcast %sub3A_2275 : f32 to vector<16xf32>
      %mul3A_2330 = arith.mulf %get3A_2328, %mul3A_2329 : vector<16xf32>
      %add3A_2331 = arith.addf %add3A_2267, %mul3A_2330 : vector<16xf32>
      %add3A_2332 = arith.constant 48 : i32
      %add3A_2333 = arith.addi %squeeze3A_2271, %add3A_2332 : i32
      %get3A_2334 = arith.index_cast %add3A_2333 : i32 to index
      %get3A_2335 = tpu.vector_load %arg5[%get3A_2334] {strides = array<i32>} : memref<98304xf32, #tpu.memory_space<vmem>>, vector<16xf32>,
      %get3A_2336 = vector.shape_cast %get3A_2335 : vector<16xf32> to vector<16xf32>
      %mul3A_2337 = vector.broadcast %squeeze3A_2273 : f32 to vector<16xf32>
      %mul3A_2338 = arith.mulf %get3A_2336, %mul3A_2337 : vector<16xf32>
      %add3A_2339 = arith.addf %add3A_2331, %mul3A_2338 : vector<16xf32>
      %slice3A_2340 = vector.extract_strided_slice %mul3A_1252 {offsets = [15], sizes = [1], strides = [1]} : vector<16xi32> to vector<1xi32>
      %squeeze3A_2341 = vector.extract %slice3A_2340[0] : i32 from vector<1xi32>
      %slice3A_2342 = vector.extract_strided_slice %mul3A_1259 {offsets = [15], sizes = [1], strides = [1]} : vector<16xi32> to vector<1xi32>
      %squeeze3A_2343 = vector.extract %slice3A_2342[0] : i32 from vector<1xi32>
      %slice3A_2344 = vector.extract_strided_slice %sub3A_1226 {offsets = [15], sizes = [1], strides = [1]} : vector<16xf32> to vector<1xf32>
      %squeeze3A_2345 = vector.extract %slice3A_2344[0] : f32 from vector<1xf32>
      %sub3A_2346 = arith.constant 1.000000e+00 : f32
      %sub3A_2347 = arith.subf %sub3A_2346, %squeeze3A_2345 : f32
      %add3A_2348 = arith.constant 0 : i32
      %add3A_2349 = arith.addi %squeeze3A_2341, %add3A_2348 : i32
      %get3A_2350 = arith.index_cast %add3A_2349 : i32 to index
      %get3A_2351 = tpu.vector_load %arg5[%get3A_2350] {strides = array<i32>} : memref<98304xf32, #tpu.memory_space<vmem>>, vector<16xf32>,
      %get3A_2352 = vector.shape_cast %get3A_2351 : vector<16xf32> to vector<16xf32>
      %mul3A_2353 = vector.broadcast %sub3A_2347 : f32 to vector<16xf32>
      %mul3A_2354 = arith.mulf %get3A_2352, %mul3A_2353 : vector<16xf32>
      %add3A_2355 = arith.addf %add3A_2291, %mul3A_2354 : vector<16xf32>
      %add3A_2356 = arith.constant 0 : i32
      %add3A_2357 = arith.addi %squeeze3A_2343, %add3A_2356 : i32
      %get3A_2358 = arith.index_cast %add3A_2357 : i32 to index
      %get3A_2359 = tpu.vector_load %arg5[%get3A_2358] {strides = array<i32>} : memref<98304xf32, #tpu.memory_space<vmem>>, vector<16xf32>,
      %get3A_2360 = vector.shape_cast %get3A_2359 : vector<16xf32> to vector<16xf32>
      %mul3A_2361 = vector.broadcast %squeeze3A_2345 : f32 to vector<16xf32>
      %mul3A_2362 = arith.mulf %get3A_2360, %mul3A_2361 : vector<16xf32>
      %add3A_2363 = arith.addf %add3A_2355, %mul3A_2362 : vector<16xf32>
      %add3A_2364 = arith.constant 16 : i32
      %add3A_2365 = arith.addi %squeeze3A_2341, %add3A_2364 : i32
      %get3A_2366 = arith.index_cast %add3A_2365 : i32 to index
      %get3A_2367 = tpu.vector_load %arg5[%get3A_2366] {strides = array<i32>} : memref<98304xf32, #tpu.memory_space<vmem>>, vector<16xf32>,
      %get3A_2368 = vector.shape_cast %get3A_2367 : vector<16xf32> to vector<16xf32>
      %mul3A_2369 = vector.broadcast %sub3A_2347 : f32 to vector<16xf32>
      %mul3A_2370 = arith.mulf %get3A_2368, %mul3A_2369 : vector<16xf32>
      %add3A_2371 = arith.addf %add3A_2307, %mul3A_2370 : vector<16xf32>
      %add3A_2372 = arith.constant 16 : i32
      %add3A_2373 = arith.addi %squeeze3A_2343, %add3A_2372 : i32
      %get3A_2374 = arith.index_cast %add3A_2373 : i32 to index
      %get3A_2375 = tpu.vector_load %arg5[%get3A_2374] {strides = array<i32>} : memref<98304xf32, #tpu.memory_space<vmem>>, vector<16xf32>,
      %get3A_2376 = vector.shape_cast %get3A_2375 : vector<16xf32> to vector<16xf32>
      %mul3A_2377 = vector.broadcast %squeeze3A_2345 : f32 to vector<16xf32>
      %mul3A_2378 = arith.mulf %get3A_2376, %mul3A_2377 : vector<16xf32>
      %add3A_2379 = arith.addf %add3A_2371, %mul3A_2378 : vector<16xf32>
      %add3A_2380 = arith.constant 32 : i32
      %add3A_2381 = arith.addi %squeeze3A_2341, %add3A_2380 : i32
      %get3A_2382 = arith.index_cast %add3A_2381 : i32 to index
      %get3A_2383 = tpu.vector_load %arg5[%get3A_2382] {strides = array<i32>} : memref<98304xf32, #tpu.memory_space<vmem>>, vector<16xf32>,
      %get3A_2384 = vector.shape_cast %get3A_2383 : vector<16xf32> to vector<16xf32>
      %mul3A_2385 = vector.broadcast %sub3A_2347 : f32 to vector<16xf32>
      %mul3A_2386 = arith.mulf %get3A_2384, %mul3A_2385 : vector<16xf32>
      %add3A_2387 = arith.addf %add3A_2323, %mul3A_2386 : vector<16xf32>
      %add3A_2388 = arith.constant 32 : i32
      %add3A_2389 = arith.addi %squeeze3A_2343, %add3A_2388 : i32
      %get3A_2390 = arith.index_cast %add3A_2389 : i32 to index
      %get3A_2391 = tpu.vector_load %arg5[%get3A_2390] {strides = array<i32>} : memref<98304xf32, #tpu.memory_space<vmem>>, vector<16xf32>,
      %get3A_2392 = vector.shape_cast %get3A_2391 : vector<16xf32> to vector<16xf32>
      %mul3A_2393 = vector.broadcast %squeeze3A_2345 : f32 to vector<16xf32>
      %mul3A_2394 = arith.mulf %get3A_2392, %mul3A_2393 : vector<16xf32>
      %add3A_2395 = arith.addf %add3A_2387, %mul3A_2394 : vector<16xf32>
      %add3A_2396 = arith.constant 48 : i32
      %add3A_2397 = arith.addi %squeeze3A_2341, %add3A_2396 : i32
      %get3A_2398 = arith.index_cast %add3A_2397 : i32 to index
      %get3A_2399 = tpu.vector_load %arg5[%get3A_2398] {strides = array<i32>} : memref<98304xf32, #tpu.memory_space<vmem>>, vector<16xf32>,
      %get3A_2400 = vector.shape_cast %get3A_2399 : vector<16xf32> to vector<16xf32>
      %mul3A_2401 = vector.broadcast %sub3A_2347 : f32 to vector<16xf32>
      %mul3A_2402 = arith.mulf %get3A_2400, %mul3A_2401 : vector<16xf32>
      %add3A_2403 = arith.addf %add3A_2339, %mul3A_2402 : vector<16xf32>
      %add3A_2404 = arith.constant 48 : i32
      %add3A_2405 = arith.addi %squeeze3A_2343, %add3A_2404 : i32
      %get3A_2406 = arith.index_cast %add3A_2405 : i32 to index
      %get3A_2407 = tpu.vector_load %arg5[%get3A_2406] {strides = array<i32>} : memref<98304xf32, #tpu.memory_space<vmem>>, vector<16xf32>,
      %get3A_2408 = vector.shape_cast %get3A_2407 : vector<16xf32> to vector<16xf32>
      %mul3A_2409 = vector.broadcast %squeeze3A_2345 : f32 to vector<16xf32>
      %mul3A_2410 = arith.mulf %get3A_2408, %mul3A_2409 : vector<16xf32>
      %add3A_2411 = arith.addf %add3A_2403, %mul3A_2410 : vector<16xf32>
      %get3A_2412 = arith.index_cast %scan3A_12 : i32 to index
      %get3A_2413 = arith.constant 32 : index
      %get3A_2414 = tpu.vector_load %arg6[%get3A_2412, %get3A_2413] {strides = array<i32>} : memref<64x64xf32, #tpu.memory_space<vmem>>, vector<1x16xf32>,
      %get3A_2415 = vector.shape_cast %get3A_2414 : vector<1x16xf32> to vector<16xf32>
      %neg3A_2416 = arith.constant 0.000000e+00 : f32
      %neg3A_2417 = vector.broadcast %neg3A_2416 : f32 to vector<16xf32>
      %neg3A_2418 = arith.subf %neg3A_2417, %get3A_2415 : vector<16xf32>
      %exp3A_2419 = math.exp %neg3A_2418 : vector<16xf32>
      %add3A_2420 = arith.constant 1.000000e+00 : f32
      %add3A_2421 = vector.broadcast %add3A_2420 : f32 to vector<16xf32>
      %add3A_2422 = arith.addf %add3A_2421, %exp3A_2419 : vector<16xf32>
      %div3A_2423 = arith.constant 1.000000e+00 : f32
      %div3A_2424 = vector.broadcast %div3A_2423 : f32 to vector<16xf32>
      %div3A_2425 = arith.divf %div3A_2424, %add3A_2422 : vector<16xf32>
      %mul3A_2426 = arith.constant 1.900000e+01 : f32
      %mul3A_2427 = vector.broadcast %mul3A_2426 : f32 to vector<16xf32>
      %mul3A_2428 = arith.mulf %div3A_2425, %mul3A_2427 : vector<16xf32>
      %convert_element_type3A_2429 = arith.fptosi %mul3A_2428 : vector<16xf32> to vector<16xi32>
      %convert_element_type3A_2430 = arith.sitofp %convert_element_type3A_2429 : vector<16xi32> to vector<16xf32>
      %sub3A_2431 = arith.subf %mul3A_2428, %convert_element_type3A_2430 : vector<16xf32>
      %jit3A_2432 = arith.constant 0 : i32
      %jit3A_2433 = arith.constant 22 : i32
      %max3A_2434 = vector.broadcast %jit3A_2432 : i32 to vector<16xi32>
      %max3A_2435 = arith.maxsi %max3A_2434, %convert_element_type3A_2429 : vector<16xi32>
      %min3A_2436 = vector.broadcast %jit3A_2433 : i32 to vector<16xi32>
      %min3A_2437 = arith.minsi %min3A_2436, %max3A_2435 : vector<16xi32>
      %add3A_2438 = arith.constant 1 : i32
      %add3A_2439 = vector.broadcast %add3A_2438 : i32 to vector<16xi32>
      %add3A_2440 = arith.addi %convert_element_type3A_2429, %add3A_2439 : vector<16xi32>
      %jit3A_2441 = arith.constant 0 : i32
      %jit3A_2442 = arith.constant 22 : i32
      %max3A_2443 = vector.broadcast %jit3A_2441 : i32 to vector<16xi32>
      %max3A_2444 = arith.maxsi %max3A_2443, %add3A_2440 : vector<16xi32>
      %min3A_2445 = vector.broadcast %jit3A_2442 : i32 to vector<16xi32>
      %min3A_2446 = arith.minsi %min3A_2445, %max3A_2444 : vector<16xi32>
      %iota3A_2447 = tpu.iota {dimensions = array<i32: 0>} : vector<16xi32>
      %add3A_2448 = arith.constant 32 : i32
      %add3A_2449 = vector.broadcast %add3A_2448 : i32 to vector<16xi32>
      %add3A_2450 = arith.addi %iota3A_2447, %add3A_2449 : vector<16xi32>
      %mul3A_2451 = arith.constant 24 : i32
      %mul3A_2452 = vector.broadcast %mul3A_2451 : i32 to vector<16xi32>
      %mul3A_2453 = arith.muli %add3A_2450, %mul3A_2452 : vector<16xi32>
      %add3A_2454 = arith.addi %mul3A_2453, %min3A_2437 : vector<16xi32>
      %mul3A_2455 = arith.constant 64 : i32
      %mul3A_2456 = vector.broadcast %mul3A_2455 : i32 to vector<16xi32>
      %mul3A_2457 = arith.muli %add3A_2454, %mul3A_2456 : vector<16xi32>
      %mul3A_2458 = arith.constant 24 : i32
      %mul3A_2459 = vector.broadcast %mul3A_2458 : i32 to vector<16xi32>
      %mul3A_2460 = arith.muli %add3A_2450, %mul3A_2459 : vector<16xi32>
      %add3A_2461 = arith.addi %mul3A_2460, %min3A_2446 : vector<16xi32>
      %mul3A_2462 = arith.constant 64 : i32
      %mul3A_2463 = vector.broadcast %mul3A_2462 : i32 to vector<16xi32>
      %mul3A_2464 = arith.muli %add3A_2461, %mul3A_2463 : vector<16xi32>
      %slice3A_2465 = vector.extract_strided_slice %mul3A_2457 {offsets = [0], sizes = [1], strides = [1]} : vector<16xi32> to vector<1xi32>
      %squeeze3A_2466 = vector.extract %slice3A_2465[0] : i32 from vector<1xi32>
      %slice3A_2467 = vector.extract_strided_slice %mul3A_2464 {offsets = [0], sizes = [1], strides = [1]} : vector<16xi32> to vector<1xi32>
      %squeeze3A_2468 = vector.extract %slice3A_2467[0] : i32 from vector<1xi32>
      %slice3A_2469 = vector.extract_strided_slice %sub3A_2431 {offsets = [0], sizes = [1], strides = [1]} : vector<16xf32> to vector<1xf32>
      %squeeze3A_2470 = vector.extract %slice3A_2469[0] : f32 from vector<1xf32>
      %sub3A_2471 = arith.constant 1.000000e+00 : f32
      %sub3A_2472 = arith.subf %sub3A_2471, %squeeze3A_2470 : f32
      %add3A_2473 = arith.constant 0 : i32
      %add3A_2474 = arith.addi %squeeze3A_2466, %add3A_2473 : i32
      %get3A_2475 = arith.index_cast %add3A_2474 : i32 to index
      %get3A_2476 = tpu.vector_load %arg5[%get3A_2475] {strides = array<i32>} : memref<98304xf32, #tpu.memory_space<vmem>>, vector<16xf32>,
      %get3A_2477 = vector.shape_cast %get3A_2476 : vector<16xf32> to vector<16xf32>
      %mul3A_2478 = vector.broadcast %sub3A_2472 : f32 to vector<16xf32>
      %mul3A_2479 = arith.mulf %get3A_2477, %mul3A_2478 : vector<16xf32>
      %add3A_2480 = arith.addf %add3A_2363, %mul3A_2479 : vector<16xf32>
      %add3A_2481 = arith.constant 0 : i32
      %add3A_2482 = arith.addi %squeeze3A_2468, %add3A_2481 : i32
      %get3A_2483 = arith.index_cast %add3A_2482 : i32 to index
      %get3A_2484 = tpu.vector_load %arg5[%get3A_2483] {strides = array<i32>} : memref<98304xf32, #tpu.memory_space<vmem>>, vector<16xf32>,
      %get3A_2485 = vector.shape_cast %get3A_2484 : vector<16xf32> to vector<16xf32>
      %mul3A_2486 = vector.broadcast %squeeze3A_2470 : f32 to vector<16xf32>
      %mul3A_2487 = arith.mulf %get3A_2485, %mul3A_2486 : vector<16xf32>
      %add3A_2488 = arith.addf %add3A_2480, %mul3A_2487 : vector<16xf32>
      %add3A_2489 = arith.constant 16 : i32
      %add3A_2490 = arith.addi %squeeze3A_2466, %add3A_2489 : i32
      %get3A_2491 = arith.index_cast %add3A_2490 : i32 to index
      %get3A_2492 = tpu.vector_load %arg5[%get3A_2491] {strides = array<i32>} : memref<98304xf32, #tpu.memory_space<vmem>>, vector<16xf32>,
      %get3A_2493 = vector.shape_cast %get3A_2492 : vector<16xf32> to vector<16xf32>
      %mul3A_2494 = vector.broadcast %sub3A_2472 : f32 to vector<16xf32>
      %mul3A_2495 = arith.mulf %get3A_2493, %mul3A_2494 : vector<16xf32>
      %add3A_2496 = arith.addf %add3A_2379, %mul3A_2495 : vector<16xf32>
      %add3A_2497 = arith.constant 16 : i32
      %add3A_2498 = arith.addi %squeeze3A_2468, %add3A_2497 : i32
      %get3A_2499 = arith.index_cast %add3A_2498 : i32 to index
      %get3A_2500 = tpu.vector_load %arg5[%get3A_2499] {strides = array<i32>} : memref<98304xf32, #tpu.memory_space<vmem>>, vector<16xf32>,
      %get3A_2501 = vector.shape_cast %get3A_2500 : vector<16xf32> to vector<16xf32>
      %mul3A_2502 = vector.broadcast %squeeze3A_2470 : f32 to vector<16xf32>
      %mul3A_2503 = arith.mulf %get3A_2501, %mul3A_2502 : vector<16xf32>
      %add3A_2504 = arith.addf %add3A_2496, %mul3A_2503 : vector<16xf32>
      %add3A_2505 = arith.constant 32 : i32
      %add3A_2506 = arith.addi %squeeze3A_2466, %add3A_2505 : i32
      %get3A_2507 = arith.index_cast %add3A_2506 : i32 to index
      %get3A_2508 = tpu.vector_load %arg5[%get3A_2507] {strides = array<i32>} : memref<98304xf32, #tpu.memory_space<vmem>>, vector<16xf32>,
      %get3A_2509 = vector.shape_cast %get3A_2508 : vector<16xf32> to vector<16xf32>
      %mul3A_2510 = vector.broadcast %sub3A_2472 : f32 to vector<16xf32>
      %mul3A_2511 = arith.mulf %get3A_2509, %mul3A_2510 : vector<16xf32>
      %add3A_2512 = arith.addf %add3A_2395, %mul3A_2511 : vector<16xf32>
      %add3A_2513 = arith.constant 32 : i32
      %add3A_2514 = arith.addi %squeeze3A_2468, %add3A_2513 : i32
      %get3A_2515 = arith.index_cast %add3A_2514 : i32 to index
      %get3A_2516 = tpu.vector_load %arg5[%get3A_2515] {strides = array<i32>} : memref<98304xf32, #tpu.memory_space<vmem>>, vector<16xf32>,
      %get3A_2517 = vector.shape_cast %get3A_2516 : vector<16xf32> to vector<16xf32>
      %mul3A_2518 = vector.broadcast %squeeze3A_2470 : f32 to vector<16xf32>
      %mul3A_2519 = arith.mulf %get3A_2517, %mul3A_2518 : vector<16xf32>
      %add3A_2520 = arith.addf %add3A_2512, %mul3A_2519 : vector<16xf32>
      %add3A_2521 = arith.constant 48 : i32
      %add3A_2522 = arith.addi %squeeze3A_2466, %add3A_2521 : i32
      %get3A_2523 = arith.index_cast %add3A_2522 : i32 to index
      %get3A_2524 = tpu.vector_load %arg5[%get3A_2523] {strides = array<i32>} : memref<98304xf32, #tpu.memory_space<vmem>>, vector<16xf32>,
      %get3A_2525 = vector.shape_cast %get3A_2524 : vector<16xf32> to vector<16xf32>
      %mul3A_2526 = vector.broadcast %sub3A_2472 : f32 to vector<16xf32>
      %mul3A_2527 = arith.mulf %get3A_2525, %mul3A_2526 : vector<16xf32>
      %add3A_2528 = arith.addf %add3A_2411, %mul3A_2527 : vector<16xf32>
      %add3A_2529 = arith.constant 48 : i32
      %add3A_2530 = arith.addi %squeeze3A_2468, %add3A_2529 : i32
      %get3A_2531 = arith.index_cast %add3A_2530 : i32 to index
      %get3A_2532 = tpu.vector_load %arg5[%get3A_2531] {strides = array<i32>} : memref<98304xf32, #tpu.memory_space<vmem>>, vector<16xf32>,
      %get3A_2533 = vector.shape_cast %get3A_2532 : vector<16xf32> to vector<16xf32>
      %mul3A_2534 = vector.broadcast %squeeze3A_2470 : f32 to vector<16xf32>
      %mul3A_2535 = arith.mulf %get3A_2533, %mul3A_2534 : vector<16xf32>
      %add3A_2536 = arith.addf %add3A_2528, %mul3A_2535 : vector<16xf32>
      %slice3A_2537 = vector.extract_strided_slice %mul3A_2457 {offsets = [1], sizes = [1], strides = [1]} : vector<16xi32> to vector<1xi32>
      %squeeze3A_2538 = vector.extract %slice3A_2537[0] : i32 from vector<1xi32>
      %slice3A_2539 = vector.extract_strided_slice %mul3A_2464 {offsets = [1], sizes = [1], strides = [1]} : vector<16xi32> to vector<1xi32>
      %squeeze3A_2540 = vector.extract %slice3A_2539[0] : i32 from vector<1xi32>
      %slice3A_2541 = vector.extract_strided_slice %sub3A_2431 {offsets = [1], sizes = [1], strides = [1]} : vector<16xf32> to vector<1xf32>
      %squeeze3A_2542 = vector.extract %slice3A_2541[0] : f32 from vector<1xf32>
      %sub3A_2543 = arith.constant 1.000000e+00 : f32
      %sub3A_2544 = arith.subf %sub3A_2543, %squeeze3A_2542 : f32
      %add3A_2545 = arith.constant 0 : i32
      %add3A_2546 = arith.addi %squeeze3A_2538, %add3A_2545 : i32
      %get3A_2547 = arith.index_cast %add3A_2546 : i32 to index
      %get3A_2548 = tpu.vector_load %arg5[%get3A_2547] {strides = array<i32>} : memref<98304xf32, #tpu.memory_space<vmem>>, vector<16xf32>,
      %get3A_2549 = vector.shape_cast %get3A_2548 : vector<16xf32> to vector<16xf32>
      %mul3A_2550 = vector.broadcast %sub3A_2544 : f32 to vector<16xf32>
      %mul3A_2551 = arith.mulf %get3A_2549, %mul3A_2550 : vector<16xf32>
      %add3A_2552 = arith.addf %add3A_2488, %mul3A_2551 : vector<16xf32>
      %add3A_2553 = arith.constant 0 : i32
      %add3A_2554 = arith.addi %squeeze3A_2540, %add3A_2553 : i32
      %get3A_2555 = arith.index_cast %add3A_2554 : i32 to index
      %get3A_2556 = tpu.vector_load %arg5[%get3A_2555] {strides = array<i32>} : memref<98304xf32, #tpu.memory_space<vmem>>, vector<16xf32>,
      %get3A_2557 = vector.shape_cast %get3A_2556 : vector<16xf32> to vector<16xf32>
      %mul3A_2558 = vector.broadcast %squeeze3A_2542 : f32 to vector<16xf32>
      %mul3A_2559 = arith.mulf %get3A_2557, %mul3A_2558 : vector<16xf32>
      %add3A_2560 = arith.addf %add3A_2552, %mul3A_2559 : vector<16xf32>
      %add3A_2561 = arith.constant 16 : i32
      %add3A_2562 = arith.addi %squeeze3A_2538, %add3A_2561 : i32
      %get3A_2563 = arith.index_cast %add3A_2562 : i32 to index
      %get3A_2564 = tpu.vector_load %arg5[%get3A_2563] {strides = array<i32>} : memref<98304xf32, #tpu.memory_space<vmem>>, vector<16xf32>,
      %get3A_2565 = vector.shape_cast %get3A_2564 : vector<16xf32> to vector<16xf32>
      %mul3A_2566 = vector.broadcast %sub3A_2544 : f32 to vector<16xf32>
      %mul3A_2567 = arith.mulf %get3A_2565, %mul3A_2566 : vector<16xf32>
      %add3A_2568 = arith.addf %add3A_2504, %mul3A_2567 : vector<16xf32>
      %add3A_2569 = arith.constant 16 : i32
      %add3A_2570 = arith.addi %squeeze3A_2540, %add3A_2569 : i32
      %get3A_2571 = arith.index_cast %add3A_2570 : i32 to index
      %get3A_2572 = tpu.vector_load %arg5[%get3A_2571] {strides = array<i32>} : memref<98304xf32, #tpu.memory_space<vmem>>, vector<16xf32>,
      %get3A_2573 = vector.shape_cast %get3A_2572 : vector<16xf32> to vector<16xf32>
      %mul3A_2574 = vector.broadcast %squeeze3A_2542 : f32 to vector<16xf32>
      %mul3A_2575 = arith.mulf %get3A_2573, %mul3A_2574 : vector<16xf32>
      %add3A_2576 = arith.addf %add3A_2568, %mul3A_2575 : vector<16xf32>
      %add3A_2577 = arith.constant 32 : i32
      %add3A_2578 = arith.addi %squeeze3A_2538, %add3A_2577 : i32
      %get3A_2579 = arith.index_cast %add3A_2578 : i32 to index
      %get3A_2580 = tpu.vector_load %arg5[%get3A_2579] {strides = array<i32>} : memref<98304xf32, #tpu.memory_space<vmem>>, vector<16xf32>,
      %get3A_2581 = vector.shape_cast %get3A_2580 : vector<16xf32> to vector<16xf32>
      %mul3A_2582 = vector.broadcast %sub3A_2544 : f32 to vector<16xf32>
      %mul3A_2583 = arith.mulf %get3A_2581, %mul3A_2582 : vector<16xf32>
      %add3A_2584 = arith.addf %add3A_2520, %mul3A_2583 : vector<16xf32>
      %add3A_2585 = arith.constant 32 : i32
      %add3A_2586 = arith.addi %squeeze3A_2540, %add3A_2585 : i32
      %get3A_2587 = arith.index_cast %add3A_2586 : i32 to index
      %get3A_2588 = tpu.vector_load %arg5[%get3A_2587] {strides = array<i32>} : memref<98304xf32, #tpu.memory_space<vmem>>, vector<16xf32>,
      %get3A_2589 = vector.shape_cast %get3A_2588 : vector<16xf32> to vector<16xf32>
      %mul3A_2590 = vector.broadcast %squeeze3A_2542 : f32 to vector<16xf32>
      %mul3A_2591 = arith.mulf %get3A_2589, %mul3A_2590 : vector<16xf32>
      %add3A_2592 = arith.addf %add3A_2584, %mul3A_2591 : vector<16xf32>
      %add3A_2593 = arith.constant 48 : i32
      %add3A_2594 = arith.addi %squeeze3A_2538, %add3A_2593 : i32
      %get3A_2595 = arith.index_cast %add3A_2594 : i32 to index
      %get3A_2596 = tpu.vector_load %arg5[%get3A_2595] {strides = array<i32>} : memref<98304xf32, #tpu.memory_space<vmem>>, vector<16xf32>,
      %get3A_2597 = vector.shape_cast %get3A_2596 : vector<16xf32> to vector<16xf32>
      %mul3A_2598 = vector.broadcast %sub3A_2544 : f32 to vector<16xf32>
      %mul3A_2599 = arith.mulf %get3A_2597, %mul3A_2598 : vector<16xf32>
      %add3A_2600 = arith.addf %add3A_2536, %mul3A_2599 : vector<16xf32>
      %add3A_2601 = arith.constant 48 : i32
      %add3A_2602 = arith.addi %squeeze3A_2540, %add3A_2601 : i32
      %get3A_2603 = arith.index_cast %add3A_2602 : i32 to index
      %get3A_2604 = tpu.vector_load %arg5[%get3A_2603] {strides = array<i32>} : memref<98304xf32, #tpu.memory_space<vmem>>, vector<16xf32>,
      %get3A_2605 = vector.shape_cast %get3A_2604 : vector<16xf32> to vector<16xf32>
      %mul3A_2606 = vector.broadcast %squeeze3A_2542 : f32 to vector<16xf32>
      %mul3A_2607 = arith.mulf %get3A_2605, %mul3A_2606 : vector<16xf32>
      %add3A_2608 = arith.addf %add3A_2600, %mul3A_2607 : vector<16xf32>
      %slice3A_2609 = vector.extract_strided_slice %mul3A_2457 {offsets = [2], sizes = [1], strides = [1]} : vector<16xi32> to vector<1xi32>
      %squeeze3A_2610 = vector.extract %slice3A_2609[0] : i32 from vector<1xi32>
      %slice3A_2611 = vector.extract_strided_slice %mul3A_2464 {offsets = [2], sizes = [1], strides = [1]} : vector<16xi32> to vector<1xi32>
      %squeeze3A_2612 = vector.extract %slice3A_2611[0] : i32 from vector<1xi32>
      %slice3A_2613 = vector.extract_strided_slice %sub3A_2431 {offsets = [2], sizes = [1], strides = [1]} : vector<16xf32> to vector<1xf32>
      %squeeze3A_2614 = vector.extract %slice3A_2613[0] : f32 from vector<1xf32>
      %sub3A_2615 = arith.constant 1.000000e+00 : f32
      %sub3A_2616 = arith.subf %sub3A_2615, %squeeze3A_2614 : f32
      %add3A_2617 = arith.constant 0 : i32
      %add3A_2618 = arith.addi %squeeze3A_2610, %add3A_2617 : i32
      %get3A_2619 = arith.index_cast %add3A_2618 : i32 to index
      %get3A_2620 = tpu.vector_load %arg5[%get3A_2619] {strides = array<i32>} : memref<98304xf32, #tpu.memory_space<vmem>>, vector<16xf32>,
      %get3A_2621 = vector.shape_cast %get3A_2620 : vector<16xf32> to vector<16xf32>
      %mul3A_2622 = vector.broadcast %sub3A_2616 : f32 to vector<16xf32>
      %mul3A_2623 = arith.mulf %get3A_2621, %mul3A_2622 : vector<16xf32>
      %add3A_2624 = arith.addf %add3A_2560, %mul3A_2623 : vector<16xf32>
      %add3A_2625 = arith.constant 0 : i32
      %add3A_2626 = arith.addi %squeeze3A_2612, %add3A_2625 : i32
      %get3A_2627 = arith.index_cast %add3A_2626 : i32 to index
      %get3A_2628 = tpu.vector_load %arg5[%get3A_2627] {strides = array<i32>} : memref<98304xf32, #tpu.memory_space<vmem>>, vector<16xf32>,
      %get3A_2629 = vector.shape_cast %get3A_2628 : vector<16xf32> to vector<16xf32>
      %mul3A_2630 = vector.broadcast %squeeze3A_2614 : f32 to vector<16xf32>
      %mul3A_2631 = arith.mulf %get3A_2629, %mul3A_2630 : vector<16xf32>
      %add3A_2632 = arith.addf %add3A_2624, %mul3A_2631 : vector<16xf32>
      %add3A_2633 = arith.constant 16 : i32
      %add3A_2634 = arith.addi %squeeze3A_2610, %add3A_2633 : i32
      %get3A_2635 = arith.index_cast %add3A_2634 : i32 to index
      %get3A_2636 = tpu.vector_load %arg5[%get3A_2635] {strides = array<i32>} : memref<98304xf32, #tpu.memory_space<vmem>>, vector<16xf32>,
      %get3A_2637 = vector.shape_cast %get3A_2636 : vector<16xf32> to vector<16xf32>
      %mul3A_2638 = vector.broadcast %sub3A_2616 : f32 to vector<16xf32>
      %mul3A_2639 = arith.mulf %get3A_2637, %mul3A_2638 : vector<16xf32>
      %add3A_2640 = arith.addf %add3A_2576, %mul3A_2639 : vector<16xf32>
      %add3A_2641 = arith.constant 16 : i32
      %add3A_2642 = arith.addi %squeeze3A_2612, %add3A_2641 : i32
      %get3A_2643 = arith.index_cast %add3A_2642 : i32 to index
      %get3A_2644 = tpu.vector_load %arg5[%get3A_2643] {strides = array<i32>} : memref<98304xf32, #tpu.memory_space<vmem>>, vector<16xf32>,
      %get3A_2645 = vector.shape_cast %get3A_2644 : vector<16xf32> to vector<16xf32>
      %mul3A_2646 = vector.broadcast %squeeze3A_2614 : f32 to vector<16xf32>
      %mul3A_2647 = arith.mulf %get3A_2645, %mul3A_2646 : vector<16xf32>
      %add3A_2648 = arith.addf %add3A_2640, %mul3A_2647 : vector<16xf32>
      %add3A_2649 = arith.constant 32 : i32
      %add3A_2650 = arith.addi %squeeze3A_2610, %add3A_2649 : i32
      %get3A_2651 = arith.index_cast %add3A_2650 : i32 to index
      %get3A_2652 = tpu.vector_load %arg5[%get3A_2651] {strides = array<i32>} : memref<98304xf32, #tpu.memory_space<vmem>>, vector<16xf32>,
      %get3A_2653 = vector.shape_cast %get3A_2652 : vector<16xf32> to vector<16xf32>
      %mul3A_2654 = vector.broadcast %sub3A_2616 : f32 to vector<16xf32>
      %mul3A_2655 = arith.mulf %get3A_2653, %mul3A_2654 : vector<16xf32>
      %add3A_2656 = arith.addf %add3A_2592, %mul3A_2655 : vector<16xf32>
      %add3A_2657 = arith.constant 32 : i32
      %add3A_2658 = arith.addi %squeeze3A_2612, %add3A_2657 : i32
      %get3A_2659 = arith.index_cast %add3A_2658 : i32 to index
      %get3A_2660 = tpu.vector_load %arg5[%get3A_2659] {strides = array<i32>} : memref<98304xf32, #tpu.memory_space<vmem>>, vector<16xf32>,
      %get3A_2661 = vector.shape_cast %get3A_2660 : vector<16xf32> to vector<16xf32>
      %mul3A_2662 = vector.broadcast %squeeze3A_2614 : f32 to vector<16xf32>
      %mul3A_2663 = arith.mulf %get3A_2661, %mul3A_2662 : vector<16xf32>
      %add3A_2664 = arith.addf %add3A_2656, %mul3A_2663 : vector<16xf32>
      %add3A_2665 = arith.constant 48 : i32
      %add3A_2666 = arith.addi %squeeze3A_2610, %add3A_2665 : i32
      %get3A_2667 = arith.index_cast %add3A_2666 : i32 to index
      %get3A_2668 = tpu.vector_load %arg5[%get3A_2667] {strides = array<i32>} : memref<98304xf32, #tpu.memory_space<vmem>>, vector<16xf32>,
      %get3A_2669 = vector.shape_cast %get3A_2668 : vector<16xf32> to vector<16xf32>
      %mul3A_2670 = vector.broadcast %sub3A_2616 : f32 to vector<16xf32>
      %mul3A_2671 = arith.mulf %get3A_2669, %mul3A_2670 : vector<16xf32>
      %add3A_2672 = arith.addf %add3A_2608, %mul3A_2671 : vector<16xf32>
      %add3A_2673 = arith.constant 48 : i32
      %add3A_2674 = arith.addi %squeeze3A_2612, %add3A_2673 : i32
      %get3A_2675 = arith.index_cast %add3A_2674 : i32 to index
      %get3A_2676 = tpu.vector_load %arg5[%get3A_2675] {strides = array<i32>} : memref<98304xf32, #tpu.memory_space<vmem>>, vector<16xf32>,
      %get3A_2677 = vector.shape_cast %get3A_2676 : vector<16xf32> to vector<16xf32>
      %mul3A_2678 = vector.broadcast %squeeze3A_2614 : f32 to vector<16xf32>
      %mul3A_2679 = arith.mulf %get3A_2677, %mul3A_2678 : vector<16xf32>
      %add3A_2680 = arith.addf %add3A_2672, %mul3A_2679 : vector<16xf32>
      %slice3A_2681 = vector.extract_strided_slice %mul3A_2457 {offsets = [3], sizes = [1], strides = [1]} : vector<16xi32> to vector<1xi32>
      %squeeze3A_2682 = vector.extract %slice3A_2681[0] : i32 from vector<1xi32>
      %slice3A_2683 = vector.extract_strided_slice %mul3A_2464 {offsets = [3], sizes = [1], strides = [1]} : vector<16xi32> to vector<1xi32>
      %squeeze3A_2684 = vector.extract %slice3A_2683[0] : i32 from vector<1xi32>
      %slice3A_2685 = vector.extract_strided_slice %sub3A_2431 {offsets = [3], sizes = [1], strides = [1]} : vector<16xf32> to vector<1xf32>
      %squeeze3A_2686 = vector.extract %slice3A_2685[0] : f32 from vector<1xf32>
      %sub3A_2687 = arith.constant 1.000000e+00 : f32
      %sub3A_2688 = arith.subf %sub3A_2687, %squeeze3A_2686 : f32
      %add3A_2689 = arith.constant 0 : i32
      %add3A_2690 = arith.addi %squeeze3A_2682, %add3A_2689 : i32
      %get3A_2691 = arith.index_cast %add3A_2690 : i32 to index
      %get3A_2692 = tpu.vector_load %arg5[%get3A_2691] {strides = array<i32>} : memref<98304xf32, #tpu.memory_space<vmem>>, vector<16xf32>,
      %get3A_2693 = vector.shape_cast %get3A_2692 : vector<16xf32> to vector<16xf32>
      %mul3A_2694 = vector.broadcast %sub3A_2688 : f32 to vector<16xf32>
      %mul3A_2695 = arith.mulf %get3A_2693, %mul3A_2694 : vector<16xf32>
      %add3A_2696 = arith.addf %add3A_2632, %mul3A_2695 : vector<16xf32>
      %add3A_2697 = arith.constant 0 : i32
      %add3A_2698 = arith.addi %squeeze3A_2684, %add3A_2697 : i32
      %get3A_2699 = arith.index_cast %add3A_2698 : i32 to index
      %get3A_2700 = tpu.vector_load %arg5[%get3A_2699] {strides = array<i32>} : memref<98304xf32, #tpu.memory_space<vmem>>, vector<16xf32>,
      %get3A_2701 = vector.shape_cast %get3A_2700 : vector<16xf32> to vector<16xf32>
      %mul3A_2702 = vector.broadcast %squeeze3A_2686 : f32 to vector<16xf32>
      %mul3A_2703 = arith.mulf %get3A_2701, %mul3A_2702 : vector<16xf32>
      %add3A_2704 = arith.addf %add3A_2696, %mul3A_2703 : vector<16xf32>
      %add3A_2705 = arith.constant 16 : i32
      %add3A_2706 = arith.addi %squeeze3A_2682, %add3A_2705 : i32
      %get3A_2707 = arith.index_cast %add3A_2706 : i32 to index
      %get3A_2708 = tpu.vector_load %arg5[%get3A_2707] {strides = array<i32>} : memref<98304xf32, #tpu.memory_space<vmem>>, vector<16xf32>,
      %get3A_2709 = vector.shape_cast %get3A_2708 : vector<16xf32> to vector<16xf32>
      %mul3A_2710 = vector.broadcast %sub3A_2688 : f32 to vector<16xf32>
      %mul3A_2711 = arith.mulf %get3A_2709, %mul3A_2710 : vector<16xf32>
      %add3A_2712 = arith.addf %add3A_2648, %mul3A_2711 : vector<16xf32>
      %add3A_2713 = arith.constant 16 : i32
      %add3A_2714 = arith.addi %squeeze3A_2684, %add3A_2713 : i32
      %get3A_2715 = arith.index_cast %add3A_2714 : i32 to index
      %get3A_2716 = tpu.vector_load %arg5[%get3A_2715] {strides = array<i32>} : memref<98304xf32, #tpu.memory_space<vmem>>, vector<16xf32>,
      %get3A_2717 = vector.shape_cast %get3A_2716 : vector<16xf32> to vector<16xf32>
      %mul3A_2718 = vector.broadcast %squeeze3A_2686 : f32 to vector<16xf32>
      %mul3A_2719 = arith.mulf %get3A_2717, %mul3A_2718 : vector<16xf32>
      %add3A_2720 = arith.addf %add3A_2712, %mul3A_2719 : vector<16xf32>
      %add3A_2721 = arith.constant 32 : i32
      %add3A_2722 = arith.addi %squeeze3A_2682, %add3A_2721 : i32
      %get3A_2723 = arith.index_cast %add3A_2722 : i32 to index
      %get3A_2724 = tpu.vector_load %arg5[%get3A_2723] {strides = array<i32>} : memref<98304xf32, #tpu.memory_space<vmem>>, vector<16xf32>,
      %get3A_2725 = vector.shape_cast %get3A_2724 : vector<16xf32> to vector<16xf32>
      %mul3A_2726 = vector.broadcast %sub3A_2688 : f32 to vector<16xf32>
      %mul3A_2727 = arith.mulf %get3A_2725, %mul3A_2726 : vector<16xf32>
      %add3A_2728 = arith.addf %add3A_2664, %mul3A_2727 : vector<16xf32>
      %add3A_2729 = arith.constant 32 : i32
      %add3A_2730 = arith.addi %squeeze3A_2684, %add3A_2729 : i32
      %get3A_2731 = arith.index_cast %add3A_2730 : i32 to index
      %get3A_2732 = tpu.vector_load %arg5[%get3A_2731] {strides = array<i32>} : memref<98304xf32, #tpu.memory_space<vmem>>, vector<16xf32>,
      %get3A_2733 = vector.shape_cast %get3A_2732 : vector<16xf32> to vector<16xf32>
      %mul3A_2734 = vector.broadcast %squeeze3A_2686 : f32 to vector<16xf32>
      %mul3A_2735 = arith.mulf %get3A_2733, %mul3A_2734 : vector<16xf32>
      %add3A_2736 = arith.addf %add3A_2728, %mul3A_2735 : vector<16xf32>
      %add3A_2737 = arith.constant 48 : i32
      %add3A_2738 = arith.addi %squeeze3A_2682, %add3A_2737 : i32
      %get3A_2739 = arith.index_cast %add3A_2738 : i32 to index
      %get3A_2740 = tpu.vector_load %arg5[%get3A_2739] {strides = array<i32>} : memref<98304xf32, #tpu.memory_space<vmem>>, vector<16xf32>,
      %get3A_2741 = vector.shape_cast %get3A_2740 : vector<16xf32> to vector<16xf32>
      %mul3A_2742 = vector.broadcast %sub3A_2688 : f32 to vector<16xf32>
      %mul3A_2743 = arith.mulf %get3A_2741, %mul3A_2742 : vector<16xf32>
      %add3A_2744 = arith.addf %add3A_2680, %mul3A_2743 : vector<16xf32>
      %add3A_2745 = arith.constant 48 : i32
      %add3A_2746 = arith.addi %squeeze3A_2684, %add3A_2745 : i32
      %get3A_2747 = arith.index_cast %add3A_2746 : i32 to index
      %get3A_2748 = tpu.vector_load %arg5[%get3A_2747] {strides = array<i32>} : memref<98304xf32, #tpu.memory_space<vmem>>, vector<16xf32>,
      %get3A_2749 = vector.shape_cast %get3A_2748 : vector<16xf32> to vector<16xf32>
      %mul3A_2750 = vector.broadcast %squeeze3A_2686 : f32 to vector<16xf32>
      %mul3A_2751 = arith.mulf %get3A_2749, %mul3A_2750 : vector<16xf32>
      %add3A_2752 = arith.addf %add3A_2744, %mul3A_2751 : vector<16xf32>
      %slice3A_2753 = vector.extract_strided_slice %mul3A_2457 {offsets = [4], sizes = [1], strides = [1]} : vector<16xi32> to vector<1xi32>
      %squeeze3A_2754 = vector.extract %slice3A_2753[0] : i32 from vector<1xi32>
      %slice3A_2755 = vector.extract_strided_slice %mul3A_2464 {offsets = [4], sizes = [1], strides = [1]} : vector<16xi32> to vector<1xi32>
      %squeeze3A_2756 = vector.extract %slice3A_2755[0] : i32 from vector<1xi32>
      %slice3A_2757 = vector.extract_strided_slice %sub3A_2431 {offsets = [4], sizes = [1], strides = [1]} : vector<16xf32> to vector<1xf32>
      %squeeze3A_2758 = vector.extract %slice3A_2757[0] : f32 from vector<1xf32>
      %sub3A_2759 = arith.constant 1.000000e+00 : f32
      %sub3A_2760 = arith.subf %sub3A_2759, %squeeze3A_2758 : f32
      %add3A_2761 = arith.constant 0 : i32
      %add3A_2762 = arith.addi %squeeze3A_2754, %add3A_2761 : i32
      %get3A_2763 = arith.index_cast %add3A_2762 : i32 to index
      %get3A_2764 = tpu.vector_load %arg5[%get3A_2763] {strides = array<i32>} : memref<98304xf32, #tpu.memory_space<vmem>>, vector<16xf32>,
      %get3A_2765 = vector.shape_cast %get3A_2764 : vector<16xf32> to vector<16xf32>
      %mul3A_2766 = vector.broadcast %sub3A_2760 : f32 to vector<16xf32>
      %mul3A_2767 = arith.mulf %get3A_2765, %mul3A_2766 : vector<16xf32>
      %add3A_2768 = arith.addf %add3A_2704, %mul3A_2767 : vector<16xf32>
      %add3A_2769 = arith.constant 0 : i32
      %add3A_2770 = arith.addi %squeeze3A_2756, %add3A_2769 : i32
      %get3A_2771 = arith.index_cast %add3A_2770 : i32 to index
      %get3A_2772 = tpu.vector_load %arg5[%get3A_2771] {strides = array<i32>} : memref<98304xf32, #tpu.memory_space<vmem>>, vector<16xf32>,
      %get3A_2773 = vector.shape_cast %get3A_2772 : vector<16xf32> to vector<16xf32>
      %mul3A_2774 = vector.broadcast %squeeze3A_2758 : f32 to vector<16xf32>
      %mul3A_2775 = arith.mulf %get3A_2773, %mul3A_2774 : vector<16xf32>
      %add3A_2776 = arith.addf %add3A_2768, %mul3A_2775 : vector<16xf32>
      %add3A_2777 = arith.constant 16 : i32
      %add3A_2778 = arith.addi %squeeze3A_2754, %add3A_2777 : i32
      %get3A_2779 = arith.index_cast %add3A_2778 : i32 to index
      %get3A_2780 = tpu.vector_load %arg5[%get3A_2779] {strides = array<i32>} : memref<98304xf32, #tpu.memory_space<vmem>>, vector<16xf32>,
      %get3A_2781 = vector.shape_cast %get3A_2780 : vector<16xf32> to vector<16xf32>
      %mul3A_2782 = vector.broadcast %sub3A_2760 : f32 to vector<16xf32>
      %mul3A_2783 = arith.mulf %get3A_2781, %mul3A_2782 : vector<16xf32>
      %add3A_2784 = arith.addf %add3A_2720, %mul3A_2783 : vector<16xf32>
      %add3A_2785 = arith.constant 16 : i32
      %add3A_2786 = arith.addi %squeeze3A_2756, %add3A_2785 : i32
      %get3A_2787 = arith.index_cast %add3A_2786 : i32 to index
      %get3A_2788 = tpu.vector_load %arg5[%get3A_2787] {strides = array<i32>} : memref<98304xf32, #tpu.memory_space<vmem>>, vector<16xf32>,
      %get3A_2789 = vector.shape_cast %get3A_2788 : vector<16xf32> to vector<16xf32>
      %mul3A_2790 = vector.broadcast %squeeze3A_2758 : f32 to vector<16xf32>
      %mul3A_2791 = arith.mulf %get3A_2789, %mul3A_2790 : vector<16xf32>
      %add3A_2792 = arith.addf %add3A_2784, %mul3A_2791 : vector<16xf32>
      %add3A_2793 = arith.constant 32 : i32
      %add3A_2794 = arith.addi %squeeze3A_2754, %add3A_2793 : i32
      %get3A_2795 = arith.index_cast %add3A_2794 : i32 to index
      %get3A_2796 = tpu.vector_load %arg5[%get3A_2795] {strides = array<i32>} : memref<98304xf32, #tpu.memory_space<vmem>>, vector<16xf32>,
      %get3A_2797 = vector.shape_cast %get3A_2796 : vector<16xf32> to vector<16xf32>
      %mul3A_2798 = vector.broadcast %sub3A_2760 : f32 to vector<16xf32>
      %mul3A_2799 = arith.mulf %get3A_2797, %mul3A_2798 : vector<16xf32>
      %add3A_2800 = arith.addf %add3A_2736, %mul3A_2799 : vector<16xf32>
      %add3A_2801 = arith.constant 32 : i32
      %add3A_2802 = arith.addi %squeeze3A_2756, %add3A_2801 : i32
      %get3A_2803 = arith.index_cast %add3A_2802 : i32 to index
      %get3A_2804 = tpu.vector_load %arg5[%get3A_2803] {strides = array<i32>} : memref<98304xf32, #tpu.memory_space<vmem>>, vector<16xf32>,
      %get3A_2805 = vector.shape_cast %get3A_2804 : vector<16xf32> to vector<16xf32>
      %mul3A_2806 = vector.broadcast %squeeze3A_2758 : f32 to vector<16xf32>
      %mul3A_2807 = arith.mulf %get3A_2805, %mul3A_2806 : vector<16xf32>
      %add3A_2808 = arith.addf %add3A_2800, %mul3A_2807 : vector<16xf32>
      %add3A_2809 = arith.constant 48 : i32
      %add3A_2810 = arith.addi %squeeze3A_2754, %add3A_2809 : i32
      %get3A_2811 = arith.index_cast %add3A_2810 : i32 to index
      %get3A_2812 = tpu.vector_load %arg5[%get3A_2811] {strides = array<i32>} : memref<98304xf32, #tpu.memory_space<vmem>>, vector<16xf32>,
      %get3A_2813 = vector.shape_cast %get3A_2812 : vector<16xf32> to vector<16xf32>
      %mul3A_2814 = vector.broadcast %sub3A_2760 : f32 to vector<16xf32>
      %mul3A_2815 = arith.mulf %get3A_2813, %mul3A_2814 : vector<16xf32>
      %add3A_2816 = arith.addf %add3A_2752, %mul3A_2815 : vector<16xf32>
      %add3A_2817 = arith.constant 48 : i32
      %add3A_2818 = arith.addi %squeeze3A_2756, %add3A_2817 : i32
      %get3A_2819 = arith.index_cast %add3A_2818 : i32 to index
      %get3A_2820 = tpu.vector_load %arg5[%get3A_2819] {strides = array<i32>} : memref<98304xf32, #tpu.memory_space<vmem>>, vector<16xf32>,
      %get3A_2821 = vector.shape_cast %get3A_2820 : vector<16xf32> to vector<16xf32>
      %mul3A_2822 = vector.broadcast %squeeze3A_2758 : f32 to vector<16xf32>
      %mul3A_2823 = arith.mulf %get3A_2821, %mul3A_2822 : vector<16xf32>
      %add3A_2824 = arith.addf %add3A_2816, %mul3A_2823 : vector<16xf32>
      %slice3A_2825 = vector.extract_strided_slice %mul3A_2457 {offsets = [5], sizes = [1], strides = [1]} : vector<16xi32> to vector<1xi32>
      %squeeze3A_2826 = vector.extract %slice3A_2825[0] : i32 from vector<1xi32>
      %slice3A_2827 = vector.extract_strided_slice %mul3A_2464 {offsets = [5], sizes = [1], strides = [1]} : vector<16xi32> to vector<1xi32>
      %squeeze3A_2828 = vector.extract %slice3A_2827[0] : i32 from vector<1xi32>
      %slice3A_2829 = vector.extract_strided_slice %sub3A_2431 {offsets = [5], sizes = [1], strides = [1]} : vector<16xf32> to vector<1xf32>
      %squeeze3A_2830 = vector.extract %slice3A_2829[0] : f32 from vector<1xf32>
      %sub3A_2831 = arith.constant 1.000000e+00 : f32
      %sub3A_2832 = arith.subf %sub3A_2831, %squeeze3A_2830 : f32
      %add3A_2833 = arith.constant 0 : i32
      %add3A_2834 = arith.addi %squeeze3A_2826, %add3A_2833 : i32
      %get3A_2835 = arith.index_cast %add3A_2834 : i32 to index
      %get3A_2836 = tpu.vector_load %arg5[%get3A_2835] {strides = array<i32>} : memref<98304xf32, #tpu.memory_space<vmem>>, vector<16xf32>,
      %get3A_2837 = vector.shape_cast %get3A_2836 : vector<16xf32> to vector<16xf32>
      %mul3A_2838 = vector.broadcast %sub3A_2832 : f32 to vector<16xf32>
      %mul3A_2839 = arith.mulf %get3A_2837, %mul3A_2838 : vector<16xf32>
      %add3A_2840 = arith.addf %add3A_2776, %mul3A_2839 : vector<16xf32>
      %add3A_2841 = arith.constant 0 : i32
      %add3A_2842 = arith.addi %squeeze3A_2828, %add3A_2841 : i32
      %get3A_2843 = arith.index_cast %add3A_2842 : i32 to index
      %get3A_2844 = tpu.vector_load %arg5[%get3A_2843] {strides = array<i32>} : memref<98304xf32, #tpu.memory_space<vmem>>, vector<16xf32>,
      %get3A_2845 = vector.shape_cast %get3A_2844 : vector<16xf32> to vector<16xf32>
      %mul3A_2846 = vector.broadcast %squeeze3A_2830 : f32 to vector<16xf32>
      %mul3A_2847 = arith.mulf %get3A_2845, %mul3A_2846 : vector<16xf32>
      %add3A_2848 = arith.addf %add3A_2840, %mul3A_2847 : vector<16xf32>
      %add3A_2849 = arith.constant 16 : i32
      %add3A_2850 = arith.addi %squeeze3A_2826, %add3A_2849 : i32
      %get3A_2851 = arith.index_cast %add3A_2850 : i32 to index
      %get3A_2852 = tpu.vector_load %arg5[%get3A_2851] {strides = array<i32>} : memref<98304xf32, #tpu.memory_space<vmem>>, vector<16xf32>,
      %get3A_2853 = vector.shape_cast %get3A_2852 : vector<16xf32> to vector<16xf32>
      %mul3A_2854 = vector.broadcast %sub3A_2832 : f32 to vector<16xf32>
      %mul3A_2855 = arith.mulf %get3A_2853, %mul3A_2854 : vector<16xf32>
      %add3A_2856 = arith.addf %add3A_2792, %mul3A_2855 : vector<16xf32>
      %add3A_2857 = arith.constant 16 : i32
      %add3A_2858 = arith.addi %squeeze3A_2828, %add3A_2857 : i32
      %get3A_2859 = arith.index_cast %add3A_2858 : i32 to index
      %get3A_2860 = tpu.vector_load %arg5[%get3A_2859] {strides = array<i32>} : memref<98304xf32, #tpu.memory_space<vmem>>, vector<16xf32>,
      %get3A_2861 = vector.shape_cast %get3A_2860 : vector<16xf32> to vector<16xf32>
      %mul3A_2862 = vector.broadcast %squeeze3A_2830 : f32 to vector<16xf32>
      %mul3A_2863 = arith.mulf %get3A_2861, %mul3A_2862 : vector<16xf32>
      %add3A_2864 = arith.addf %add3A_2856, %mul3A_2863 : vector<16xf32>
      %add3A_2865 = arith.constant 32 : i32
      %add3A_2866 = arith.addi %squeeze3A_2826, %add3A_2865 : i32
      %get3A_2867 = arith.index_cast %add3A_2866 : i32 to index
      %get3A_2868 = tpu.vector_load %arg5[%get3A_2867] {strides = array<i32>} : memref<98304xf32, #tpu.memory_space<vmem>>, vector<16xf32>,
      %get3A_2869 = vector.shape_cast %get3A_2868 : vector<16xf32> to vector<16xf32>
      %mul3A_2870 = vector.broadcast %sub3A_2832 : f32 to vector<16xf32>
      %mul3A_2871 = arith.mulf %get3A_2869, %mul3A_2870 : vector<16xf32>
      %add3A_2872 = arith.addf %add3A_2808, %mul3A_2871 : vector<16xf32>
      %add3A_2873 = arith.constant 32 : i32
      %add3A_2874 = arith.addi %squeeze3A_2828, %add3A_2873 : i32
      %get3A_2875 = arith.index_cast %add3A_2874 : i32 to index
      %get3A_2876 = tpu.vector_load %arg5[%get3A_2875] {strides = array<i32>} : memref<98304xf32, #tpu.memory_space<vmem>>, vector<16xf32>,
      %get3A_2877 = vector.shape_cast %get3A_2876 : vector<16xf32> to vector<16xf32>
      %mul3A_2878 = vector.broadcast %squeeze3A_2830 : f32 to vector<16xf32>
      %mul3A_2879 = arith.mulf %get3A_2877, %mul3A_2878 : vector<16xf32>
      %add3A_2880 = arith.addf %add3A_2872, %mul3A_2879 : vector<16xf32>
      %add3A_2881 = arith.constant 48 : i32
      %add3A_2882 = arith.addi %squeeze3A_2826, %add3A_2881 : i32
      %get3A_2883 = arith.index_cast %add3A_2882 : i32 to index
      %get3A_2884 = tpu.vector_load %arg5[%get3A_2883] {strides = array<i32>} : memref<98304xf32, #tpu.memory_space<vmem>>, vector<16xf32>,
      %get3A_2885 = vector.shape_cast %get3A_2884 : vector<16xf32> to vector<16xf32>
      %mul3A_2886 = vector.broadcast %sub3A_2832 : f32 to vector<16xf32>
      %mul3A_2887 = arith.mulf %get3A_2885, %mul3A_2886 : vector<16xf32>
      %add3A_2888 = arith.addf %add3A_2824, %mul3A_2887 : vector<16xf32>
      %add3A_2889 = arith.constant 48 : i32
      %add3A_2890 = arith.addi %squeeze3A_2828, %add3A_2889 : i32
      %get3A_2891 = arith.index_cast %add3A_2890 : i32 to index
      %get3A_2892 = tpu.vector_load %arg5[%get3A_2891] {strides = array<i32>} : memref<98304xf32, #tpu.memory_space<vmem>>, vector<16xf32>,
      %get3A_2893 = vector.shape_cast %get3A_2892 : vector<16xf32> to vector<16xf32>
      %mul3A_2894 = vector.broadcast %squeeze3A_2830 : f32 to vector<16xf32>
      %mul3A_2895 = arith.mulf %get3A_2893, %mul3A_2894 : vector<16xf32>
      %add3A_2896 = arith.addf %add3A_2888, %mul3A_2895 : vector<16xf32>
      %slice3A_2897 = vector.extract_strided_slice %mul3A_2457 {offsets = [6], sizes = [1], strides = [1]} : vector<16xi32> to vector<1xi32>
      %squeeze3A_2898 = vector.extract %slice3A_2897[0] : i32 from vector<1xi32>
      %slice3A_2899 = vector.extract_strided_slice %mul3A_2464 {offsets = [6], sizes = [1], strides = [1]} : vector<16xi32> to vector<1xi32>
      %squeeze3A_2900 = vector.extract %slice3A_2899[0] : i32 from vector<1xi32>
      %slice3A_2901 = vector.extract_strided_slice %sub3A_2431 {offsets = [6], sizes = [1], strides = [1]} : vector<16xf32> to vector<1xf32>
      %squeeze3A_2902 = vector.extract %slice3A_2901[0] : f32 from vector<1xf32>
      %sub3A_2903 = arith.constant 1.000000e+00 : f32
      %sub3A_2904 = arith.subf %sub3A_2903, %squeeze3A_2902 : f32
      %add3A_2905 = arith.constant 0 : i32
      %add3A_2906 = arith.addi %squeeze3A_2898, %add3A_2905 : i32
      %get3A_2907 = arith.index_cast %add3A_2906 : i32 to index
      %get3A_2908 = tpu.vector_load %arg5[%get3A_2907] {strides = array<i32>} : memref<98304xf32, #tpu.memory_space<vmem>>, vector<16xf32>,
      %get3A_2909 = vector.shape_cast %get3A_2908 : vector<16xf32> to vector<16xf32>
      %mul3A_2910 = vector.broadcast %sub3A_2904 : f32 to vector<16xf32>
      %mul3A_2911 = arith.mulf %get3A_2909, %mul3A_2910 : vector<16xf32>
      %add3A_2912 = arith.addf %add3A_2848, %mul3A_2911 : vector<16xf32>
      %add3A_2913 = arith.constant 0 : i32
      %add3A_2914 = arith.addi %squeeze3A_2900, %add3A_2913 : i32
      %get3A_2915 = arith.index_cast %add3A_2914 : i32 to index
      %get3A_2916 = tpu.vector_load %arg5[%get3A_2915] {strides = array<i32>} : memref<98304xf32, #tpu.memory_space<vmem>>, vector<16xf32>,
      %get3A_2917 = vector.shape_cast %get3A_2916 : vector<16xf32> to vector<16xf32>
      %mul3A_2918 = vector.broadcast %squeeze3A_2902 : f32 to vector<16xf32>
      %mul3A_2919 = arith.mulf %get3A_2917, %mul3A_2918 : vector<16xf32>
      %add3A_2920 = arith.addf %add3A_2912, %mul3A_2919 : vector<16xf32>
      %add3A_2921 = arith.constant 16 : i32
      %add3A_2922 = arith.addi %squeeze3A_2898, %add3A_2921 : i32
      %get3A_2923 = arith.index_cast %add3A_2922 : i32 to index
      %get3A_2924 = tpu.vector_load %arg5[%get3A_2923] {strides = array<i32>} : memref<98304xf32, #tpu.memory_space<vmem>>, vector<16xf32>,
      %get3A_2925 = vector.shape_cast %get3A_2924 : vector<16xf32> to vector<16xf32>
      %mul3A_2926 = vector.broadcast %sub3A_2904 : f32 to vector<16xf32>
      %mul3A_2927 = arith.mulf %get3A_2925, %mul3A_2926 : vector<16xf32>
      %add3A_2928 = arith.addf %add3A_2864, %mul3A_2927 : vector<16xf32>
      %add3A_2929 = arith.constant 16 : i32
      %add3A_2930 = arith.addi %squeeze3A_2900, %add3A_2929 : i32
      %get3A_2931 = arith.index_cast %add3A_2930 : i32 to index
      %get3A_2932 = tpu.vector_load %arg5[%get3A_2931] {strides = array<i32>} : memref<98304xf32, #tpu.memory_space<vmem>>, vector<16xf32>,
      %get3A_2933 = vector.shape_cast %get3A_2932 : vector<16xf32> to vector<16xf32>
      %mul3A_2934 = vector.broadcast %squeeze3A_2902 : f32 to vector<16xf32>
      %mul3A_2935 = arith.mulf %get3A_2933, %mul3A_2934 : vector<16xf32>
      %add3A_2936 = arith.addf %add3A_2928, %mul3A_2935 : vector<16xf32>
      %add3A_2937 = arith.constant 32 : i32
      %add3A_2938 = arith.addi %squeeze3A_2898, %add3A_2937 : i32
      %get3A_2939 = arith.index_cast %add3A_2938 : i32 to index
      %get3A_2940 = tpu.vector_load %arg5[%get3A_2939] {strides = array<i32>} : memref<98304xf32, #tpu.memory_space<vmem>>, vector<16xf32>,
      %get3A_2941 = vector.shape_cast %get3A_2940 : vector<16xf32> to vector<16xf32>
      %mul3A_2942 = vector.broadcast %sub3A_2904 : f32 to vector<16xf32>
      %mul3A_2943 = arith.mulf %get3A_2941, %mul3A_2942 : vector<16xf32>
      %add3A_2944 = arith.addf %add3A_2880, %mul3A_2943 : vector<16xf32>
      %add3A_2945 = arith.constant 32 : i32
      %add3A_2946 = arith.addi %squeeze3A_2900, %add3A_2945 : i32
      %get3A_2947 = arith.index_cast %add3A_2946 : i32 to index
      %get3A_2948 = tpu.vector_load %arg5[%get3A_2947] {strides = array<i32>} : memref<98304xf32, #tpu.memory_space<vmem>>, vector<16xf32>,
      %get3A_2949 = vector.shape_cast %get3A_2948 : vector<16xf32> to vector<16xf32>
      %mul3A_2950 = vector.broadcast %squeeze3A_2902 : f32 to vector<16xf32>
      %mul3A_2951 = arith.mulf %get3A_2949, %mul3A_2950 : vector<16xf32>
      %add3A_2952 = arith.addf %add3A_2944, %mul3A_2951 : vector<16xf32>
      %add3A_2953 = arith.constant 48 : i32
      %add3A_2954 = arith.addi %squeeze3A_2898, %add3A_2953 : i32
      %get3A_2955 = arith.index_cast %add3A_2954 : i32 to index
      %get3A_2956 = tpu.vector_load %arg5[%get3A_2955] {strides = array<i32>} : memref<98304xf32, #tpu.memory_space<vmem>>, vector<16xf32>,
      %get3A_2957 = vector.shape_cast %get3A_2956 : vector<16xf32> to vector<16xf32>
      %mul3A_2958 = vector.broadcast %sub3A_2904 : f32 to vector<16xf32>
      %mul3A_2959 = arith.mulf %get3A_2957, %mul3A_2958 : vector<16xf32>
      %add3A_2960 = arith.addf %add3A_2896, %mul3A_2959 : vector<16xf32>
      %add3A_2961 = arith.constant 48 : i32
      %add3A_2962 = arith.addi %squeeze3A_2900, %add3A_2961 : i32
      %get3A_2963 = arith.index_cast %add3A_2962 : i32 to index
      %get3A_2964 = tpu.vector_load %arg5[%get3A_2963] {strides = array<i32>} : memref<98304xf32, #tpu.memory_space<vmem>>, vector<16xf32>,
      %get3A_2965 = vector.shape_cast %get3A_2964 : vector<16xf32> to vector<16xf32>
      %mul3A_2966 = vector.broadcast %squeeze3A_2902 : f32 to vector<16xf32>
      %mul3A_2967 = arith.mulf %get3A_2965, %mul3A_2966 : vector<16xf32>
      %add3A_2968 = arith.addf %add3A_2960, %mul3A_2967 : vector<16xf32>
      %slice3A_2969 = vector.extract_strided_slice %mul3A_2457 {offsets = [7], sizes = [1], strides = [1]} : vector<16xi32> to vector<1xi32>
      %squeeze3A_2970 = vector.extract %slice3A_2969[0] : i32 from vector<1xi32>
      %slice3A_2971 = vector.extract_strided_slice %mul3A_2464 {offsets = [7], sizes = [1], strides = [1]} : vector<16xi32> to vector<1xi32>
      %squeeze3A_2972 = vector.extract %slice3A_2971[0] : i32 from vector<1xi32>
      %slice3A_2973 = vector.extract_strided_slice %sub3A_2431 {offsets = [7], sizes = [1], strides = [1]} : vector<16xf32> to vector<1xf32>
      %squeeze3A_2974 = vector.extract %slice3A_2973[0] : f32 from vector<1xf32>
      %sub3A_2975 = arith.constant 1.000000e+00 : f32
      %sub3A_2976 = arith.subf %sub3A_2975, %squeeze3A_2974 : f32
      %add3A_2977 = arith.constant 0 : i32
      %add3A_2978 = arith.addi %squeeze3A_2970, %add3A_2977 : i32
      %get3A_2979 = arith.index_cast %add3A_2978 : i32 to index
      %get3A_2980 = tpu.vector_load %arg5[%get3A_2979] {strides = array<i32>} : memref<98304xf32, #tpu.memory_space<vmem>>, vector<16xf32>,
      %get3A_2981 = vector.shape_cast %get3A_2980 : vector<16xf32> to vector<16xf32>
      %mul3A_2982 = vector.broadcast %sub3A_2976 : f32 to vector<16xf32>
      %mul3A_2983 = arith.mulf %get3A_2981, %mul3A_2982 : vector<16xf32>
      %add3A_2984 = arith.addf %add3A_2920, %mul3A_2983 : vector<16xf32>
      %add3A_2985 = arith.constant 0 : i32
      %add3A_2986 = arith.addi %squeeze3A_2972, %add3A_2985 : i32
      %get3A_2987 = arith.index_cast %add3A_2986 : i32 to index
      %get3A_2988 = tpu.vector_load %arg5[%get3A_2987] {strides = array<i32>} : memref<98304xf32, #tpu.memory_space<vmem>>, vector<16xf32>,
      %get3A_2989 = vector.shape_cast %get3A_2988 : vector<16xf32> to vector<16xf32>
      %mul3A_2990 = vector.broadcast %squeeze3A_2974 : f32 to vector<16xf32>
      %mul3A_2991 = arith.mulf %get3A_2989, %mul3A_2990 : vector<16xf32>
      %add3A_2992 = arith.addf %add3A_2984, %mul3A_2991 : vector<16xf32>
      %add3A_2993 = arith.constant 16 : i32
      %add3A_2994 = arith.addi %squeeze3A_2970, %add3A_2993 : i32
      %get3A_2995 = arith.index_cast %add3A_2994 : i32 to index
      %get3A_2996 = tpu.vector_load %arg5[%get3A_2995] {strides = array<i32>} : memref<98304xf32, #tpu.memory_space<vmem>>, vector<16xf32>,
      %get3A_2997 = vector.shape_cast %get3A_2996 : vector<16xf32> to vector<16xf32>
      %mul3A_2998 = vector.broadcast %sub3A_2976 : f32 to vector<16xf32>
      %mul3A_2999 = arith.mulf %get3A_2997, %mul3A_2998 : vector<16xf32>
      %add3A_3000 = arith.addf %add3A_2936, %mul3A_2999 : vector<16xf32>
      %add3A_3001 = arith.constant 16 : i32
      %add3A_3002 = arith.addi %squeeze3A_2972, %add3A_3001 : i32
      %get3A_3003 = arith.index_cast %add3A_3002 : i32 to index
      %get3A_3004 = tpu.vector_load %arg5[%get3A_3003] {strides = array<i32>} : memref<98304xf32, #tpu.memory_space<vmem>>, vector<16xf32>,
      %get3A_3005 = vector.shape_cast %get3A_3004 : vector<16xf32> to vector<16xf32>
      %mul3A_3006 = vector.broadcast %squeeze3A_2974 : f32 to vector<16xf32>
      %mul3A_3007 = arith.mulf %get3A_3005, %mul3A_3006 : vector<16xf32>
      %add3A_3008 = arith.addf %add3A_3000, %mul3A_3007 : vector<16xf32>
      %add3A_3009 = arith.constant 32 : i32
      %add3A_3010 = arith.addi %squeeze3A_2970, %add3A_3009 : i32
      %get3A_3011 = arith.index_cast %add3A_3010 : i32 to index
      %get3A_3012 = tpu.vector_load %arg5[%get3A_3011] {strides = array<i32>} : memref<98304xf32, #tpu.memory_space<vmem>>, vector<16xf32>,
      %get3A_3013 = vector.shape_cast %get3A_3012 : vector<16xf32> to vector<16xf32>
      %mul3A_3014 = vector.broadcast %sub3A_2976 : f32 to vector<16xf32>
      %mul3A_3015 = arith.mulf %get3A_3013, %mul3A_3014 : vector<16xf32>
      %add3A_3016 = arith.addf %add3A_2952, %mul3A_3015 : vector<16xf32>
      %add3A_3017 = arith.constant 32 : i32
      %add3A_3018 = arith.addi %squeeze3A_2972, %add3A_3017 : i32
      %get3A_3019 = arith.index_cast %add3A_3018 : i32 to index
      %get3A_3020 = tpu.vector_load %arg5[%get3A_3019] {strides = array<i32>} : memref<98304xf32, #tpu.memory_space<vmem>>, vector<16xf32>,
      %get3A_3021 = vector.shape_cast %get3A_3020 : vector<16xf32> to vector<16xf32>
      %mul3A_3022 = vector.broadcast %squeeze3A_2974 : f32 to vector<16xf32>
      %mul3A_3023 = arith.mulf %get3A_3021, %mul3A_3022 : vector<16xf32>
      %add3A_3024 = arith.addf %add3A_3016, %mul3A_3023 : vector<16xf32>
      %add3A_3025 = arith.constant 48 : i32
      %add3A_3026 = arith.addi %squeeze3A_2970, %add3A_3025 : i32
      %get3A_3027 = arith.index_cast %add3A_3026 : i32 to index
      %get3A_3028 = tpu.vector_load %arg5[%get3A_3027] {strides = array<i32>} : memref<98304xf32, #tpu.memory_space<vmem>>, vector<16xf32>,
      %get3A_3029 = vector.shape_cast %get3A_3028 : vector<16xf32> to vector<16xf32>
      %mul3A_3030 = vector.broadcast %sub3A_2976 : f32 to vector<16xf32>
      %mul3A_3031 = arith.mulf %get3A_3029, %mul3A_3030 : vector<16xf32>
      %add3A_3032 = arith.addf %add3A_2968, %mul3A_3031 : vector<16xf32>
      %add3A_3033 = arith.constant 48 : i32
      %add3A_3034 = arith.addi %squeeze3A_2972, %add3A_3033 : i32
      %get3A_3035 = arith.index_cast %add3A_3034 : i32 to index
      %get3A_3036 = tpu.vector_load %arg5[%get3A_3035] {strides = array<i32>} : memref<98304xf32, #tpu.memory_space<vmem>>, vector<16xf32>,
      %get3A_3037 = vector.shape_cast %get3A_3036 : vector<16xf32> to vector<16xf32>
      %mul3A_3038 = vector.broadcast %squeeze3A_2974 : f32 to vector<16xf32>
      %mul3A_3039 = arith.mulf %get3A_3037, %mul3A_3038 : vector<16xf32>
      %add3A_3040 = arith.addf %add3A_3032, %mul3A_3039 : vector<16xf32>
      %slice3A_3041 = vector.extract_strided_slice %mul3A_2457 {offsets = [8], sizes = [1], strides = [1]} : vector<16xi32> to vector<1xi32>
      %squeeze3A_3042 = vector.extract %slice3A_3041[0] : i32 from vector<1xi32>
      %slice3A_3043 = vector.extract_strided_slice %mul3A_2464 {offsets = [8], sizes = [1], strides = [1]} : vector<16xi32> to vector<1xi32>
      %squeeze3A_3044 = vector.extract %slice3A_3043[0] : i32 from vector<1xi32>
      %slice3A_3045 = vector.extract_strided_slice %sub3A_2431 {offsets = [8], sizes = [1], strides = [1]} : vector<16xf32> to vector<1xf32>
      %squeeze3A_3046 = vector.extract %slice3A_3045[0] : f32 from vector<1xf32>
      %sub3A_3047 = arith.constant 1.000000e+00 : f32
      %sub3A_3048 = arith.subf %sub3A_3047, %squeeze3A_3046 : f32
      %add3A_3049 = arith.constant 0 : i32
      %add3A_3050 = arith.addi %squeeze3A_3042, %add3A_3049 : i32
      %get3A_3051 = arith.index_cast %add3A_3050 : i32 to index
      %get3A_3052 = tpu.vector_load %arg5[%get3A_3051] {strides = array<i32>} : memref<98304xf32, #tpu.memory_space<vmem>>, vector<16xf32>,
      %get3A_3053 = vector.shape_cast %get3A_3052 : vector<16xf32> to vector<16xf32>
      %mul3A_3054 = vector.broadcast %sub3A_3048 : f32 to vector<16xf32>
      %mul3A_3055 = arith.mulf %get3A_3053, %mul3A_3054 : vector<16xf32>
      %add3A_3056 = arith.addf %add3A_2992, %mul3A_3055 : vector<16xf32>
      %add3A_3057 = arith.constant 0 : i32
      %add3A_3058 = arith.addi %squeeze3A_3044, %add3A_3057 : i32
      %get3A_3059 = arith.index_cast %add3A_3058 : i32 to index
      %get3A_3060 = tpu.vector_load %arg5[%get3A_3059] {strides = array<i32>} : memref<98304xf32, #tpu.memory_space<vmem>>, vector<16xf32>,
      %get3A_3061 = vector.shape_cast %get3A_3060 : vector<16xf32> to vector<16xf32>
      %mul3A_3062 = vector.broadcast %squeeze3A_3046 : f32 to vector<16xf32>
      %mul3A_3063 = arith.mulf %get3A_3061, %mul3A_3062 : vector<16xf32>
      %add3A_3064 = arith.addf %add3A_3056, %mul3A_3063 : vector<16xf32>
      %add3A_3065 = arith.constant 16 : i32
      %add3A_3066 = arith.addi %squeeze3A_3042, %add3A_3065 : i32
      %get3A_3067 = arith.index_cast %add3A_3066 : i32 to index
      %get3A_3068 = tpu.vector_load %arg5[%get3A_3067] {strides = array<i32>} : memref<98304xf32, #tpu.memory_space<vmem>>, vector<16xf32>,
      %get3A_3069 = vector.shape_cast %get3A_3068 : vector<16xf32> to vector<16xf32>
      %mul3A_3070 = vector.broadcast %sub3A_3048 : f32 to vector<16xf32>
      %mul3A_3071 = arith.mulf %get3A_3069, %mul3A_3070 : vector<16xf32>
      %add3A_3072 = arith.addf %add3A_3008, %mul3A_3071 : vector<16xf32>
      %add3A_3073 = arith.constant 16 : i32
      %add3A_3074 = arith.addi %squeeze3A_3044, %add3A_3073 : i32
      %get3A_3075 = arith.index_cast %add3A_3074 : i32 to index
      %get3A_3076 = tpu.vector_load %arg5[%get3A_3075] {strides = array<i32>} : memref<98304xf32, #tpu.memory_space<vmem>>, vector<16xf32>,
      %get3A_3077 = vector.shape_cast %get3A_3076 : vector<16xf32> to vector<16xf32>
      %mul3A_3078 = vector.broadcast %squeeze3A_3046 : f32 to vector<16xf32>
      %mul3A_3079 = arith.mulf %get3A_3077, %mul3A_3078 : vector<16xf32>
      %add3A_3080 = arith.addf %add3A_3072, %mul3A_3079 : vector<16xf32>
      %add3A_3081 = arith.constant 32 : i32
      %add3A_3082 = arith.addi %squeeze3A_3042, %add3A_3081 : i32
      %get3A_3083 = arith.index_cast %add3A_3082 : i32 to index
      %get3A_3084 = tpu.vector_load %arg5[%get3A_3083] {strides = array<i32>} : memref<98304xf32, #tpu.memory_space<vmem>>, vector<16xf32>,
      %get3A_3085 = vector.shape_cast %get3A_3084 : vector<16xf32> to vector<16xf32>
      %mul3A_3086 = vector.broadcast %sub3A_3048 : f32 to vector<16xf32>
      %mul3A_3087 = arith.mulf %get3A_3085, %mul3A_3086 : vector<16xf32>
      %add3A_3088 = arith.addf %add3A_3024, %mul3A_3087 : vector<16xf32>
      %add3A_3089 = arith.constant 32 : i32
      %add3A_3090 = arith.addi %squeeze3A_3044, %add3A_3089 : i32
      %get3A_3091 = arith.index_cast %add3A_3090 : i32 to index
      %get3A_3092 = tpu.vector_load %arg5[%get3A_3091] {strides = array<i32>} : memref<98304xf32, #tpu.memory_space<vmem>>, vector<16xf32>,
      %get3A_3093 = vector.shape_cast %get3A_3092 : vector<16xf32> to vector<16xf32>
      %mul3A_3094 = vector.broadcast %squeeze3A_3046 : f32 to vector<16xf32>
      %mul3A_3095 = arith.mulf %get3A_3093, %mul3A_3094 : vector<16xf32>
      %add3A_3096 = arith.addf %add3A_3088, %mul3A_3095 : vector<16xf32>
      %add3A_3097 = arith.constant 48 : i32
      %add3A_3098 = arith.addi %squeeze3A_3042, %add3A_3097 : i32
      %get3A_3099 = arith.index_cast %add3A_3098 : i32 to index
      %get3A_3100 = tpu.vector_load %arg5[%get3A_3099] {strides = array<i32>} : memref<98304xf32, #tpu.memory_space<vmem>>, vector<16xf32>,
      %get3A_3101 = vector.shape_cast %get3A_3100 : vector<16xf32> to vector<16xf32>
      %mul3A_3102 = vector.broadcast %sub3A_3048 : f32 to vector<16xf32>
      %mul3A_3103 = arith.mulf %get3A_3101, %mul3A_3102 : vector<16xf32>
      %add3A_3104 = arith.addf %add3A_3040, %mul3A_3103 : vector<16xf32>
      %add3A_3105 = arith.constant 48 : i32
      %add3A_3106 = arith.addi %squeeze3A_3044, %add3A_3105 : i32
      %get3A_3107 = arith.index_cast %add3A_3106 : i32 to index
      %get3A_3108 = tpu.vector_load %arg5[%get3A_3107] {strides = array<i32>} : memref<98304xf32, #tpu.memory_space<vmem>>, vector<16xf32>,
      %get3A_3109 = vector.shape_cast %get3A_3108 : vector<16xf32> to vector<16xf32>
      %mul3A_3110 = vector.broadcast %squeeze3A_3046 : f32 to vector<16xf32>
      %mul3A_3111 = arith.mulf %get3A_3109, %mul3A_3110 : vector<16xf32>
      %add3A_3112 = arith.addf %add3A_3104, %mul3A_3111 : vector<16xf32>
      %slice3A_3113 = vector.extract_strided_slice %mul3A_2457 {offsets = [9], sizes = [1], strides = [1]} : vector<16xi32> to vector<1xi32>
      %squeeze3A_3114 = vector.extract %slice3A_3113[0] : i32 from vector<1xi32>
      %slice3A_3115 = vector.extract_strided_slice %mul3A_2464 {offsets = [9], sizes = [1], strides = [1]} : vector<16xi32> to vector<1xi32>
      %squeeze3A_3116 = vector.extract %slice3A_3115[0] : i32 from vector<1xi32>
      %slice3A_3117 = vector.extract_strided_slice %sub3A_2431 {offsets = [9], sizes = [1], strides = [1]} : vector<16xf32> to vector<1xf32>
      %squeeze3A_3118 = vector.extract %slice3A_3117[0] : f32 from vector<1xf32>
      %sub3A_3119 = arith.constant 1.000000e+00 : f32
      %sub3A_3120 = arith.subf %sub3A_3119, %squeeze3A_3118 : f32
      %add3A_3121 = arith.constant 0 : i32
      %add3A_3122 = arith.addi %squeeze3A_3114, %add3A_3121 : i32
      %get3A_3123 = arith.index_cast %add3A_3122 : i32 to index
      %get3A_3124 = tpu.vector_load %arg5[%get3A_3123] {strides = array<i32>} : memref<98304xf32, #tpu.memory_space<vmem>>, vector<16xf32>,
      %get3A_3125 = vector.shape_cast %get3A_3124 : vector<16xf32> to vector<16xf32>
      %mul3A_3126 = vector.broadcast %sub3A_3120 : f32 to vector<16xf32>
      %mul3A_3127 = arith.mulf %get3A_3125, %mul3A_3126 : vector<16xf32>
      %add3A_3128 = arith.addf %add3A_3064, %mul3A_3127 : vector<16xf32>
      %add3A_3129 = arith.constant 0 : i32
      %add3A_3130 = arith.addi %squeeze3A_3116, %add3A_3129 : i32
      %get3A_3131 = arith.index_cast %add3A_3130 : i32 to index
      %get3A_3132 = tpu.vector_load %arg5[%get3A_3131] {strides = array<i32>} : memref<98304xf32, #tpu.memory_space<vmem>>, vector<16xf32>,
      %get3A_3133 = vector.shape_cast %get3A_3132 : vector<16xf32> to vector<16xf32>
      %mul3A_3134 = vector.broadcast %squeeze3A_3118 : f32 to vector<16xf32>
      %mul3A_3135 = arith.mulf %get3A_3133, %mul3A_3134 : vector<16xf32>
      %add3A_3136 = arith.addf %add3A_3128, %mul3A_3135 : vector<16xf32>
      %add3A_3137 = arith.constant 16 : i32
      %add3A_3138 = arith.addi %squeeze3A_3114, %add3A_3137 : i32
      %get3A_3139 = arith.index_cast %add3A_3138 : i32 to index
      %get3A_3140 = tpu.vector_load %arg5[%get3A_3139] {strides = array<i32>} : memref<98304xf32, #tpu.memory_space<vmem>>, vector<16xf32>,
      %get3A_3141 = vector.shape_cast %get3A_3140 : vector<16xf32> to vector<16xf32>
      %mul3A_3142 = vector.broadcast %sub3A_3120 : f32 to vector<16xf32>
      %mul3A_3143 = arith.mulf %get3A_3141, %mul3A_3142 : vector<16xf32>
      %add3A_3144 = arith.addf %add3A_3080, %mul3A_3143 : vector<16xf32>
      %add3A_3145 = arith.constant 16 : i32
      %add3A_3146 = arith.addi %squeeze3A_3116, %add3A_3145 : i32
      %get3A_3147 = arith.index_cast %add3A_3146 : i32 to index
      %get3A_3148 = tpu.vector_load %arg5[%get3A_3147] {strides = array<i32>} : memref<98304xf32, #tpu.memory_space<vmem>>, vector<16xf32>,
      %get3A_3149 = vector.shape_cast %get3A_3148 : vector<16xf32> to vector<16xf32>
      %mul3A_3150 = vector.broadcast %squeeze3A_3118 : f32 to vector<16xf32>
      %mul3A_3151 = arith.mulf %get3A_3149, %mul3A_3150 : vector<16xf32>
      %add3A_3152 = arith.addf %add3A_3144, %mul3A_3151 : vector<16xf32>
      %add3A_3153 = arith.constant 32 : i32
      %add3A_3154 = arith.addi %squeeze3A_3114, %add3A_3153 : i32
      %get3A_3155 = arith.index_cast %add3A_3154 : i32 to index
      %get3A_3156 = tpu.vector_load %arg5[%get3A_3155] {strides = array<i32>} : memref<98304xf32, #tpu.memory_space<vmem>>, vector<16xf32>,
      %get3A_3157 = vector.shape_cast %get3A_3156 : vector<16xf32> to vector<16xf32>
      %mul3A_3158 = vector.broadcast %sub3A_3120 : f32 to vector<16xf32>
      %mul3A_3159 = arith.mulf %get3A_3157, %mul3A_3158 : vector<16xf32>
      %add3A_3160 = arith.addf %add3A_3096, %mul3A_3159 : vector<16xf32>
      %add3A_3161 = arith.constant 32 : i32
      %add3A_3162 = arith.addi %squeeze3A_3116, %add3A_3161 : i32
      %get3A_3163 = arith.index_cast %add3A_3162 : i32 to index
      %get3A_3164 = tpu.vector_load %arg5[%get3A_3163] {strides = array<i32>} : memref<98304xf32, #tpu.memory_space<vmem>>, vector<16xf32>,
      %get3A_3165 = vector.shape_cast %get3A_3164 : vector<16xf32> to vector<16xf32>
      %mul3A_3166 = vector.broadcast %squeeze3A_3118 : f32 to vector<16xf32>
      %mul3A_3167 = arith.mulf %get3A_3165, %mul3A_3166 : vector<16xf32>
      %add3A_3168 = arith.addf %add3A_3160, %mul3A_3167 : vector<16xf32>
      %add3A_3169 = arith.constant 48 : i32
      %add3A_3170 = arith.addi %squeeze3A_3114, %add3A_3169 : i32
      %get3A_3171 = arith.index_cast %add3A_3170 : i32 to index
      %get3A_3172 = tpu.vector_load %arg5[%get3A_3171] {strides = array<i32>} : memref<98304xf32, #tpu.memory_space<vmem>>, vector<16xf32>,
      %get3A_3173 = vector.shape_cast %get3A_3172 : vector<16xf32> to vector<16xf32>
      %mul3A_3174 = vector.broadcast %sub3A_3120 : f32 to vector<16xf32>
      %mul3A_3175 = arith.mulf %get3A_3173, %mul3A_3174 : vector<16xf32>
      %add3A_3176 = arith.addf %add3A_3112, %mul3A_3175 : vector<16xf32>
      %add3A_3177 = arith.constant 48 : i32
      %add3A_3178 = arith.addi %squeeze3A_3116, %add3A_3177 : i32
      %get3A_3179 = arith.index_cast %add3A_3178 : i32 to index
      %get3A_3180 = tpu.vector_load %arg5[%get3A_3179] {strides = array<i32>} : memref<98304xf32, #tpu.memory_space<vmem>>, vector<16xf32>,
      %get3A_3181 = vector.shape_cast %get3A_3180 : vector<16xf32> to vector<16xf32>
      %mul3A_3182 = vector.broadcast %squeeze3A_3118 : f32 to vector<16xf32>
      %mul3A_3183 = arith.mulf %get3A_3181, %mul3A_3182 : vector<16xf32>
      %add3A_3184 = arith.addf %add3A_3176, %mul3A_3183 : vector<16xf32>
      %slice3A_3185 = vector.extract_strided_slice %mul3A_2457 {offsets = [10], sizes = [1], strides = [1]} : vector<16xi32> to vector<1xi32>
      %squeeze3A_3186 = vector.extract %slice3A_3185[0] : i32 from vector<1xi32>
      %slice3A_3187 = vector.extract_strided_slice %mul3A_2464 {offsets = [10], sizes = [1], strides = [1]} : vector<16xi32> to vector<1xi32>
      %squeeze3A_3188 = vector.extract %slice3A_3187[0] : i32 from vector<1xi32>
      %slice3A_3189 = vector.extract_strided_slice %sub3A_2431 {offsets = [10], sizes = [1], strides = [1]} : vector<16xf32> to vector<1xf32>
      %squeeze3A_3190 = vector.extract %slice3A_3189[0] : f32 from vector<1xf32>
      %sub3A_3191 = arith.constant 1.000000e+00 : f32
      %sub3A_3192 = arith.subf %sub3A_3191, %squeeze3A_3190 : f32
      %add3A_3193 = arith.constant 0 : i32
      %add3A_3194 = arith.addi %squeeze3A_3186, %add3A_3193 : i32
      %get3A_3195 = arith.index_cast %add3A_3194 : i32 to index
      %get3A_3196 = tpu.vector_load %arg5[%get3A_3195] {strides = array<i32>} : memref<98304xf32, #tpu.memory_space<vmem>>, vector<16xf32>,
      %get3A_3197 = vector.shape_cast %get3A_3196 : vector<16xf32> to vector<16xf32>
      %mul3A_3198 = vector.broadcast %sub3A_3192 : f32 to vector<16xf32>
      %mul3A_3199 = arith.mulf %get3A_3197, %mul3A_3198 : vector<16xf32>
      %add3A_3200 = arith.addf %add3A_3136, %mul3A_3199 : vector<16xf32>
      %add3A_3201 = arith.constant 0 : i32
      %add3A_3202 = arith.addi %squeeze3A_3188, %add3A_3201 : i32
      %get3A_3203 = arith.index_cast %add3A_3202 : i32 to index
      %get3A_3204 = tpu.vector_load %arg5[%get3A_3203] {strides = array<i32>} : memref<98304xf32, #tpu.memory_space<vmem>>, vector<16xf32>,
      %get3A_3205 = vector.shape_cast %get3A_3204 : vector<16xf32> to vector<16xf32>
      %mul3A_3206 = vector.broadcast %squeeze3A_3190 : f32 to vector<16xf32>
      %mul3A_3207 = arith.mulf %get3A_3205, %mul3A_3206 : vector<16xf32>
      %add3A_3208 = arith.addf %add3A_3200, %mul3A_3207 : vector<16xf32>
      %add3A_3209 = arith.constant 16 : i32
      %add3A_3210 = arith.addi %squeeze3A_3186, %add3A_3209 : i32
      %get3A_3211 = arith.index_cast %add3A_3210 : i32 to index
      %get3A_3212 = tpu.vector_load %arg5[%get3A_3211] {strides = array<i32>} : memref<98304xf32, #tpu.memory_space<vmem>>, vector<16xf32>,
      %get3A_3213 = vector.shape_cast %get3A_3212 : vector<16xf32> to vector<16xf32>
      %mul3A_3214 = vector.broadcast %sub3A_3192 : f32 to vector<16xf32>
      %mul3A_3215 = arith.mulf %get3A_3213, %mul3A_3214 : vector<16xf32>
      %add3A_3216 = arith.addf %add3A_3152, %mul3A_3215 : vector<16xf32>
      %add3A_3217 = arith.constant 16 : i32
      %add3A_3218 = arith.addi %squeeze3A_3188, %add3A_3217 : i32
      %get3A_3219 = arith.index_cast %add3A_3218 : i32 to index
      %get3A_3220 = tpu.vector_load %arg5[%get3A_3219] {strides = array<i32>} : memref<98304xf32, #tpu.memory_space<vmem>>, vector<16xf32>,
      %get3A_3221 = vector.shape_cast %get3A_3220 : vector<16xf32> to vector<16xf32>
      %mul3A_3222 = vector.broadcast %squeeze3A_3190 : f32 to vector<16xf32>
      %mul3A_3223 = arith.mulf %get3A_3221, %mul3A_3222 : vector<16xf32>
      %add3A_3224 = arith.addf %add3A_3216, %mul3A_3223 : vector<16xf32>
      %add3A_3225 = arith.constant 32 : i32
      %add3A_3226 = arith.addi %squeeze3A_3186, %add3A_3225 : i32
      %get3A_3227 = arith.index_cast %add3A_3226 : i32 to index
      %get3A_3228 = tpu.vector_load %arg5[%get3A_3227] {strides = array<i32>} : memref<98304xf32, #tpu.memory_space<vmem>>, vector<16xf32>,
      %get3A_3229 = vector.shape_cast %get3A_3228 : vector<16xf32> to vector<16xf32>
      %mul3A_3230 = vector.broadcast %sub3A_3192 : f32 to vector<16xf32>
      %mul3A_3231 = arith.mulf %get3A_3229, %mul3A_3230 : vector<16xf32>
      %add3A_3232 = arith.addf %add3A_3168, %mul3A_3231 : vector<16xf32>
      %add3A_3233 = arith.constant 32 : i32
      %add3A_3234 = arith.addi %squeeze3A_3188, %add3A_3233 : i32
      %get3A_3235 = arith.index_cast %add3A_3234 : i32 to index
      %get3A_3236 = tpu.vector_load %arg5[%get3A_3235] {strides = array<i32>} : memref<98304xf32, #tpu.memory_space<vmem>>, vector<16xf32>,
      %get3A_3237 = vector.shape_cast %get3A_3236 : vector<16xf32> to vector<16xf32>
      %mul3A_3238 = vector.broadcast %squeeze3A_3190 : f32 to vector<16xf32>
      %mul3A_3239 = arith.mulf %get3A_3237, %mul3A_3238 : vector<16xf32>
      %add3A_3240 = arith.addf %add3A_3232, %mul3A_3239 : vector<16xf32>
      %add3A_3241 = arith.constant 48 : i32
      %add3A_3242 = arith.addi %squeeze3A_3186, %add3A_3241 : i32
      %get3A_3243 = arith.index_cast %add3A_3242 : i32 to index
      %get3A_3244 = tpu.vector_load %arg5[%get3A_3243] {strides = array<i32>} : memref<98304xf32, #tpu.memory_space<vmem>>, vector<16xf32>,
      %get3A_3245 = vector.shape_cast %get3A_3244 : vector<16xf32> to vector<16xf32>
      %mul3A_3246 = vector.broadcast %sub3A_3192 : f32 to vector<16xf32>
      %mul3A_3247 = arith.mulf %get3A_3245, %mul3A_3246 : vector<16xf32>
      %add3A_3248 = arith.addf %add3A_3184, %mul3A_3247 : vector<16xf32>
      %add3A_3249 = arith.constant 48 : i32
      %add3A_3250 = arith.addi %squeeze3A_3188, %add3A_3249 : i32
      %get3A_3251 = arith.index_cast %add3A_3250 : i32 to index
      %get3A_3252 = tpu.vector_load %arg5[%get3A_3251] {strides = array<i32>} : memref<98304xf32, #tpu.memory_space<vmem>>, vector<16xf32>,
      %get3A_3253 = vector.shape_cast %get3A_3252 : vector<16xf32> to vector<16xf32>
      %mul3A_3254 = vector.broadcast %squeeze3A_3190 : f32 to vector<16xf32>
      %mul3A_3255 = arith.mulf %get3A_3253, %mul3A_3254 : vector<16xf32>
      %add3A_3256 = arith.addf %add3A_3248, %mul3A_3255 : vector<16xf32>
      %slice3A_3257 = vector.extract_strided_slice %mul3A_2457 {offsets = [11], sizes = [1], strides = [1]} : vector<16xi32> to vector<1xi32>
      %squeeze3A_3258 = vector.extract %slice3A_3257[0] : i32 from vector<1xi32>
      %slice3A_3259 = vector.extract_strided_slice %mul3A_2464 {offsets = [11], sizes = [1], strides = [1]} : vector<16xi32> to vector<1xi32>
      %squeeze3A_3260 = vector.extract %slice3A_3259[0] : i32 from vector<1xi32>
      %slice3A_3261 = vector.extract_strided_slice %sub3A_2431 {offsets = [11], sizes = [1], strides = [1]} : vector<16xf32> to vector<1xf32>
      %squeeze3A_3262 = vector.extract %slice3A_3261[0] : f32 from vector<1xf32>
      %sub3A_3263 = arith.constant 1.000000e+00 : f32
      %sub3A_3264 = arith.subf %sub3A_3263, %squeeze3A_3262 : f32
      %add3A_3265 = arith.constant 0 : i32
      %add3A_3266 = arith.addi %squeeze3A_3258, %add3A_3265 : i32
      %get3A_3267 = arith.index_cast %add3A_3266 : i32 to index
      %get3A_3268 = tpu.vector_load %arg5[%get3A_3267] {strides = array<i32>} : memref<98304xf32, #tpu.memory_space<vmem>>, vector<16xf32>,
      %get3A_3269 = vector.shape_cast %get3A_3268 : vector<16xf32> to vector<16xf32>
      %mul3A_3270 = vector.broadcast %sub3A_3264 : f32 to vector<16xf32>
      %mul3A_3271 = arith.mulf %get3A_3269, %mul3A_3270 : vector<16xf32>
      %add3A_3272 = arith.addf %add3A_3208, %mul3A_3271 : vector<16xf32>
      %add3A_3273 = arith.constant 0 : i32
      %add3A_3274 = arith.addi %squeeze3A_3260, %add3A_3273 : i32
      %get3A_3275 = arith.index_cast %add3A_3274 : i32 to index
      %get3A_3276 = tpu.vector_load %arg5[%get3A_3275] {strides = array<i32>} : memref<98304xf32, #tpu.memory_space<vmem>>, vector<16xf32>,
      %get3A_3277 = vector.shape_cast %get3A_3276 : vector<16xf32> to vector<16xf32>
      %mul3A_3278 = vector.broadcast %squeeze3A_3262 : f32 to vector<16xf32>
      %mul3A_3279 = arith.mulf %get3A_3277, %mul3A_3278 : vector<16xf32>
      %add3A_3280 = arith.addf %add3A_3272, %mul3A_3279 : vector<16xf32>
      %add3A_3281 = arith.constant 16 : i32
      %add3A_3282 = arith.addi %squeeze3A_3258, %add3A_3281 : i32
      %get3A_3283 = arith.index_cast %add3A_3282 : i32 to index
      %get3A_3284 = tpu.vector_load %arg5[%get3A_3283] {strides = array<i32>} : memref<98304xf32, #tpu.memory_space<vmem>>, vector<16xf32>,
      %get3A_3285 = vector.shape_cast %get3A_3284 : vector<16xf32> to vector<16xf32>
      %mul3A_3286 = vector.broadcast %sub3A_3264 : f32 to vector<16xf32>
      %mul3A_3287 = arith.mulf %get3A_3285, %mul3A_3286 : vector<16xf32>
      %add3A_3288 = arith.addf %add3A_3224, %mul3A_3287 : vector<16xf32>
      %add3A_3289 = arith.constant 16 : i32
      %add3A_3290 = arith.addi %squeeze3A_3260, %add3A_3289 : i32
      %get3A_3291 = arith.index_cast %add3A_3290 : i32 to index
      %get3A_3292 = tpu.vector_load %arg5[%get3A_3291] {strides = array<i32>} : memref<98304xf32, #tpu.memory_space<vmem>>, vector<16xf32>,
      %get3A_3293 = vector.shape_cast %get3A_3292 : vector<16xf32> to vector<16xf32>
      %mul3A_3294 = vector.broadcast %squeeze3A_3262 : f32 to vector<16xf32>
      %mul3A_3295 = arith.mulf %get3A_3293, %mul3A_3294 : vector<16xf32>
      %add3A_3296 = arith.addf %add3A_3288, %mul3A_3295 : vector<16xf32>
      %add3A_3297 = arith.constant 32 : i32
      %add3A_3298 = arith.addi %squeeze3A_3258, %add3A_3297 : i32
      %get3A_3299 = arith.index_cast %add3A_3298 : i32 to index
      %get3A_3300 = tpu.vector_load %arg5[%get3A_3299] {strides = array<i32>} : memref<98304xf32, #tpu.memory_space<vmem>>, vector<16xf32>,
      %get3A_3301 = vector.shape_cast %get3A_3300 : vector<16xf32> to vector<16xf32>
      %mul3A_3302 = vector.broadcast %sub3A_3264 : f32 to vector<16xf32>
      %mul3A_3303 = arith.mulf %get3A_3301, %mul3A_3302 : vector<16xf32>
      %add3A_3304 = arith.addf %add3A_3240, %mul3A_3303 : vector<16xf32>
      %add3A_3305 = arith.constant 32 : i32
      %add3A_3306 = arith.addi %squeeze3A_3260, %add3A_3305 : i32
      %get3A_3307 = arith.index_cast %add3A_3306 : i32 to index
      %get3A_3308 = tpu.vector_load %arg5[%get3A_3307] {strides = array<i32>} : memref<98304xf32, #tpu.memory_space<vmem>>, vector<16xf32>,
      %get3A_3309 = vector.shape_cast %get3A_3308 : vector<16xf32> to vector<16xf32>
      %mul3A_3310 = vector.broadcast %squeeze3A_3262 : f32 to vector<16xf32>
      %mul3A_3311 = arith.mulf %get3A_3309, %mul3A_3310 : vector<16xf32>
      %add3A_3312 = arith.addf %add3A_3304, %mul3A_3311 : vector<16xf32>
      %add3A_3313 = arith.constant 48 : i32
      %add3A_3314 = arith.addi %squeeze3A_3258, %add3A_3313 : i32
      %get3A_3315 = arith.index_cast %add3A_3314 : i32 to index
      %get3A_3316 = tpu.vector_load %arg5[%get3A_3315] {strides = array<i32>} : memref<98304xf32, #tpu.memory_space<vmem>>, vector<16xf32>,
      %get3A_3317 = vector.shape_cast %get3A_3316 : vector<16xf32> to vector<16xf32>
      %mul3A_3318 = vector.broadcast %sub3A_3264 : f32 to vector<16xf32>
      %mul3A_3319 = arith.mulf %get3A_3317, %mul3A_3318 : vector<16xf32>
      %add3A_3320 = arith.addf %add3A_3256, %mul3A_3319 : vector<16xf32>
      %add3A_3321 = arith.constant 48 : i32
      %add3A_3322 = arith.addi %squeeze3A_3260, %add3A_3321 : i32
      %get3A_3323 = arith.index_cast %add3A_3322 : i32 to index
      %get3A_3324 = tpu.vector_load %arg5[%get3A_3323] {strides = array<i32>} : memref<98304xf32, #tpu.memory_space<vmem>>, vector<16xf32>,
      %get3A_3325 = vector.shape_cast %get3A_3324 : vector<16xf32> to vector<16xf32>
      %mul3A_3326 = vector.broadcast %squeeze3A_3262 : f32 to vector<16xf32>
      %mul3A_3327 = arith.mulf %get3A_3325, %mul3A_3326 : vector<16xf32>
      %add3A_3328 = arith.addf %add3A_3320, %mul3A_3327 : vector<16xf32>
      %slice3A_3329 = vector.extract_strided_slice %mul3A_2457 {offsets = [12], sizes = [1], strides = [1]} : vector<16xi32> to vector<1xi32>
      %squeeze3A_3330 = vector.extract %slice3A_3329[0] : i32 from vector<1xi32>
      %slice3A_3331 = vector.extract_strided_slice %mul3A_2464 {offsets = [12], sizes = [1], strides = [1]} : vector<16xi32> to vector<1xi32>
      %squeeze3A_3332 = vector.extract %slice3A_3331[0] : i32 from vector<1xi32>
      %slice3A_3333 = vector.extract_strided_slice %sub3A_2431 {offsets = [12], sizes = [1], strides = [1]} : vector<16xf32> to vector<1xf32>
      %squeeze3A_3334 = vector.extract %slice3A_3333[0] : f32 from vector<1xf32>
      %sub3A_3335 = arith.constant 1.000000e+00 : f32
      %sub3A_3336 = arith.subf %sub3A_3335, %squeeze3A_3334 : f32
      %add3A_3337 = arith.constant 0 : i32
      %add3A_3338 = arith.addi %squeeze3A_3330, %add3A_3337 : i32
      %get3A_3339 = arith.index_cast %add3A_3338 : i32 to index
      %get3A_3340 = tpu.vector_load %arg5[%get3A_3339] {strides = array<i32>} : memref<98304xf32, #tpu.memory_space<vmem>>, vector<16xf32>,
      %get3A_3341 = vector.shape_cast %get3A_3340 : vector<16xf32> to vector<16xf32>
      %mul3A_3342 = vector.broadcast %sub3A_3336 : f32 to vector<16xf32>
      %mul3A_3343 = arith.mulf %get3A_3341, %mul3A_3342 : vector<16xf32>
      %add3A_3344 = arith.addf %add3A_3280, %mul3A_3343 : vector<16xf32>
      %add3A_3345 = arith.constant 0 : i32
      %add3A_3346 = arith.addi %squeeze3A_3332, %add3A_3345 : i32
      %get3A_3347 = arith.index_cast %add3A_3346 : i32 to index
      %get3A_3348 = tpu.vector_load %arg5[%get3A_3347] {strides = array<i32>} : memref<98304xf32, #tpu.memory_space<vmem>>, vector<16xf32>,
      %get3A_3349 = vector.shape_cast %get3A_3348 : vector<16xf32> to vector<16xf32>
      %mul3A_3350 = vector.broadcast %squeeze3A_3334 : f32 to vector<16xf32>
      %mul3A_3351 = arith.mulf %get3A_3349, %mul3A_3350 : vector<16xf32>
      %add3A_3352 = arith.addf %add3A_3344, %mul3A_3351 : vector<16xf32>
      %add3A_3353 = arith.constant 16 : i32
      %add3A_3354 = arith.addi %squeeze3A_3330, %add3A_3353 : i32
      %get3A_3355 = arith.index_cast %add3A_3354 : i32 to index
      %get3A_3356 = tpu.vector_load %arg5[%get3A_3355] {strides = array<i32>} : memref<98304xf32, #tpu.memory_space<vmem>>, vector<16xf32>,
      %get3A_3357 = vector.shape_cast %get3A_3356 : vector<16xf32> to vector<16xf32>
      %mul3A_3358 = vector.broadcast %sub3A_3336 : f32 to vector<16xf32>
      %mul3A_3359 = arith.mulf %get3A_3357, %mul3A_3358 : vector<16xf32>
      %add3A_3360 = arith.addf %add3A_3296, %mul3A_3359 : vector<16xf32>
      %add3A_3361 = arith.constant 16 : i32
      %add3A_3362 = arith.addi %squeeze3A_3332, %add3A_3361 : i32
      %get3A_3363 = arith.index_cast %add3A_3362 : i32 to index
      %get3A_3364 = tpu.vector_load %arg5[%get3A_3363] {strides = array<i32>} : memref<98304xf32, #tpu.memory_space<vmem>>, vector<16xf32>,
      %get3A_3365 = vector.shape_cast %get3A_3364 : vector<16xf32> to vector<16xf32>
      %mul3A_3366 = vector.broadcast %squeeze3A_3334 : f32 to vector<16xf32>
      %mul3A_3367 = arith.mulf %get3A_3365, %mul3A_3366 : vector<16xf32>
      %add3A_3368 = arith.addf %add3A_3360, %mul3A_3367 : vector<16xf32>
      %add3A_3369 = arith.constant 32 : i32
      %add3A_3370 = arith.addi %squeeze3A_3330, %add3A_3369 : i32
      %get3A_3371 = arith.index_cast %add3A_3370 : i32 to index
      %get3A_3372 = tpu.vector_load %arg5[%get3A_3371] {strides = array<i32>} : memref<98304xf32, #tpu.memory_space<vmem>>, vector<16xf32>,
      %get3A_3373 = vector.shape_cast %get3A_3372 : vector<16xf32> to vector<16xf32>
      %mul3A_3374 = vector.broadcast %sub3A_3336 : f32 to vector<16xf32>
      %mul3A_3375 = arith.mulf %get3A_3373, %mul3A_3374 : vector<16xf32>
      %add3A_3376 = arith.addf %add3A_3312, %mul3A_3375 : vector<16xf32>
      %add3A_3377 = arith.constant 32 : i32
      %add3A_3378 = arith.addi %squeeze3A_3332, %add3A_3377 : i32
      %get3A_3379 = arith.index_cast %add3A_3378 : i32 to index
      %get3A_3380 = tpu.vector_load %arg5[%get3A_3379] {strides = array<i32>} : memref<98304xf32, #tpu.memory_space<vmem>>, vector<16xf32>,
      %get3A_3381 = vector.shape_cast %get3A_3380 : vector<16xf32> to vector<16xf32>
      %mul3A_3382 = vector.broadcast %squeeze3A_3334 : f32 to vector<16xf32>
      %mul3A_3383 = arith.mulf %get3A_3381, %mul3A_3382 : vector<16xf32>
      %add3A_3384 = arith.addf %add3A_3376, %mul3A_3383 : vector<16xf32>
      %add3A_3385 = arith.constant 48 : i32
      %add3A_3386 = arith.addi %squeeze3A_3330, %add3A_3385 : i32
      %get3A_3387 = arith.index_cast %add3A_3386 : i32 to index
      %get3A_3388 = tpu.vector_load %arg5[%get3A_3387] {strides = array<i32>} : memref<98304xf32, #tpu.memory_space<vmem>>, vector<16xf32>,
      %get3A_3389 = vector.shape_cast %get3A_3388 : vector<16xf32> to vector<16xf32>
      %mul3A_3390 = vector.broadcast %sub3A_3336 : f32 to vector<16xf32>
      %mul3A_3391 = arith.mulf %get3A_3389, %mul3A_3390 : vector<16xf32>
      %add3A_3392 = arith.addf %add3A_3328, %mul3A_3391 : vector<16xf32>
      %add3A_3393 = arith.constant 48 : i32
      %add3A_3394 = arith.addi %squeeze3A_3332, %add3A_3393 : i32
      %get3A_3395 = arith.index_cast %add3A_3394 : i32 to index
      %get3A_3396 = tpu.vector_load %arg5[%get3A_3395] {strides = array<i32>} : memref<98304xf32, #tpu.memory_space<vmem>>, vector<16xf32>,
      %get3A_3397 = vector.shape_cast %get3A_3396 : vector<16xf32> to vector<16xf32>
      %mul3A_3398 = vector.broadcast %squeeze3A_3334 : f32 to vector<16xf32>
      %mul3A_3399 = arith.mulf %get3A_3397, %mul3A_3398 : vector<16xf32>
      %add3A_3400 = arith.addf %add3A_3392, %mul3A_3399 : vector<16xf32>
      %slice3A_3401 = vector.extract_strided_slice %mul3A_2457 {offsets = [13], sizes = [1], strides = [1]} : vector<16xi32> to vector<1xi32>
      %squeeze3A_3402 = vector.extract %slice3A_3401[0] : i32 from vector<1xi32>
      %slice3A_3403 = vector.extract_strided_slice %mul3A_2464 {offsets = [13], sizes = [1], strides = [1]} : vector<16xi32> to vector<1xi32>
      %squeeze3A_3404 = vector.extract %slice3A_3403[0] : i32 from vector<1xi32>
      %slice3A_3405 = vector.extract_strided_slice %sub3A_2431 {offsets = [13], sizes = [1], strides = [1]} : vector<16xf32> to vector<1xf32>
      %squeeze3A_3406 = vector.extract %slice3A_3405[0] : f32 from vector<1xf32>
      %sub3A_3407 = arith.constant 1.000000e+00 : f32
      %sub3A_3408 = arith.subf %sub3A_3407, %squeeze3A_3406 : f32
      %add3A_3409 = arith.constant 0 : i32
      %add3A_3410 = arith.addi %squeeze3A_3402, %add3A_3409 : i32
      %get3A_3411 = arith.index_cast %add3A_3410 : i32 to index
      %get3A_3412 = tpu.vector_load %arg5[%get3A_3411] {strides = array<i32>} : memref<98304xf32, #tpu.memory_space<vmem>>, vector<16xf32>,
      %get3A_3413 = vector.shape_cast %get3A_3412 : vector<16xf32> to vector<16xf32>
      %mul3A_3414 = vector.broadcast %sub3A_3408 : f32 to vector<16xf32>
      %mul3A_3415 = arith.mulf %get3A_3413, %mul3A_3414 : vector<16xf32>
      %add3A_3416 = arith.addf %add3A_3352, %mul3A_3415 : vector<16xf32>
      %add3A_3417 = arith.constant 0 : i32
      %add3A_3418 = arith.addi %squeeze3A_3404, %add3A_3417 : i32
      %get3A_3419 = arith.index_cast %add3A_3418 : i32 to index
      %get3A_3420 = tpu.vector_load %arg5[%get3A_3419] {strides = array<i32>} : memref<98304xf32, #tpu.memory_space<vmem>>, vector<16xf32>,
      %get3A_3421 = vector.shape_cast %get3A_3420 : vector<16xf32> to vector<16xf32>
      %mul3A_3422 = vector.broadcast %squeeze3A_3406 : f32 to vector<16xf32>
      %mul3A_3423 = arith.mulf %get3A_3421, %mul3A_3422 : vector<16xf32>
      %add3A_3424 = arith.addf %add3A_3416, %mul3A_3423 : vector<16xf32>
      %add3A_3425 = arith.constant 16 : i32
      %add3A_3426 = arith.addi %squeeze3A_3402, %add3A_3425 : i32
      %get3A_3427 = arith.index_cast %add3A_3426 : i32 to index
      %get3A_3428 = tpu.vector_load %arg5[%get3A_3427] {strides = array<i32>} : memref<98304xf32, #tpu.memory_space<vmem>>, vector<16xf32>,
      %get3A_3429 = vector.shape_cast %get3A_3428 : vector<16xf32> to vector<16xf32>
      %mul3A_3430 = vector.broadcast %sub3A_3408 : f32 to vector<16xf32>
      %mul3A_3431 = arith.mulf %get3A_3429, %mul3A_3430 : vector<16xf32>
      %add3A_3432 = arith.addf %add3A_3368, %mul3A_3431 : vector<16xf32>
      %add3A_3433 = arith.constant 16 : i32
      %add3A_3434 = arith.addi %squeeze3A_3404, %add3A_3433 : i32
      %get3A_3435 = arith.index_cast %add3A_3434 : i32 to index
      %get3A_3436 = tpu.vector_load %arg5[%get3A_3435] {strides = array<i32>} : memref<98304xf32, #tpu.memory_space<vmem>>, vector<16xf32>,
      %get3A_3437 = vector.shape_cast %get3A_3436 : vector<16xf32> to vector<16xf32>
      %mul3A_3438 = vector.broadcast %squeeze3A_3406 : f32 to vector<16xf32>
      %mul3A_3439 = arith.mulf %get3A_3437, %mul3A_3438 : vector<16xf32>
      %add3A_3440 = arith.addf %add3A_3432, %mul3A_3439 : vector<16xf32>
      %add3A_3441 = arith.constant 32 : i32
      %add3A_3442 = arith.addi %squeeze3A_3402, %add3A_3441 : i32
      %get3A_3443 = arith.index_cast %add3A_3442 : i32 to index
      %get3A_3444 = tpu.vector_load %arg5[%get3A_3443] {strides = array<i32>} : memref<98304xf32, #tpu.memory_space<vmem>>, vector<16xf32>,
      %get3A_3445 = vector.shape_cast %get3A_3444 : vector<16xf32> to vector<16xf32>
      %mul3A_3446 = vector.broadcast %sub3A_3408 : f32 to vector<16xf32>
      %mul3A_3447 = arith.mulf %get3A_3445, %mul3A_3446 : vector<16xf32>
      %add3A_3448 = arith.addf %add3A_3384, %mul3A_3447 : vector<16xf32>
      %add3A_3449 = arith.constant 32 : i32
      %add3A_3450 = arith.addi %squeeze3A_3404, %add3A_3449 : i32
      %get3A_3451 = arith.index_cast %add3A_3450 : i32 to index
      %get3A_3452 = tpu.vector_load %arg5[%get3A_3451] {strides = array<i32>} : memref<98304xf32, #tpu.memory_space<vmem>>, vector<16xf32>,
      %get3A_3453 = vector.shape_cast %get3A_3452 : vector<16xf32> to vector<16xf32>
      %mul3A_3454 = vector.broadcast %squeeze3A_3406 : f32 to vector<16xf32>
      %mul3A_3455 = arith.mulf %get3A_3453, %mul3A_3454 : vector<16xf32>
      %add3A_3456 = arith.addf %add3A_3448, %mul3A_3455 : vector<16xf32>
      %add3A_3457 = arith.constant 48 : i32
      %add3A_3458 = arith.addi %squeeze3A_3402, %add3A_3457 : i32
      %get3A_3459 = arith.index_cast %add3A_3458 : i32 to index
      %get3A_3460 = tpu.vector_load %arg5[%get3A_3459] {strides = array<i32>} : memref<98304xf32, #tpu.memory_space<vmem>>, vector<16xf32>,
      %get3A_3461 = vector.shape_cast %get3A_3460 : vector<16xf32> to vector<16xf32>
      %mul3A_3462 = vector.broadcast %sub3A_3408 : f32 to vector<16xf32>
      %mul3A_3463 = arith.mulf %get3A_3461, %mul3A_3462 : vector<16xf32>
      %add3A_3464 = arith.addf %add3A_3400, %mul3A_3463 : vector<16xf32>
      %add3A_3465 = arith.constant 48 : i32
      %add3A_3466 = arith.addi %squeeze3A_3404, %add3A_3465 : i32
      %get3A_3467 = arith.index_cast %add3A_3466 : i32 to index
      %get3A_3468 = tpu.vector_load %arg5[%get3A_3467] {strides = array<i32>} : memref<98304xf32, #tpu.memory_space<vmem>>, vector<16xf32>,
      %get3A_3469 = vector.shape_cast %get3A_3468 : vector<16xf32> to vector<16xf32>
      %mul3A_3470 = vector.broadcast %squeeze3A_3406 : f32 to vector<16xf32>
      %mul3A_3471 = arith.mulf %get3A_3469, %mul3A_3470 : vector<16xf32>
      %add3A_3472 = arith.addf %add3A_3464, %mul3A_3471 : vector<16xf32>
      %slice3A_3473 = vector.extract_strided_slice %mul3A_2457 {offsets = [14], sizes = [1], strides = [1]} : vector<16xi32> to vector<1xi32>
      %squeeze3A_3474 = vector.extract %slice3A_3473[0] : i32 from vector<1xi32>
      %slice3A_3475 = vector.extract_strided_slice %mul3A_2464 {offsets = [14], sizes = [1], strides = [1]} : vector<16xi32> to vector<1xi32>
      %squeeze3A_3476 = vector.extract %slice3A_3475[0] : i32 from vector<1xi32>
      %slice3A_3477 = vector.extract_strided_slice %sub3A_2431 {offsets = [14], sizes = [1], strides = [1]} : vector<16xf32> to vector<1xf32>
      %squeeze3A_3478 = vector.extract %slice3A_3477[0] : f32 from vector<1xf32>
      %sub3A_3479 = arith.constant 1.000000e+00 : f32
      %sub3A_3480 = arith.subf %sub3A_3479, %squeeze3A_3478 : f32
      %add3A_3481 = arith.constant 0 : i32
      %add3A_3482 = arith.addi %squeeze3A_3474, %add3A_3481 : i32
      %get3A_3483 = arith.index_cast %add3A_3482 : i32 to index
      %get3A_3484 = tpu.vector_load %arg5[%get3A_3483] {strides = array<i32>} : memref<98304xf32, #tpu.memory_space<vmem>>, vector<16xf32>,
      %get3A_3485 = vector.shape_cast %get3A_3484 : vector<16xf32> to vector<16xf32>
      %mul3A_3486 = vector.broadcast %sub3A_3480 : f32 to vector<16xf32>
      %mul3A_3487 = arith.mulf %get3A_3485, %mul3A_3486 : vector<16xf32>
      %add3A_3488 = arith.addf %add3A_3424, %mul3A_3487 : vector<16xf32>
      %add3A_3489 = arith.constant 0 : i32
      %add3A_3490 = arith.addi %squeeze3A_3476, %add3A_3489 : i32
      %get3A_3491 = arith.index_cast %add3A_3490 : i32 to index
      %get3A_3492 = tpu.vector_load %arg5[%get3A_3491] {strides = array<i32>} : memref<98304xf32, #tpu.memory_space<vmem>>, vector<16xf32>,
      %get3A_3493 = vector.shape_cast %get3A_3492 : vector<16xf32> to vector<16xf32>
      %mul3A_3494 = vector.broadcast %squeeze3A_3478 : f32 to vector<16xf32>
      %mul3A_3495 = arith.mulf %get3A_3493, %mul3A_3494 : vector<16xf32>
      %add3A_3496 = arith.addf %add3A_3488, %mul3A_3495 : vector<16xf32>
      %add3A_3497 = arith.constant 16 : i32
      %add3A_3498 = arith.addi %squeeze3A_3474, %add3A_3497 : i32
      %get3A_3499 = arith.index_cast %add3A_3498 : i32 to index
      %get3A_3500 = tpu.vector_load %arg5[%get3A_3499] {strides = array<i32>} : memref<98304xf32, #tpu.memory_space<vmem>>, vector<16xf32>,
      %get3A_3501 = vector.shape_cast %get3A_3500 : vector<16xf32> to vector<16xf32>
      %mul3A_3502 = vector.broadcast %sub3A_3480 : f32 to vector<16xf32>
      %mul3A_3503 = arith.mulf %get3A_3501, %mul3A_3502 : vector<16xf32>
      %add3A_3504 = arith.addf %add3A_3440, %mul3A_3503 : vector<16xf32>
      %add3A_3505 = arith.constant 16 : i32
      %add3A_3506 = arith.addi %squeeze3A_3476, %add3A_3505 : i32
      %get3A_3507 = arith.index_cast %add3A_3506 : i32 to index
      %get3A_3508 = tpu.vector_load %arg5[%get3A_3507] {strides = array<i32>} : memref<98304xf32, #tpu.memory_space<vmem>>, vector<16xf32>,
      %get3A_3509 = vector.shape_cast %get3A_3508 : vector<16xf32> to vector<16xf32>
      %mul3A_3510 = vector.broadcast %squeeze3A_3478 : f32 to vector<16xf32>
      %mul3A_3511 = arith.mulf %get3A_3509, %mul3A_3510 : vector<16xf32>
      %add3A_3512 = arith.addf %add3A_3504, %mul3A_3511 : vector<16xf32>
      %add3A_3513 = arith.constant 32 : i32
      %add3A_3514 = arith.addi %squeeze3A_3474, %add3A_3513 : i32
      %get3A_3515 = arith.index_cast %add3A_3514 : i32 to index
      %get3A_3516 = tpu.vector_load %arg5[%get3A_3515] {strides = array<i32>} : memref<98304xf32, #tpu.memory_space<vmem>>, vector<16xf32>,
      %get3A_3517 = vector.shape_cast %get3A_3516 : vector<16xf32> to vector<16xf32>
      %mul3A_3518 = vector.broadcast %sub3A_3480 : f32 to vector<16xf32>
      %mul3A_3519 = arith.mulf %get3A_3517, %mul3A_3518 : vector<16xf32>
      %add3A_3520 = arith.addf %add3A_3456, %mul3A_3519 : vector<16xf32>
      %add3A_3521 = arith.constant 32 : i32
      %add3A_3522 = arith.addi %squeeze3A_3476, %add3A_3521 : i32
      %get3A_3523 = arith.index_cast %add3A_3522 : i32 to index
      %get3A_3524 = tpu.vector_load %arg5[%get3A_3523] {strides = array<i32>} : memref<98304xf32, #tpu.memory_space<vmem>>, vector<16xf32>,
      %get3A_3525 = vector.shape_cast %get3A_3524 : vector<16xf32> to vector<16xf32>
      %mul3A_3526 = vector.broadcast %squeeze3A_3478 : f32 to vector<16xf32>
      %mul3A_3527 = arith.mulf %get3A_3525, %mul3A_3526 : vector<16xf32>
      %add3A_3528 = arith.addf %add3A_3520, %mul3A_3527 : vector<16xf32>
      %add3A_3529 = arith.constant 48 : i32
      %add3A_3530 = arith.addi %squeeze3A_3474, %add3A_3529 : i32
      %get3A_3531 = arith.index_cast %add3A_3530 : i32 to index
      %get3A_3532 = tpu.vector_load %arg5[%get3A_3531] {strides = array<i32>} : memref<98304xf32, #tpu.memory_space<vmem>>, vector<16xf32>,
      %get3A_3533 = vector.shape_cast %get3A_3532 : vector<16xf32> to vector<16xf32>
      %mul3A_3534 = vector.broadcast %sub3A_3480 : f32 to vector<16xf32>
      %mul3A_3535 = arith.mulf %get3A_3533, %mul3A_3534 : vector<16xf32>
      %add3A_3536 = arith.addf %add3A_3472, %mul3A_3535 : vector<16xf32>
      %add3A_3537 = arith.constant 48 : i32
      %add3A_3538 = arith.addi %squeeze3A_3476, %add3A_3537 : i32
      %get3A_3539 = arith.index_cast %add3A_3538 : i32 to index
      %get3A_3540 = tpu.vector_load %arg5[%get3A_3539] {strides = array<i32>} : memref<98304xf32, #tpu.memory_space<vmem>>, vector<16xf32>,
      %get3A_3541 = vector.shape_cast %get3A_3540 : vector<16xf32> to vector<16xf32>
      %mul3A_3542 = vector.broadcast %squeeze3A_3478 : f32 to vector<16xf32>
      %mul3A_3543 = arith.mulf %get3A_3541, %mul3A_3542 : vector<16xf32>
      %add3A_3544 = arith.addf %add3A_3536, %mul3A_3543 : vector<16xf32>
      %slice3A_3545 = vector.extract_strided_slice %mul3A_2457 {offsets = [15], sizes = [1], strides = [1]} : vector<16xi32> to vector<1xi32>
      %squeeze3A_3546 = vector.extract %slice3A_3545[0] : i32 from vector<1xi32>
      %slice3A_3547 = vector.extract_strided_slice %mul3A_2464 {offsets = [15], sizes = [1], strides = [1]} : vector<16xi32> to vector<1xi32>
      %squeeze3A_3548 = vector.extract %slice3A_3547[0] : i32 from vector<1xi32>
      %slice3A_3549 = vector.extract_strided_slice %sub3A_2431 {offsets = [15], sizes = [1], strides = [1]} : vector<16xf32> to vector<1xf32>
      %squeeze3A_3550 = vector.extract %slice3A_3549[0] : f32 from vector<1xf32>
      %sub3A_3551 = arith.constant 1.000000e+00 : f32
      %sub3A_3552 = arith.subf %sub3A_3551, %squeeze3A_3550 : f32
      %add3A_3553 = arith.constant 0 : i32
      %add3A_3554 = arith.addi %squeeze3A_3546, %add3A_3553 : i32
      %get3A_3555 = arith.index_cast %add3A_3554 : i32 to index
      %get3A_3556 = tpu.vector_load %arg5[%get3A_3555] {strides = array<i32>} : memref<98304xf32, #tpu.memory_space<vmem>>, vector<16xf32>,
      %get3A_3557 = vector.shape_cast %get3A_3556 : vector<16xf32> to vector<16xf32>
      %mul3A_3558 = vector.broadcast %sub3A_3552 : f32 to vector<16xf32>
      %mul3A_3559 = arith.mulf %get3A_3557, %mul3A_3558 : vector<16xf32>
      %add3A_3560 = arith.addf %add3A_3496, %mul3A_3559 : vector<16xf32>
      %add3A_3561 = arith.constant 0 : i32
      %add3A_3562 = arith.addi %squeeze3A_3548, %add3A_3561 : i32
      %get3A_3563 = arith.index_cast %add3A_3562 : i32 to index
      %get3A_3564 = tpu.vector_load %arg5[%get3A_3563] {strides = array<i32>} : memref<98304xf32, #tpu.memory_space<vmem>>, vector<16xf32>,
      %get3A_3565 = vector.shape_cast %get3A_3564 : vector<16xf32> to vector<16xf32>
      %mul3A_3566 = vector.broadcast %squeeze3A_3550 : f32 to vector<16xf32>
      %mul3A_3567 = arith.mulf %get3A_3565, %mul3A_3566 : vector<16xf32>
      %add3A_3568 = arith.addf %add3A_3560, %mul3A_3567 : vector<16xf32>
      %add3A_3569 = arith.constant 16 : i32
      %add3A_3570 = arith.addi %squeeze3A_3546, %add3A_3569 : i32
      %get3A_3571 = arith.index_cast %add3A_3570 : i32 to index
      %get3A_3572 = tpu.vector_load %arg5[%get3A_3571] {strides = array<i32>} : memref<98304xf32, #tpu.memory_space<vmem>>, vector<16xf32>,
      %get3A_3573 = vector.shape_cast %get3A_3572 : vector<16xf32> to vector<16xf32>
      %mul3A_3574 = vector.broadcast %sub3A_3552 : f32 to vector<16xf32>
      %mul3A_3575 = arith.mulf %get3A_3573, %mul3A_3574 : vector<16xf32>
      %add3A_3576 = arith.addf %add3A_3512, %mul3A_3575 : vector<16xf32>
      %add3A_3577 = arith.constant 16 : i32
      %add3A_3578 = arith.addi %squeeze3A_3548, %add3A_3577 : i32
      %get3A_3579 = arith.index_cast %add3A_3578 : i32 to index
      %get3A_3580 = tpu.vector_load %arg5[%get3A_3579] {strides = array<i32>} : memref<98304xf32, #tpu.memory_space<vmem>>, vector<16xf32>,
      %get3A_3581 = vector.shape_cast %get3A_3580 : vector<16xf32> to vector<16xf32>
      %mul3A_3582 = vector.broadcast %squeeze3A_3550 : f32 to vector<16xf32>
      %mul3A_3583 = arith.mulf %get3A_3581, %mul3A_3582 : vector<16xf32>
      %add3A_3584 = arith.addf %add3A_3576, %mul3A_3583 : vector<16xf32>
      %add3A_3585 = arith.constant 32 : i32
      %add3A_3586 = arith.addi %squeeze3A_3546, %add3A_3585 : i32
      %get3A_3587 = arith.index_cast %add3A_3586 : i32 to index
      %get3A_3588 = tpu.vector_load %arg5[%get3A_3587] {strides = array<i32>} : memref<98304xf32, #tpu.memory_space<vmem>>, vector<16xf32>,
      %get3A_3589 = vector.shape_cast %get3A_3588 : vector<16xf32> to vector<16xf32>
      %mul3A_3590 = vector.broadcast %sub3A_3552 : f32 to vector<16xf32>
      %mul3A_3591 = arith.mulf %get3A_3589, %mul3A_3590 : vector<16xf32>
      %add3A_3592 = arith.addf %add3A_3528, %mul3A_3591 : vector<16xf32>
      %add3A_3593 = arith.constant 32 : i32
      %add3A_3594 = arith.addi %squeeze3A_3548, %add3A_3593 : i32
      %get3A_3595 = arith.index_cast %add3A_3594 : i32 to index
      %get3A_3596 = tpu.vector_load %arg5[%get3A_3595] {strides = array<i32>} : memref<98304xf32, #tpu.memory_space<vmem>>, vector<16xf32>,
      %get3A_3597 = vector.shape_cast %get3A_3596 : vector<16xf32> to vector<16xf32>
      %mul3A_3598 = vector.broadcast %squeeze3A_3550 : f32 to vector<16xf32>
      %mul3A_3599 = arith.mulf %get3A_3597, %mul3A_3598 : vector<16xf32>
      %add3A_3600 = arith.addf %add3A_3592, %mul3A_3599 : vector<16xf32>
      %add3A_3601 = arith.constant 48 : i32
      %add3A_3602 = arith.addi %squeeze3A_3546, %add3A_3601 : i32
      %get3A_3603 = arith.index_cast %add3A_3602 : i32 to index
      %get3A_3604 = tpu.vector_load %arg5[%get3A_3603] {strides = array<i32>} : memref<98304xf32, #tpu.memory_space<vmem>>, vector<16xf32>,
      %get3A_3605 = vector.shape_cast %get3A_3604 : vector<16xf32> to vector<16xf32>
      %mul3A_3606 = vector.broadcast %sub3A_3552 : f32 to vector<16xf32>
      %mul3A_3607 = arith.mulf %get3A_3605, %mul3A_3606 : vector<16xf32>
      %add3A_3608 = arith.addf %add3A_3544, %mul3A_3607 : vector<16xf32>
      %add3A_3609 = arith.constant 48 : i32
      %add3A_3610 = arith.addi %squeeze3A_3548, %add3A_3609 : i32
      %get3A_3611 = arith.index_cast %add3A_3610 : i32 to index
      %get3A_3612 = tpu.vector_load %arg5[%get3A_3611] {strides = array<i32>} : memref<98304xf32, #tpu.memory_space<vmem>>, vector<16xf32>,
      %get3A_3613 = vector.shape_cast %get3A_3612 : vector<16xf32> to vector<16xf32>
      %mul3A_3614 = vector.broadcast %squeeze3A_3550 : f32 to vector<16xf32>
      %mul3A_3615 = arith.mulf %get3A_3613, %mul3A_3614 : vector<16xf32>
      %add3A_3616 = arith.addf %add3A_3608, %mul3A_3615 : vector<16xf32>
      %get3A_3617 = arith.index_cast %scan3A_12 : i32 to index
      %get3A_3618 = arith.constant 48 : index
      %get3A_3619 = tpu.vector_load %arg6[%get3A_3617, %get3A_3618] {strides = array<i32>} : memref<64x64xf32, #tpu.memory_space<vmem>>, vector<1x16xf32>,
      %get3A_3620 = vector.shape_cast %get3A_3619 : vector<1x16xf32> to vector<16xf32>
      %neg3A_3621 = arith.constant 0.000000e+00 : f32
      %neg3A_3622 = vector.broadcast %neg3A_3621 : f32 to vector<16xf32>
      %neg3A_3623 = arith.subf %neg3A_3622, %get3A_3620 : vector<16xf32>
      %exp3A_3624 = math.exp %neg3A_3623 : vector<16xf32>
      %add3A_3625 = arith.constant 1.000000e+00 : f32
      %add3A_3626 = vector.broadcast %add3A_3625 : f32 to vector<16xf32>
      %add3A_3627 = arith.addf %add3A_3626, %exp3A_3624 : vector<16xf32>
      %div3A_3628 = arith.constant 1.000000e+00 : f32
      %div3A_3629 = vector.broadcast %div3A_3628 : f32 to vector<16xf32>
      %div3A_3630 = arith.divf %div3A_3629, %add3A_3627 : vector<16xf32>
      %mul3A_3631 = arith.constant 1.900000e+01 : f32
      %mul3A_3632 = vector.broadcast %mul3A_3631 : f32 to vector<16xf32>
      %mul3A_3633 = arith.mulf %div3A_3630, %mul3A_3632 : vector<16xf32>
      %convert_element_type3A_3634 = arith.fptosi %mul3A_3633 : vector<16xf32> to vector<16xi32>
      %convert_element_type3A_3635 = arith.sitofp %convert_element_type3A_3634 : vector<16xi32> to vector<16xf32>
      %sub3A_3636 = arith.subf %mul3A_3633, %convert_element_type3A_3635 : vector<16xf32>
      %jit3A_3637 = arith.constant 0 : i32
      %jit3A_3638 = arith.constant 22 : i32
      %max3A_3639 = vector.broadcast %jit3A_3637 : i32 to vector<16xi32>
      %max3A_3640 = arith.maxsi %max3A_3639, %convert_element_type3A_3634 : vector<16xi32>
      %min3A_3641 = vector.broadcast %jit3A_3638 : i32 to vector<16xi32>
      %min3A_3642 = arith.minsi %min3A_3641, %max3A_3640 : vector<16xi32>
      %add3A_3643 = arith.constant 1 : i32
      %add3A_3644 = vector.broadcast %add3A_3643 : i32 to vector<16xi32>
      %add3A_3645 = arith.addi %convert_element_type3A_3634, %add3A_3644 : vector<16xi32>
      %jit3A_3646 = arith.constant 0 : i32
      %jit3A_3647 = arith.constant 22 : i32
      %max3A_3648 = vector.broadcast %jit3A_3646 : i32 to vector<16xi32>
      %max3A_3649 = arith.maxsi %max3A_3648, %add3A_3645 : vector<16xi32>
      %min3A_3650 = vector.broadcast %jit3A_3647 : i32 to vector<16xi32>
      %min3A_3651 = arith.minsi %min3A_3650, %max3A_3649 : vector<16xi32>
      %iota3A_3652 = tpu.iota {dimensions = array<i32: 0>} : vector<16xi32>
      %add3A_3653 = arith.constant 48 : i32
      %add3A_3654 = vector.broadcast %add3A_3653 : i32 to vector<16xi32>
      %add3A_3655 = arith.addi %iota3A_3652, %add3A_3654 : vector<16xi32>
      %mul3A_3656 = arith.constant 24 : i32
      %mul3A_3657 = vector.broadcast %mul3A_3656 : i32 to vector<16xi32>
      %mul3A_3658 = arith.muli %add3A_3655, %mul3A_3657 : vector<16xi32>
      %add3A_3659 = arith.addi %mul3A_3658, %min3A_3642 : vector<16xi32>
      %mul3A_3660 = arith.constant 64 : i32
      %mul3A_3661 = vector.broadcast %mul3A_3660 : i32 to vector<16xi32>
      %mul3A_3662 = arith.muli %add3A_3659, %mul3A_3661 : vector<16xi32>
      %mul3A_3663 = arith.constant 24 : i32
      %mul3A_3664 = vector.broadcast %mul3A_3663 : i32 to vector<16xi32>
      %mul3A_3665 = arith.muli %add3A_3655, %mul3A_3664 : vector<16xi32>
      %add3A_3666 = arith.addi %mul3A_3665, %min3A_3651 : vector<16xi32>
      %mul3A_3667 = arith.constant 64 : i32
      %mul3A_3668 = vector.broadcast %mul3A_3667 : i32 to vector<16xi32>
      %mul3A_3669 = arith.muli %add3A_3666, %mul3A_3668 : vector<16xi32>
      %slice3A_3670 = vector.extract_strided_slice %mul3A_3662 {offsets = [0], sizes = [1], strides = [1]} : vector<16xi32> to vector<1xi32>
      %squeeze3A_3671 = vector.extract %slice3A_3670[0] : i32 from vector<1xi32>
      %slice3A_3672 = vector.extract_strided_slice %mul3A_3669 {offsets = [0], sizes = [1], strides = [1]} : vector<16xi32> to vector<1xi32>
      %squeeze3A_3673 = vector.extract %slice3A_3672[0] : i32 from vector<1xi32>
      %slice3A_3674 = vector.extract_strided_slice %sub3A_3636 {offsets = [0], sizes = [1], strides = [1]} : vector<16xf32> to vector<1xf32>
      %squeeze3A_3675 = vector.extract %slice3A_3674[0] : f32 from vector<1xf32>
      %sub3A_3676 = arith.constant 1.000000e+00 : f32
      %sub3A_3677 = arith.subf %sub3A_3676, %squeeze3A_3675 : f32
      %add3A_3678 = arith.constant 0 : i32
      %add3A_3679 = arith.addi %squeeze3A_3671, %add3A_3678 : i32
      %get3A_3680 = arith.index_cast %add3A_3679 : i32 to index
      %get3A_3681 = tpu.vector_load %arg5[%get3A_3680] {strides = array<i32>} : memref<98304xf32, #tpu.memory_space<vmem>>, vector<16xf32>,
      %get3A_3682 = vector.shape_cast %get3A_3681 : vector<16xf32> to vector<16xf32>
      %mul3A_3683 = vector.broadcast %sub3A_3677 : f32 to vector<16xf32>
      %mul3A_3684 = arith.mulf %get3A_3682, %mul3A_3683 : vector<16xf32>
      %add3A_3685 = arith.addf %add3A_3568, %mul3A_3684 : vector<16xf32>
      %add3A_3686 = arith.constant 0 : i32
      %add3A_3687 = arith.addi %squeeze3A_3673, %add3A_3686 : i32
      %get3A_3688 = arith.index_cast %add3A_3687 : i32 to index
      %get3A_3689 = tpu.vector_load %arg5[%get3A_3688] {strides = array<i32>} : memref<98304xf32, #tpu.memory_space<vmem>>, vector<16xf32>,
      %get3A_3690 = vector.shape_cast %get3A_3689 : vector<16xf32> to vector<16xf32>
      %mul3A_3691 = vector.broadcast %squeeze3A_3675 : f32 to vector<16xf32>
      %mul3A_3692 = arith.mulf %get3A_3690, %mul3A_3691 : vector<16xf32>
      %add3A_3693 = arith.addf %add3A_3685, %mul3A_3692 : vector<16xf32>
      %add3A_3694 = arith.constant 16 : i32
      %add3A_3695 = arith.addi %squeeze3A_3671, %add3A_3694 : i32
      %get3A_3696 = arith.index_cast %add3A_3695 : i32 to index
      %get3A_3697 = tpu.vector_load %arg5[%get3A_3696] {strides = array<i32>} : memref<98304xf32, #tpu.memory_space<vmem>>, vector<16xf32>,
      %get3A_3698 = vector.shape_cast %get3A_3697 : vector<16xf32> to vector<16xf32>
      %mul3A_3699 = vector.broadcast %sub3A_3677 : f32 to vector<16xf32>
      %mul3A_3700 = arith.mulf %get3A_3698, %mul3A_3699 : vector<16xf32>
      %add3A_3701 = arith.addf %add3A_3584, %mul3A_3700 : vector<16xf32>
      %add3A_3702 = arith.constant 16 : i32
      %add3A_3703 = arith.addi %squeeze3A_3673, %add3A_3702 : i32
      %get3A_3704 = arith.index_cast %add3A_3703 : i32 to index
      %get3A_3705 = tpu.vector_load %arg5[%get3A_3704] {strides = array<i32>} : memref<98304xf32, #tpu.memory_space<vmem>>, vector<16xf32>,
      %get3A_3706 = vector.shape_cast %get3A_3705 : vector<16xf32> to vector<16xf32>
      %mul3A_3707 = vector.broadcast %squeeze3A_3675 : f32 to vector<16xf32>
      %mul3A_3708 = arith.mulf %get3A_3706, %mul3A_3707 : vector<16xf32>
      %add3A_3709 = arith.addf %add3A_3701, %mul3A_3708 : vector<16xf32>
      %add3A_3710 = arith.constant 32 : i32
      %add3A_3711 = arith.addi %squeeze3A_3671, %add3A_3710 : i32
      %get3A_3712 = arith.index_cast %add3A_3711 : i32 to index
      %get3A_3713 = tpu.vector_load %arg5[%get3A_3712] {strides = array<i32>} : memref<98304xf32, #tpu.memory_space<vmem>>, vector<16xf32>,
      %get3A_3714 = vector.shape_cast %get3A_3713 : vector<16xf32> to vector<16xf32>
      %mul3A_3715 = vector.broadcast %sub3A_3677 : f32 to vector<16xf32>
      %mul3A_3716 = arith.mulf %get3A_3714, %mul3A_3715 : vector<16xf32>
      %add3A_3717 = arith.addf %add3A_3600, %mul3A_3716 : vector<16xf32>
      %add3A_3718 = arith.constant 32 : i32
      %add3A_3719 = arith.addi %squeeze3A_3673, %add3A_3718 : i32
      %get3A_3720 = arith.index_cast %add3A_3719 : i32 to index
      %get3A_3721 = tpu.vector_load %arg5[%get3A_3720] {strides = array<i32>} : memref<98304xf32, #tpu.memory_space<vmem>>, vector<16xf32>,
      %get3A_3722 = vector.shape_cast %get3A_3721 : vector<16xf32> to vector<16xf32>
      %mul3A_3723 = vector.broadcast %squeeze3A_3675 : f32 to vector<16xf32>
      %mul3A_3724 = arith.mulf %get3A_3722, %mul3A_3723 : vector<16xf32>
      %add3A_3725 = arith.addf %add3A_3717, %mul3A_3724 : vector<16xf32>
      %add3A_3726 = arith.constant 48 : i32
      %add3A_3727 = arith.addi %squeeze3A_3671, %add3A_3726 : i32
      %get3A_3728 = arith.index_cast %add3A_3727 : i32 to index
      %get3A_3729 = tpu.vector_load %arg5[%get3A_3728] {strides = array<i32>} : memref<98304xf32, #tpu.memory_space<vmem>>, vector<16xf32>,
      %get3A_3730 = vector.shape_cast %get3A_3729 : vector<16xf32> to vector<16xf32>
      %mul3A_3731 = vector.broadcast %sub3A_3677 : f32 to vector<16xf32>
      %mul3A_3732 = arith.mulf %get3A_3730, %mul3A_3731 : vector<16xf32>
      %add3A_3733 = arith.addf %add3A_3616, %mul3A_3732 : vector<16xf32>
      %add3A_3734 = arith.constant 48 : i32
      %add3A_3735 = arith.addi %squeeze3A_3673, %add3A_3734 : i32
      %get3A_3736 = arith.index_cast %add3A_3735 : i32 to index
      %get3A_3737 = tpu.vector_load %arg5[%get3A_3736] {strides = array<i32>} : memref<98304xf32, #tpu.memory_space<vmem>>, vector<16xf32>,
      %get3A_3738 = vector.shape_cast %get3A_3737 : vector<16xf32> to vector<16xf32>
      %mul3A_3739 = vector.broadcast %squeeze3A_3675 : f32 to vector<16xf32>
      %mul3A_3740 = arith.mulf %get3A_3738, %mul3A_3739 : vector<16xf32>
      %add3A_3741 = arith.addf %add3A_3733, %mul3A_3740 : vector<16xf32>
      %slice3A_3742 = vector.extract_strided_slice %mul3A_3662 {offsets = [1], sizes = [1], strides = [1]} : vector<16xi32> to vector<1xi32>
      %squeeze3A_3743 = vector.extract %slice3A_3742[0] : i32 from vector<1xi32>
      %slice3A_3744 = vector.extract_strided_slice %mul3A_3669 {offsets = [1], sizes = [1], strides = [1]} : vector<16xi32> to vector<1xi32>
      %squeeze3A_3745 = vector.extract %slice3A_3744[0] : i32 from vector<1xi32>
      %slice3A_3746 = vector.extract_strided_slice %sub3A_3636 {offsets = [1], sizes = [1], strides = [1]} : vector<16xf32> to vector<1xf32>
      %squeeze3A_3747 = vector.extract %slice3A_3746[0] : f32 from vector<1xf32>
      %sub3A_3748 = arith.constant 1.000000e+00 : f32
      %sub3A_3749 = arith.subf %sub3A_3748, %squeeze3A_3747 : f32
      %add3A_3750 = arith.constant 0 : i32
      %add3A_3751 = arith.addi %squeeze3A_3743, %add3A_3750 : i32
      %get3A_3752 = arith.index_cast %add3A_3751 : i32 to index
      %get3A_3753 = tpu.vector_load %arg5[%get3A_3752] {strides = array<i32>} : memref<98304xf32, #tpu.memory_space<vmem>>, vector<16xf32>,
      %get3A_3754 = vector.shape_cast %get3A_3753 : vector<16xf32> to vector<16xf32>
      %mul3A_3755 = vector.broadcast %sub3A_3749 : f32 to vector<16xf32>
      %mul3A_3756 = arith.mulf %get3A_3754, %mul3A_3755 : vector<16xf32>
      %add3A_3757 = arith.addf %add3A_3693, %mul3A_3756 : vector<16xf32>
      %add3A_3758 = arith.constant 0 : i32
      %add3A_3759 = arith.addi %squeeze3A_3745, %add3A_3758 : i32
      %get3A_3760 = arith.index_cast %add3A_3759 : i32 to index
      %get3A_3761 = tpu.vector_load %arg5[%get3A_3760] {strides = array<i32>} : memref<98304xf32, #tpu.memory_space<vmem>>, vector<16xf32>,
      %get3A_3762 = vector.shape_cast %get3A_3761 : vector<16xf32> to vector<16xf32>
      %mul3A_3763 = vector.broadcast %squeeze3A_3747 : f32 to vector<16xf32>
      %mul3A_3764 = arith.mulf %get3A_3762, %mul3A_3763 : vector<16xf32>
      %add3A_3765 = arith.addf %add3A_3757, %mul3A_3764 : vector<16xf32>
      %add3A_3766 = arith.constant 16 : i32
      %add3A_3767 = arith.addi %squeeze3A_3743, %add3A_3766 : i32
      %get3A_3768 = arith.index_cast %add3A_3767 : i32 to index
      %get3A_3769 = tpu.vector_load %arg5[%get3A_3768] {strides = array<i32>} : memref<98304xf32, #tpu.memory_space<vmem>>, vector<16xf32>,
      %get3A_3770 = vector.shape_cast %get3A_3769 : vector<16xf32> to vector<16xf32>
      %mul3A_3771 = vector.broadcast %sub3A_3749 : f32 to vector<16xf32>
      %mul3A_3772 = arith.mulf %get3A_3770, %mul3A_3771 : vector<16xf32>
      %add3A_3773 = arith.addf %add3A_3709, %mul3A_3772 : vector<16xf32>
      %add3A_3774 = arith.constant 16 : i32
      %add3A_3775 = arith.addi %squeeze3A_3745, %add3A_3774 : i32
      %get3A_3776 = arith.index_cast %add3A_3775 : i32 to index
      %get3A_3777 = tpu.vector_load %arg5[%get3A_3776] {strides = array<i32>} : memref<98304xf32, #tpu.memory_space<vmem>>, vector<16xf32>,
      %get3A_3778 = vector.shape_cast %get3A_3777 : vector<16xf32> to vector<16xf32>
      %mul3A_3779 = vector.broadcast %squeeze3A_3747 : f32 to vector<16xf32>
      %mul3A_3780 = arith.mulf %get3A_3778, %mul3A_3779 : vector<16xf32>
      %add3A_3781 = arith.addf %add3A_3773, %mul3A_3780 : vector<16xf32>
      %add3A_3782 = arith.constant 32 : i32
      %add3A_3783 = arith.addi %squeeze3A_3743, %add3A_3782 : i32
      %get3A_3784 = arith.index_cast %add3A_3783 : i32 to index
      %get3A_3785 = tpu.vector_load %arg5[%get3A_3784] {strides = array<i32>} : memref<98304xf32, #tpu.memory_space<vmem>>, vector<16xf32>,
      %get3A_3786 = vector.shape_cast %get3A_3785 : vector<16xf32> to vector<16xf32>
      %mul3A_3787 = vector.broadcast %sub3A_3749 : f32 to vector<16xf32>
      %mul3A_3788 = arith.mulf %get3A_3786, %mul3A_3787 : vector<16xf32>
      %add3A_3789 = arith.addf %add3A_3725, %mul3A_3788 : vector<16xf32>
      %add3A_3790 = arith.constant 32 : i32
      %add3A_3791 = arith.addi %squeeze3A_3745, %add3A_3790 : i32
      %get3A_3792 = arith.index_cast %add3A_3791 : i32 to index
      %get3A_3793 = tpu.vector_load %arg5[%get3A_3792] {strides = array<i32>} : memref<98304xf32, #tpu.memory_space<vmem>>, vector<16xf32>,
      %get3A_3794 = vector.shape_cast %get3A_3793 : vector<16xf32> to vector<16xf32>
      %mul3A_3795 = vector.broadcast %squeeze3A_3747 : f32 to vector<16xf32>
      %mul3A_3796 = arith.mulf %get3A_3794, %mul3A_3795 : vector<16xf32>
      %add3A_3797 = arith.addf %add3A_3789, %mul3A_3796 : vector<16xf32>
      %add3A_3798 = arith.constant 48 : i32
      %add3A_3799 = arith.addi %squeeze3A_3743, %add3A_3798 : i32
      %get3A_3800 = arith.index_cast %add3A_3799 : i32 to index
      %get3A_3801 = tpu.vector_load %arg5[%get3A_3800] {strides = array<i32>} : memref<98304xf32, #tpu.memory_space<vmem>>, vector<16xf32>,
      %get3A_3802 = vector.shape_cast %get3A_3801 : vector<16xf32> to vector<16xf32>
      %mul3A_3803 = vector.broadcast %sub3A_3749 : f32 to vector<16xf32>
      %mul3A_3804 = arith.mulf %get3A_3802, %mul3A_3803 : vector<16xf32>
      %add3A_3805 = arith.addf %add3A_3741, %mul3A_3804 : vector<16xf32>
      %add3A_3806 = arith.constant 48 : i32
      %add3A_3807 = arith.addi %squeeze3A_3745, %add3A_3806 : i32
      %get3A_3808 = arith.index_cast %add3A_3807 : i32 to index
      %get3A_3809 = tpu.vector_load %arg5[%get3A_3808] {strides = array<i32>} : memref<98304xf32, #tpu.memory_space<vmem>>, vector<16xf32>,
      %get3A_3810 = vector.shape_cast %get3A_3809 : vector<16xf32> to vector<16xf32>
      %mul3A_3811 = vector.broadcast %squeeze3A_3747 : f32 to vector<16xf32>
      %mul3A_3812 = arith.mulf %get3A_3810, %mul3A_3811 : vector<16xf32>
      %add3A_3813 = arith.addf %add3A_3805, %mul3A_3812 : vector<16xf32>
      %slice3A_3814 = vector.extract_strided_slice %mul3A_3662 {offsets = [2], sizes = [1], strides = [1]} : vector<16xi32> to vector<1xi32>
      %squeeze3A_3815 = vector.extract %slice3A_3814[0] : i32 from vector<1xi32>
      %slice3A_3816 = vector.extract_strided_slice %mul3A_3669 {offsets = [2], sizes = [1], strides = [1]} : vector<16xi32> to vector<1xi32>
      %squeeze3A_3817 = vector.extract %slice3A_3816[0] : i32 from vector<1xi32>
      %slice3A_3818 = vector.extract_strided_slice %sub3A_3636 {offsets = [2], sizes = [1], strides = [1]} : vector<16xf32> to vector<1xf32>
      %squeeze3A_3819 = vector.extract %slice3A_3818[0] : f32 from vector<1xf32>
      %sub3A_3820 = arith.constant 1.000000e+00 : f32
      %sub3A_3821 = arith.subf %sub3A_3820, %squeeze3A_3819 : f32
      %add3A_3822 = arith.constant 0 : i32
      %add3A_3823 = arith.addi %squeeze3A_3815, %add3A_3822 : i32
      %get3A_3824 = arith.index_cast %add3A_3823 : i32 to index
      %get3A_3825 = tpu.vector_load %arg5[%get3A_3824] {strides = array<i32>} : memref<98304xf32, #tpu.memory_space<vmem>>, vector<16xf32>,
      %get3A_3826 = vector.shape_cast %get3A_3825 : vector<16xf32> to vector<16xf32>
      %mul3A_3827 = vector.broadcast %sub3A_3821 : f32 to vector<16xf32>
      %mul3A_3828 = arith.mulf %get3A_3826, %mul3A_3827 : vector<16xf32>
      %add3A_3829 = arith.addf %add3A_3765, %mul3A_3828 : vector<16xf32>
      %add3A_3830 = arith.constant 0 : i32
      %add3A_3831 = arith.addi %squeeze3A_3817, %add3A_3830 : i32
      %get3A_3832 = arith.index_cast %add3A_3831 : i32 to index
      %get3A_3833 = tpu.vector_load %arg5[%get3A_3832] {strides = array<i32>} : memref<98304xf32, #tpu.memory_space<vmem>>, vector<16xf32>,
      %get3A_3834 = vector.shape_cast %get3A_3833 : vector<16xf32> to vector<16xf32>
      %mul3A_3835 = vector.broadcast %squeeze3A_3819 : f32 to vector<16xf32>
      %mul3A_3836 = arith.mulf %get3A_3834, %mul3A_3835 : vector<16xf32>
      %add3A_3837 = arith.addf %add3A_3829, %mul3A_3836 : vector<16xf32>
      %add3A_3838 = arith.constant 16 : i32
      %add3A_3839 = arith.addi %squeeze3A_3815, %add3A_3838 : i32
      %get3A_3840 = arith.index_cast %add3A_3839 : i32 to index
      %get3A_3841 = tpu.vector_load %arg5[%get3A_3840] {strides = array<i32>} : memref<98304xf32, #tpu.memory_space<vmem>>, vector<16xf32>,
      %get3A_3842 = vector.shape_cast %get3A_3841 : vector<16xf32> to vector<16xf32>
      %mul3A_3843 = vector.broadcast %sub3A_3821 : f32 to vector<16xf32>
      %mul3A_3844 = arith.mulf %get3A_3842, %mul3A_3843 : vector<16xf32>
      %add3A_3845 = arith.addf %add3A_3781, %mul3A_3844 : vector<16xf32>
      %add3A_3846 = arith.constant 16 : i32
      %add3A_3847 = arith.addi %squeeze3A_3817, %add3A_3846 : i32
      %get3A_3848 = arith.index_cast %add3A_3847 : i32 to index
      %get3A_3849 = tpu.vector_load %arg5[%get3A_3848] {strides = array<i32>} : memref<98304xf32, #tpu.memory_space<vmem>>, vector<16xf32>,
      %get3A_3850 = vector.shape_cast %get3A_3849 : vector<16xf32> to vector<16xf32>
      %mul3A_3851 = vector.broadcast %squeeze3A_3819 : f32 to vector<16xf32>
      %mul3A_3852 = arith.mulf %get3A_3850, %mul3A_3851 : vector<16xf32>
      %add3A_3853 = arith.addf %add3A_3845, %mul3A_3852 : vector<16xf32>
      %add3A_3854 = arith.constant 32 : i32
      %add3A_3855 = arith.addi %squeeze3A_3815, %add3A_3854 : i32
      %get3A_3856 = arith.index_cast %add3A_3855 : i32 to index
      %get3A_3857 = tpu.vector_load %arg5[%get3A_3856] {strides = array<i32>} : memref<98304xf32, #tpu.memory_space<vmem>>, vector<16xf32>,
      %get3A_3858 = vector.shape_cast %get3A_3857 : vector<16xf32> to vector<16xf32>
      %mul3A_3859 = vector.broadcast %sub3A_3821 : f32 to vector<16xf32>
      %mul3A_3860 = arith.mulf %get3A_3858, %mul3A_3859 : vector<16xf32>
      %add3A_3861 = arith.addf %add3A_3797, %mul3A_3860 : vector<16xf32>
      %add3A_3862 = arith.constant 32 : i32
      %add3A_3863 = arith.addi %squeeze3A_3817, %add3A_3862 : i32
      %get3A_3864 = arith.index_cast %add3A_3863 : i32 to index
      %get3A_3865 = tpu.vector_load %arg5[%get3A_3864] {strides = array<i32>} : memref<98304xf32, #tpu.memory_space<vmem>>, vector<16xf32>,
      %get3A_3866 = vector.shape_cast %get3A_3865 : vector<16xf32> to vector<16xf32>
      %mul3A_3867 = vector.broadcast %squeeze3A_3819 : f32 to vector<16xf32>
      %mul3A_3868 = arith.mulf %get3A_3866, %mul3A_3867 : vector<16xf32>
      %add3A_3869 = arith.addf %add3A_3861, %mul3A_3868 : vector<16xf32>
      %add3A_3870 = arith.constant 48 : i32
      %add3A_3871 = arith.addi %squeeze3A_3815, %add3A_3870 : i32
      %get3A_3872 = arith.index_cast %add3A_3871 : i32 to index
      %get3A_3873 = tpu.vector_load %arg5[%get3A_3872] {strides = array<i32>} : memref<98304xf32, #tpu.memory_space<vmem>>, vector<16xf32>,
      %get3A_3874 = vector.shape_cast %get3A_3873 : vector<16xf32> to vector<16xf32>
      %mul3A_3875 = vector.broadcast %sub3A_3821 : f32 to vector<16xf32>
      %mul3A_3876 = arith.mulf %get3A_3874, %mul3A_3875 : vector<16xf32>
      %add3A_3877 = arith.addf %add3A_3813, %mul3A_3876 : vector<16xf32>
      %add3A_3878 = arith.constant 48 : i32
      %add3A_3879 = arith.addi %squeeze3A_3817, %add3A_3878 : i32
      %get3A_3880 = arith.index_cast %add3A_3879 : i32 to index
      %get3A_3881 = tpu.vector_load %arg5[%get3A_3880] {strides = array<i32>} : memref<98304xf32, #tpu.memory_space<vmem>>, vector<16xf32>,
      %get3A_3882 = vector.shape_cast %get3A_3881 : vector<16xf32> to vector<16xf32>
      %mul3A_3883 = vector.broadcast %squeeze3A_3819 : f32 to vector<16xf32>
      %mul3A_3884 = arith.mulf %get3A_3882, %mul3A_3883 : vector<16xf32>
      %add3A_3885 = arith.addf %add3A_3877, %mul3A_3884 : vector<16xf32>
      %slice3A_3886 = vector.extract_strided_slice %mul3A_3662 {offsets = [3], sizes = [1], strides = [1]} : vector<16xi32> to vector<1xi32>
      %squeeze3A_3887 = vector.extract %slice3A_3886[0] : i32 from vector<1xi32>
      %slice3A_3888 = vector.extract_strided_slice %mul3A_3669 {offsets = [3], sizes = [1], strides = [1]} : vector<16xi32> to vector<1xi32>
      %squeeze3A_3889 = vector.extract %slice3A_3888[0] : i32 from vector<1xi32>
      %slice3A_3890 = vector.extract_strided_slice %sub3A_3636 {offsets = [3], sizes = [1], strides = [1]} : vector<16xf32> to vector<1xf32>
      %squeeze3A_3891 = vector.extract %slice3A_3890[0] : f32 from vector<1xf32>
      %sub3A_3892 = arith.constant 1.000000e+00 : f32
      %sub3A_3893 = arith.subf %sub3A_3892, %squeeze3A_3891 : f32
      %add3A_3894 = arith.constant 0 : i32
      %add3A_3895 = arith.addi %squeeze3A_3887, %add3A_3894 : i32
      %get3A_3896 = arith.index_cast %add3A_3895 : i32 to index
      %get3A_3897 = tpu.vector_load %arg5[%get3A_3896] {strides = array<i32>} : memref<98304xf32, #tpu.memory_space<vmem>>, vector<16xf32>,
      %get3A_3898 = vector.shape_cast %get3A_3897 : vector<16xf32> to vector<16xf32>
      %mul3A_3899 = vector.broadcast %sub3A_3893 : f32 to vector<16xf32>
      %mul3A_3900 = arith.mulf %get3A_3898, %mul3A_3899 : vector<16xf32>
      %add3A_3901 = arith.addf %add3A_3837, %mul3A_3900 : vector<16xf32>
      %add3A_3902 = arith.constant 0 : i32
      %add3A_3903 = arith.addi %squeeze3A_3889, %add3A_3902 : i32
      %get3A_3904 = arith.index_cast %add3A_3903 : i32 to index
      %get3A_3905 = tpu.vector_load %arg5[%get3A_3904] {strides = array<i32>} : memref<98304xf32, #tpu.memory_space<vmem>>, vector<16xf32>,
      %get3A_3906 = vector.shape_cast %get3A_3905 : vector<16xf32> to vector<16xf32>
      %mul3A_3907 = vector.broadcast %squeeze3A_3891 : f32 to vector<16xf32>
      %mul3A_3908 = arith.mulf %get3A_3906, %mul3A_3907 : vector<16xf32>
      %add3A_3909 = arith.addf %add3A_3901, %mul3A_3908 : vector<16xf32>
      %add3A_3910 = arith.constant 16 : i32
      %add3A_3911 = arith.addi %squeeze3A_3887, %add3A_3910 : i32
      %get3A_3912 = arith.index_cast %add3A_3911 : i32 to index
      %get3A_3913 = tpu.vector_load %arg5[%get3A_3912] {strides = array<i32>} : memref<98304xf32, #tpu.memory_space<vmem>>, vector<16xf32>,
      %get3A_3914 = vector.shape_cast %get3A_3913 : vector<16xf32> to vector<16xf32>
      %mul3A_3915 = vector.broadcast %sub3A_3893 : f32 to vector<16xf32>
      %mul3A_3916 = arith.mulf %get3A_3914, %mul3A_3915 : vector<16xf32>
      %add3A_3917 = arith.addf %add3A_3853, %mul3A_3916 : vector<16xf32>
      %add3A_3918 = arith.constant 16 : i32
      %add3A_3919 = arith.addi %squeeze3A_3889, %add3A_3918 : i32
      %get3A_3920 = arith.index_cast %add3A_3919 : i32 to index
      %get3A_3921 = tpu.vector_load %arg5[%get3A_3920] {strides = array<i32>} : memref<98304xf32, #tpu.memory_space<vmem>>, vector<16xf32>,
      %get3A_3922 = vector.shape_cast %get3A_3921 : vector<16xf32> to vector<16xf32>
      %mul3A_3923 = vector.broadcast %squeeze3A_3891 : f32 to vector<16xf32>
      %mul3A_3924 = arith.mulf %get3A_3922, %mul3A_3923 : vector<16xf32>
      %add3A_3925 = arith.addf %add3A_3917, %mul3A_3924 : vector<16xf32>
      %add3A_3926 = arith.constant 32 : i32
      %add3A_3927 = arith.addi %squeeze3A_3887, %add3A_3926 : i32
      %get3A_3928 = arith.index_cast %add3A_3927 : i32 to index
      %get3A_3929 = tpu.vector_load %arg5[%get3A_3928] {strides = array<i32>} : memref<98304xf32, #tpu.memory_space<vmem>>, vector<16xf32>,
      %get3A_3930 = vector.shape_cast %get3A_3929 : vector<16xf32> to vector<16xf32>
      %mul3A_3931 = vector.broadcast %sub3A_3893 : f32 to vector<16xf32>
      %mul3A_3932 = arith.mulf %get3A_3930, %mul3A_3931 : vector<16xf32>
      %add3A_3933 = arith.addf %add3A_3869, %mul3A_3932 : vector<16xf32>
      %add3A_3934 = arith.constant 32 : i32
      %add3A_3935 = arith.addi %squeeze3A_3889, %add3A_3934 : i32
      %get3A_3936 = arith.index_cast %add3A_3935 : i32 to index
      %get3A_3937 = tpu.vector_load %arg5[%get3A_3936] {strides = array<i32>} : memref<98304xf32, #tpu.memory_space<vmem>>, vector<16xf32>,
      %get3A_3938 = vector.shape_cast %get3A_3937 : vector<16xf32> to vector<16xf32>
      %mul3A_3939 = vector.broadcast %squeeze3A_3891 : f32 to vector<16xf32>
      %mul3A_3940 = arith.mulf %get3A_3938, %mul3A_3939 : vector<16xf32>
      %add3A_3941 = arith.addf %add3A_3933, %mul3A_3940 : vector<16xf32>
      %add3A_3942 = arith.constant 48 : i32
      %add3A_3943 = arith.addi %squeeze3A_3887, %add3A_3942 : i32
      %get3A_3944 = arith.index_cast %add3A_3943 : i32 to index
      %get3A_3945 = tpu.vector_load %arg5[%get3A_3944] {strides = array<i32>} : memref<98304xf32, #tpu.memory_space<vmem>>, vector<16xf32>,
      %get3A_3946 = vector.shape_cast %get3A_3945 : vector<16xf32> to vector<16xf32>
      %mul3A_3947 = vector.broadcast %sub3A_3893 : f32 to vector<16xf32>
      %mul3A_3948 = arith.mulf %get3A_3946, %mul3A_3947 : vector<16xf32>
      %add3A_3949 = arith.addf %add3A_3885, %mul3A_3948 : vector<16xf32>
      %add3A_3950 = arith.constant 48 : i32
      %add3A_3951 = arith.addi %squeeze3A_3889, %add3A_3950 : i32
      %get3A_3952 = arith.index_cast %add3A_3951 : i32 to index
      %get3A_3953 = tpu.vector_load %arg5[%get3A_3952] {strides = array<i32>} : memref<98304xf32, #tpu.memory_space<vmem>>, vector<16xf32>,
      %get3A_3954 = vector.shape_cast %get3A_3953 : vector<16xf32> to vector<16xf32>
      %mul3A_3955 = vector.broadcast %squeeze3A_3891 : f32 to vector<16xf32>
      %mul3A_3956 = arith.mulf %get3A_3954, %mul3A_3955 : vector<16xf32>
      %add3A_3957 = arith.addf %add3A_3949, %mul3A_3956 : vector<16xf32>
      %slice3A_3958 = vector.extract_strided_slice %mul3A_3662 {offsets = [4], sizes = [1], strides = [1]} : vector<16xi32> to vector<1xi32>
      %squeeze3A_3959 = vector.extract %slice3A_3958[0] : i32 from vector<1xi32>
      %slice3A_3960 = vector.extract_strided_slice %mul3A_3669 {offsets = [4], sizes = [1], strides = [1]} : vector<16xi32> to vector<1xi32>
      %squeeze3A_3961 = vector.extract %slice3A_3960[0] : i32 from vector<1xi32>
      %slice3A_3962 = vector.extract_strided_slice %sub3A_3636 {offsets = [4], sizes = [1], strides = [1]} : vector<16xf32> to vector<1xf32>
      %squeeze3A_3963 = vector.extract %slice3A_3962[0] : f32 from vector<1xf32>
      %sub3A_3964 = arith.constant 1.000000e+00 : f32
      %sub3A_3965 = arith.subf %sub3A_3964, %squeeze3A_3963 : f32
      %add3A_3966 = arith.constant 0 : i32
      %add3A_3967 = arith.addi %squeeze3A_3959, %add3A_3966 : i32
      %get3A_3968 = arith.index_cast %add3A_3967 : i32 to index
      %get3A_3969 = tpu.vector_load %arg5[%get3A_3968] {strides = array<i32>} : memref<98304xf32, #tpu.memory_space<vmem>>, vector<16xf32>,
      %get3A_3970 = vector.shape_cast %get3A_3969 : vector<16xf32> to vector<16xf32>
      %mul3A_3971 = vector.broadcast %sub3A_3965 : f32 to vector<16xf32>
      %mul3A_3972 = arith.mulf %get3A_3970, %mul3A_3971 : vector<16xf32>
      %add3A_3973 = arith.addf %add3A_3909, %mul3A_3972 : vector<16xf32>
      %add3A_3974 = arith.constant 0 : i32
      %add3A_3975 = arith.addi %squeeze3A_3961, %add3A_3974 : i32
      %get3A_3976 = arith.index_cast %add3A_3975 : i32 to index
      %get3A_3977 = tpu.vector_load %arg5[%get3A_3976] {strides = array<i32>} : memref<98304xf32, #tpu.memory_space<vmem>>, vector<16xf32>,
      %get3A_3978 = vector.shape_cast %get3A_3977 : vector<16xf32> to vector<16xf32>
      %mul3A_3979 = vector.broadcast %squeeze3A_3963 : f32 to vector<16xf32>
      %mul3A_3980 = arith.mulf %get3A_3978, %mul3A_3979 : vector<16xf32>
      %add3A_3981 = arith.addf %add3A_3973, %mul3A_3980 : vector<16xf32>
      %add3A_3982 = arith.constant 16 : i32
      %add3A_3983 = arith.addi %squeeze3A_3959, %add3A_3982 : i32
      %get3A_3984 = arith.index_cast %add3A_3983 : i32 to index
      %get3A_3985 = tpu.vector_load %arg5[%get3A_3984] {strides = array<i32>} : memref<98304xf32, #tpu.memory_space<vmem>>, vector<16xf32>,
      %get3A_3986 = vector.shape_cast %get3A_3985 : vector<16xf32> to vector<16xf32>
      %mul3A_3987 = vector.broadcast %sub3A_3965 : f32 to vector<16xf32>
      %mul3A_3988 = arith.mulf %get3A_3986, %mul3A_3987 : vector<16xf32>
      %add3A_3989 = arith.addf %add3A_3925, %mul3A_3988 : vector<16xf32>
      %add3A_3990 = arith.constant 16 : i32
      %add3A_3991 = arith.addi %squeeze3A_3961, %add3A_3990 : i32
      %get3A_3992 = arith.index_cast %add3A_3991 : i32 to index
      %get3A_3993 = tpu.vector_load %arg5[%get3A_3992] {strides = array<i32>} : memref<98304xf32, #tpu.memory_space<vmem>>, vector<16xf32>,
      %get3A_3994 = vector.shape_cast %get3A_3993 : vector<16xf32> to vector<16xf32>
      %mul3A_3995 = vector.broadcast %squeeze3A_3963 : f32 to vector<16xf32>
      %mul3A_3996 = arith.mulf %get3A_3994, %mul3A_3995 : vector<16xf32>
      %add3A_3997 = arith.addf %add3A_3989, %mul3A_3996 : vector<16xf32>
      %add3A_3998 = arith.constant 32 : i32
      %add3A_3999 = arith.addi %squeeze3A_3959, %add3A_3998 : i32
      %get3A_4000 = arith.index_cast %add3A_3999 : i32 to index
      %get3A_4001 = tpu.vector_load %arg5[%get3A_4000] {strides = array<i32>} : memref<98304xf32, #tpu.memory_space<vmem>>, vector<16xf32>,
      %get3A_4002 = vector.shape_cast %get3A_4001 : vector<16xf32> to vector<16xf32>
      %mul3A_4003 = vector.broadcast %sub3A_3965 : f32 to vector<16xf32>
      %mul3A_4004 = arith.mulf %get3A_4002, %mul3A_4003 : vector<16xf32>
      %add3A_4005 = arith.addf %add3A_3941, %mul3A_4004 : vector<16xf32>
      %add3A_4006 = arith.constant 32 : i32
      %add3A_4007 = arith.addi %squeeze3A_3961, %add3A_4006 : i32
      %get3A_4008 = arith.index_cast %add3A_4007 : i32 to index
      %get3A_4009 = tpu.vector_load %arg5[%get3A_4008] {strides = array<i32>} : memref<98304xf32, #tpu.memory_space<vmem>>, vector<16xf32>,
      %get3A_4010 = vector.shape_cast %get3A_4009 : vector<16xf32> to vector<16xf32>
      %mul3A_4011 = vector.broadcast %squeeze3A_3963 : f32 to vector<16xf32>
      %mul3A_4012 = arith.mulf %get3A_4010, %mul3A_4011 : vector<16xf32>
      %add3A_4013 = arith.addf %add3A_4005, %mul3A_4012 : vector<16xf32>
      %add3A_4014 = arith.constant 48 : i32
      %add3A_4015 = arith.addi %squeeze3A_3959, %add3A_4014 : i32
      %get3A_4016 = arith.index_cast %add3A_4015 : i32 to index
      %get3A_4017 = tpu.vector_load %arg5[%get3A_4016] {strides = array<i32>} : memref<98304xf32, #tpu.memory_space<vmem>>, vector<16xf32>,
      %get3A_4018 = vector.shape_cast %get3A_4017 : vector<16xf32> to vector<16xf32>
      %mul3A_4019 = vector.broadcast %sub3A_3965 : f32 to vector<16xf32>
      %mul3A_4020 = arith.mulf %get3A_4018, %mul3A_4019 : vector<16xf32>
      %add3A_4021 = arith.addf %add3A_3957, %mul3A_4020 : vector<16xf32>
      %add3A_4022 = arith.constant 48 : i32
      %add3A_4023 = arith.addi %squeeze3A_3961, %add3A_4022 : i32
      %get3A_4024 = arith.index_cast %add3A_4023 : i32 to index
      %get3A_4025 = tpu.vector_load %arg5[%get3A_4024] {strides = array<i32>} : memref<98304xf32, #tpu.memory_space<vmem>>, vector<16xf32>,
      %get3A_4026 = vector.shape_cast %get3A_4025 : vector<16xf32> to vector<16xf32>
      %mul3A_4027 = vector.broadcast %squeeze3A_3963 : f32 to vector<16xf32>
      %mul3A_4028 = arith.mulf %get3A_4026, %mul3A_4027 : vector<16xf32>
      %add3A_4029 = arith.addf %add3A_4021, %mul3A_4028 : vector<16xf32>
      %slice3A_4030 = vector.extract_strided_slice %mul3A_3662 {offsets = [5], sizes = [1], strides = [1]} : vector<16xi32> to vector<1xi32>
      %squeeze3A_4031 = vector.extract %slice3A_4030[0] : i32 from vector<1xi32>
      %slice3A_4032 = vector.extract_strided_slice %mul3A_3669 {offsets = [5], sizes = [1], strides = [1]} : vector<16xi32> to vector<1xi32>
      %squeeze3A_4033 = vector.extract %slice3A_4032[0] : i32 from vector<1xi32>
      %slice3A_4034 = vector.extract_strided_slice %sub3A_3636 {offsets = [5], sizes = [1], strides = [1]} : vector<16xf32> to vector<1xf32>
      %squeeze3A_4035 = vector.extract %slice3A_4034[0] : f32 from vector<1xf32>
      %sub3A_4036 = arith.constant 1.000000e+00 : f32
      %sub3A_4037 = arith.subf %sub3A_4036, %squeeze3A_4035 : f32
      %add3A_4038 = arith.constant 0 : i32
      %add3A_4039 = arith.addi %squeeze3A_4031, %add3A_4038 : i32
      %get3A_4040 = arith.index_cast %add3A_4039 : i32 to index
      %get3A_4041 = tpu.vector_load %arg5[%get3A_4040] {strides = array<i32>} : memref<98304xf32, #tpu.memory_space<vmem>>, vector<16xf32>,
      %get3A_4042 = vector.shape_cast %get3A_4041 : vector<16xf32> to vector<16xf32>
      %mul3A_4043 = vector.broadcast %sub3A_4037 : f32 to vector<16xf32>
      %mul3A_4044 = arith.mulf %get3A_4042, %mul3A_4043 : vector<16xf32>
      %add3A_4045 = arith.addf %add3A_3981, %mul3A_4044 : vector<16xf32>
      %add3A_4046 = arith.constant 0 : i32
      %add3A_4047 = arith.addi %squeeze3A_4033, %add3A_4046 : i32
      %get3A_4048 = arith.index_cast %add3A_4047 : i32 to index
      %get3A_4049 = tpu.vector_load %arg5[%get3A_4048] {strides = array<i32>} : memref<98304xf32, #tpu.memory_space<vmem>>, vector<16xf32>,
      %get3A_4050 = vector.shape_cast %get3A_4049 : vector<16xf32> to vector<16xf32>
      %mul3A_4051 = vector.broadcast %squeeze3A_4035 : f32 to vector<16xf32>
      %mul3A_4052 = arith.mulf %get3A_4050, %mul3A_4051 : vector<16xf32>
      %add3A_4053 = arith.addf %add3A_4045, %mul3A_4052 : vector<16xf32>
      %add3A_4054 = arith.constant 16 : i32
      %add3A_4055 = arith.addi %squeeze3A_4031, %add3A_4054 : i32
      %get3A_4056 = arith.index_cast %add3A_4055 : i32 to index
      %get3A_4057 = tpu.vector_load %arg5[%get3A_4056] {strides = array<i32>} : memref<98304xf32, #tpu.memory_space<vmem>>, vector<16xf32>,
      %get3A_4058 = vector.shape_cast %get3A_4057 : vector<16xf32> to vector<16xf32>
      %mul3A_4059 = vector.broadcast %sub3A_4037 : f32 to vector<16xf32>
      %mul3A_4060 = arith.mulf %get3A_4058, %mul3A_4059 : vector<16xf32>
      %add3A_4061 = arith.addf %add3A_3997, %mul3A_4060 : vector<16xf32>
      %add3A_4062 = arith.constant 16 : i32
      %add3A_4063 = arith.addi %squeeze3A_4033, %add3A_4062 : i32
      %get3A_4064 = arith.index_cast %add3A_4063 : i32 to index
      %get3A_4065 = tpu.vector_load %arg5[%get3A_4064] {strides = array<i32>} : memref<98304xf32, #tpu.memory_space<vmem>>, vector<16xf32>,
      %get3A_4066 = vector.shape_cast %get3A_4065 : vector<16xf32> to vector<16xf32>
      %mul3A_4067 = vector.broadcast %squeeze3A_4035 : f32 to vector<16xf32>
      %mul3A_4068 = arith.mulf %get3A_4066, %mul3A_4067 : vector<16xf32>
      %add3A_4069 = arith.addf %add3A_4061, %mul3A_4068 : vector<16xf32>
      %add3A_4070 = arith.constant 32 : i32
      %add3A_4071 = arith.addi %squeeze3A_4031, %add3A_4070 : i32
      %get3A_4072 = arith.index_cast %add3A_4071 : i32 to index
      %get3A_4073 = tpu.vector_load %arg5[%get3A_4072] {strides = array<i32>} : memref<98304xf32, #tpu.memory_space<vmem>>, vector<16xf32>,
      %get3A_4074 = vector.shape_cast %get3A_4073 : vector<16xf32> to vector<16xf32>
      %mul3A_4075 = vector.broadcast %sub3A_4037 : f32 to vector<16xf32>
      %mul3A_4076 = arith.mulf %get3A_4074, %mul3A_4075 : vector<16xf32>
      %add3A_4077 = arith.addf %add3A_4013, %mul3A_4076 : vector<16xf32>
      %add3A_4078 = arith.constant 32 : i32
      %add3A_4079 = arith.addi %squeeze3A_4033, %add3A_4078 : i32
      %get3A_4080 = arith.index_cast %add3A_4079 : i32 to index
      %get3A_4081 = tpu.vector_load %arg5[%get3A_4080] {strides = array<i32>} : memref<98304xf32, #tpu.memory_space<vmem>>, vector<16xf32>,
      %get3A_4082 = vector.shape_cast %get3A_4081 : vector<16xf32> to vector<16xf32>
      %mul3A_4083 = vector.broadcast %squeeze3A_4035 : f32 to vector<16xf32>
      %mul3A_4084 = arith.mulf %get3A_4082, %mul3A_4083 : vector<16xf32>
      %add3A_4085 = arith.addf %add3A_4077, %mul3A_4084 : vector<16xf32>
      %add3A_4086 = arith.constant 48 : i32
      %add3A_4087 = arith.addi %squeeze3A_4031, %add3A_4086 : i32
      %get3A_4088 = arith.index_cast %add3A_4087 : i32 to index
      %get3A_4089 = tpu.vector_load %arg5[%get3A_4088] {strides = array<i32>} : memref<98304xf32, #tpu.memory_space<vmem>>, vector<16xf32>,
      %get3A_4090 = vector.shape_cast %get3A_4089 : vector<16xf32> to vector<16xf32>
      %mul3A_4091 = vector.broadcast %sub3A_4037 : f32 to vector<16xf32>
      %mul3A_4092 = arith.mulf %get3A_4090, %mul3A_4091 : vector<16xf32>
      %add3A_4093 = arith.addf %add3A_4029, %mul3A_4092 : vector<16xf32>
      %add3A_4094 = arith.constant 48 : i32
      %add3A_4095 = arith.addi %squeeze3A_4033, %add3A_4094 : i32
      %get3A_4096 = arith.index_cast %add3A_4095 : i32 to index
      %get3A_4097 = tpu.vector_load %arg5[%get3A_4096] {strides = array<i32>} : memref<98304xf32, #tpu.memory_space<vmem>>, vector<16xf32>,
      %get3A_4098 = vector.shape_cast %get3A_4097 : vector<16xf32> to vector<16xf32>
      %mul3A_4099 = vector.broadcast %squeeze3A_4035 : f32 to vector<16xf32>
      %mul3A_4100 = arith.mulf %get3A_4098, %mul3A_4099 : vector<16xf32>
      %add3A_4101 = arith.addf %add3A_4093, %mul3A_4100 : vector<16xf32>
      %slice3A_4102 = vector.extract_strided_slice %mul3A_3662 {offsets = [6], sizes = [1], strides = [1]} : vector<16xi32> to vector<1xi32>
      %squeeze3A_4103 = vector.extract %slice3A_4102[0] : i32 from vector<1xi32>
      %slice3A_4104 = vector.extract_strided_slice %mul3A_3669 {offsets = [6], sizes = [1], strides = [1]} : vector<16xi32> to vector<1xi32>
      %squeeze3A_4105 = vector.extract %slice3A_4104[0] : i32 from vector<1xi32>
      %slice3A_4106 = vector.extract_strided_slice %sub3A_3636 {offsets = [6], sizes = [1], strides = [1]} : vector<16xf32> to vector<1xf32>
      %squeeze3A_4107 = vector.extract %slice3A_4106[0] : f32 from vector<1xf32>
      %sub3A_4108 = arith.constant 1.000000e+00 : f32
      %sub3A_4109 = arith.subf %sub3A_4108, %squeeze3A_4107 : f32
      %add3A_4110 = arith.constant 0 : i32
      %add3A_4111 = arith.addi %squeeze3A_4103, %add3A_4110 : i32
      %get3A_4112 = arith.index_cast %add3A_4111 : i32 to index
      %get3A_4113 = tpu.vector_load %arg5[%get3A_4112] {strides = array<i32>} : memref<98304xf32, #tpu.memory_space<vmem>>, vector<16xf32>,
      %get3A_4114 = vector.shape_cast %get3A_4113 : vector<16xf32> to vector<16xf32>
      %mul3A_4115 = vector.broadcast %sub3A_4109 : f32 to vector<16xf32>
      %mul3A_4116 = arith.mulf %get3A_4114, %mul3A_4115 : vector<16xf32>
      %add3A_4117 = arith.addf %add3A_4053, %mul3A_4116 : vector<16xf32>
      %add3A_4118 = arith.constant 0 : i32
      %add3A_4119 = arith.addi %squeeze3A_4105, %add3A_4118 : i32
      %get3A_4120 = arith.index_cast %add3A_4119 : i32 to index
      %get3A_4121 = tpu.vector_load %arg5[%get3A_4120] {strides = array<i32>} : memref<98304xf32, #tpu.memory_space<vmem>>, vector<16xf32>,
      %get3A_4122 = vector.shape_cast %get3A_4121 : vector<16xf32> to vector<16xf32>
      %mul3A_4123 = vector.broadcast %squeeze3A_4107 : f32 to vector<16xf32>
      %mul3A_4124 = arith.mulf %get3A_4122, %mul3A_4123 : vector<16xf32>
      %add3A_4125 = arith.addf %add3A_4117, %mul3A_4124 : vector<16xf32>
      %add3A_4126 = arith.constant 16 : i32
      %add3A_4127 = arith.addi %squeeze3A_4103, %add3A_4126 : i32
      %get3A_4128 = arith.index_cast %add3A_4127 : i32 to index
      %get3A_4129 = tpu.vector_load %arg5[%get3A_4128] {strides = array<i32>} : memref<98304xf32, #tpu.memory_space<vmem>>, vector<16xf32>,
      %get3A_4130 = vector.shape_cast %get3A_4129 : vector<16xf32> to vector<16xf32>
      %mul3A_4131 = vector.broadcast %sub3A_4109 : f32 to vector<16xf32>
      %mul3A_4132 = arith.mulf %get3A_4130, %mul3A_4131 : vector<16xf32>
      %add3A_4133 = arith.addf %add3A_4069, %mul3A_4132 : vector<16xf32>
      %add3A_4134 = arith.constant 16 : i32
      %add3A_4135 = arith.addi %squeeze3A_4105, %add3A_4134 : i32
      %get3A_4136 = arith.index_cast %add3A_4135 : i32 to index
      %get3A_4137 = tpu.vector_load %arg5[%get3A_4136] {strides = array<i32>} : memref<98304xf32, #tpu.memory_space<vmem>>, vector<16xf32>,
      %get3A_4138 = vector.shape_cast %get3A_4137 : vector<16xf32> to vector<16xf32>
      %mul3A_4139 = vector.broadcast %squeeze3A_4107 : f32 to vector<16xf32>
      %mul3A_4140 = arith.mulf %get3A_4138, %mul3A_4139 : vector<16xf32>
      %add3A_4141 = arith.addf %add3A_4133, %mul3A_4140 : vector<16xf32>
      %add3A_4142 = arith.constant 32 : i32
      %add3A_4143 = arith.addi %squeeze3A_4103, %add3A_4142 : i32
      %get3A_4144 = arith.index_cast %add3A_4143 : i32 to index
      %get3A_4145 = tpu.vector_load %arg5[%get3A_4144] {strides = array<i32>} : memref<98304xf32, #tpu.memory_space<vmem>>, vector<16xf32>,
      %get3A_4146 = vector.shape_cast %get3A_4145 : vector<16xf32> to vector<16xf32>
      %mul3A_4147 = vector.broadcast %sub3A_4109 : f32 to vector<16xf32>
      %mul3A_4148 = arith.mulf %get3A_4146, %mul3A_4147 : vector<16xf32>
      %add3A_4149 = arith.addf %add3A_4085, %mul3A_4148 : vector<16xf32>
      %add3A_4150 = arith.constant 32 : i32
      %add3A_4151 = arith.addi %squeeze3A_4105, %add3A_4150 : i32
      %get3A_4152 = arith.index_cast %add3A_4151 : i32 to index
      %get3A_4153 = tpu.vector_load %arg5[%get3A_4152] {strides = array<i32>} : memref<98304xf32, #tpu.memory_space<vmem>>, vector<16xf32>,
      %get3A_4154 = vector.shape_cast %get3A_4153 : vector<16xf32> to vector<16xf32>
      %mul3A_4155 = vector.broadcast %squeeze3A_4107 : f32 to vector<16xf32>
      %mul3A_4156 = arith.mulf %get3A_4154, %mul3A_4155 : vector<16xf32>
      %add3A_4157 = arith.addf %add3A_4149, %mul3A_4156 : vector<16xf32>
      %add3A_4158 = arith.constant 48 : i32
      %add3A_4159 = arith.addi %squeeze3A_4103, %add3A_4158 : i32
      %get3A_4160 = arith.index_cast %add3A_4159 : i32 to index
      %get3A_4161 = tpu.vector_load %arg5[%get3A_4160] {strides = array<i32>} : memref<98304xf32, #tpu.memory_space<vmem>>, vector<16xf32>,
      %get3A_4162 = vector.shape_cast %get3A_4161 : vector<16xf32> to vector<16xf32>
      %mul3A_4163 = vector.broadcast %sub3A_4109 : f32 to vector<16xf32>
      %mul3A_4164 = arith.mulf %get3A_4162, %mul3A_4163 : vector<16xf32>
      %add3A_4165 = arith.addf %add3A_4101, %mul3A_4164 : vector<16xf32>
      %add3A_4166 = arith.constant 48 : i32
      %add3A_4167 = arith.addi %squeeze3A_4105, %add3A_4166 : i32
      %get3A_4168 = arith.index_cast %add3A_4167 : i32 to index
      %get3A_4169 = tpu.vector_load %arg5[%get3A_4168] {strides = array<i32>} : memref<98304xf32, #tpu.memory_space<vmem>>, vector<16xf32>,
      %get3A_4170 = vector.shape_cast %get3A_4169 : vector<16xf32> to vector<16xf32>
      %mul3A_4171 = vector.broadcast %squeeze3A_4107 : f32 to vector<16xf32>
      %mul3A_4172 = arith.mulf %get3A_4170, %mul3A_4171 : vector<16xf32>
      %add3A_4173 = arith.addf %add3A_4165, %mul3A_4172 : vector<16xf32>
      %slice3A_4174 = vector.extract_strided_slice %mul3A_3662 {offsets = [7], sizes = [1], strides = [1]} : vector<16xi32> to vector<1xi32>
      %squeeze3A_4175 = vector.extract %slice3A_4174[0] : i32 from vector<1xi32>
      %slice3A_4176 = vector.extract_strided_slice %mul3A_3669 {offsets = [7], sizes = [1], strides = [1]} : vector<16xi32> to vector<1xi32>
      %squeeze3A_4177 = vector.extract %slice3A_4176[0] : i32 from vector<1xi32>
      %slice3A_4178 = vector.extract_strided_slice %sub3A_3636 {offsets = [7], sizes = [1], strides = [1]} : vector<16xf32> to vector<1xf32>
      %squeeze3A_4179 = vector.extract %slice3A_4178[0] : f32 from vector<1xf32>
      %sub3A_4180 = arith.constant 1.000000e+00 : f32
      %sub3A_4181 = arith.subf %sub3A_4180, %squeeze3A_4179 : f32
      %add3A_4182 = arith.constant 0 : i32
      %add3A_4183 = arith.addi %squeeze3A_4175, %add3A_4182 : i32
      %get3A_4184 = arith.index_cast %add3A_4183 : i32 to index
      %get3A_4185 = tpu.vector_load %arg5[%get3A_4184] {strides = array<i32>} : memref<98304xf32, #tpu.memory_space<vmem>>, vector<16xf32>,
      %get3A_4186 = vector.shape_cast %get3A_4185 : vector<16xf32> to vector<16xf32>
      %mul3A_4187 = vector.broadcast %sub3A_4181 : f32 to vector<16xf32>
      %mul3A_4188 = arith.mulf %get3A_4186, %mul3A_4187 : vector<16xf32>
      %add3A_4189 = arith.addf %add3A_4125, %mul3A_4188 : vector<16xf32>
      %add3A_4190 = arith.constant 0 : i32
      %add3A_4191 = arith.addi %squeeze3A_4177, %add3A_4190 : i32
      %get3A_4192 = arith.index_cast %add3A_4191 : i32 to index
      %get3A_4193 = tpu.vector_load %arg5[%get3A_4192] {strides = array<i32>} : memref<98304xf32, #tpu.memory_space<vmem>>, vector<16xf32>,
      %get3A_4194 = vector.shape_cast %get3A_4193 : vector<16xf32> to vector<16xf32>
      %mul3A_4195 = vector.broadcast %squeeze3A_4179 : f32 to vector<16xf32>
      %mul3A_4196 = arith.mulf %get3A_4194, %mul3A_4195 : vector<16xf32>
      %add3A_4197 = arith.addf %add3A_4189, %mul3A_4196 : vector<16xf32>
      %add3A_4198 = arith.constant 16 : i32
      %add3A_4199 = arith.addi %squeeze3A_4175, %add3A_4198 : i32
      %get3A_4200 = arith.index_cast %add3A_4199 : i32 to index
      %get3A_4201 = tpu.vector_load %arg5[%get3A_4200] {strides = array<i32>} : memref<98304xf32, #tpu.memory_space<vmem>>, vector<16xf32>,
      %get3A_4202 = vector.shape_cast %get3A_4201 : vector<16xf32> to vector<16xf32>
      %mul3A_4203 = vector.broadcast %sub3A_4181 : f32 to vector<16xf32>
      %mul3A_4204 = arith.mulf %get3A_4202, %mul3A_4203 : vector<16xf32>
      %add3A_4205 = arith.addf %add3A_4141, %mul3A_4204 : vector<16xf32>
      %add3A_4206 = arith.constant 16 : i32
      %add3A_4207 = arith.addi %squeeze3A_4177, %add3A_4206 : i32
      %get3A_4208 = arith.index_cast %add3A_4207 : i32 to index
      %get3A_4209 = tpu.vector_load %arg5[%get3A_4208] {strides = array<i32>} : memref<98304xf32, #tpu.memory_space<vmem>>, vector<16xf32>,
      %get3A_4210 = vector.shape_cast %get3A_4209 : vector<16xf32> to vector<16xf32>
      %mul3A_4211 = vector.broadcast %squeeze3A_4179 : f32 to vector<16xf32>
      %mul3A_4212 = arith.mulf %get3A_4210, %mul3A_4211 : vector<16xf32>
      %add3A_4213 = arith.addf %add3A_4205, %mul3A_4212 : vector<16xf32>
      %add3A_4214 = arith.constant 32 : i32
      %add3A_4215 = arith.addi %squeeze3A_4175, %add3A_4214 : i32
      %get3A_4216 = arith.index_cast %add3A_4215 : i32 to index
      %get3A_4217 = tpu.vector_load %arg5[%get3A_4216] {strides = array<i32>} : memref<98304xf32, #tpu.memory_space<vmem>>, vector<16xf32>,
      %get3A_4218 = vector.shape_cast %get3A_4217 : vector<16xf32> to vector<16xf32>
      %mul3A_4219 = vector.broadcast %sub3A_4181 : f32 to vector<16xf32>
      %mul3A_4220 = arith.mulf %get3A_4218, %mul3A_4219 : vector<16xf32>
      %add3A_4221 = arith.addf %add3A_4157, %mul3A_4220 : vector<16xf32>
      %add3A_4222 = arith.constant 32 : i32
      %add3A_4223 = arith.addi %squeeze3A_4177, %add3A_4222 : i32
      %get3A_4224 = arith.index_cast %add3A_4223 : i32 to index
      %get3A_4225 = tpu.vector_load %arg5[%get3A_4224] {strides = array<i32>} : memref<98304xf32, #tpu.memory_space<vmem>>, vector<16xf32>,
      %get3A_4226 = vector.shape_cast %get3A_4225 : vector<16xf32> to vector<16xf32>
      %mul3A_4227 = vector.broadcast %squeeze3A_4179 : f32 to vector<16xf32>
      %mul3A_4228 = arith.mulf %get3A_4226, %mul3A_4227 : vector<16xf32>
      %add3A_4229 = arith.addf %add3A_4221, %mul3A_4228 : vector<16xf32>
      %add3A_4230 = arith.constant 48 : i32
      %add3A_4231 = arith.addi %squeeze3A_4175, %add3A_4230 : i32
      %get3A_4232 = arith.index_cast %add3A_4231 : i32 to index
      %get3A_4233 = tpu.vector_load %arg5[%get3A_4232] {strides = array<i32>} : memref<98304xf32, #tpu.memory_space<vmem>>, vector<16xf32>,
      %get3A_4234 = vector.shape_cast %get3A_4233 : vector<16xf32> to vector<16xf32>
      %mul3A_4235 = vector.broadcast %sub3A_4181 : f32 to vector<16xf32>
      %mul3A_4236 = arith.mulf %get3A_4234, %mul3A_4235 : vector<16xf32>
      %add3A_4237 = arith.addf %add3A_4173, %mul3A_4236 : vector<16xf32>
      %add3A_4238 = arith.constant 48 : i32
      %add3A_4239 = arith.addi %squeeze3A_4177, %add3A_4238 : i32
      %get3A_4240 = arith.index_cast %add3A_4239 : i32 to index
      %get3A_4241 = tpu.vector_load %arg5[%get3A_4240] {strides = array<i32>} : memref<98304xf32, #tpu.memory_space<vmem>>, vector<16xf32>,
      %get3A_4242 = vector.shape_cast %get3A_4241 : vector<16xf32> to vector<16xf32>
      %mul3A_4243 = vector.broadcast %squeeze3A_4179 : f32 to vector<16xf32>
      %mul3A_4244 = arith.mulf %get3A_4242, %mul3A_4243 : vector<16xf32>
      %add3A_4245 = arith.addf %add3A_4237, %mul3A_4244 : vector<16xf32>
      %slice3A_4246 = vector.extract_strided_slice %mul3A_3662 {offsets = [8], sizes = [1], strides = [1]} : vector<16xi32> to vector<1xi32>
      %squeeze3A_4247 = vector.extract %slice3A_4246[0] : i32 from vector<1xi32>
      %slice3A_4248 = vector.extract_strided_slice %mul3A_3669 {offsets = [8], sizes = [1], strides = [1]} : vector<16xi32> to vector<1xi32>
      %squeeze3A_4249 = vector.extract %slice3A_4248[0] : i32 from vector<1xi32>
      %slice3A_4250 = vector.extract_strided_slice %sub3A_3636 {offsets = [8], sizes = [1], strides = [1]} : vector<16xf32> to vector<1xf32>
      %squeeze3A_4251 = vector.extract %slice3A_4250[0] : f32 from vector<1xf32>
      %sub3A_4252 = arith.constant 1.000000e+00 : f32
      %sub3A_4253 = arith.subf %sub3A_4252, %squeeze3A_4251 : f32
      %add3A_4254 = arith.constant 0 : i32
      %add3A_4255 = arith.addi %squeeze3A_4247, %add3A_4254 : i32
      %get3A_4256 = arith.index_cast %add3A_4255 : i32 to index
      %get3A_4257 = tpu.vector_load %arg5[%get3A_4256] {strides = array<i32>} : memref<98304xf32, #tpu.memory_space<vmem>>, vector<16xf32>,
      %get3A_4258 = vector.shape_cast %get3A_4257 : vector<16xf32> to vector<16xf32>
      %mul3A_4259 = vector.broadcast %sub3A_4253 : f32 to vector<16xf32>
      %mul3A_4260 = arith.mulf %get3A_4258, %mul3A_4259 : vector<16xf32>
      %add3A_4261 = arith.addf %add3A_4197, %mul3A_4260 : vector<16xf32>
      %add3A_4262 = arith.constant 0 : i32
      %add3A_4263 = arith.addi %squeeze3A_4249, %add3A_4262 : i32
      %get3A_4264 = arith.index_cast %add3A_4263 : i32 to index
      %get3A_4265 = tpu.vector_load %arg5[%get3A_4264] {strides = array<i32>} : memref<98304xf32, #tpu.memory_space<vmem>>, vector<16xf32>,
      %get3A_4266 = vector.shape_cast %get3A_4265 : vector<16xf32> to vector<16xf32>
      %mul3A_4267 = vector.broadcast %squeeze3A_4251 : f32 to vector<16xf32>
      %mul3A_4268 = arith.mulf %get3A_4266, %mul3A_4267 : vector<16xf32>
      %add3A_4269 = arith.addf %add3A_4261, %mul3A_4268 : vector<16xf32>
      %add3A_4270 = arith.constant 16 : i32
      %add3A_4271 = arith.addi %squeeze3A_4247, %add3A_4270 : i32
      %get3A_4272 = arith.index_cast %add3A_4271 : i32 to index
      %get3A_4273 = tpu.vector_load %arg5[%get3A_4272] {strides = array<i32>} : memref<98304xf32, #tpu.memory_space<vmem>>, vector<16xf32>,
      %get3A_4274 = vector.shape_cast %get3A_4273 : vector<16xf32> to vector<16xf32>
      %mul3A_4275 = vector.broadcast %sub3A_4253 : f32 to vector<16xf32>
      %mul3A_4276 = arith.mulf %get3A_4274, %mul3A_4275 : vector<16xf32>
      %add3A_4277 = arith.addf %add3A_4213, %mul3A_4276 : vector<16xf32>
      %add3A_4278 = arith.constant 16 : i32
      %add3A_4279 = arith.addi %squeeze3A_4249, %add3A_4278 : i32
      %get3A_4280 = arith.index_cast %add3A_4279 : i32 to index
      %get3A_4281 = tpu.vector_load %arg5[%get3A_4280] {strides = array<i32>} : memref<98304xf32, #tpu.memory_space<vmem>>, vector<16xf32>,
      %get3A_4282 = vector.shape_cast %get3A_4281 : vector<16xf32> to vector<16xf32>
      %mul3A_4283 = vector.broadcast %squeeze3A_4251 : f32 to vector<16xf32>
      %mul3A_4284 = arith.mulf %get3A_4282, %mul3A_4283 : vector<16xf32>
      %add3A_4285 = arith.addf %add3A_4277, %mul3A_4284 : vector<16xf32>
      %add3A_4286 = arith.constant 32 : i32
      %add3A_4287 = arith.addi %squeeze3A_4247, %add3A_4286 : i32
      %get3A_4288 = arith.index_cast %add3A_4287 : i32 to index
      %get3A_4289 = tpu.vector_load %arg5[%get3A_4288] {strides = array<i32>} : memref<98304xf32, #tpu.memory_space<vmem>>, vector<16xf32>,
      %get3A_4290 = vector.shape_cast %get3A_4289 : vector<16xf32> to vector<16xf32>
      %mul3A_4291 = vector.broadcast %sub3A_4253 : f32 to vector<16xf32>
      %mul3A_4292 = arith.mulf %get3A_4290, %mul3A_4291 : vector<16xf32>
      %add3A_4293 = arith.addf %add3A_4229, %mul3A_4292 : vector<16xf32>
      %add3A_4294 = arith.constant 32 : i32
      %add3A_4295 = arith.addi %squeeze3A_4249, %add3A_4294 : i32
      %get3A_4296 = arith.index_cast %add3A_4295 : i32 to index
      %get3A_4297 = tpu.vector_load %arg5[%get3A_4296] {strides = array<i32>} : memref<98304xf32, #tpu.memory_space<vmem>>, vector<16xf32>,
      %get3A_4298 = vector.shape_cast %get3A_4297 : vector<16xf32> to vector<16xf32>
      %mul3A_4299 = vector.broadcast %squeeze3A_4251 : f32 to vector<16xf32>
      %mul3A_4300 = arith.mulf %get3A_4298, %mul3A_4299 : vector<16xf32>
      %add3A_4301 = arith.addf %add3A_4293, %mul3A_4300 : vector<16xf32>
      %add3A_4302 = arith.constant 48 : i32
      %add3A_4303 = arith.addi %squeeze3A_4247, %add3A_4302 : i32
      %get3A_4304 = arith.index_cast %add3A_4303 : i32 to index
      %get3A_4305 = tpu.vector_load %arg5[%get3A_4304] {strides = array<i32>} : memref<98304xf32, #tpu.memory_space<vmem>>, vector<16xf32>,
      %get3A_4306 = vector.shape_cast %get3A_4305 : vector<16xf32> to vector<16xf32>
      %mul3A_4307 = vector.broadcast %sub3A_4253 : f32 to vector<16xf32>
      %mul3A_4308 = arith.mulf %get3A_4306, %mul3A_4307 : vector<16xf32>
      %add3A_4309 = arith.addf %add3A_4245, %mul3A_4308 : vector<16xf32>
      %add3A_4310 = arith.constant 48 : i32
      %add3A_4311 = arith.addi %squeeze3A_4249, %add3A_4310 : i32
      %get3A_4312 = arith.index_cast %add3A_4311 : i32 to index
      %get3A_4313 = tpu.vector_load %arg5[%get3A_4312] {strides = array<i32>} : memref<98304xf32, #tpu.memory_space<vmem>>, vector<16xf32>,
      %get3A_4314 = vector.shape_cast %get3A_4313 : vector<16xf32> to vector<16xf32>
      %mul3A_4315 = vector.broadcast %squeeze3A_4251 : f32 to vector<16xf32>
      %mul3A_4316 = arith.mulf %get3A_4314, %mul3A_4315 : vector<16xf32>
      %add3A_4317 = arith.addf %add3A_4309, %mul3A_4316 : vector<16xf32>
      %slice3A_4318 = vector.extract_strided_slice %mul3A_3662 {offsets = [9], sizes = [1], strides = [1]} : vector<16xi32> to vector<1xi32>
      %squeeze3A_4319 = vector.extract %slice3A_4318[0] : i32 from vector<1xi32>
      %slice3A_4320 = vector.extract_strided_slice %mul3A_3669 {offsets = [9], sizes = [1], strides = [1]} : vector<16xi32> to vector<1xi32>
      %squeeze3A_4321 = vector.extract %slice3A_4320[0] : i32 from vector<1xi32>
      %slice3A_4322 = vector.extract_strided_slice %sub3A_3636 {offsets = [9], sizes = [1], strides = [1]} : vector<16xf32> to vector<1xf32>
      %squeeze3A_4323 = vector.extract %slice3A_4322[0] : f32 from vector<1xf32>
      %sub3A_4324 = arith.constant 1.000000e+00 : f32
      %sub3A_4325 = arith.subf %sub3A_4324, %squeeze3A_4323 : f32
      %add3A_4326 = arith.constant 0 : i32
      %add3A_4327 = arith.addi %squeeze3A_4319, %add3A_4326 : i32
      %get3A_4328 = arith.index_cast %add3A_4327 : i32 to index
      %get3A_4329 = tpu.vector_load %arg5[%get3A_4328] {strides = array<i32>} : memref<98304xf32, #tpu.memory_space<vmem>>, vector<16xf32>,
      %get3A_4330 = vector.shape_cast %get3A_4329 : vector<16xf32> to vector<16xf32>
      %mul3A_4331 = vector.broadcast %sub3A_4325 : f32 to vector<16xf32>
      %mul3A_4332 = arith.mulf %get3A_4330, %mul3A_4331 : vector<16xf32>
      %add3A_4333 = arith.addf %add3A_4269, %mul3A_4332 : vector<16xf32>
      %add3A_4334 = arith.constant 0 : i32
      %add3A_4335 = arith.addi %squeeze3A_4321, %add3A_4334 : i32
      %get3A_4336 = arith.index_cast %add3A_4335 : i32 to index
      %get3A_4337 = tpu.vector_load %arg5[%get3A_4336] {strides = array<i32>} : memref<98304xf32, #tpu.memory_space<vmem>>, vector<16xf32>,
      %get3A_4338 = vector.shape_cast %get3A_4337 : vector<16xf32> to vector<16xf32>
      %mul3A_4339 = vector.broadcast %squeeze3A_4323 : f32 to vector<16xf32>
      %mul3A_4340 = arith.mulf %get3A_4338, %mul3A_4339 : vector<16xf32>
      %add3A_4341 = arith.addf %add3A_4333, %mul3A_4340 : vector<16xf32>
      %add3A_4342 = arith.constant 16 : i32
      %add3A_4343 = arith.addi %squeeze3A_4319, %add3A_4342 : i32
      %get3A_4344 = arith.index_cast %add3A_4343 : i32 to index
      %get3A_4345 = tpu.vector_load %arg5[%get3A_4344] {strides = array<i32>} : memref<98304xf32, #tpu.memory_space<vmem>>, vector<16xf32>,
      %get3A_4346 = vector.shape_cast %get3A_4345 : vector<16xf32> to vector<16xf32>
      %mul3A_4347 = vector.broadcast %sub3A_4325 : f32 to vector<16xf32>
      %mul3A_4348 = arith.mulf %get3A_4346, %mul3A_4347 : vector<16xf32>
      %add3A_4349 = arith.addf %add3A_4285, %mul3A_4348 : vector<16xf32>
      %add3A_4350 = arith.constant 16 : i32
      %add3A_4351 = arith.addi %squeeze3A_4321, %add3A_4350 : i32
      %get3A_4352 = arith.index_cast %add3A_4351 : i32 to index
      %get3A_4353 = tpu.vector_load %arg5[%get3A_4352] {strides = array<i32>} : memref<98304xf32, #tpu.memory_space<vmem>>, vector<16xf32>,
      %get3A_4354 = vector.shape_cast %get3A_4353 : vector<16xf32> to vector<16xf32>
      %mul3A_4355 = vector.broadcast %squeeze3A_4323 : f32 to vector<16xf32>
      %mul3A_4356 = arith.mulf %get3A_4354, %mul3A_4355 : vector<16xf32>
      %add3A_4357 = arith.addf %add3A_4349, %mul3A_4356 : vector<16xf32>
      %add3A_4358 = arith.constant 32 : i32
      %add3A_4359 = arith.addi %squeeze3A_4319, %add3A_4358 : i32
      %get3A_4360 = arith.index_cast %add3A_4359 : i32 to index
      %get3A_4361 = tpu.vector_load %arg5[%get3A_4360] {strides = array<i32>} : memref<98304xf32, #tpu.memory_space<vmem>>, vector<16xf32>,
      %get3A_4362 = vector.shape_cast %get3A_4361 : vector<16xf32> to vector<16xf32>
      %mul3A_4363 = vector.broadcast %sub3A_4325 : f32 to vector<16xf32>
      %mul3A_4364 = arith.mulf %get3A_4362, %mul3A_4363 : vector<16xf32>
      %add3A_4365 = arith.addf %add3A_4301, %mul3A_4364 : vector<16xf32>
      %add3A_4366 = arith.constant 32 : i32
      %add3A_4367 = arith.addi %squeeze3A_4321, %add3A_4366 : i32
      %get3A_4368 = arith.index_cast %add3A_4367 : i32 to index
      %get3A_4369 = tpu.vector_load %arg5[%get3A_4368] {strides = array<i32>} : memref<98304xf32, #tpu.memory_space<vmem>>, vector<16xf32>,
      %get3A_4370 = vector.shape_cast %get3A_4369 : vector<16xf32> to vector<16xf32>
      %mul3A_4371 = vector.broadcast %squeeze3A_4323 : f32 to vector<16xf32>
      %mul3A_4372 = arith.mulf %get3A_4370, %mul3A_4371 : vector<16xf32>
      %add3A_4373 = arith.addf %add3A_4365, %mul3A_4372 : vector<16xf32>
      %add3A_4374 = arith.constant 48 : i32
      %add3A_4375 = arith.addi %squeeze3A_4319, %add3A_4374 : i32
      %get3A_4376 = arith.index_cast %add3A_4375 : i32 to index
      %get3A_4377 = tpu.vector_load %arg5[%get3A_4376] {strides = array<i32>} : memref<98304xf32, #tpu.memory_space<vmem>>, vector<16xf32>,
      %get3A_4378 = vector.shape_cast %get3A_4377 : vector<16xf32> to vector<16xf32>
      %mul3A_4379 = vector.broadcast %sub3A_4325 : f32 to vector<16xf32>
      %mul3A_4380 = arith.mulf %get3A_4378, %mul3A_4379 : vector<16xf32>
      %add3A_4381 = arith.addf %add3A_4317, %mul3A_4380 : vector<16xf32>
      %add3A_4382 = arith.constant 48 : i32
      %add3A_4383 = arith.addi %squeeze3A_4321, %add3A_4382 : i32
      %get3A_4384 = arith.index_cast %add3A_4383 : i32 to index
      %get3A_4385 = tpu.vector_load %arg5[%get3A_4384] {strides = array<i32>} : memref<98304xf32, #tpu.memory_space<vmem>>, vector<16xf32>,
      %get3A_4386 = vector.shape_cast %get3A_4385 : vector<16xf32> to vector<16xf32>
      %mul3A_4387 = vector.broadcast %squeeze3A_4323 : f32 to vector<16xf32>
      %mul3A_4388 = arith.mulf %get3A_4386, %mul3A_4387 : vector<16xf32>
      %add3A_4389 = arith.addf %add3A_4381, %mul3A_4388 : vector<16xf32>
      %slice3A_4390 = vector.extract_strided_slice %mul3A_3662 {offsets = [10], sizes = [1], strides = [1]} : vector<16xi32> to vector<1xi32>
      %squeeze3A_4391 = vector.extract %slice3A_4390[0] : i32 from vector<1xi32>
      %slice3A_4392 = vector.extract_strided_slice %mul3A_3669 {offsets = [10], sizes = [1], strides = [1]} : vector<16xi32> to vector<1xi32>
      %squeeze3A_4393 = vector.extract %slice3A_4392[0] : i32 from vector<1xi32>
      %slice3A_4394 = vector.extract_strided_slice %sub3A_3636 {offsets = [10], sizes = [1], strides = [1]} : vector<16xf32> to vector<1xf32>
      %squeeze3A_4395 = vector.extract %slice3A_4394[0] : f32 from vector<1xf32>
      %sub3A_4396 = arith.constant 1.000000e+00 : f32
      %sub3A_4397 = arith.subf %sub3A_4396, %squeeze3A_4395 : f32
      %add3A_4398 = arith.constant 0 : i32
      %add3A_4399 = arith.addi %squeeze3A_4391, %add3A_4398 : i32
      %get3A_4400 = arith.index_cast %add3A_4399 : i32 to index
      %get3A_4401 = tpu.vector_load %arg5[%get3A_4400] {strides = array<i32>} : memref<98304xf32, #tpu.memory_space<vmem>>, vector<16xf32>,
      %get3A_4402 = vector.shape_cast %get3A_4401 : vector<16xf32> to vector<16xf32>
      %mul3A_4403 = vector.broadcast %sub3A_4397 : f32 to vector<16xf32>
      %mul3A_4404 = arith.mulf %get3A_4402, %mul3A_4403 : vector<16xf32>
      %add3A_4405 = arith.addf %add3A_4341, %mul3A_4404 : vector<16xf32>
      %add3A_4406 = arith.constant 0 : i32
      %add3A_4407 = arith.addi %squeeze3A_4393, %add3A_4406 : i32
      %get3A_4408 = arith.index_cast %add3A_4407 : i32 to index
      %get3A_4409 = tpu.vector_load %arg5[%get3A_4408] {strides = array<i32>} : memref<98304xf32, #tpu.memory_space<vmem>>, vector<16xf32>,
      %get3A_4410 = vector.shape_cast %get3A_4409 : vector<16xf32> to vector<16xf32>
      %mul3A_4411 = vector.broadcast %squeeze3A_4395 : f32 to vector<16xf32>
      %mul3A_4412 = arith.mulf %get3A_4410, %mul3A_4411 : vector<16xf32>
      %add3A_4413 = arith.addf %add3A_4405, %mul3A_4412 : vector<16xf32>
      %add3A_4414 = arith.constant 16 : i32
      %add3A_4415 = arith.addi %squeeze3A_4391, %add3A_4414 : i32
      %get3A_4416 = arith.index_cast %add3A_4415 : i32 to index
      %get3A_4417 = tpu.vector_load %arg5[%get3A_4416] {strides = array<i32>} : memref<98304xf32, #tpu.memory_space<vmem>>, vector<16xf32>,
      %get3A_4418 = vector.shape_cast %get3A_4417 : vector<16xf32> to vector<16xf32>
      %mul3A_4419 = vector.broadcast %sub3A_4397 : f32 to vector<16xf32>
      %mul3A_4420 = arith.mulf %get3A_4418, %mul3A_4419 : vector<16xf32>
      %add3A_4421 = arith.addf %add3A_4357, %mul3A_4420 : vector<16xf32>
      %add3A_4422 = arith.constant 16 : i32
      %add3A_4423 = arith.addi %squeeze3A_4393, %add3A_4422 : i32
      %get3A_4424 = arith.index_cast %add3A_4423 : i32 to index
      %get3A_4425 = tpu.vector_load %arg5[%get3A_4424] {strides = array<i32>} : memref<98304xf32, #tpu.memory_space<vmem>>, vector<16xf32>,
      %get3A_4426 = vector.shape_cast %get3A_4425 : vector<16xf32> to vector<16xf32>
      %mul3A_4427 = vector.broadcast %squeeze3A_4395 : f32 to vector<16xf32>
      %mul3A_4428 = arith.mulf %get3A_4426, %mul3A_4427 : vector<16xf32>
      %add3A_4429 = arith.addf %add3A_4421, %mul3A_4428 : vector<16xf32>
      %add3A_4430 = arith.constant 32 : i32
      %add3A_4431 = arith.addi %squeeze3A_4391, %add3A_4430 : i32
      %get3A_4432 = arith.index_cast %add3A_4431 : i32 to index
      %get3A_4433 = tpu.vector_load %arg5[%get3A_4432] {strides = array<i32>} : memref<98304xf32, #tpu.memory_space<vmem>>, vector<16xf32>,
      %get3A_4434 = vector.shape_cast %get3A_4433 : vector<16xf32> to vector<16xf32>
      %mul3A_4435 = vector.broadcast %sub3A_4397 : f32 to vector<16xf32>
      %mul3A_4436 = arith.mulf %get3A_4434, %mul3A_4435 : vector<16xf32>
      %add3A_4437 = arith.addf %add3A_4373, %mul3A_4436 : vector<16xf32>
      %add3A_4438 = arith.constant 32 : i32
      %add3A_4439 = arith.addi %squeeze3A_4393, %add3A_4438 : i32
      %get3A_4440 = arith.index_cast %add3A_4439 : i32 to index
      %get3A_4441 = tpu.vector_load %arg5[%get3A_4440] {strides = array<i32>} : memref<98304xf32, #tpu.memory_space<vmem>>, vector<16xf32>,
      %get3A_4442 = vector.shape_cast %get3A_4441 : vector<16xf32> to vector<16xf32>
      %mul3A_4443 = vector.broadcast %squeeze3A_4395 : f32 to vector<16xf32>
      %mul3A_4444 = arith.mulf %get3A_4442, %mul3A_4443 : vector<16xf32>
      %add3A_4445 = arith.addf %add3A_4437, %mul3A_4444 : vector<16xf32>
      %add3A_4446 = arith.constant 48 : i32
      %add3A_4447 = arith.addi %squeeze3A_4391, %add3A_4446 : i32
      %get3A_4448 = arith.index_cast %add3A_4447 : i32 to index
      %get3A_4449 = tpu.vector_load %arg5[%get3A_4448] {strides = array<i32>} : memref<98304xf32, #tpu.memory_space<vmem>>, vector<16xf32>,
      %get3A_4450 = vector.shape_cast %get3A_4449 : vector<16xf32> to vector<16xf32>
      %mul3A_4451 = vector.broadcast %sub3A_4397 : f32 to vector<16xf32>
      %mul3A_4452 = arith.mulf %get3A_4450, %mul3A_4451 : vector<16xf32>
      %add3A_4453 = arith.addf %add3A_4389, %mul3A_4452 : vector<16xf32>
      %add3A_4454 = arith.constant 48 : i32
      %add3A_4455 = arith.addi %squeeze3A_4393, %add3A_4454 : i32
      %get3A_4456 = arith.index_cast %add3A_4455 : i32 to index
      %get3A_4457 = tpu.vector_load %arg5[%get3A_4456] {strides = array<i32>} : memref<98304xf32, #tpu.memory_space<vmem>>, vector<16xf32>,
      %get3A_4458 = vector.shape_cast %get3A_4457 : vector<16xf32> to vector<16xf32>
      %mul3A_4459 = vector.broadcast %squeeze3A_4395 : f32 to vector<16xf32>
      %mul3A_4460 = arith.mulf %get3A_4458, %mul3A_4459 : vector<16xf32>
      %add3A_4461 = arith.addf %add3A_4453, %mul3A_4460 : vector<16xf32>
      %slice3A_4462 = vector.extract_strided_slice %mul3A_3662 {offsets = [11], sizes = [1], strides = [1]} : vector<16xi32> to vector<1xi32>
      %squeeze3A_4463 = vector.extract %slice3A_4462[0] : i32 from vector<1xi32>
      %slice3A_4464 = vector.extract_strided_slice %mul3A_3669 {offsets = [11], sizes = [1], strides = [1]} : vector<16xi32> to vector<1xi32>
      %squeeze3A_4465 = vector.extract %slice3A_4464[0] : i32 from vector<1xi32>
      %slice3A_4466 = vector.extract_strided_slice %sub3A_3636 {offsets = [11], sizes = [1], strides = [1]} : vector<16xf32> to vector<1xf32>
      %squeeze3A_4467 = vector.extract %slice3A_4466[0] : f32 from vector<1xf32>
      %sub3A_4468 = arith.constant 1.000000e+00 : f32
      %sub3A_4469 = arith.subf %sub3A_4468, %squeeze3A_4467 : f32
      %add3A_4470 = arith.constant 0 : i32
      %add3A_4471 = arith.addi %squeeze3A_4463, %add3A_4470 : i32
      %get3A_4472 = arith.index_cast %add3A_4471 : i32 to index
      %get3A_4473 = tpu.vector_load %arg5[%get3A_4472] {strides = array<i32>} : memref<98304xf32, #tpu.memory_space<vmem>>, vector<16xf32>,
      %get3A_4474 = vector.shape_cast %get3A_4473 : vector<16xf32> to vector<16xf32>
      %mul3A_4475 = vector.broadcast %sub3A_4469 : f32 to vector<16xf32>
      %mul3A_4476 = arith.mulf %get3A_4474, %mul3A_4475 : vector<16xf32>
      %add3A_4477 = arith.addf %add3A_4413, %mul3A_4476 : vector<16xf32>
      %add3A_4478 = arith.constant 0 : i32
      %add3A_4479 = arith.addi %squeeze3A_4465, %add3A_4478 : i32
      %get3A_4480 = arith.index_cast %add3A_4479 : i32 to index
      %get3A_4481 = tpu.vector_load %arg5[%get3A_4480] {strides = array<i32>} : memref<98304xf32, #tpu.memory_space<vmem>>, vector<16xf32>,
      %get3A_4482 = vector.shape_cast %get3A_4481 : vector<16xf32> to vector<16xf32>
      %mul3A_4483 = vector.broadcast %squeeze3A_4467 : f32 to vector<16xf32>
      %mul3A_4484 = arith.mulf %get3A_4482, %mul3A_4483 : vector<16xf32>
      %add3A_4485 = arith.addf %add3A_4477, %mul3A_4484 : vector<16xf32>
      %add3A_4486 = arith.constant 16 : i32
      %add3A_4487 = arith.addi %squeeze3A_4463, %add3A_4486 : i32
      %get3A_4488 = arith.index_cast %add3A_4487 : i32 to index
      %get3A_4489 = tpu.vector_load %arg5[%get3A_4488] {strides = array<i32>} : memref<98304xf32, #tpu.memory_space<vmem>>, vector<16xf32>,
      %get3A_4490 = vector.shape_cast %get3A_4489 : vector<16xf32> to vector<16xf32>
      %mul3A_4491 = vector.broadcast %sub3A_4469 : f32 to vector<16xf32>
      %mul3A_4492 = arith.mulf %get3A_4490, %mul3A_4491 : vector<16xf32>
      %add3A_4493 = arith.addf %add3A_4429, %mul3A_4492 : vector<16xf32>
      %add3A_4494 = arith.constant 16 : i32
      %add3A_4495 = arith.addi %squeeze3A_4465, %add3A_4494 : i32
      %get3A_4496 = arith.index_cast %add3A_4495 : i32 to index
      %get3A_4497 = tpu.vector_load %arg5[%get3A_4496] {strides = array<i32>} : memref<98304xf32, #tpu.memory_space<vmem>>, vector<16xf32>,
      %get3A_4498 = vector.shape_cast %get3A_4497 : vector<16xf32> to vector<16xf32>
      %mul3A_4499 = vector.broadcast %squeeze3A_4467 : f32 to vector<16xf32>
      %mul3A_4500 = arith.mulf %get3A_4498, %mul3A_4499 : vector<16xf32>
      %add3A_4501 = arith.addf %add3A_4493, %mul3A_4500 : vector<16xf32>
      %add3A_4502 = arith.constant 32 : i32
      %add3A_4503 = arith.addi %squeeze3A_4463, %add3A_4502 : i32
      %get3A_4504 = arith.index_cast %add3A_4503 : i32 to index
      %get3A_4505 = tpu.vector_load %arg5[%get3A_4504] {strides = array<i32>} : memref<98304xf32, #tpu.memory_space<vmem>>, vector<16xf32>,
      %get3A_4506 = vector.shape_cast %get3A_4505 : vector<16xf32> to vector<16xf32>
      %mul3A_4507 = vector.broadcast %sub3A_4469 : f32 to vector<16xf32>
      %mul3A_4508 = arith.mulf %get3A_4506, %mul3A_4507 : vector<16xf32>
      %add3A_4509 = arith.addf %add3A_4445, %mul3A_4508 : vector<16xf32>
      %add3A_4510 = arith.constant 32 : i32
      %add3A_4511 = arith.addi %squeeze3A_4465, %add3A_4510 : i32
      %get3A_4512 = arith.index_cast %add3A_4511 : i32 to index
      %get3A_4513 = tpu.vector_load %arg5[%get3A_4512] {strides = array<i32>} : memref<98304xf32, #tpu.memory_space<vmem>>, vector<16xf32>,
      %get3A_4514 = vector.shape_cast %get3A_4513 : vector<16xf32> to vector<16xf32>
      %mul3A_4515 = vector.broadcast %squeeze3A_4467 : f32 to vector<16xf32>
      %mul3A_4516 = arith.mulf %get3A_4514, %mul3A_4515 : vector<16xf32>
      %add3A_4517 = arith.addf %add3A_4509, %mul3A_4516 : vector<16xf32>
      %add3A_4518 = arith.constant 48 : i32
      %add3A_4519 = arith.addi %squeeze3A_4463, %add3A_4518 : i32
      %get3A_4520 = arith.index_cast %add3A_4519 : i32 to index
      %get3A_4521 = tpu.vector_load %arg5[%get3A_4520] {strides = array<i32>} : memref<98304xf32, #tpu.memory_space<vmem>>, vector<16xf32>,
      %get3A_4522 = vector.shape_cast %get3A_4521 : vector<16xf32> to vector<16xf32>
      %mul3A_4523 = vector.broadcast %sub3A_4469 : f32 to vector<16xf32>
      %mul3A_4524 = arith.mulf %get3A_4522, %mul3A_4523 : vector<16xf32>
      %add3A_4525 = arith.addf %add3A_4461, %mul3A_4524 : vector<16xf32>
      %add3A_4526 = arith.constant 48 : i32
      %add3A_4527 = arith.addi %squeeze3A_4465, %add3A_4526 : i32
      %get3A_4528 = arith.index_cast %add3A_4527 : i32 to index
      %get3A_4529 = tpu.vector_load %arg5[%get3A_4528] {strides = array<i32>} : memref<98304xf32, #tpu.memory_space<vmem>>, vector<16xf32>,
      %get3A_4530 = vector.shape_cast %get3A_4529 : vector<16xf32> to vector<16xf32>
      %mul3A_4531 = vector.broadcast %squeeze3A_4467 : f32 to vector<16xf32>
      %mul3A_4532 = arith.mulf %get3A_4530, %mul3A_4531 : vector<16xf32>
      %add3A_4533 = arith.addf %add3A_4525, %mul3A_4532 : vector<16xf32>
      %slice3A_4534 = vector.extract_strided_slice %mul3A_3662 {offsets = [12], sizes = [1], strides = [1]} : vector<16xi32> to vector<1xi32>
      %squeeze3A_4535 = vector.extract %slice3A_4534[0] : i32 from vector<1xi32>
      %slice3A_4536 = vector.extract_strided_slice %mul3A_3669 {offsets = [12], sizes = [1], strides = [1]} : vector<16xi32> to vector<1xi32>
      %squeeze3A_4537 = vector.extract %slice3A_4536[0] : i32 from vector<1xi32>
      %slice3A_4538 = vector.extract_strided_slice %sub3A_3636 {offsets = [12], sizes = [1], strides = [1]} : vector<16xf32> to vector<1xf32>
      %squeeze3A_4539 = vector.extract %slice3A_4538[0] : f32 from vector<1xf32>
      %sub3A_4540 = arith.constant 1.000000e+00 : f32
      %sub3A_4541 = arith.subf %sub3A_4540, %squeeze3A_4539 : f32
      %add3A_4542 = arith.constant 0 : i32
      %add3A_4543 = arith.addi %squeeze3A_4535, %add3A_4542 : i32
      %get3A_4544 = arith.index_cast %add3A_4543 : i32 to index
      %get3A_4545 = tpu.vector_load %arg5[%get3A_4544] {strides = array<i32>} : memref<98304xf32, #tpu.memory_space<vmem>>, vector<16xf32>,
      %get3A_4546 = vector.shape_cast %get3A_4545 : vector<16xf32> to vector<16xf32>
      %mul3A_4547 = vector.broadcast %sub3A_4541 : f32 to vector<16xf32>
      %mul3A_4548 = arith.mulf %get3A_4546, %mul3A_4547 : vector<16xf32>
      %add3A_4549 = arith.addf %add3A_4485, %mul3A_4548 : vector<16xf32>
      %add3A_4550 = arith.constant 0 : i32
      %add3A_4551 = arith.addi %squeeze3A_4537, %add3A_4550 : i32
      %get3A_4552 = arith.index_cast %add3A_4551 : i32 to index
      %get3A_4553 = tpu.vector_load %arg5[%get3A_4552] {strides = array<i32>} : memref<98304xf32, #tpu.memory_space<vmem>>, vector<16xf32>,
      %get3A_4554 = vector.shape_cast %get3A_4553 : vector<16xf32> to vector<16xf32>
      %mul3A_4555 = vector.broadcast %squeeze3A_4539 : f32 to vector<16xf32>
      %mul3A_4556 = arith.mulf %get3A_4554, %mul3A_4555 : vector<16xf32>
      %add3A_4557 = arith.addf %add3A_4549, %mul3A_4556 : vector<16xf32>
      %add3A_4558 = arith.constant 16 : i32
      %add3A_4559 = arith.addi %squeeze3A_4535, %add3A_4558 : i32
      %get3A_4560 = arith.index_cast %add3A_4559 : i32 to index
      %get3A_4561 = tpu.vector_load %arg5[%get3A_4560] {strides = array<i32>} : memref<98304xf32, #tpu.memory_space<vmem>>, vector<16xf32>,
      %get3A_4562 = vector.shape_cast %get3A_4561 : vector<16xf32> to vector<16xf32>
      %mul3A_4563 = vector.broadcast %sub3A_4541 : f32 to vector<16xf32>
      %mul3A_4564 = arith.mulf %get3A_4562, %mul3A_4563 : vector<16xf32>
      %add3A_4565 = arith.addf %add3A_4501, %mul3A_4564 : vector<16xf32>
      %add3A_4566 = arith.constant 16 : i32
      %add3A_4567 = arith.addi %squeeze3A_4537, %add3A_4566 : i32
      %get3A_4568 = arith.index_cast %add3A_4567 : i32 to index
      %get3A_4569 = tpu.vector_load %arg5[%get3A_4568] {strides = array<i32>} : memref<98304xf32, #tpu.memory_space<vmem>>, vector<16xf32>,
      %get3A_4570 = vector.shape_cast %get3A_4569 : vector<16xf32> to vector<16xf32>
      %mul3A_4571 = vector.broadcast %squeeze3A_4539 : f32 to vector<16xf32>
      %mul3A_4572 = arith.mulf %get3A_4570, %mul3A_4571 : vector<16xf32>
      %add3A_4573 = arith.addf %add3A_4565, %mul3A_4572 : vector<16xf32>
      %add3A_4574 = arith.constant 32 : i32
      %add3A_4575 = arith.addi %squeeze3A_4535, %add3A_4574 : i32
      %get3A_4576 = arith.index_cast %add3A_4575 : i32 to index
      %get3A_4577 = tpu.vector_load %arg5[%get3A_4576] {strides = array<i32>} : memref<98304xf32, #tpu.memory_space<vmem>>, vector<16xf32>,
      %get3A_4578 = vector.shape_cast %get3A_4577 : vector<16xf32> to vector<16xf32>
      %mul3A_4579 = vector.broadcast %sub3A_4541 : f32 to vector<16xf32>
      %mul3A_4580 = arith.mulf %get3A_4578, %mul3A_4579 : vector<16xf32>
      %add3A_4581 = arith.addf %add3A_4517, %mul3A_4580 : vector<16xf32>
      %add3A_4582 = arith.constant 32 : i32
      %add3A_4583 = arith.addi %squeeze3A_4537, %add3A_4582 : i32
      %get3A_4584 = arith.index_cast %add3A_4583 : i32 to index
      %get3A_4585 = tpu.vector_load %arg5[%get3A_4584] {strides = array<i32>} : memref<98304xf32, #tpu.memory_space<vmem>>, vector<16xf32>,
      %get3A_4586 = vector.shape_cast %get3A_4585 : vector<16xf32> to vector<16xf32>
      %mul3A_4587 = vector.broadcast %squeeze3A_4539 : f32 to vector<16xf32>
      %mul3A_4588 = arith.mulf %get3A_4586, %mul3A_4587 : vector<16xf32>
      %add3A_4589 = arith.addf %add3A_4581, %mul3A_4588 : vector<16xf32>
      %add3A_4590 = arith.constant 48 : i32
      %add3A_4591 = arith.addi %squeeze3A_4535, %add3A_4590 : i32
      %get3A_4592 = arith.index_cast %add3A_4591 : i32 to index
      %get3A_4593 = tpu.vector_load %arg5[%get3A_4592] {strides = array<i32>} : memref<98304xf32, #tpu.memory_space<vmem>>, vector<16xf32>,
      %get3A_4594 = vector.shape_cast %get3A_4593 : vector<16xf32> to vector<16xf32>
      %mul3A_4595 = vector.broadcast %sub3A_4541 : f32 to vector<16xf32>
      %mul3A_4596 = arith.mulf %get3A_4594, %mul3A_4595 : vector<16xf32>
      %add3A_4597 = arith.addf %add3A_4533, %mul3A_4596 : vector<16xf32>
      %add3A_4598 = arith.constant 48 : i32
      %add3A_4599 = arith.addi %squeeze3A_4537, %add3A_4598 : i32
      %get3A_4600 = arith.index_cast %add3A_4599 : i32 to index
      %get3A_4601 = tpu.vector_load %arg5[%get3A_4600] {strides = array<i32>} : memref<98304xf32, #tpu.memory_space<vmem>>, vector<16xf32>,
      %get3A_4602 = vector.shape_cast %get3A_4601 : vector<16xf32> to vector<16xf32>
      %mul3A_4603 = vector.broadcast %squeeze3A_4539 : f32 to vector<16xf32>
      %mul3A_4604 = arith.mulf %get3A_4602, %mul3A_4603 : vector<16xf32>
      %add3A_4605 = arith.addf %add3A_4597, %mul3A_4604 : vector<16xf32>
      %slice3A_4606 = vector.extract_strided_slice %mul3A_3662 {offsets = [13], sizes = [1], strides = [1]} : vector<16xi32> to vector<1xi32>
      %squeeze3A_4607 = vector.extract %slice3A_4606[0] : i32 from vector<1xi32>
      %slice3A_4608 = vector.extract_strided_slice %mul3A_3669 {offsets = [13], sizes = [1], strides = [1]} : vector<16xi32> to vector<1xi32>
      %squeeze3A_4609 = vector.extract %slice3A_4608[0] : i32 from vector<1xi32>
      %slice3A_4610 = vector.extract_strided_slice %sub3A_3636 {offsets = [13], sizes = [1], strides = [1]} : vector<16xf32> to vector<1xf32>
      %squeeze3A_4611 = vector.extract %slice3A_4610[0] : f32 from vector<1xf32>
      %sub3A_4612 = arith.constant 1.000000e+00 : f32
      %sub3A_4613 = arith.subf %sub3A_4612, %squeeze3A_4611 : f32
      %add3A_4614 = arith.constant 0 : i32
      %add3A_4615 = arith.addi %squeeze3A_4607, %add3A_4614 : i32
      %get3A_4616 = arith.index_cast %add3A_4615 : i32 to index
      %get3A_4617 = tpu.vector_load %arg5[%get3A_4616] {strides = array<i32>} : memref<98304xf32, #tpu.memory_space<vmem>>, vector<16xf32>,
      %get3A_4618 = vector.shape_cast %get3A_4617 : vector<16xf32> to vector<16xf32>
      %mul3A_4619 = vector.broadcast %sub3A_4613 : f32 to vector<16xf32>
      %mul3A_4620 = arith.mulf %get3A_4618, %mul3A_4619 : vector<16xf32>
      %add3A_4621 = arith.addf %add3A_4557, %mul3A_4620 : vector<16xf32>
      %add3A_4622 = arith.constant 0 : i32
      %add3A_4623 = arith.addi %squeeze3A_4609, %add3A_4622 : i32
      %get3A_4624 = arith.index_cast %add3A_4623 : i32 to index
      %get3A_4625 = tpu.vector_load %arg5[%get3A_4624] {strides = array<i32>} : memref<98304xf32, #tpu.memory_space<vmem>>, vector<16xf32>,
      %get3A_4626 = vector.shape_cast %get3A_4625 : vector<16xf32> to vector<16xf32>
      %mul3A_4627 = vector.broadcast %squeeze3A_4611 : f32 to vector<16xf32>
      %mul3A_4628 = arith.mulf %get3A_4626, %mul3A_4627 : vector<16xf32>
      %add3A_4629 = arith.addf %add3A_4621, %mul3A_4628 : vector<16xf32>
      %add3A_4630 = arith.constant 16 : i32
      %add3A_4631 = arith.addi %squeeze3A_4607, %add3A_4630 : i32
      %get3A_4632 = arith.index_cast %add3A_4631 : i32 to index
      %get3A_4633 = tpu.vector_load %arg5[%get3A_4632] {strides = array<i32>} : memref<98304xf32, #tpu.memory_space<vmem>>, vector<16xf32>,
      %get3A_4634 = vector.shape_cast %get3A_4633 : vector<16xf32> to vector<16xf32>
      %mul3A_4635 = vector.broadcast %sub3A_4613 : f32 to vector<16xf32>
      %mul3A_4636 = arith.mulf %get3A_4634, %mul3A_4635 : vector<16xf32>
      %add3A_4637 = arith.addf %add3A_4573, %mul3A_4636 : vector<16xf32>
      %add3A_4638 = arith.constant 16 : i32
      %add3A_4639 = arith.addi %squeeze3A_4609, %add3A_4638 : i32
      %get3A_4640 = arith.index_cast %add3A_4639 : i32 to index
      %get3A_4641 = tpu.vector_load %arg5[%get3A_4640] {strides = array<i32>} : memref<98304xf32, #tpu.memory_space<vmem>>, vector<16xf32>,
      %get3A_4642 = vector.shape_cast %get3A_4641 : vector<16xf32> to vector<16xf32>
      %mul3A_4643 = vector.broadcast %squeeze3A_4611 : f32 to vector<16xf32>
      %mul3A_4644 = arith.mulf %get3A_4642, %mul3A_4643 : vector<16xf32>
      %add3A_4645 = arith.addf %add3A_4637, %mul3A_4644 : vector<16xf32>
      %add3A_4646 = arith.constant 32 : i32
      %add3A_4647 = arith.addi %squeeze3A_4607, %add3A_4646 : i32
      %get3A_4648 = arith.index_cast %add3A_4647 : i32 to index
      %get3A_4649 = tpu.vector_load %arg5[%get3A_4648] {strides = array<i32>} : memref<98304xf32, #tpu.memory_space<vmem>>, vector<16xf32>,
      %get3A_4650 = vector.shape_cast %get3A_4649 : vector<16xf32> to vector<16xf32>
      %mul3A_4651 = vector.broadcast %sub3A_4613 : f32 to vector<16xf32>
      %mul3A_4652 = arith.mulf %get3A_4650, %mul3A_4651 : vector<16xf32>
      %add3A_4653 = arith.addf %add3A_4589, %mul3A_4652 : vector<16xf32>
      %add3A_4654 = arith.constant 32 : i32
      %add3A_4655 = arith.addi %squeeze3A_4609, %add3A_4654 : i32
      %get3A_4656 = arith.index_cast %add3A_4655 : i32 to index
      %get3A_4657 = tpu.vector_load %arg5[%get3A_4656] {strides = array<i32>} : memref<98304xf32, #tpu.memory_space<vmem>>, vector<16xf32>,
      %get3A_4658 = vector.shape_cast %get3A_4657 : vector<16xf32> to vector<16xf32>
      %mul3A_4659 = vector.broadcast %squeeze3A_4611 : f32 to vector<16xf32>
      %mul3A_4660 = arith.mulf %get3A_4658, %mul3A_4659 : vector<16xf32>
      %add3A_4661 = arith.addf %add3A_4653, %mul3A_4660 : vector<16xf32>
      %add3A_4662 = arith.constant 48 : i32
      %add3A_4663 = arith.addi %squeeze3A_4607, %add3A_4662 : i32
      %get3A_4664 = arith.index_cast %add3A_4663 : i32 to index
      %get3A_4665 = tpu.vector_load %arg5[%get3A_4664] {strides = array<i32>} : memref<98304xf32, #tpu.memory_space<vmem>>, vector<16xf32>,
      %get3A_4666 = vector.shape_cast %get3A_4665 : vector<16xf32> to vector<16xf32>
      %mul3A_4667 = vector.broadcast %sub3A_4613 : f32 to vector<16xf32>
      %mul3A_4668 = arith.mulf %get3A_4666, %mul3A_4667 : vector<16xf32>
      %add3A_4669 = arith.addf %add3A_4605, %mul3A_4668 : vector<16xf32>
      %add3A_4670 = arith.constant 48 : i32
      %add3A_4671 = arith.addi %squeeze3A_4609, %add3A_4670 : i32
      %get3A_4672 = arith.index_cast %add3A_4671 : i32 to index
      %get3A_4673 = tpu.vector_load %arg5[%get3A_4672] {strides = array<i32>} : memref<98304xf32, #tpu.memory_space<vmem>>, vector<16xf32>,
      %get3A_4674 = vector.shape_cast %get3A_4673 : vector<16xf32> to vector<16xf32>
      %mul3A_4675 = vector.broadcast %squeeze3A_4611 : f32 to vector<16xf32>
      %mul3A_4676 = arith.mulf %get3A_4674, %mul3A_4675 : vector<16xf32>
      %add3A_4677 = arith.addf %add3A_4669, %mul3A_4676 : vector<16xf32>
      %slice3A_4678 = vector.extract_strided_slice %mul3A_3662 {offsets = [14], sizes = [1], strides = [1]} : vector<16xi32> to vector<1xi32>
      %squeeze3A_4679 = vector.extract %slice3A_4678[0] : i32 from vector<1xi32>
      %slice3A_4680 = vector.extract_strided_slice %mul3A_3669 {offsets = [14], sizes = [1], strides = [1]} : vector<16xi32> to vector<1xi32>
      %squeeze3A_4681 = vector.extract %slice3A_4680[0] : i32 from vector<1xi32>
      %slice3A_4682 = vector.extract_strided_slice %sub3A_3636 {offsets = [14], sizes = [1], strides = [1]} : vector<16xf32> to vector<1xf32>
      %squeeze3A_4683 = vector.extract %slice3A_4682[0] : f32 from vector<1xf32>
      %sub3A_4684 = arith.constant 1.000000e+00 : f32
      %sub3A_4685 = arith.subf %sub3A_4684, %squeeze3A_4683 : f32
      %add3A_4686 = arith.constant 0 : i32
      %add3A_4687 = arith.addi %squeeze3A_4679, %add3A_4686 : i32
      %get3A_4688 = arith.index_cast %add3A_4687 : i32 to index
      %get3A_4689 = tpu.vector_load %arg5[%get3A_4688] {strides = array<i32>} : memref<98304xf32, #tpu.memory_space<vmem>>, vector<16xf32>,
      %get3A_4690 = vector.shape_cast %get3A_4689 : vector<16xf32> to vector<16xf32>
      %mul3A_4691 = vector.broadcast %sub3A_4685 : f32 to vector<16xf32>
      %mul3A_4692 = arith.mulf %get3A_4690, %mul3A_4691 : vector<16xf32>
      %add3A_4693 = arith.addf %add3A_4629, %mul3A_4692 : vector<16xf32>
      %add3A_4694 = arith.constant 0 : i32
      %add3A_4695 = arith.addi %squeeze3A_4681, %add3A_4694 : i32
      %get3A_4696 = arith.index_cast %add3A_4695 : i32 to index
      %get3A_4697 = tpu.vector_load %arg5[%get3A_4696] {strides = array<i32>} : memref<98304xf32, #tpu.memory_space<vmem>>, vector<16xf32>,
      %get3A_4698 = vector.shape_cast %get3A_4697 : vector<16xf32> to vector<16xf32>
      %mul3A_4699 = vector.broadcast %squeeze3A_4683 : f32 to vector<16xf32>
      %mul3A_4700 = arith.mulf %get3A_4698, %mul3A_4699 : vector<16xf32>
      %add3A_4701 = arith.addf %add3A_4693, %mul3A_4700 : vector<16xf32>
      %add3A_4702 = arith.constant 16 : i32
      %add3A_4703 = arith.addi %squeeze3A_4679, %add3A_4702 : i32
      %get3A_4704 = arith.index_cast %add3A_4703 : i32 to index
      %get3A_4705 = tpu.vector_load %arg5[%get3A_4704] {strides = array<i32>} : memref<98304xf32, #tpu.memory_space<vmem>>, vector<16xf32>,
      %get3A_4706 = vector.shape_cast %get3A_4705 : vector<16xf32> to vector<16xf32>
      %mul3A_4707 = vector.broadcast %sub3A_4685 : f32 to vector<16xf32>
      %mul3A_4708 = arith.mulf %get3A_4706, %mul3A_4707 : vector<16xf32>
      %add3A_4709 = arith.addf %add3A_4645, %mul3A_4708 : vector<16xf32>
      %add3A_4710 = arith.constant 16 : i32
      %add3A_4711 = arith.addi %squeeze3A_4681, %add3A_4710 : i32
      %get3A_4712 = arith.index_cast %add3A_4711 : i32 to index
      %get3A_4713 = tpu.vector_load %arg5[%get3A_4712] {strides = array<i32>} : memref<98304xf32, #tpu.memory_space<vmem>>, vector<16xf32>,
      %get3A_4714 = vector.shape_cast %get3A_4713 : vector<16xf32> to vector<16xf32>
      %mul3A_4715 = vector.broadcast %squeeze3A_4683 : f32 to vector<16xf32>
      %mul3A_4716 = arith.mulf %get3A_4714, %mul3A_4715 : vector<16xf32>
      %add3A_4717 = arith.addf %add3A_4709, %mul3A_4716 : vector<16xf32>
      %add3A_4718 = arith.constant 32 : i32
      %add3A_4719 = arith.addi %squeeze3A_4679, %add3A_4718 : i32
      %get3A_4720 = arith.index_cast %add3A_4719 : i32 to index
      %get3A_4721 = tpu.vector_load %arg5[%get3A_4720] {strides = array<i32>} : memref<98304xf32, #tpu.memory_space<vmem>>, vector<16xf32>,
      %get3A_4722 = vector.shape_cast %get3A_4721 : vector<16xf32> to vector<16xf32>
      %mul3A_4723 = vector.broadcast %sub3A_4685 : f32 to vector<16xf32>
      %mul3A_4724 = arith.mulf %get3A_4722, %mul3A_4723 : vector<16xf32>
      %add3A_4725 = arith.addf %add3A_4661, %mul3A_4724 : vector<16xf32>
      %add3A_4726 = arith.constant 32 : i32
      %add3A_4727 = arith.addi %squeeze3A_4681, %add3A_4726 : i32
      %get3A_4728 = arith.index_cast %add3A_4727 : i32 to index
      %get3A_4729 = tpu.vector_load %arg5[%get3A_4728] {strides = array<i32>} : memref<98304xf32, #tpu.memory_space<vmem>>, vector<16xf32>,
      %get3A_4730 = vector.shape_cast %get3A_4729 : vector<16xf32> to vector<16xf32>
      %mul3A_4731 = vector.broadcast %squeeze3A_4683 : f32 to vector<16xf32>
      %mul3A_4732 = arith.mulf %get3A_4730, %mul3A_4731 : vector<16xf32>
      %add3A_4733 = arith.addf %add3A_4725, %mul3A_4732 : vector<16xf32>
      %add3A_4734 = arith.constant 48 : i32
      %add3A_4735 = arith.addi %squeeze3A_4679, %add3A_4734 : i32
      %get3A_4736 = arith.index_cast %add3A_4735 : i32 to index
      %get3A_4737 = tpu.vector_load %arg5[%get3A_4736] {strides = array<i32>} : memref<98304xf32, #tpu.memory_space<vmem>>, vector<16xf32>,
      %get3A_4738 = vector.shape_cast %get3A_4737 : vector<16xf32> to vector<16xf32>
      %mul3A_4739 = vector.broadcast %sub3A_4685 : f32 to vector<16xf32>
      %mul3A_4740 = arith.mulf %get3A_4738, %mul3A_4739 : vector<16xf32>
      %add3A_4741 = arith.addf %add3A_4677, %mul3A_4740 : vector<16xf32>
      %add3A_4742 = arith.constant 48 : i32
      %add3A_4743 = arith.addi %squeeze3A_4681, %add3A_4742 : i32
      %get3A_4744 = arith.index_cast %add3A_4743 : i32 to index
      %get3A_4745 = tpu.vector_load %arg5[%get3A_4744] {strides = array<i32>} : memref<98304xf32, #tpu.memory_space<vmem>>, vector<16xf32>,
      %get3A_4746 = vector.shape_cast %get3A_4745 : vector<16xf32> to vector<16xf32>
      %mul3A_4747 = vector.broadcast %squeeze3A_4683 : f32 to vector<16xf32>
      %mul3A_4748 = arith.mulf %get3A_4746, %mul3A_4747 : vector<16xf32>
      %add3A_4749 = arith.addf %add3A_4741, %mul3A_4748 : vector<16xf32>
      %slice3A_4750 = vector.extract_strided_slice %mul3A_3662 {offsets = [15], sizes = [1], strides = [1]} : vector<16xi32> to vector<1xi32>
      %squeeze3A_4751 = vector.extract %slice3A_4750[0] : i32 from vector<1xi32>
      %slice3A_4752 = vector.extract_strided_slice %mul3A_3669 {offsets = [15], sizes = [1], strides = [1]} : vector<16xi32> to vector<1xi32>
      %squeeze3A_4753 = vector.extract %slice3A_4752[0] : i32 from vector<1xi32>
      %slice3A_4754 = vector.extract_strided_slice %sub3A_3636 {offsets = [15], sizes = [1], strides = [1]} : vector<16xf32> to vector<1xf32>
      %squeeze3A_4755 = vector.extract %slice3A_4754[0] : f32 from vector<1xf32>
      %sub3A_4756 = arith.constant 1.000000e+00 : f32
      %sub3A_4757 = arith.subf %sub3A_4756, %squeeze3A_4755 : f32
      %add3A_4758 = arith.constant 0 : i32
      %add3A_4759 = arith.addi %squeeze3A_4751, %add3A_4758 : i32
      %get3A_4760 = arith.index_cast %add3A_4759 : i32 to index
      %get3A_4761 = tpu.vector_load %arg5[%get3A_4760] {strides = array<i32>} : memref<98304xf32, #tpu.memory_space<vmem>>, vector<16xf32>,
      %get3A_4762 = vector.shape_cast %get3A_4761 : vector<16xf32> to vector<16xf32>
      %mul3A_4763 = vector.broadcast %sub3A_4757 : f32 to vector<16xf32>
      %mul3A_4764 = arith.mulf %get3A_4762, %mul3A_4763 : vector<16xf32>
      %add3A_4765 = arith.addf %add3A_4701, %mul3A_4764 : vector<16xf32>
      %add3A_4766 = arith.constant 0 : i32
      %add3A_4767 = arith.addi %squeeze3A_4753, %add3A_4766 : i32
      %get3A_4768 = arith.index_cast %add3A_4767 : i32 to index
      %get3A_4769 = tpu.vector_load %arg5[%get3A_4768] {strides = array<i32>} : memref<98304xf32, #tpu.memory_space<vmem>>, vector<16xf32>,
      %get3A_4770 = vector.shape_cast %get3A_4769 : vector<16xf32> to vector<16xf32>
      %mul3A_4771 = vector.broadcast %squeeze3A_4755 : f32 to vector<16xf32>
      %mul3A_4772 = arith.mulf %get3A_4770, %mul3A_4771 : vector<16xf32>
      %add3A_4773 = arith.addf %add3A_4765, %mul3A_4772 : vector<16xf32>
      %add3A_4774 = arith.constant 16 : i32
      %add3A_4775 = arith.addi %squeeze3A_4751, %add3A_4774 : i32
      %get3A_4776 = arith.index_cast %add3A_4775 : i32 to index
      %get3A_4777 = tpu.vector_load %arg5[%get3A_4776] {strides = array<i32>} : memref<98304xf32, #tpu.memory_space<vmem>>, vector<16xf32>,
      %get3A_4778 = vector.shape_cast %get3A_4777 : vector<16xf32> to vector<16xf32>
      %mul3A_4779 = vector.broadcast %sub3A_4757 : f32 to vector<16xf32>
      %mul3A_4780 = arith.mulf %get3A_4778, %mul3A_4779 : vector<16xf32>
      %add3A_4781 = arith.addf %add3A_4717, %mul3A_4780 : vector<16xf32>
      %add3A_4782 = arith.constant 16 : i32
      %add3A_4783 = arith.addi %squeeze3A_4753, %add3A_4782 : i32
      %get3A_4784 = arith.index_cast %add3A_4783 : i32 to index
      %get3A_4785 = tpu.vector_load %arg5[%get3A_4784] {strides = array<i32>} : memref<98304xf32, #tpu.memory_space<vmem>>, vector<16xf32>,
      %get3A_4786 = vector.shape_cast %get3A_4785 : vector<16xf32> to vector<16xf32>
      %mul3A_4787 = vector.broadcast %squeeze3A_4755 : f32 to vector<16xf32>
      %mul3A_4788 = arith.mulf %get3A_4786, %mul3A_4787 : vector<16xf32>
      %add3A_4789 = arith.addf %add3A_4781, %mul3A_4788 : vector<16xf32>
      %add3A_4790 = arith.constant 32 : i32
      %add3A_4791 = arith.addi %squeeze3A_4751, %add3A_4790 : i32
      %get3A_4792 = arith.index_cast %add3A_4791 : i32 to index
      %get3A_4793 = tpu.vector_load %arg5[%get3A_4792] {strides = array<i32>} : memref<98304xf32, #tpu.memory_space<vmem>>, vector<16xf32>,
      %get3A_4794 = vector.shape_cast %get3A_4793 : vector<16xf32> to vector<16xf32>
      %mul3A_4795 = vector.broadcast %sub3A_4757 : f32 to vector<16xf32>
      %mul3A_4796 = arith.mulf %get3A_4794, %mul3A_4795 : vector<16xf32>
      %add3A_4797 = arith.addf %add3A_4733, %mul3A_4796 : vector<16xf32>
      %add3A_4798 = arith.constant 32 : i32
      %add3A_4799 = arith.addi %squeeze3A_4753, %add3A_4798 : i32
      %get3A_4800 = arith.index_cast %add3A_4799 : i32 to index
      %get3A_4801 = tpu.vector_load %arg5[%get3A_4800] {strides = array<i32>} : memref<98304xf32, #tpu.memory_space<vmem>>, vector<16xf32>,
      %get3A_4802 = vector.shape_cast %get3A_4801 : vector<16xf32> to vector<16xf32>
      %mul3A_4803 = vector.broadcast %squeeze3A_4755 : f32 to vector<16xf32>
      %mul3A_4804 = arith.mulf %get3A_4802, %mul3A_4803 : vector<16xf32>
      %add3A_4805 = arith.addf %add3A_4797, %mul3A_4804 : vector<16xf32>
      %add3A_4806 = arith.constant 48 : i32
      %add3A_4807 = arith.addi %squeeze3A_4751, %add3A_4806 : i32
      %get3A_4808 = arith.index_cast %add3A_4807 : i32 to index
      %get3A_4809 = tpu.vector_load %arg5[%get3A_4808] {strides = array<i32>} : memref<98304xf32, #tpu.memory_space<vmem>>, vector<16xf32>,
      %get3A_4810 = vector.shape_cast %get3A_4809 : vector<16xf32> to vector<16xf32>
      %mul3A_4811 = vector.broadcast %sub3A_4757 : f32 to vector<16xf32>
      %mul3A_4812 = arith.mulf %get3A_4810, %mul3A_4811 : vector<16xf32>
      %add3A_4813 = arith.addf %add3A_4749, %mul3A_4812 : vector<16xf32>
      %add3A_4814 = arith.constant 48 : i32
      %add3A_4815 = arith.addi %squeeze3A_4753, %add3A_4814 : i32
      %get3A_4816 = arith.index_cast %add3A_4815 : i32 to index
      %get3A_4817 = tpu.vector_load %arg5[%get3A_4816] {strides = array<i32>} : memref<98304xf32, #tpu.memory_space<vmem>>, vector<16xf32>,
      %get3A_4818 = vector.shape_cast %get3A_4817 : vector<16xf32> to vector<16xf32>
      %mul3A_4819 = vector.broadcast %squeeze3A_4755 : f32 to vector<16xf32>
      %mul3A_4820 = arith.mulf %get3A_4818, %mul3A_4819 : vector<16xf32>
      %add3A_4821 = arith.addf %add3A_4813, %mul3A_4820 : vector<16xf32>
      %swap3A = arith.index_cast %scan3A_12 : i32 to index
      %swap3A_4822 = arith.constant 0 : index
      %swap3A_4823 = tpu.vector_load %arg7[%swap3A, %swap3A_4822] {strides = array<i32>} : memref<64x64xf32, #tpu.memory_space<vmem>>, vector<1x16xf32>,
      %swap3A_4824 = vector.shape_cast %swap3A_4823 : vector<1x16xf32> to vector<16xf32>
      %swap3A_4825 = vector.shape_cast %add3A_4773 : vector<16xf32> to vector<1x16xf32>
      tpu.vector_store %arg7[%swap3A, %swap3A_4822], %swap3A_4825 {strides = array<i32>} : memref<64x64xf32, #tpu.memory_space<vmem>>, vector<1x16xf32>,
      %swap3A_4826 = arith.index_cast %scan3A_12 : i32 to index
      %swap3A_4827 = arith.constant 16 : index
      %swap3A_4828 = tpu.vector_load %arg7[%swap3A_4826, %swap3A_4827] {strides = array<i32>} : memref<64x64xf32, #tpu.memory_space<vmem>>, vector<1x16xf32>,
      %swap3A_4829 = vector.shape_cast %swap3A_4828 : vector<1x16xf32> to vector<16xf32>
      %swap3A_4830 = vector.shape_cast %add3A_4789 : vector<16xf32> to vector<1x16xf32>
      tpu.vector_store %arg7[%swap3A_4826, %swap3A_4827], %swap3A_4830 {strides = array<i32>} : memref<64x64xf32, #tpu.memory_space<vmem>>, vector<1x16xf32>,
      %swap3A_4831 = arith.index_cast %scan3A_12 : i32 to index
      %swap3A_4832 = arith.constant 32 : index
      %swap3A_4833 = tpu.vector_load %arg7[%swap3A_4831, %swap3A_4832] {strides = array<i32>} : memref<64x64xf32, #tpu.memory_space<vmem>>, vector<1x16xf32>,
      %swap3A_4834 = vector.shape_cast %swap3A_4833 : vector<1x16xf32> to vector<16xf32>
      %swap3A_4835 = vector.shape_cast %add3A_4805 : vector<16xf32> to vector<1x16xf32>
      tpu.vector_store %arg7[%swap3A_4831, %swap3A_4832], %swap3A_4835 {strides = array<i32>} : memref<64x64xf32, #tpu.memory_space<vmem>>, vector<1x16xf32>,
      %swap3A_4836 = arith.index_cast %scan3A_12 : i32 to index
      %swap3A_4837 = arith.constant 48 : index
      %swap3A_4838 = tpu.vector_load %arg7[%swap3A_4836, %swap3A_4837] {strides = array<i32>} : memref<64x64xf32, #tpu.memory_space<vmem>>, vector<1x16xf32>,
      %swap3A_4839 = vector.shape_cast %swap3A_4838 : vector<1x16xf32> to vector<16xf32>
      %swap3A_4840 = vector.shape_cast %add3A_4821 : vector<16xf32> to vector<1x16xf32>
      tpu.vector_store %arg7[%swap3A_4836, %swap3A_4837], %swap3A_4840 {strides = array<i32>} : memref<64x64xf32, #tpu.memory_space<vmem>>, vector<1x16xf32>,
    }
    %scan3A_10 = arith.constant 64 : i32
    "tpu.region"() ({
      %run_scoped3A = tpu.sem_alloc : memref<!tpu.dma_semaphore, #tpu.memory_space<semaphore_mem>>
      %dma_start3A = arith.constant 0 : i32
      %dma_start3A_12 = tpu.memref_slice %arg4[%add3A_5, %dma_start3A] : memref<2048x64xf32, #tpu.memory_space<hbm>> -> memref<64x64xf32, #tpu.memory_space<hbm>>
      %dma_start3A_13 = arith.constant 0 : i32
      %dma_start3A_14 = tpu.memref_slice %arg4[%add3A_5, %dma_start3A_13] : memref<2048x64xf32, #tpu.memory_space<hbm>> -> memref<64x64xf32, #tpu.memory_space<hbm>>
      tpu.enqueue_dma source(%arg7 : memref<64x64xf32, #tpu.memory_space<vmem>>) target(%dma_start3A_14 : memref<64x64xf32, #tpu.memory_space<hbm>>) target_semaphore(%run_scoped3A : memref<!tpu.dma_semaphore, #tpu.memory_space<semaphore_mem>>)
      %dma_wait3A = arith.constant 0 : i32
      %dma_wait3A_15 = tpu.memref_slice %arg4[%add3A_5, %dma_wait3A] : memref<2048x64xf32, #tpu.memory_space<hbm>> -> memref<64x64xf32, #tpu.memory_space<hbm>>
      %dma_wait3A_16 = arith.constant 0 : i32
      %dma_wait3A_17 = tpu.memref_slice %arg4[%add3A_5, %dma_wait3A_16] : memref<2048x64xf32, #tpu.memory_space<hbm>> -> memref<64x64xf32, #tpu.memory_space<hbm>>
      tpu.wait_dma2 semaphore(%run_scoped3A : memref<!tpu.dma_semaphore, #tpu.memory_space<semaphore_mem>>) src(%arg7 : memref<64x64xf32, #tpu.memory_space<vmem>>) dst(%dma_wait3A_17 : memref<64x64xf32, #tpu.memory_space<hbm>>)
      tpu.yield
    }) : () -> ()
    %scan3A_11 = arith.constant 1 : i32
    return
  }
}

module attributes {stable_mosaic.version = 14 : i64} {
  func.func @_tc_body(%arg0: i32, %arg1: memref<64x256xf32, #tpu.memory_space<vmem>>, %arg2: memref<20x64x64xf32, #tpu.memory_space<vmem>>, %arg3: memref<64x256xf32, #tpu.memory_space<vmem>>) attributes {dimension_semantics = [#tpu.dimension_semantics<arbitrary>], iteration_bounds = array<i64: 56>, scalar_prefetch = 0 : i64, scratch_operands = 0 : i64, tpu.core_type = #tpu.core_type<tc>, window_params = [{transform_indices = @transform_0, window_bounds = array<i64: 64, 256>}, {pipeline_mode = #tpu.pipeline_mode<synchronous>, transform_indices = @transform_1, window_bounds = array<i64: 20, 64, 64>}, {transform_indices = @transform_2, window_bounds = array<i64: 64, 256>}]} {
    %get3A = arith.constant 0 : index
    %get3A_0 = arith.constant 0 : index
    %get3A_1 = vector.load %arg1[%get3A, %get3A_0] : memref<64x256xf32, #tpu.memory_space<vmem>>, vector<64x256xf32>
    %logistic3A = arith.negf %get3A_1 : vector<64x256xf32>
    %logistic3A_2 = math.exp %logistic3A : vector<64x256xf32>
    %logistic3A_3 = arith.constant 1.000000e+00 : f32
    %logistic3A_4 = vector.broadcast %logistic3A_3 : f32 to vector<64x256xf32>
    %logistic3A_5 = arith.addf %logistic3A_4, %logistic3A_2 : vector<64x256xf32>
    %logistic3A_6 = arith.divf %logistic3A_4, %logistic3A_5 : vector<64x256xf32>
    %mul3A = arith.constant 1.900000e+01 : f32
    %mul3A_7 = vector.broadcast %mul3A : f32 to vector<64x256xf32>
    %mul3A_8 = arith.mulf %logistic3A_6, %mul3A_7 : vector<64x256xf32>
    %broadcast_in_dim3A = arith.constant 0.000000e+00 : f32
    %broadcast_in_dim3A_9 = vector.broadcast %broadcast_in_dim3A : f32 to vector<64x256xf32>
    %sub3A = arith.constant 0.000000e+00 : f32
    %sub3A_10 = vector.broadcast %sub3A : f32 to vector<64x256xf32>
    %sub3A_11 = arith.subf %mul3A_8, %sub3A_10 : vector<64x256xf32>
    %abs3A = math.absf %sub3A_11 : vector<64x256xf32>
    %sub3A_12 = arith.constant 1.000000e+00 : f32
    %sub3A_13 = vector.broadcast %sub3A_12 : f32 to vector<64x256xf32>
    %sub3A_14 = arith.subf %sub3A_13, %abs3A : vector<64x256xf32>
    %max3A = arith.constant 0.000000e+00 : f32
    %max3A_15 = vector.broadcast %max3A : f32 to vector<64x256xf32>
    %max3A_16 = arith.maximumf %max3A_15, %sub3A_14 : vector<64x256xf32>
    %get3A_17 = arith.constant 0 : index
    %get3A_18 = arith.constant 0 : index
    %get3A_19 = arith.constant 0 : index
    %get3A_20 = vector.load %arg2[%get3A_17, %get3A_18, %get3A_19] : memref<20x64x64xf32, #tpu.memory_space<vmem>>, vector<1x64x64xf32>
    %get3A_21 = vector.shape_cast %get3A_20 : vector<1x64x64xf32> to vector<64x64xf32>
    %dot_general3A = arith.constant dense<0.000000e+00> : vector<64x256xf32>
    %dot_general3A_22 = tpu.matmul %get3A_21, %max3A_16, %dot_general3A {dimension_numbers = #tpu.dot_dimension_numbers<[1], [0], [0], [1], [0, 0, 1, 1], [], []>, transpose_lhs_hint = false} : vector<64x64xf32>, vector<64x256xf32>, vector<64x256xf32> -> vector<64x256xf32>
    %add3A = arith.addf %broadcast_in_dim3A_9, %dot_general3A_22 : vector<64x256xf32>
    %sub3A_23 = arith.constant 1.000000e+00 : f32
    %sub3A_24 = vector.broadcast %sub3A_23 : f32 to vector<64x256xf32>
    %sub3A_25 = arith.subf %mul3A_8, %sub3A_24 : vector<64x256xf32>
    %abs3A_26 = math.absf %sub3A_25 : vector<64x256xf32>
    %sub3A_27 = arith.constant 1.000000e+00 : f32
    %sub3A_28 = vector.broadcast %sub3A_27 : f32 to vector<64x256xf32>
    %sub3A_29 = arith.subf %sub3A_28, %abs3A_26 : vector<64x256xf32>
    %max3A_30 = arith.constant 0.000000e+00 : f32
    %max3A_31 = vector.broadcast %max3A_30 : f32 to vector<64x256xf32>
    %max3A_32 = arith.maximumf %max3A_31, %sub3A_29 : vector<64x256xf32>
    %get3A_33 = arith.constant 1 : index
    %get3A_34 = arith.constant 0 : index
    %get3A_35 = arith.constant 0 : index
    %get3A_36 = vector.load %arg2[%get3A_33, %get3A_34, %get3A_35] : memref<20x64x64xf32, #tpu.memory_space<vmem>>, vector<1x64x64xf32>
    %get3A_37 = vector.shape_cast %get3A_36 : vector<1x64x64xf32> to vector<64x64xf32>
    %dot_general3A_38 = arith.constant dense<0.000000e+00> : vector<64x256xf32>
    %dot_general3A_39 = tpu.matmul %get3A_37, %max3A_32, %dot_general3A_38 {dimension_numbers = #tpu.dot_dimension_numbers<[1], [0], [0], [1], [0, 0, 1, 1], [], []>, transpose_lhs_hint = false} : vector<64x64xf32>, vector<64x256xf32>, vector<64x256xf32> -> vector<64x256xf32>
    %add3A_40 = arith.addf %add3A, %dot_general3A_39 : vector<64x256xf32>
    %sub3A_41 = arith.constant 2.000000e+00 : f32
    %sub3A_42 = vector.broadcast %sub3A_41 : f32 to vector<64x256xf32>
    %sub3A_43 = arith.subf %mul3A_8, %sub3A_42 : vector<64x256xf32>
    %abs3A_44 = math.absf %sub3A_43 : vector<64x256xf32>
    %sub3A_45 = arith.constant 1.000000e+00 : f32
    %sub3A_46 = vector.broadcast %sub3A_45 : f32 to vector<64x256xf32>
    %sub3A_47 = arith.subf %sub3A_46, %abs3A_44 : vector<64x256xf32>
    %max3A_48 = arith.constant 0.000000e+00 : f32
    %max3A_49 = vector.broadcast %max3A_48 : f32 to vector<64x256xf32>
    %max3A_50 = arith.maximumf %max3A_49, %sub3A_47 : vector<64x256xf32>
    %get3A_51 = arith.constant 2 : index
    %get3A_52 = arith.constant 0 : index
    %get3A_53 = arith.constant 0 : index
    %get3A_54 = vector.load %arg2[%get3A_51, %get3A_52, %get3A_53] : memref<20x64x64xf32, #tpu.memory_space<vmem>>, vector<1x64x64xf32>
    %get3A_55 = vector.shape_cast %get3A_54 : vector<1x64x64xf32> to vector<64x64xf32>
    %dot_general3A_56 = arith.constant dense<0.000000e+00> : vector<64x256xf32>
    %dot_general3A_57 = tpu.matmul %get3A_55, %max3A_50, %dot_general3A_56 {dimension_numbers = #tpu.dot_dimension_numbers<[1], [0], [0], [1], [0, 0, 1, 1], [], []>, transpose_lhs_hint = false} : vector<64x64xf32>, vector<64x256xf32>, vector<64x256xf32> -> vector<64x256xf32>
    %add3A_58 = arith.addf %add3A_40, %dot_general3A_57 : vector<64x256xf32>
    %sub3A_59 = arith.constant 3.000000e+00 : f32
    %sub3A_60 = vector.broadcast %sub3A_59 : f32 to vector<64x256xf32>
    %sub3A_61 = arith.subf %mul3A_8, %sub3A_60 : vector<64x256xf32>
    %abs3A_62 = math.absf %sub3A_61 : vector<64x256xf32>
    %sub3A_63 = arith.constant 1.000000e+00 : f32
    %sub3A_64 = vector.broadcast %sub3A_63 : f32 to vector<64x256xf32>
    %sub3A_65 = arith.subf %sub3A_64, %abs3A_62 : vector<64x256xf32>
    %max3A_66 = arith.constant 0.000000e+00 : f32
    %max3A_67 = vector.broadcast %max3A_66 : f32 to vector<64x256xf32>
    %max3A_68 = arith.maximumf %max3A_67, %sub3A_65 : vector<64x256xf32>
    %get3A_69 = arith.constant 3 : index
    %get3A_70 = arith.constant 0 : index
    %get3A_71 = arith.constant 0 : index
    %get3A_72 = vector.load %arg2[%get3A_69, %get3A_70, %get3A_71] : memref<20x64x64xf32, #tpu.memory_space<vmem>>, vector<1x64x64xf32>
    %get3A_73 = vector.shape_cast %get3A_72 : vector<1x64x64xf32> to vector<64x64xf32>
    %dot_general3A_74 = arith.constant dense<0.000000e+00> : vector<64x256xf32>
    %dot_general3A_75 = tpu.matmul %get3A_73, %max3A_68, %dot_general3A_74 {dimension_numbers = #tpu.dot_dimension_numbers<[1], [0], [0], [1], [0, 0, 1, 1], [], []>, transpose_lhs_hint = false} : vector<64x64xf32>, vector<64x256xf32>, vector<64x256xf32> -> vector<64x256xf32>
    %add3A_76 = arith.addf %add3A_58, %dot_general3A_75 : vector<64x256xf32>
    %sub3A_77 = arith.constant 4.000000e+00 : f32
    %sub3A_78 = vector.broadcast %sub3A_77 : f32 to vector<64x256xf32>
    %sub3A_79 = arith.subf %mul3A_8, %sub3A_78 : vector<64x256xf32>
    %abs3A_80 = math.absf %sub3A_79 : vector<64x256xf32>
    %sub3A_81 = arith.constant 1.000000e+00 : f32
    %sub3A_82 = vector.broadcast %sub3A_81 : f32 to vector<64x256xf32>
    %sub3A_83 = arith.subf %sub3A_82, %abs3A_80 : vector<64x256xf32>
    %max3A_84 = arith.constant 0.000000e+00 : f32
    %max3A_85 = vector.broadcast %max3A_84 : f32 to vector<64x256xf32>
    %max3A_86 = arith.maximumf %max3A_85, %sub3A_83 : vector<64x256xf32>
    %get3A_87 = arith.constant 4 : index
    %get3A_88 = arith.constant 0 : index
    %get3A_89 = arith.constant 0 : index
    %get3A_90 = vector.load %arg2[%get3A_87, %get3A_88, %get3A_89] : memref<20x64x64xf32, #tpu.memory_space<vmem>>, vector<1x64x64xf32>
    %get3A_91 = vector.shape_cast %get3A_90 : vector<1x64x64xf32> to vector<64x64xf32>
    %dot_general3A_92 = arith.constant dense<0.000000e+00> : vector<64x256xf32>
    %dot_general3A_93 = tpu.matmul %get3A_91, %max3A_86, %dot_general3A_92 {dimension_numbers = #tpu.dot_dimension_numbers<[1], [0], [0], [1], [0, 0, 1, 1], [], []>, transpose_lhs_hint = false} : vector<64x64xf32>, vector<64x256xf32>, vector<64x256xf32> -> vector<64x256xf32>
    %add3A_94 = arith.addf %add3A_76, %dot_general3A_93 : vector<64x256xf32>
    %sub3A_95 = arith.constant 5.000000e+00 : f32
    %sub3A_96 = vector.broadcast %sub3A_95 : f32 to vector<64x256xf32>
    %sub3A_97 = arith.subf %mul3A_8, %sub3A_96 : vector<64x256xf32>
    %abs3A_98 = math.absf %sub3A_97 : vector<64x256xf32>
    %sub3A_99 = arith.constant 1.000000e+00 : f32
    %sub3A_100 = vector.broadcast %sub3A_99 : f32 to vector<64x256xf32>
    %sub3A_101 = arith.subf %sub3A_100, %abs3A_98 : vector<64x256xf32>
    %max3A_102 = arith.constant 0.000000e+00 : f32
    %max3A_103 = vector.broadcast %max3A_102 : f32 to vector<64x256xf32>
    %max3A_104 = arith.maximumf %max3A_103, %sub3A_101 : vector<64x256xf32>
    %get3A_105 = arith.constant 5 : index
    %get3A_106 = arith.constant 0 : index
    %get3A_107 = arith.constant 0 : index
    %get3A_108 = vector.load %arg2[%get3A_105, %get3A_106, %get3A_107] : memref<20x64x64xf32, #tpu.memory_space<vmem>>, vector<1x64x64xf32>
    %get3A_109 = vector.shape_cast %get3A_108 : vector<1x64x64xf32> to vector<64x64xf32>
    %dot_general3A_110 = arith.constant dense<0.000000e+00> : vector<64x256xf32>
    %dot_general3A_111 = tpu.matmul %get3A_109, %max3A_104, %dot_general3A_110 {dimension_numbers = #tpu.dot_dimension_numbers<[1], [0], [0], [1], [0, 0, 1, 1], [], []>, transpose_lhs_hint = false} : vector<64x64xf32>, vector<64x256xf32>, vector<64x256xf32> -> vector<64x256xf32>
    %add3A_112 = arith.addf %add3A_94, %dot_general3A_111 : vector<64x256xf32>
    %sub3A_113 = arith.constant 6.000000e+00 : f32
    %sub3A_114 = vector.broadcast %sub3A_113 : f32 to vector<64x256xf32>
    %sub3A_115 = arith.subf %mul3A_8, %sub3A_114 : vector<64x256xf32>
    %abs3A_116 = math.absf %sub3A_115 : vector<64x256xf32>
    %sub3A_117 = arith.constant 1.000000e+00 : f32
    %sub3A_118 = vector.broadcast %sub3A_117 : f32 to vector<64x256xf32>
    %sub3A_119 = arith.subf %sub3A_118, %abs3A_116 : vector<64x256xf32>
    %max3A_120 = arith.constant 0.000000e+00 : f32
    %max3A_121 = vector.broadcast %max3A_120 : f32 to vector<64x256xf32>
    %max3A_122 = arith.maximumf %max3A_121, %sub3A_119 : vector<64x256xf32>
    %get3A_123 = arith.constant 6 : index
    %get3A_124 = arith.constant 0 : index
    %get3A_125 = arith.constant 0 : index
    %get3A_126 = vector.load %arg2[%get3A_123, %get3A_124, %get3A_125] : memref<20x64x64xf32, #tpu.memory_space<vmem>>, vector<1x64x64xf32>
    %get3A_127 = vector.shape_cast %get3A_126 : vector<1x64x64xf32> to vector<64x64xf32>
    %dot_general3A_128 = arith.constant dense<0.000000e+00> : vector<64x256xf32>
    %dot_general3A_129 = tpu.matmul %get3A_127, %max3A_122, %dot_general3A_128 {dimension_numbers = #tpu.dot_dimension_numbers<[1], [0], [0], [1], [0, 0, 1, 1], [], []>, transpose_lhs_hint = false} : vector<64x64xf32>, vector<64x256xf32>, vector<64x256xf32> -> vector<64x256xf32>
    %add3A_130 = arith.addf %add3A_112, %dot_general3A_129 : vector<64x256xf32>
    %sub3A_131 = arith.constant 7.000000e+00 : f32
    %sub3A_132 = vector.broadcast %sub3A_131 : f32 to vector<64x256xf32>
    %sub3A_133 = arith.subf %mul3A_8, %sub3A_132 : vector<64x256xf32>
    %abs3A_134 = math.absf %sub3A_133 : vector<64x256xf32>
    %sub3A_135 = arith.constant 1.000000e+00 : f32
    %sub3A_136 = vector.broadcast %sub3A_135 : f32 to vector<64x256xf32>
    %sub3A_137 = arith.subf %sub3A_136, %abs3A_134 : vector<64x256xf32>
    %max3A_138 = arith.constant 0.000000e+00 : f32
    %max3A_139 = vector.broadcast %max3A_138 : f32 to vector<64x256xf32>
    %max3A_140 = arith.maximumf %max3A_139, %sub3A_137 : vector<64x256xf32>
    %get3A_141 = arith.constant 7 : index
    %get3A_142 = arith.constant 0 : index
    %get3A_143 = arith.constant 0 : index
    %get3A_144 = vector.load %arg2[%get3A_141, %get3A_142, %get3A_143] : memref<20x64x64xf32, #tpu.memory_space<vmem>>, vector<1x64x64xf32>
    %get3A_145 = vector.shape_cast %get3A_144 : vector<1x64x64xf32> to vector<64x64xf32>
    %dot_general3A_146 = arith.constant dense<0.000000e+00> : vector<64x256xf32>
    %dot_general3A_147 = tpu.matmul %get3A_145, %max3A_140, %dot_general3A_146 {dimension_numbers = #tpu.dot_dimension_numbers<[1], [0], [0], [1], [0, 0, 1, 1], [], []>, transpose_lhs_hint = false} : vector<64x64xf32>, vector<64x256xf32>, vector<64x256xf32> -> vector<64x256xf32>
    %add3A_148 = arith.addf %add3A_130, %dot_general3A_147 : vector<64x256xf32>
    %sub3A_149 = arith.constant 8.000000e+00 : f32
    %sub3A_150 = vector.broadcast %sub3A_149 : f32 to vector<64x256xf32>
    %sub3A_151 = arith.subf %mul3A_8, %sub3A_150 : vector<64x256xf32>
    %abs3A_152 = math.absf %sub3A_151 : vector<64x256xf32>
    %sub3A_153 = arith.constant 1.000000e+00 : f32
    %sub3A_154 = vector.broadcast %sub3A_153 : f32 to vector<64x256xf32>
    %sub3A_155 = arith.subf %sub3A_154, %abs3A_152 : vector<64x256xf32>
    %max3A_156 = arith.constant 0.000000e+00 : f32
    %max3A_157 = vector.broadcast %max3A_156 : f32 to vector<64x256xf32>
    %max3A_158 = arith.maximumf %max3A_157, %sub3A_155 : vector<64x256xf32>
    %get3A_159 = arith.constant 8 : index
    %get3A_160 = arith.constant 0 : index
    %get3A_161 = arith.constant 0 : index
    %get3A_162 = vector.load %arg2[%get3A_159, %get3A_160, %get3A_161] : memref<20x64x64xf32, #tpu.memory_space<vmem>>, vector<1x64x64xf32>
    %get3A_163 = vector.shape_cast %get3A_162 : vector<1x64x64xf32> to vector<64x64xf32>
    %dot_general3A_164 = arith.constant dense<0.000000e+00> : vector<64x256xf32>
    %dot_general3A_165 = tpu.matmul %get3A_163, %max3A_158, %dot_general3A_164 {dimension_numbers = #tpu.dot_dimension_numbers<[1], [0], [0], [1], [0, 0, 1, 1], [], []>, transpose_lhs_hint = false} : vector<64x64xf32>, vector<64x256xf32>, vector<64x256xf32> -> vector<64x256xf32>
    %add3A_166 = arith.addf %add3A_148, %dot_general3A_165 : vector<64x256xf32>
    %sub3A_167 = arith.constant 9.000000e+00 : f32
    %sub3A_168 = vector.broadcast %sub3A_167 : f32 to vector<64x256xf32>
    %sub3A_169 = arith.subf %mul3A_8, %sub3A_168 : vector<64x256xf32>
    %abs3A_170 = math.absf %sub3A_169 : vector<64x256xf32>
    %sub3A_171 = arith.constant 1.000000e+00 : f32
    %sub3A_172 = vector.broadcast %sub3A_171 : f32 to vector<64x256xf32>
    %sub3A_173 = arith.subf %sub3A_172, %abs3A_170 : vector<64x256xf32>
    %max3A_174 = arith.constant 0.000000e+00 : f32
    %max3A_175 = vector.broadcast %max3A_174 : f32 to vector<64x256xf32>
    %max3A_176 = arith.maximumf %max3A_175, %sub3A_173 : vector<64x256xf32>
    %get3A_177 = arith.constant 9 : index
    %get3A_178 = arith.constant 0 : index
    %get3A_179 = arith.constant 0 : index
    %get3A_180 = vector.load %arg2[%get3A_177, %get3A_178, %get3A_179] : memref<20x64x64xf32, #tpu.memory_space<vmem>>, vector<1x64x64xf32>
    %get3A_181 = vector.shape_cast %get3A_180 : vector<1x64x64xf32> to vector<64x64xf32>
    %dot_general3A_182 = arith.constant dense<0.000000e+00> : vector<64x256xf32>
    %dot_general3A_183 = tpu.matmul %get3A_181, %max3A_176, %dot_general3A_182 {dimension_numbers = #tpu.dot_dimension_numbers<[1], [0], [0], [1], [0, 0, 1, 1], [], []>, transpose_lhs_hint = false} : vector<64x64xf32>, vector<64x256xf32>, vector<64x256xf32> -> vector<64x256xf32>
    %add3A_184 = arith.addf %add3A_166, %dot_general3A_183 : vector<64x256xf32>
    %sub3A_185 = arith.constant 1.000000e+01 : f32
    %sub3A_186 = vector.broadcast %sub3A_185 : f32 to vector<64x256xf32>
    %sub3A_187 = arith.subf %mul3A_8, %sub3A_186 : vector<64x256xf32>
    %abs3A_188 = math.absf %sub3A_187 : vector<64x256xf32>
    %sub3A_189 = arith.constant 1.000000e+00 : f32
    %sub3A_190 = vector.broadcast %sub3A_189 : f32 to vector<64x256xf32>
    %sub3A_191 = arith.subf %sub3A_190, %abs3A_188 : vector<64x256xf32>
    %max3A_192 = arith.constant 0.000000e+00 : f32
    %max3A_193 = vector.broadcast %max3A_192 : f32 to vector<64x256xf32>
    %max3A_194 = arith.maximumf %max3A_193, %sub3A_191 : vector<64x256xf32>
    %get3A_195 = arith.constant 10 : index
    %get3A_196 = arith.constant 0 : index
    %get3A_197 = arith.constant 0 : index
    %get3A_198 = vector.load %arg2[%get3A_195, %get3A_196, %get3A_197] : memref<20x64x64xf32, #tpu.memory_space<vmem>>, vector<1x64x64xf32>
    %get3A_199 = vector.shape_cast %get3A_198 : vector<1x64x64xf32> to vector<64x64xf32>
    %dot_general3A_200 = arith.constant dense<0.000000e+00> : vector<64x256xf32>
    %dot_general3A_201 = tpu.matmul %get3A_199, %max3A_194, %dot_general3A_200 {dimension_numbers = #tpu.dot_dimension_numbers<[1], [0], [0], [1], [0, 0, 1, 1], [], []>, transpose_lhs_hint = false} : vector<64x64xf32>, vector<64x256xf32>, vector<64x256xf32> -> vector<64x256xf32>
    %add3A_202 = arith.addf %add3A_184, %dot_general3A_201 : vector<64x256xf32>
    %sub3A_203 = arith.constant 1.100000e+01 : f32
    %sub3A_204 = vector.broadcast %sub3A_203 : f32 to vector<64x256xf32>
    %sub3A_205 = arith.subf %mul3A_8, %sub3A_204 : vector<64x256xf32>
    %abs3A_206 = math.absf %sub3A_205 : vector<64x256xf32>
    %sub3A_207 = arith.constant 1.000000e+00 : f32
    %sub3A_208 = vector.broadcast %sub3A_207 : f32 to vector<64x256xf32>
    %sub3A_209 = arith.subf %sub3A_208, %abs3A_206 : vector<64x256xf32>
    %max3A_210 = arith.constant 0.000000e+00 : f32
    %max3A_211 = vector.broadcast %max3A_210 : f32 to vector<64x256xf32>
    %max3A_212 = arith.maximumf %max3A_211, %sub3A_209 : vector<64x256xf32>
    %get3A_213 = arith.constant 11 : index
    %get3A_214 = arith.constant 0 : index
    %get3A_215 = arith.constant 0 : index
    %get3A_216 = vector.load %arg2[%get3A_213, %get3A_214, %get3A_215] : memref<20x64x64xf32, #tpu.memory_space<vmem>>, vector<1x64x64xf32>
    %get3A_217 = vector.shape_cast %get3A_216 : vector<1x64x64xf32> to vector<64x64xf32>
    %dot_general3A_218 = arith.constant dense<0.000000e+00> : vector<64x256xf32>
    %dot_general3A_219 = tpu.matmul %get3A_217, %max3A_212, %dot_general3A_218 {dimension_numbers = #tpu.dot_dimension_numbers<[1], [0], [0], [1], [0, 0, 1, 1], [], []>, transpose_lhs_hint = false} : vector<64x64xf32>, vector<64x256xf32>, vector<64x256xf32> -> vector<64x256xf32>
    %add3A_220 = arith.addf %add3A_202, %dot_general3A_219 : vector<64x256xf32>
    %sub3A_221 = arith.constant 1.200000e+01 : f32
    %sub3A_222 = vector.broadcast %sub3A_221 : f32 to vector<64x256xf32>
    %sub3A_223 = arith.subf %mul3A_8, %sub3A_222 : vector<64x256xf32>
    %abs3A_224 = math.absf %sub3A_223 : vector<64x256xf32>
    %sub3A_225 = arith.constant 1.000000e+00 : f32
    %sub3A_226 = vector.broadcast %sub3A_225 : f32 to vector<64x256xf32>
    %sub3A_227 = arith.subf %sub3A_226, %abs3A_224 : vector<64x256xf32>
    %max3A_228 = arith.constant 0.000000e+00 : f32
    %max3A_229 = vector.broadcast %max3A_228 : f32 to vector<64x256xf32>
    %max3A_230 = arith.maximumf %max3A_229, %sub3A_227 : vector<64x256xf32>
    %get3A_231 = arith.constant 12 : index
    %get3A_232 = arith.constant 0 : index
    %get3A_233 = arith.constant 0 : index
    %get3A_234 = vector.load %arg2[%get3A_231, %get3A_232, %get3A_233] : memref<20x64x64xf32, #tpu.memory_space<vmem>>, vector<1x64x64xf32>
    %get3A_235 = vector.shape_cast %get3A_234 : vector<1x64x64xf32> to vector<64x64xf32>
    %dot_general3A_236 = arith.constant dense<0.000000e+00> : vector<64x256xf32>
    %dot_general3A_237 = tpu.matmul %get3A_235, %max3A_230, %dot_general3A_236 {dimension_numbers = #tpu.dot_dimension_numbers<[1], [0], [0], [1], [0, 0, 1, 1], [], []>, transpose_lhs_hint = false} : vector<64x64xf32>, vector<64x256xf32>, vector<64x256xf32> -> vector<64x256xf32>
    %add3A_238 = arith.addf %add3A_220, %dot_general3A_237 : vector<64x256xf32>
    %sub3A_239 = arith.constant 1.300000e+01 : f32
    %sub3A_240 = vector.broadcast %sub3A_239 : f32 to vector<64x256xf32>
    %sub3A_241 = arith.subf %mul3A_8, %sub3A_240 : vector<64x256xf32>
    %abs3A_242 = math.absf %sub3A_241 : vector<64x256xf32>
    %sub3A_243 = arith.constant 1.000000e+00 : f32
    %sub3A_244 = vector.broadcast %sub3A_243 : f32 to vector<64x256xf32>
    %sub3A_245 = arith.subf %sub3A_244, %abs3A_242 : vector<64x256xf32>
    %max3A_246 = arith.constant 0.000000e+00 : f32
    %max3A_247 = vector.broadcast %max3A_246 : f32 to vector<64x256xf32>
    %max3A_248 = arith.maximumf %max3A_247, %sub3A_245 : vector<64x256xf32>
    %get3A_249 = arith.constant 13 : index
    %get3A_250 = arith.constant 0 : index
    %get3A_251 = arith.constant 0 : index
    %get3A_252 = vector.load %arg2[%get3A_249, %get3A_250, %get3A_251] : memref<20x64x64xf32, #tpu.memory_space<vmem>>, vector<1x64x64xf32>
    %get3A_253 = vector.shape_cast %get3A_252 : vector<1x64x64xf32> to vector<64x64xf32>
    %dot_general3A_254 = arith.constant dense<0.000000e+00> : vector<64x256xf32>
    %dot_general3A_255 = tpu.matmul %get3A_253, %max3A_248, %dot_general3A_254 {dimension_numbers = #tpu.dot_dimension_numbers<[1], [0], [0], [1], [0, 0, 1, 1], [], []>, transpose_lhs_hint = false} : vector<64x64xf32>, vector<64x256xf32>, vector<64x256xf32> -> vector<64x256xf32>
    %add3A_256 = arith.addf %add3A_238, %dot_general3A_255 : vector<64x256xf32>
    %sub3A_257 = arith.constant 1.400000e+01 : f32
    %sub3A_258 = vector.broadcast %sub3A_257 : f32 to vector<64x256xf32>
    %sub3A_259 = arith.subf %mul3A_8, %sub3A_258 : vector<64x256xf32>
    %abs3A_260 = math.absf %sub3A_259 : vector<64x256xf32>
    %sub3A_261 = arith.constant 1.000000e+00 : f32
    %sub3A_262 = vector.broadcast %sub3A_261 : f32 to vector<64x256xf32>
    %sub3A_263 = arith.subf %sub3A_262, %abs3A_260 : vector<64x256xf32>
    %max3A_264 = arith.constant 0.000000e+00 : f32
    %max3A_265 = vector.broadcast %max3A_264 : f32 to vector<64x256xf32>
    %max3A_266 = arith.maximumf %max3A_265, %sub3A_263 : vector<64x256xf32>
    %get3A_267 = arith.constant 14 : index
    %get3A_268 = arith.constant 0 : index
    %get3A_269 = arith.constant 0 : index
    %get3A_270 = vector.load %arg2[%get3A_267, %get3A_268, %get3A_269] : memref<20x64x64xf32, #tpu.memory_space<vmem>>, vector<1x64x64xf32>
    %get3A_271 = vector.shape_cast %get3A_270 : vector<1x64x64xf32> to vector<64x64xf32>
    %dot_general3A_272 = arith.constant dense<0.000000e+00> : vector<64x256xf32>
    %dot_general3A_273 = tpu.matmul %get3A_271, %max3A_266, %dot_general3A_272 {dimension_numbers = #tpu.dot_dimension_numbers<[1], [0], [0], [1], [0, 0, 1, 1], [], []>, transpose_lhs_hint = false} : vector<64x64xf32>, vector<64x256xf32>, vector<64x256xf32> -> vector<64x256xf32>
    %add3A_274 = arith.addf %add3A_256, %dot_general3A_273 : vector<64x256xf32>
    %sub3A_275 = arith.constant 1.500000e+01 : f32
    %sub3A_276 = vector.broadcast %sub3A_275 : f32 to vector<64x256xf32>
    %sub3A_277 = arith.subf %mul3A_8, %sub3A_276 : vector<64x256xf32>
    %abs3A_278 = math.absf %sub3A_277 : vector<64x256xf32>
    %sub3A_279 = arith.constant 1.000000e+00 : f32
    %sub3A_280 = vector.broadcast %sub3A_279 : f32 to vector<64x256xf32>
    %sub3A_281 = arith.subf %sub3A_280, %abs3A_278 : vector<64x256xf32>
    %max3A_282 = arith.constant 0.000000e+00 : f32
    %max3A_283 = vector.broadcast %max3A_282 : f32 to vector<64x256xf32>
    %max3A_284 = arith.maximumf %max3A_283, %sub3A_281 : vector<64x256xf32>
    %get3A_285 = arith.constant 15 : index
    %get3A_286 = arith.constant 0 : index
    %get3A_287 = arith.constant 0 : index
    %get3A_288 = vector.load %arg2[%get3A_285, %get3A_286, %get3A_287] : memref<20x64x64xf32, #tpu.memory_space<vmem>>, vector<1x64x64xf32>
    %get3A_289 = vector.shape_cast %get3A_288 : vector<1x64x64xf32> to vector<64x64xf32>
    %dot_general3A_290 = arith.constant dense<0.000000e+00> : vector<64x256xf32>
    %dot_general3A_291 = tpu.matmul %get3A_289, %max3A_284, %dot_general3A_290 {dimension_numbers = #tpu.dot_dimension_numbers<[1], [0], [0], [1], [0, 0, 1, 1], [], []>, transpose_lhs_hint = false} : vector<64x64xf32>, vector<64x256xf32>, vector<64x256xf32> -> vector<64x256xf32>
    %add3A_292 = arith.addf %add3A_274, %dot_general3A_291 : vector<64x256xf32>
    %sub3A_293 = arith.constant 1.600000e+01 : f32
    %sub3A_294 = vector.broadcast %sub3A_293 : f32 to vector<64x256xf32>
    %sub3A_295 = arith.subf %mul3A_8, %sub3A_294 : vector<64x256xf32>
    %abs3A_296 = math.absf %sub3A_295 : vector<64x256xf32>
    %sub3A_297 = arith.constant 1.000000e+00 : f32
    %sub3A_298 = vector.broadcast %sub3A_297 : f32 to vector<64x256xf32>
    %sub3A_299 = arith.subf %sub3A_298, %abs3A_296 : vector<64x256xf32>
    %max3A_300 = arith.constant 0.000000e+00 : f32
    %max3A_301 = vector.broadcast %max3A_300 : f32 to vector<64x256xf32>
    %max3A_302 = arith.maximumf %max3A_301, %sub3A_299 : vector<64x256xf32>
    %get3A_303 = arith.constant 16 : index
    %get3A_304 = arith.constant 0 : index
    %get3A_305 = arith.constant 0 : index
    %get3A_306 = vector.load %arg2[%get3A_303, %get3A_304, %get3A_305] : memref<20x64x64xf32, #tpu.memory_space<vmem>>, vector<1x64x64xf32>
    %get3A_307 = vector.shape_cast %get3A_306 : vector<1x64x64xf32> to vector<64x64xf32>
    %dot_general3A_308 = arith.constant dense<0.000000e+00> : vector<64x256xf32>
    %dot_general3A_309 = tpu.matmul %get3A_307, %max3A_302, %dot_general3A_308 {dimension_numbers = #tpu.dot_dimension_numbers<[1], [0], [0], [1], [0, 0, 1, 1], [], []>, transpose_lhs_hint = false} : vector<64x64xf32>, vector<64x256xf32>, vector<64x256xf32> -> vector<64x256xf32>
    %add3A_310 = arith.addf %add3A_292, %dot_general3A_309 : vector<64x256xf32>
    %sub3A_311 = arith.constant 1.700000e+01 : f32
    %sub3A_312 = vector.broadcast %sub3A_311 : f32 to vector<64x256xf32>
    %sub3A_313 = arith.subf %mul3A_8, %sub3A_312 : vector<64x256xf32>
    %abs3A_314 = math.absf %sub3A_313 : vector<64x256xf32>
    %sub3A_315 = arith.constant 1.000000e+00 : f32
    %sub3A_316 = vector.broadcast %sub3A_315 : f32 to vector<64x256xf32>
    %sub3A_317 = arith.subf %sub3A_316, %abs3A_314 : vector<64x256xf32>
    %max3A_318 = arith.constant 0.000000e+00 : f32
    %max3A_319 = vector.broadcast %max3A_318 : f32 to vector<64x256xf32>
    %max3A_320 = arith.maximumf %max3A_319, %sub3A_317 : vector<64x256xf32>
    %get3A_321 = arith.constant 17 : index
    %get3A_322 = arith.constant 0 : index
    %get3A_323 = arith.constant 0 : index
    %get3A_324 = vector.load %arg2[%get3A_321, %get3A_322, %get3A_323] : memref<20x64x64xf32, #tpu.memory_space<vmem>>, vector<1x64x64xf32>
    %get3A_325 = vector.shape_cast %get3A_324 : vector<1x64x64xf32> to vector<64x64xf32>
    %dot_general3A_326 = arith.constant dense<0.000000e+00> : vector<64x256xf32>
    %dot_general3A_327 = tpu.matmul %get3A_325, %max3A_320, %dot_general3A_326 {dimension_numbers = #tpu.dot_dimension_numbers<[1], [0], [0], [1], [0, 0, 1, 1], [], []>, transpose_lhs_hint = false} : vector<64x64xf32>, vector<64x256xf32>, vector<64x256xf32> -> vector<64x256xf32>
    %add3A_328 = arith.addf %add3A_310, %dot_general3A_327 : vector<64x256xf32>
    %sub3A_329 = arith.constant 1.800000e+01 : f32
    %sub3A_330 = vector.broadcast %sub3A_329 : f32 to vector<64x256xf32>
    %sub3A_331 = arith.subf %mul3A_8, %sub3A_330 : vector<64x256xf32>
    %abs3A_332 = math.absf %sub3A_331 : vector<64x256xf32>
    %sub3A_333 = arith.constant 1.000000e+00 : f32
    %sub3A_334 = vector.broadcast %sub3A_333 : f32 to vector<64x256xf32>
    %sub3A_335 = arith.subf %sub3A_334, %abs3A_332 : vector<64x256xf32>
    %max3A_336 = arith.constant 0.000000e+00 : f32
    %max3A_337 = vector.broadcast %max3A_336 : f32 to vector<64x256xf32>
    %max3A_338 = arith.maximumf %max3A_337, %sub3A_335 : vector<64x256xf32>
    %get3A_339 = arith.constant 18 : index
    %get3A_340 = arith.constant 0 : index
    %get3A_341 = arith.constant 0 : index
    %get3A_342 = vector.load %arg2[%get3A_339, %get3A_340, %get3A_341] : memref<20x64x64xf32, #tpu.memory_space<vmem>>, vector<1x64x64xf32>
    %get3A_343 = vector.shape_cast %get3A_342 : vector<1x64x64xf32> to vector<64x64xf32>
    %dot_general3A_344 = arith.constant dense<0.000000e+00> : vector<64x256xf32>
    %dot_general3A_345 = tpu.matmul %get3A_343, %max3A_338, %dot_general3A_344 {dimension_numbers = #tpu.dot_dimension_numbers<[1], [0], [0], [1], [0, 0, 1, 1], [], []>, transpose_lhs_hint = false} : vector<64x64xf32>, vector<64x256xf32>, vector<64x256xf32> -> vector<64x256xf32>
    %add3A_346 = arith.addf %add3A_328, %dot_general3A_345 : vector<64x256xf32>
    %sub3A_347 = arith.constant 1.900000e+01 : f32
    %sub3A_348 = vector.broadcast %sub3A_347 : f32 to vector<64x256xf32>
    %sub3A_349 = arith.subf %mul3A_8, %sub3A_348 : vector<64x256xf32>
    %abs3A_350 = math.absf %sub3A_349 : vector<64x256xf32>
    %sub3A_351 = arith.constant 1.000000e+00 : f32
    %sub3A_352 = vector.broadcast %sub3A_351 : f32 to vector<64x256xf32>
    %sub3A_353 = arith.subf %sub3A_352, %abs3A_350 : vector<64x256xf32>
    %max3A_354 = arith.constant 0.000000e+00 : f32
    %max3A_355 = vector.broadcast %max3A_354 : f32 to vector<64x256xf32>
    %max3A_356 = arith.maximumf %max3A_355, %sub3A_353 : vector<64x256xf32>
    %get3A_357 = arith.constant 19 : index
    %get3A_358 = arith.constant 0 : index
    %get3A_359 = arith.constant 0 : index
    %get3A_360 = vector.load %arg2[%get3A_357, %get3A_358, %get3A_359] : memref<20x64x64xf32, #tpu.memory_space<vmem>>, vector<1x64x64xf32>
    %get3A_361 = vector.shape_cast %get3A_360 : vector<1x64x64xf32> to vector<64x64xf32>
    %dot_general3A_362 = arith.constant dense<0.000000e+00> : vector<64x256xf32>
    %dot_general3A_363 = tpu.matmul %get3A_361, %max3A_356, %dot_general3A_362 {dimension_numbers = #tpu.dot_dimension_numbers<[1], [0], [0], [1], [0, 0, 1, 1], [], []>, transpose_lhs_hint = false} : vector<64x64xf32>, vector<64x256xf32>, vector<64x256xf32> -> vector<64x256xf32>
    %add3A_364 = arith.addf %add3A_346, %dot_general3A_363 : vector<64x256xf32>
    %swap3A = arith.constant 0 : index
    %swap3A_365 = arith.constant 0 : index
    %swap3A_366 = vector.load %arg3[%swap3A, %swap3A_365] : memref<64x256xf32, #tpu.memory_space<vmem>>, vector<64x256xf32>
    tpu.vector_store %arg3[%swap3A, %swap3A_365], %add3A_364 {strides = array<i32>} : memref<64x256xf32, #tpu.memory_space<vmem>>, vector<64x256xf32>,
    return
  }
  func.func @transform_0(%arg0: i32) -> (i32, i32) {
    %add3A = arith.constant 8 : i32
    %add3A_0 = arith.addi %arg0, %add3A : i32
    %c0_i32 = arith.constant 0 : i32
    %c0_i32_1 = arith.constant 0 : i32
    return %c0_i32, %add3A_0 : i32, i32
  }
  func.func @transform_1(%arg0: i32) -> (i32, i32, i32) {
    %c0_i32 = arith.constant 0 : i32
    %c0_i32_0 = arith.constant 0 : i32
    %c0_i32_1 = arith.constant 0 : i32
    %c0_i32_2 = arith.constant 0 : i32
    return %c0_i32, %c0_i32_0, %c0_i32_1 : i32, i32, i32
  }
  func.func @transform_2(%arg0: i32) -> (i32, i32) {
    %add3A = arith.constant 8 : i32
    %add3A_0 = arith.addi %arg0, %add3A : i32
    %c0_i32 = arith.constant 0 : i32
    %c0_i32_1 = arith.constant 0 : i32
    return %c0_i32, %add3A_0 : i32, i32
  }
}

</mosaic_0001>

<sc_bundles>
// kernel: kernel.4.cloned.1.call-start
scs
__scs_entry_jumppad:
0x0: {  	(pc) =	sbr.rel $0x88, $3  }
0x1: {  	(tag) =	ssettag $0x0;
	lr =	simm.s32 $0x1  }
0x2: {  	[smem:$0x3F9F] =	sst lr;
	_ =	strace $0xD0000000  }
0x3: {  	_ = 	snop  }
0x4: {  	_ = 	snop  }
0x5: {  	_ = 	snop  }
0x6: {  	_ = 	snop  }
0x7: {  	_ = 	snop  }
__scs_overlays_trampoline_lowered:
0x8: {  	[smem:$0x3FAE] =	sst s0  }
0x9: {  	[smem:$0x3FAF] =	sst s1  }
0xa: {  	[smem:$0x3FB0] =	sst s2  }
0xb: {  	[smem:$0x3FB1] =	sst s3  }
0xc: {  	[smem:$0x3FB2] =	sst s4  }
0xd: {  	[smem:$0x3FB3] =	sst s5  }
0xe: {  	[smem:$0x3FB4] =	sst s6  }
0xf: {  	[smem:$0x3FB5] =	sst s7  }
0x10: {  	[smem:$0x3FB6] =	sst s8  }
0x11: {  	[smem:$0x3FB7] =	sst s9;
	s0 =	simm.s32 @!p0 $0x0  }
0x12: {  	s1 =	sld [smem:$0x3F9D];
	s0 =	simm.s32 @p0 $0x1  }
0x13: {  	[smem:$0x3FB8] =	sst s0;
	s0 =	simm.s32 @!p1 $0x0  }
0x14: {  	s2 =	sld [smem:$0x3F9C];
	s0 =	simm.s32 @p1 $0x1  }
0x15: {  	[smem:$0x3FB9] =	sst s0;
	s0 =	simm.s32 @!p2 $0x0  }
0x16: {  	s3 =	sld [smem:$0x3FDB];
	s0 =	simm.s32 @p2 $0x1  }
0x17: {  	s4 =	simm.s32 $0x1BF5;
	[smem:$0x3FBB] =	sst s0  }
0x18: {  	s0 =	sld [smem:$0x3F9E];
	_ =	swait.ge [sflag:s4], $0x0  }
0x19: {  	s7 =	sld [smem:$0x3F9F]  }
0x1a: {  	s8 =	sadd.s32 $0xFFFFE003, lr  }
0x1b: {  	s9 =	sadd.s32 $0xFFFFFEF7, lr;
	s5 =	simm.s32 $0xFFFFFFFF;
	p2 =	slt.u32 s8, $0xFFFFF086  }
0x1c: {  	p1 =	slt.u32 s9, $0xF7A;
	s5 =	simm.s32 @!p2 $0x0  }
0x1d: {  	s5 =	simm.s32 @p1 $0x1;
	p0 =	seq.s32 s7, s2  }
0x1e: {  	s7 =	smul.u32 @!p0 $0xF7A, s2;
	p2 =	seq.s32 @!p0 s5, $0x0  }
0x1f: {  	s9 =	smul.u32 $0xF7A, s1;
	s8 =	simm.s32 @!p0 $0x1BF5;
	p2 =	por !p2, p0  }
0x20: {  	[sflag:s8] =	ssyncset.s32 @!p0 $0xFFFFF086;
	s6 =	sadd.s32 @!p0 s3, s7;
	s7 =	simm.s32 @!p0 $0x108  }
0x21: {  	s3 =	sadd.s32 s3, s9;
	s6 =	sadd.s32 @!p0 $0x88, s6;
	s7 =	simm.s32 @p2 $0x1082  }
0x22: {  	[simem:s7], [sflag:s8] =	dma.local @!p0 [hbm:s6], $0xF7A  }
0x23: {  	s9 =	sor.u32 $0xD0000000, s2;
	s6 =	simm.s32 $0x108;
	_ =	swait.ge @!p0 [sflag:s8], $0x0  }
0x24: {  	s3 =	sadd.s32 $0x88, s3;
	s6 =	simm.s32 @!p1 $0x1082;
	[sflag:s4] =	ssyncset.s32 $0xFFFFF086  }
0x25: {  	[simem:s6], [sflag:s4] =	dma.local [hbm:s3], $0xF7A  }
0x26: {  	[smem:$0x3F9F] =	sst s1;
	(tag) =	ssettag s2;
	_ =	strace s9  }
0x27: {  	s1 =	sld [smem:$0x3FAF]  }
0x28: {  	s2 =	sld [smem:$0x3FB0]  }
0x29: {  	s4 =	sld [smem:$0x3FB2]  }
0x2a: {  	p0 =	seq.s32 s5, $0x0;
	s5 =	sld [smem:$0x3FB3]  }
0x2b: {  	s6 =	sld [smem:$0x3FB4]  }
0x2c: {  	s7 =	sld [smem:$0x3FB5]  }
0x2d: {  	s3 =	simm.s32 $0x108;
	s8 =	sld [smem:$0x3FB6]  }
0x2e: {  	s3 =	simm.s32 @!p0 $0x1082;
	s9 =	sld [smem:$0x3FB7]  }
0x2f: {  	lr =	sadd.s32 s0, s3;
	s0 =	sld [smem:$0x3FAE]  }
0x30: {  	s3 =	sld [smem:$0x3FB1]  }
0x31: {  	[smem:$0x3FBA] =	sst s10  }
0x32: {  	s10 =	sld [smem:$0x3FB8];
	_ =	sdelay $0x3  }
0x33: {  	p0 =	seq.s32 s10, $0x1;
	s10 =	sld [smem:$0x3FBA];
	_ =	sdelay $0x3  }
0x34: {  	[smem:$0x3FBA] =	sst s10  }
0x35: {  	s10 =	sld [smem:$0x3FB9];
	_ =	sdelay $0x3  }
0x36: {  	p1 =	seq.s32 s10, $0x1;
	s10 =	sld [smem:$0x3FBA];
	_ =	sdelay $0x3  }
0x37: {  	[smem:$0x3FBA] =	sst s10  }
0x38: {  	s10 =	sld [smem:$0x3FBB]  }
0x39: {  	_ = 	snop;
	(pc) =	sbr.ind lr, $3  }
0x3a: {  	_ = 	snop  }
0x3b: {  	_ = 	snop  }
0x3c: {  	p2 =	seq.s32 s10, $0x1;
	s10 =	sld [smem:$0x3FBA]  }
0x3d: {  	_ =	shalt  }
0x3e: {  	_ =	shalt  }
0x3f: {  	_ =	shalt  }
0x40: {  	_ =	shalt  }
0x41: {  	_ =	shalt  }
0x42: {  	_ =	shalt  }
0x43: {  	_ =	shalt  }
0x44: {  	_ =	shalt  }
0x45: {  	_ =	shalt  }
0x46: {  	_ =	shalt  }
0x47: {  	_ =	shalt  }
0x48: {  	_ =	shalt  }
0x49: {  	_ =	shalt  }
0x4a: {  	_ =	shalt  }
0x4b: {  	_ =	shalt  }
0x4c: {  	_ =	shalt  }
0x4d: {  	_ =	shalt  }
0x4e: {  	_ =	shalt  }
0x4f: {  	_ =	shalt  }
0x50: {  	_ =	shalt  }
0x51: {  	_ =	shalt  }
0x52: {  	_ =	shalt  }
0x53: {  	_ =	shalt  }
0x54: {  	_ =	shalt  }
0x55: {  	_ =	shalt  }
0x56: {  	_ =	shalt  }
0x57: {  	_ =	shalt  }
0x58: {  	_ =	shalt  }
0x59: {  	_ =	shalt  }
0x5a: {  	_ =	shalt  }
0x5b: {  	_ =	shalt  }
0x5c: {  	_ =	shalt  }
0x5d: {  	_ =	shalt  }
0x5e: {  	_ =	shalt  }
0x5f: {  	_ =	shalt  }
0x60: {  	_ =	shalt  }
0x61: {  	_ =	shalt  }
0x62: {  	_ =	shalt  }
0x63: {  	_ =	shalt  }
0x64: {  	_ =	shalt  }
0x65: {  	_ =	shalt  }
0x66: {  	_ =	shalt  }
0x67: {  	_ =	shalt  }
0x68: {  	_ =	shalt  }
0x69: {  	_ =	shalt  }
0x6a: {  	_ =	shalt  }
0x6b: {  	_ =	shalt  }
0x6c: {  	_ =	shalt  }
0x6d: {  	_ =	shalt  }
0x6e: {  	_ =	shalt  }
0x6f: {  	_ =	shalt  }
0x70: {  	_ =	shalt  }
0x71: {  	_ =	shalt  }
0x72: {  	_ =	shalt  }
0x73: {  	_ =	shalt  }
0x74: {  	_ =	shalt  }
0x75: {  	_ =	shalt  }
0x76: {  	_ =	shalt  }
0x77: {  	_ =	shalt  }
0x78: {  	_ =	shalt  }
0x79: {  	_ =	shalt  }
0x7a: {  	_ =	shalt  }
0x7b: {  	_ =	shalt  }
0x7c: {  	_ =	shalt  }
0x7d: {  	_ =	shalt  }
0x7e: {  	_ =	shalt  }
0x7f: {  	_ =	shalt  }
0x80: {  	_ =	shalt  }
0x81: {  	_ =	shalt  }
0x82: {  	_ =	shalt  }
0x83: {  	_ =	shalt  }
0x84: {  	_ =	shalt  }
0x85: {  	_ =	shalt  }
0x86: {  	_ =	shalt  }
0x87: {  	_ =	shalt  }
.Lfunc_end0:
.L_simem_size_0:
called_computation_lowered:
.L_overlay_start_0:
0x88: {  	s2 =	sld [smem:$0x3FD9]  }
0x89: {  	s3 =	sld [smem:$0x3FFE];
	_ =	sdelay $0x1  }
0x8a: {  	s1 =	srdreg.scid  }
0x8b: {  	s0 =	sand.u32 $0x1, s1  }
0x8c: {  	s16 =	sshll.u32 s0, $0xA;
	s2 =	sadd.s32 s3, s2  }
0x8d: {  	s2 =	sadd.s32 s2, s16  }
0x8e: {  	[smem:$0x3FC6] =	sst s2  }
0x8f: {  	_ = 	snop  }
0x90: {  	(tm) =	ssettm $0x1  }
0x91: {  	s17 =	sld [smem:$0x3FFB];
	_ =	sdelay $0x3  }
0x92: {  	_ =	strace s17  }
0x93: {  	s2 =	sld [smem:$0x3FFC];
	_ =	sdelay $0x3  }
0x94: {  	_ =	strace s2  }
0x95: {  	s2 =	sld [smem:$0x3FFD];
	_ =	sdelay $0x3  }
0x96: {  	_ =	strace s2  }
0x97: {  	_ =	strace $0x8FFFFFFF  }
0x98: {  	s18 =	sld [smem:$0x3FDB];
	_ =	sdelay $0x1  }
0x99: {  	s19 =	simm.s32 $_scs_section_size  }
0x9a: {  	s4 =	simm.s32 $_size__tile_overlayer_lowered;
	s5 =	simm.s32 $_tile_overlayer_lowered  }
0x9b: {  	s22 =	simm.s32 $0x1BFF;
	s21 =	sshll.u32 s5, $0x1;
	s2 =	sadd.s32 s19, s18  }
0x9c: {  	s6 =	simm.s32 $0x0;
	s20 =	sshll.u32 s4, $0x1;
	s4 =	sadd.s32 s21, s2  }
0x9d: {  	[timem:s6], [sflag:s22] =	dma.local [hbm:s4], s20  }
0x9e: {  	_ =	swait.ge [sflag:s22], s20  }
0x9f: {  	s3 =	ssub.s32 $0x0, s20;
	[sflag:s22] =	ssyncset.done $0x0  }
0xa0: {  	[sflag:s22] =	ssyncadd.s32 s3;
	_ =	sdelay $0x1  }
0xa1: {  	s23 =	simm.s32 $0x1B8B  }
0xa2: {  	_ =	swait.ge [sflag:s23], $0x1  }
0xa3: {  	[sflag:s23] =	ssyncset.done $0x0  }
0xa4: {  	s25 =	simm.s32 $0x1B8E;
	s24 =	sld [smem:$0x3FFE];
	[sflag:s23] =	ssyncadd.s32 $0xFFFFFFFF  }
0xa5: {  	s26 =	simm.s32 $execute0_lowered;
	[smem:$0x3FD2] =	sst s25  }
0xa6: {  	s4 =	sshll.u32 s26, $0x1;
	_ =	strace $0x80000046;
	[dreg:$0x1] =	wrdreg $0xFFFFFFFF  }
0xa7: {  	s28 =	simm.s32 $_size_execute0_lowered;
	s2 =	sadd.s32 s2, s4;
	[dreg:$0x0] =	wrdreg $0x0  }
0xa8: {  	s4 =	sshll.u32 s28, $0x1;
	[dreg:$0x2] =	wrdreg s2  }
0xa9: {  	[dreg:$0x3] =	wrdreg s4  }
0xaa: {  	[dreg:$0x4] =	wrdreg $0xC0  }
0xab: {  	_ =	task [dreg:s6], $0x5FFFF  }
0xac: {  	[dreg:$0x1] =	wrdreg $0xFFFFFFFF  }
0xad: {  	[dreg:$0x0] =	wrdreg $0x60  }
0xae: {  	[dreg:$0x2] =	wrdreg s24  }
0xaf: {  	[dreg:$0x3] =	wrdreg $0x9  }
0xb0: {  	_ =	task.clear_ibuf [dreg:s6], $0x4FFFF;
	_ =	strace $0x90000046  }
0xb1: {  	s29 =	simm.s32 $0x9;
	_ =	strace $0x80000048  }
0xb2: {  	_ =	swait.ge [sflag:s29], $0x1  }
0xb3: {  	[sflag:s29] =	ssyncadd.s32 $0xFFFFFFFF  }
0xb4: {  	_ =	strace $0x90000048  }
0xb5: {  	_ =	sfence  }
0xb6: {  	s30 =	sld [smem:$0x0];
	_ =	sdelay $0x2  }
0xb7: {  	s31 =	sshll.u32 s1, $0xD;
	s1 =	sshrl.u32 s1, $0x2  }
0xb8: {  	s3 =	sand.u32 $0x4000, s31;
	s1 =	sadd.s32 s1, s30  }
0xb9: {  	s0 =	sor.u32 s3, s0;
	s1 =	sshll.u32 s1, $0x11  }
0xba: {  	s0 =	sor.u32 s1, s0  }
0xbb: {  	s0 =	sadd.s32 $0x8F2B, s0  }
0xbc: {  	[sflag:s0] =	ssyncadd.remote.s32 $0x1  }
0xbd: {  	_ =	sfence.sel $0xFFFF  }
0xbe: {  	[dreg:$0x0] =	wrdreg $0xFFFFFFFF;
	(pc) =	sbr.abs _section_cstart, $3  }
0xbf: {  	[dreg:$0x1] =	wrdreg $0xFFFFFFFF  }
0xc0: {  	_ =	task.clear_ibuf [dreg:s6], $0x2FFFF;
	_ =	strace $0x9FFFFFFF  }
0xc1: {  	(tm) =	ssettm $0x7FFFFFFF  }
tec
execute0_lowered:
.L_overlay_start_1:
0x0: {  	(tag) =	ssettag $0x1  }
0x1: {  	s3 =	rddreg [dreg:$0x0];
	s2 =	srdreg.scid  }
0x2: {  	s0 =	rddreg [dreg:$0x1];
	s1 =	stileid.u32;
	v0 =	vlaneseq.u32;
	s7 =	simm.s32 $0x1  }
0x3: {  	s8 =	simm.s32 $0x18000;
	s4 =	sand.u32 $0x1, s2;
	s2 =	simm.s32 $0x0;
	v4 =	vmul.u32 $0x600, v0  }
0x4: {  	s9 =	simm.s32 $0x1A000;
	s5 =	sshll.u32 s1, $0xB;
	[smem:$0x7FF] =	sst s2  }
0x5: {  	s6 =	sshll.u32 s4, $0xA;
	s4 =	ssub.s32 $0x2, s4;
	_ =	strace $0x80000047;
	v0 =	vadd.s32 $0xC000, v4;
	[tilespmem:$0x1FFD0] =	vst v4  }
0x6: {  	s10 =	simm.s32 $0x0;
	s5 =	sor.u32 s6, s5;
	s31 =	sshrl.u32 s4, $0x1;
	v53 =	vadd.s32 $0x12000, v4;
	[tilespmem:$0x1FFC0] =	vst v0  }
0x7: {  	v13 =	vadd.s32 $0x6000, v4;
	s5 =	sadd.s32 s5, s3;
	s3 =	sadd.s32 $0x40800, s3;
	s6 =	ssub.s32 s4, s31;
	[tilespmem:$0x1FFE0] =	vst v53  }
0x8: {  	[tilespmem:$0x1FFF0] =	vst v13;
	s4 =	sadd.s32 $0x800, s5;
	s5 =	sadd.s32 $0x43800, s5;
	s6 =	smax.u32 s6, $0x1  }
.LBB2_1:
0x9: {  	[tilespmem:s2], [sflag:$0x1] =	stream.linear.gather [hbm4b:s3+s2], $0x18000, $0x38;
	[tilespmem:$0x1C000] =	vst v63  }
0xa: {  	_ =	swait.ge [sflag:s7], $0x18000  }
0xb: {  	[sflag:s7] =	ssyncset.done $0x0  }
0xc: {  	[sflag:s7] =	ssyncadd.s32 $0xFFFE8000  }
0xd: {  	[tilespmem:s8], [sflag:$0x1] =	stream.linear.gather [hbm4b:s4+s2], $0x2000, $0x38;
	[tilespmem:$0x1C000] =	vst v63  }
0xe: {  	_ =	swait.ge [sflag:s7], $0x2000  }
0xf: {  	[sflag:s7] =	ssyncset.done $0x0  }
0x10: {  	s11 =	simm.s32 $0x0;
	[sflag:s7] =	ssyncadd.s32 $0xFFFFE000  }
.LBB2_2:
0x11: {  	s12 =	sshra.s32 s11, $0x2  }
0x12: {  	v0 =	vld [tilespmem:s12+$0x18000];
	_ =	sdelay $0x4  }
0x13: {  	v0 =	vsub.f32 $0.0e+00, v0;
	_ =	sdelay $0x1  }
0x14: {  	v0 =	vmul.f32 $1.442695020e+00, v0;
	_ =	sdelay $0x1  }
0x15: {  	(erf) = vpow2.f32 v0;
	_ =	sdelay $0x8  }
0x16: {  	v0 =	vpop (erf)  }
0x17: {  	v0 =	vadd.f32 $1.000000000e+00, v0;
	_ =	sdelay $0x1  }
0x18: {  	(erf) = vrcp.f32 v0;
	_ =	sdelay $0x8  }
0x19: {  	v0 =	vpop (erf)  }
0x1a: {  	v0 =	vmul.f32 $1.900000000e+01, v0;
	_ =	sdelay $0x1  }
0x1b: {  	v1 =	vtrunc.f32 v0  }
0x1c: {  	v1 =	vcvt.f32.s32 v1;
	_ =	sdelay $0x1  }
0x1d: {  	vm0 =	vgt.s32 v1, $0x0  }
0x1e: {  	v3 =	vnsel vm0, $0x0, v1  }
0x1f: {  	v3 =	vmin.u32 v3, $0x16  }
0x20: {  	v3 =	vshll.u32 v3, $0x6  }
0x21: {  	v2 =	vadd.s32 $0x1, v1;
	v6 =	vadd.s32 v4, v3;
	v3 =	vld [tilespmem:$0x1FFD0]  }
0x22: {  	vm10 =	vgt.s32 v2, $0x0  }
0x23: {  	v2 =	vnsel vm10, $0x0, v2  }
0x24: {  	v1 =	vcvt.s32.f32 v1;
	v2 =	vmin.u32 v2, $0x16  }
0x25: {  	v2 =	vshll.u32 v2, $0x6  }
0x26: {  	v5 =	vsub.f32 v0, v1;
	(v2sf) =	vpush v6, $0x0;
	v4 =	vadd.s32 v3, v2  }
0x27: {  	(v2sf) =	vpush v4, $0x0  }
0x28: {  	(v2sf) =	vpush v5, $0x0  }
0x29: {  	(v2sf) =	vpush v6, $0x1  }
0x2a: {  	(v2sf) =	vpush v4, $0x1;
	_ =	sdelay $0xa  }
0x2b: {  	s13 =	spop (v2sf);
	(v2sf) =	vpush v5, $0x1  }
0x2c: {  	s15 =	spop (v2sf);
	(v2sf) =	vpush v6, $0x2  }
0x2d: {  	(v2sf) =	vpush v4, $0x2;
	s14 =	spop (v2sf)  }
0x2e: {  	s31 =	spop (v2sf);
	(v2sf) =	vpush v5, $0x2  }
0x2f: {  	s16 =	spop (v2sf);
	(v2sf) =	vpush v6, $0x3  }
0x30: {  	(v2sf) =	vpush v4, $0x3;
	_ =	sdelay $0x3  }
0x31: {  	v8 =	vld [tilespmem:s15+$0x0]  }
0x32: {  	v11 =	vld [tilespmem:s15+$0x10]  }
0x33: {  	v14 =	vld [tilespmem:s15+$0x20]  }
0x34: {  	v16 =	vld [tilespmem:s15+$0x30]  }
0x35: {  	v15 =	vld [tilespmem:s16+$0x0]  }
0x36: {  	v22 =	vld [tilespmem:s16+$0x10]  }
0x37: {  	v26 =	vld [tilespmem:s16+$0x20];
	s15 =	spop (v2sf);
	(v2sf) =	vpush v5, $0x3  }
0x38: {  	v24 =	vld [tilespmem:s16+$0x30];
	s16 =	spop (v2sf);
	(v2sf) =	vpush v6, $0x4  }
0x39: {  	s18 =	spop (v2sf);
	(v2sf) =	vpush v4, $0x4  }
0x3a: {  	s17 =	spop (v2sf);
	(v2sf) =	vpush v5, $0x4  }
0x3b: {  	s19 =	spop (v2sf);
	(v2sf) =	vpush v6, $0x5  }
0x3c: {  	s20 =	spop (v2sf);
	(v2sf) =	vpush v4, $0x5;
	_ =	sdelay $0x6  }
0x3d: {  	v27 =	vld [tilespmem:s18+$0x0]  }
0x3e: {  	v28 =	vld [tilespmem:s18+$0x10]  }
0x3f: {  	v36 =	vld [tilespmem:s18+$0x20]  }
0x40: {  	v35 =	vld [tilespmem:s18+$0x30];
	s18 =	spop (v2sf);
	(v2sf) =	vpush v5, $0x5  }
0x41: {  	s21 =	spop (v2sf);
	(v2sf) =	vpush v6, $0x6  }
0x42: {  	s22 =	spop (v2sf);
	(v2sf) =	vpush v4, $0x6  }
0x43: {  	s26 =	spop (v2sf);
	(v2sf) =	vpush v5, $0x6  }
0x44: {  	s23 =	spop (v2sf);
	(v2sf) =	vpush v6, $0x7  }
0x45: {  	s24 =	spop (v2sf);
	(v2sf) =	vpush v4, $0x7;
	_ =	sdelay $0x4  }
0x46: {  	v7 =	vld [tilespmem:s12+$0x18010]  }
0x47: {  	v33 =	vld [tilespmem:s20+$0x0]  }
0x48: {  	v37 =	vld [tilespmem:s20+$0x10]  }
0x49: {  	v38 =	vld [tilespmem:s20+$0x20]  }
0x4a: {  	v53 =	vld [tilespmem:s20+$0x30]  }
0x4b: {  	v55 =	vld [tilespmem:s22+$0x0];
	s20 =	spop (v2sf)  }
0x4c: {  	v58 =	vld [tilespmem:s22+$0x10];
	s25 =	spop (v2sf)  }
0x4d: {  	v57 =	vld [tilespmem:s22+$0x20];
	s28 =	spop (v2sf)  }
0x4e: {  	v47 =	vld [tilespmem:s22+$0x30];
	s22 =	spop (v2sf)  }
0x4f: {  	v2 =	vld [tilespmem:s13+$0x0];
	s29 =	spop (v2sf)  }
0x50: {  	v18 =	vld [tilespmem:s28+$0x20];
	s30 =	spop (v2sf)  }
0x51: {  	v17 =	vld [tilespmem:s30+$0x0]  }
0x52: {  	v10 =	vld [tilespmem:s31+$0x0]  }
0x53: {  	v19 =	vld [tilespmem:s31+$0x10];
	(v2sf) =	vpush v5, $0x7  }
0x54: {  	v20 =	vld [tilespmem:s31+$0x20];
	(v2sf) =	vpush v6, $0x8  }
0x55: {  	(v2sf) =	vpush v4, $0x8;
	[tilespmem:$0x1F810] =	vst v18;
	v18 =	vld [tilespmem:s29+$0x10]  }
0x56: {  	[tilespmem:$0x1F830] =	vst v17;
	v17 =	vld [tilespmem:s30+$0x10]  }
0x57: {  	v21 =	vld [tilespmem:s31+$0x30]  }
0x58: {  	v30 =	vld [tilespmem:s19+$0x0]  }
0x59: {  	v32 =	vld [tilespmem:s19+$0x10]  }
0x5a: {  	[tilespmem:$0x1F840] =	vst v18;
	v18 =	vld [tilespmem:s29+$0x20]  }
0x5b: {  	[tilespmem:$0x1F860] =	vst v17;
	v17 =	vld [tilespmem:s30+$0x20]  }
0x5c: {  	v34 =	vld [tilespmem:s19+$0x20]  }
0x5d: {  	v44 =	vld [tilespmem:s24+$0x0]  }
0x5e: {  	v42 =	vld [tilespmem:s24+$0x10]  }
0x5f: {  	[tilespmem:$0x1F850] =	vst v18;
	v18 =	vld [tilespmem:s29+$0x30]  }
0x60: {  	[tilespmem:$0x1F880] =	vst v17;
	v17 =	vld [tilespmem:s30+$0x30]  }
0x61: {  	v50 =	vld [tilespmem:s24+$0x20]  }
0x62: {  	v54 =	vld [tilespmem:s24+$0x30];
	s24 =	spop (v2sf)  }
0x63: {  	v62 =	vld [tilespmem:s19+$0x30];
	s31 =	spop (v2sf)  }
0x64: {  	s19 =	spop (v2sf);
	[tilespmem:$0x1F870] =	vst v18;
	v18 =	vld [tilespmem:s31+$0x0]  }
0x65: {  	[tilespmem:$0x1F890] =	vst v17;
	v17 =	vld [tilespmem:s19+$0x0]  }
0x66: {  	v3 =	vld [tilespmem:s13+$0x10]  }
0x67: {  	v40 =	vld [tilespmem:s21+$0x0];
	(v2sf) =	vpush v5, $0x8  }
0x68: {  	v39 =	vld [tilespmem:s21+$0x10];
	(v2sf) =	vpush v6, $0x9  }
0x69: {  	(v2sf) =	vpush v4, $0x9;
	[tilespmem:$0x1F8A0] =	vst v18;
	v18 =	vld [tilespmem:s31+$0x10]  }
0x6a: {  	[tilespmem:$0x1F8C0] =	vst v17;
	v17 =	vld [tilespmem:s19+$0x10]  }
0x6b: {  	v61 =	vld [tilespmem:s21+$0x20]  }
0x6c: {  	v41 =	vld [tilespmem:s21+$0x30]  }
0x6d: {  	v46 =	vld [tilespmem:s25+$0x0]  }
0x6e: {  	[tilespmem:$0x1F8B0] =	vst v18;
	v18 =	vld [tilespmem:s31+$0x20]  }
0x6f: {  	[tilespmem:$0x1F8D0] =	vst v17;
	v17 =	vld [tilespmem:s19+$0x20]  }
0x70: {  	v49 =	vld [tilespmem:s25+$0x10]  }
0x71: {  	v56 =	vld [tilespmem:s25+$0x20]  }
0x72: {  	v63 =	vld [tilespmem:s25+$0x30]  }
0x73: {  	[tilespmem:$0x1F8E0] =	vst v18;
	v18 =	vld [tilespmem:s31+$0x30]  }
0x74: {  	[tilespmem:$0x1F910] =	vst v17;
	v17 =	vld [tilespmem:s19+$0x30]  }
0x75: {  	v52 =	vld [tilespmem:s28+$0x0]  }
0x76: {  	v59 =	vld [tilespmem:s28+$0x10];
	s25 =	spop (v2sf)  }
0x77: {  	v60 =	vld [tilespmem:s28+$0x30];
	s21 =	spop (v2sf)  }
0x78: {  	s28 =	spop (v2sf);
	[tilespmem:$0x1F8F0] =	vst v18;
	v18 =	vld [tilespmem:s21+$0x0]  }
0x79: {  	[tilespmem:$0x1F920] =	vst v17;
	v17 =	vld [tilespmem:s28+$0x0]  }
0x7a: {  	v9 =	vld [tilespmem:s13+$0x20];
	(v2sf) =	vpush v5, $0x9  }
0x7b: {  	v12 =	vld [tilespmem:s13+$0x30];
	(v2sf) =	vpush v6, $0xA  }
0x7c: {  	v23 =	vld [tilespmem:s16+$0x0]  }
0x7d: {  	[tilespmem:$0x1F900] =	vst v18;
	v18 =	vld [tilespmem:s21+$0x10]  }
0x7e: {  	[tilespmem:$0x1F930] =	vst v17;
	v17 =	vld [tilespmem:s28+$0x10]  }
0x7f: {  	v25 =	vld [tilespmem:s16+$0x10]  }
0x80: {  	v29 =	vld [tilespmem:s16+$0x20]  }
0x81: {  	v31 =	vld [tilespmem:s16+$0x30]  }
0x82: {  	[tilespmem:$0x1F940] =	vst v18;
	v18 =	vld [tilespmem:s21+$0x20]  }
0x83: {  	[tilespmem:$0x1F960] =	vst v17;
	v17 =	vld [tilespmem:s28+$0x20]  }
0x84: {  	v48 =	vld [tilespmem:s23+$0x0]  }
0x85: {  	v51 =	vld [tilespmem:s23+$0x10];
	(v2sf) =	vpush v4, $0xA  }
0x86: {  	v45 =	vld [tilespmem:s23+$0x20];
	[tilespmem:$0x1F820] =	vst v60;
	(v2sf) =	vpush v5, $0xA  }
0x87: {  	v43 =	vld [tilespmem:s23+$0x30];
	(v2sf) =	vpush v6, $0xB;
	[tilespmem:$0x1F950] =	vst v18  }
0x88: {  	v60 =	vld [tilespmem:s29+$0x0];
	(v2sf) =	vpush v4, $0xB;
	[tilespmem:$0x1F970] =	vst v17  }
0x89: {  	s23 =	spop (v2sf)  }
0x8a: {  	s29 =	spop (v2sf)  }
0x8b: {  	v17 =	vld [tilespmem:s29+$0x0];
	_ =	sdelay $0x4  }
0x8c: {  	[tilespmem:$0x1F990] =	vst v17;
	v17 =	vld [tilespmem:s29+$0x10];
	_ =	sdelay $0x4  }
0x8d: {  	[tilespmem:$0x1F9A0] =	vst v17;
	v17 =	vld [tilespmem:s29+$0x20]  }
0x8e: {  	v18 =	vld [tilespmem:s28+$0x30];
	_ =	sdelay $0x3  }
0x8f: {  	s30 =	spop (v2sf);
	[tilespmem:$0x1F9C0] =	vst v17;
	v17 =	vld [tilespmem:s29+$0x30]  }
0x90: {  	[tilespmem:$0x1F9B0] =	vst v18;
	v18 =	vld [tilespmem:s30+$0x0];
	_ =	sdelay $0x1  }
0x91: {  	v0 =	vld [tilespmem:s21+$0x30];
	s21 =	spop (v2sf)  }
0x92: {  	s31 =	spop (v2sf)  }
0x93: {  	[tilespmem:$0x1FA00] =	vst v17;
	v17 =	vld [tilespmem:s31+$0x0]  }
0x94: {  	[tilespmem:$0x1F9D0] =	vst v18;
	v18 =	vld [tilespmem:s30+$0x10];
	_ =	sdelay $0x1  }
0x95: {  	(v2sf) =	vpush v5, $0xB  }
0x96: {  	(v2sf) =	vpush v6, $0xC  }
0x97: {  	[tilespmem:$0x1FA10] =	vst v17;
	v17 =	vld [tilespmem:s31+$0x10]  }
0x98: {  	[tilespmem:$0x1F9E0] =	vst v18;
	v18 =	vld [tilespmem:s30+$0x20];
	_ =	sdelay $0x3  }
0x99: {  	[tilespmem:$0x1FA20] =	vst v17;
	v17 =	vld [tilespmem:s31+$0x20]  }
0x9a: {  	[tilespmem:$0x1F9F0] =	vst v18;
	v18 =	vld [tilespmem:s30+$0x30];
	_ =	sdelay $0x3  }
0x9b: {  	s28 =	spop (v2sf);
	[tilespmem:$0x1FA40] =	vst v17;
	v17 =	vld [tilespmem:s31+$0x30]  }
0x9c: {  	[tilespmem:$0x1FA30] =	vst v18;
	v18 =	vld [tilespmem:s28+$0x0];
	_ =	sdelay $0x1  }
0x9d: {  	s19 =	spop (v2sf)  }
0x9e: {  	v7 =	vsub.f32 $0.0e+00, v7;
	s29 =	spop (v2sf)  }
0x9f: {  	(v2sf) =	vpush v4, $0xC;
	[tilespmem:$0x1FA80] =	vst v17;
	v17 =	vld [tilespmem:s29+$0x0]  }
0xa0: {  	v7 =	vmul.f32 $1.442695020e+00, v7;
	[tilespmem:$0x1FA50] =	vst v18;
	v18 =	vld [tilespmem:s28+$0x10];
	_ =	sdelay $0x1  }
0xa1: {  	(erf) = vpow2.f32 v7;
	(v2sf) =	vpush v5, $0xC  }
0xa2: {  	(v2sf) =	vpush v6, $0xD  }
0xa3: {  	[tilespmem:$0x1FAA0] =	vst v17;
	v17 =	vld [tilespmem:s29+$0x10]  }
0xa4: {  	[tilespmem:$0x1FA60] =	vst v18;
	v18 =	vld [tilespmem:s28+$0x20];
	_ =	sdelay $0x3  }
0xa5: {  	[tilespmem:$0x1FAB0] =	vst v17;
	v17 =	vld [tilespmem:s29+$0x20]  }
0xa6: {  	[tilespmem:$0x1FA70] =	vst v18;
	v18 =	vld [tilespmem:s28+$0x30]  }
0xa7: {  	v7 =	vpop (erf)  }
0xa8: {  	(v2sf) =	vpush v4, $0xD;
	v7 =	vadd.f32 $1.000000000e+00, v7;
	_ =	sdelay $0x1  }
0xa9: {  	(erf) = vrcp.f32 v7;
	s28 =	spop (v2sf);
	[tilespmem:$0x1FAC0] =	vst v17;
	v17 =	vld [tilespmem:s29+$0x30]  }
0xaa: {  	[tilespmem:$0x1FA90] =	vst v18;
	v18 =	vld [tilespmem:s28+$0x0];
	_ =	sdelay $0x1  }
0xab: {  	(v2sf) =	vpush v5, $0xD;
	s16 =	spop (v2sf)  }
0xac: {  	(v2sf) =	vpush v6, $0xE;
	s29 =	spop (v2sf)  }
0xad: {  	[tilespmem:$0x1FAE0] =	vst v17;
	v17 =	vld [tilespmem:s29+$0x0]  }
0xae: {  	[tilespmem:$0x1FAD0] =	vst v18;
	v18 =	vld [tilespmem:s28+$0x10];
	_ =	sdelay $0x2  }
0xaf: {  	v7 =	vpop (erf);
	(v2sf) =	vpush v4, $0xE  }
0xb0: {  	v1 =	vmul.f32 $1.900000000e+01, v7;
	[tilespmem:$0x1FB20] =	vst v17;
	v17 =	vld [tilespmem:s29+$0x10]  }
0xb1: {  	(v2sf) =	vpush v5, $0xE;
	[tilespmem:$0x1FAF0] =	vst v18;
	v18 =	vld [tilespmem:s28+$0x20]  }
0xb2: {  	(v2sf) =	vpush v6, $0xF;
	v6 =	vtrunc.f32 v1  }
0xb3: {  	s30 =	spop (v2sf);
	(v2sf) =	vpush v4, $0xF;
	v4 =	vcvt.f32.s32 v6;
	_ =	sdelay $0x1  }
0xb4: {  	v6 =	vadd.s32 $0x1, v4;
	[tilespmem:$0x1FB30] =	vst v17;
	v17 =	vld [tilespmem:s29+$0x20]  }
0xb5: {  	[tilespmem:$0x1FB00] =	vst v18;
	v18 =	vld [tilespmem:s28+$0x30];
	vm11 =	vgt.s32 v4, $0x0;
	vm1 =	vgt.s32 v6, $0x0  }
0xb6: {  	v7 =	vnsel vm11, $0x0, v4;
	v6 =	vnsel vm1, $0x0, v6  }
0xb7: {  	[tilespmem:$0x1F980] =	vst v0;
	s13 =	spop (v2sf);
	v7 =	vmin.u32 v7, $0x16;
	v0 =	vmin.u32 v6, $0x16  }
0xb8: {  	v6 =	vshll.u32 v7, $0x6;
	v7 =	vld [tilespmem:s29+$0x30];
	v0 =	vshll.u32 v0, $0x6;
	s29 =	spop (v2sf)  }
0xb9: {  	[tilespmem:$0x1FB40] =	vst v17;
	v17 =	vadd.s32 v13, v0;
	v0 =	vld [tilespmem:s29+$0x0]  }
0xba: {  	[tilespmem:$0x1FB10] =	vst v18;
	v18 =	vld [tilespmem:s30+$0x0];
	_ =	sdelay $0x2  }
0xbb: {  	s31 =	spop (v2sf)  }
0xbc: {  	[tilespmem:$0x1FB90] =	vst v0;
	v0 =	vld [tilespmem:s31+$0x0]  }
0xbd: {  	[tilespmem:$0x1FB50] =	vst v18;
	v18 =	vld [tilespmem:s30+$0x10];
	_ =	sdelay $0x3  }
0xbe: {  	[tilespmem:$0x1FBB0] =	vst v0;
	v0 =	vld [tilespmem:s29+$0x10]  }
0xbf: {  	[tilespmem:$0x1FB60] =	vst v18;
	v18 =	vld [tilespmem:s30+$0x20];
	_ =	sdelay $0x3  }
0xc0: {  	[tilespmem:$0x1FBC0] =	vst v0;
	v0 =	vcvt.s32.f32 v4  }
0xc1: {  	[tilespmem:$0x1FB70] =	vst v18;
	v18 =	vadd.s32 v13, v6;
	v6 =	vld [tilespmem:s30+$0x30]  }
0xc2: {  	s30 =	ssub.f32 $1.000000000e+00, s14;
	s14 =	spop (v2sf);
	v13 =	vsub.f32 v1, v0;
	v1 =	vld [tilespmem:s29+$0x30]  }
0xc3: {  	v4 =	vld [tilespmem:s29+$0x20];
	s29 =	spop (v2sf)  }
0xc4: {  	v0 =	vmul.f32 s30, v2;
	v2 =	vld [tilespmem:s29+$0x0];
	_ =	sdelay $0x2  }
0xc5: {  	[tilespmem:$0x1FBE0] =	vst v1;
	v1 =	vbroadcast v5, $0x0  }
0xc6: {  	(v2sf) =	vpush v5, $0xF;
	s28 =	spop (v2sf)  }
0xc7: {  	(v2sf) =	vpush v18, $0x0;
	[tilespmem:$0x1FBF0] =	vst v2;
	v2 =	vmul.f32 v1, v8;
	v8 =	vld [tilespmem:s28+$0x0];
	_ =	sdelay $0x2  }
0xc8: {  	v0 =	vadd.f32 $0.0e+00, v0  }
0xc9: {  	v3 =	vmul.f32 s30, v3  }
0xca: {  	(v2sf) =	vpush v17, $0x0;
	v0 =	vadd.f32 v0, v2;
	[tilespmem:$0x1FC10] =	vst v8;
	v8 =	vmul.f32 s30, v9;
	v9 =	vld [tilespmem:s29+$0x10]  }
0xcb: {  	v2 =	vadd.f32 $0.0e+00, v3;
	v3 =	vmul.f32 v1, v11;
	v11 =	vmul.f32 s30, v12;
	v12 =	vld [tilespmem:s29+$0x20];
	_ =	sdelay $0x3  }
0xcc: {  	[tilespmem:$0x1FC00] =	vst v9;
	v9 =	vld [tilespmem:s28+$0x10]  }
0xcd: {  	[tilespmem:$0x1FC30] =	vst v12;
	v12 =	vld [tilespmem:s28+$0x20]  }
0xce: {  	[tilespmem:$0x1FB80] =	vst v7;
	v7 =	vld [tilespmem:s31+$0x20]  }
0xcf: {  	[tilespmem:$0x1FBA0] =	vst v6;
	v6 =	vld [tilespmem:s31+$0x10];
	(v2sf) =	vpush v13, $0x0  }
0xd0: {  	[tilespmem:$0x1FBD0] =	vst v4;
	v4 =	vld [tilespmem:s31+$0x30];
	(v2sf) =	vpush v18, $0x1;
	s31 =	ssub.f32 $1.000000000e+00, s15;
	s15 =	spop (v2sf)  }
0xd1: {  	[tilespmem:$0x1FC20] =	vst v9;
	v9 =	vmul.f32 v1, v14;
	v1 =	vmul.f32 v1, v16;
	v16 =	vld [tilespmem:s29+$0x30];
	s29 =	spop (v2sf)  }
0xd2: {  	[tilespmem:$0x1FC50] =	vst v12;
	v12 =	vld [tilespmem:s29+$0x10];
	_ =	sdelay $0x1  }
0xd3: {  	(v2sf) =	vpush v17, $0x1;
	v8 =	vadd.f32 $0.0e+00, v8  }
0xd4: {  	v2 =	vadd.f32 v2, v3;
	v3 =	vmul.f32 s31, v10;
	v10 =	vbroadcast v5, $0x1  }
0xd5: {  	v8 =	vadd.f32 v8, v9;
	v9 =	vadd.f32 $0.0e+00, v11;
	[tilespmem:$0x1FC40] =	vst v16;
	v16 =	vld [tilespmem:s28+$0x30];
	s28 =	spop (v2sf)  }
0xd6: {  	s30 =	ssub.f32 $1.000000000e+00, s17;
	v0 =	vadd.f32 v0, v3;
	v3 =	vmul.f32 v10, v15;
	[tilespmem:$0x1FC80] =	vst v12;
	v12 =	vld [tilespmem:s28+$0x10]  }
0xd7: {  	v21 =	vmul.f32 s31, v21;
	v1 =	vadd.f32 v9, v1;
	v9 =	vmul.f32 s31, v19;
	v19 =	vld [tilespmem:s28+$0x0]  }
0xd8: {  	v23 =	vmul.f32 s30, v23;
	v0 =	vadd.f32 v0, v3;
	v3 =	vmul.f32 s31, v20  }
0xd9: {  	(v2sf) =	vpush v13, $0x1;
	v20 =	vmul.f32 v22, v10;
	v22 =	vmul.f32 v26, v10  }
0xda: {  	v10 =	vmul.f32 v24, v10;
	v24 =	vmul.f32 s30, v25;
	v14 =	vld [tilespmem:s29+$0x20];
	v1 =	vadd.f32 v21, v1;
	[tilespmem:$0x1FC60] =	vst v16  }
0xdb: {  	(v2sf) =	vpush v18, $0x2;
	v2 =	vadd.f32 v2, v9;
	v25 =	vld [tilespmem:s28+$0x20];
	[tilespmem:$0x1FCB0] =	vst v12;
	v12 =	vbroadcast v5, $0x2  }
0xdc: {  	v21 =	vmul.f32 s30, v31;
	v1 =	vadd.f32 v10, v1;
	v16 =	vld [tilespmem:s29+$0x0];
	[tilespmem:$0x1FCA0] =	vst v19;
	v19 =	vmul.f32 s30, v29;
	s30 =	ssub.f32 $1.000000000e+00, s20  }
0xdd: {  	v3 =	vadd.f32 v8, v3;
	s17 =	spop (v2sf);
	v2 =	vadd.f32 v2, v20;
	v26 =	vmul.f32 v27, v12;
	v27 =	vld [tilespmem:s29+$0x30]  }
0xde: {  	(v2sf) =	vpush v17, $0x2;
	v1 =	vadd.f32 v21, v1;
	s29 =	spop (v2sf);
	v21 =	vmul.f32 s30, v51;
	v51 =	vld [tilespmem:$0x1F850]  }
0xdf: {  	v2 =	vadd.f32 v24, v2;
	v24 =	vbroadcast v5, $0x3;
	v20 =	vld [tilespmem:s29+$0x0]  }
0xe0: {  	v0 =	vadd.f32 v23, v0;
	v3 =	vadd.f32 v3, v22;
	[tilespmem:$0x1FCC0] =	vst v25;
	v25 =	vld [tilespmem:s29+$0x10]  }
0xe1: {  	s26 =	ssub.f32 $1.000000000e+00, s26;
	[tilespmem:$0x1FC90] =	vst v14;
	(v2sf) =	vpush v13, $0x2;
	v31 =	vmul.f32 v37, v24;
	v14 =	vld [tilespmem:s29+$0x20]  }
0xe2: {  	v3 =	vadd.f32 v19, v3;
	s31 =	spop (v2sf);
	[tilespmem:$0x1FC70] =	vst v16;
	v16 =	vld [tilespmem:s28+$0x30];
	v0 =	vadd.f32 v26, v0;
	s28 =	ssub.f32 $1.000000000e+00, s18;
	v26 =	vmul.f32 v36, v12  }
0xe3: {  	v37 =	vmul.f32 s26, v40;
	v28 =	vmul.f32 v28, v12;
	(v2sf) =	vpush v18, $0x3;
	v22 =	vld [tilespmem:s31+$0x0]  }
0xe4: {  	v3 =	vadd.f32 v26, v3;
	v29 =	vmul.f32 s28, v34;
	[tilespmem:$0x1FCD0] =	vst v27;
	v27 =	vmul.f32 v35, v12;
	v12 =	vld [tilespmem:s31+$0x10]  }
0xe5: {  	v40 =	vbroadcast v5, $0x4;
	v2 =	vadd.f32 v28, v2;
	v23 =	vmul.f32 s28, v30;
	v30 =	vld [tilespmem:s31+$0x20]  }
0xe6: {  	v28 =	vmul.f32 v33, v24;
	v33 =	vmul.f32 v38, v24;
	v34 =	vld [tilespmem:s31+$0x30];
	v3 =	vadd.f32 v29, v3  }
0xe7: {  	v10 =	vmul.f32 v53, v24;
	v1 =	vadd.f32 v27, v1;
	v27 =	vmul.f32 s30, v45;
	v45 =	vld [tilespmem:$0x1F820]  }
0xe8: {  	v53 =	vmul.f32 s26, v61;
	[tilespmem:$0x1FD20] =	vst v22;
	v22 =	vmul.f32 v47, v40;
	v47 =	vld [tilespmem:$0x1F830];
	v3 =	vadd.f32 v33, v3  }
0xe9: {  	(v2sf) =	vpush v17, $0x3;
	s18 =	spop (v2sf);
	[tilespmem:$0x1FD30] =	vst v12;
	v12 =	vmul.f32 s28, v32;
	v32 =	vld [tilespmem:s29+$0x30]  }
0xea: {  	s29 =	spop (v2sf);
	v3 =	vadd.f32 v53, v3;
	v53 =	vld [tilespmem:$0x1F860]  }
0xeb: {  	v0 =	vadd.f32 v23, v0;
	v36 =	vld [tilespmem:s29+$0x0]  }
0xec: {  	v35 =	vmul.f32 s28, v62;
	[tilespmem:$0x1FD10] =	vst v14;
	v14 =	vld [tilespmem:s29+$0x20]  }
0xed: {  	v0 =	vadd.f32 v28, v0;
	s28 =	spop (v2sf);
	v61 =	vld [tilespmem:s29+$0x30]  }
0xee: {  	v55 =	vmul.f32 v55, v40;
	v1 =	vadd.f32 v35, v1;
	v38 =	vld [tilespmem:s28+$0x0]  }
0xef: {  	v57 =	vmul.f32 v57, v40;
	v0 =	vadd.f32 v37, v0;
	v2 =	vadd.f32 v12, v2;
	v12 =	vld [tilespmem:s29+$0x10]  }
0xf0: {  	[tilespmem:$0x1FD00] =	vst v16;
	v16 =	vmul.f32 s26, v41;
	v1 =	vadd.f32 v10, v1;
	v62 =	vld [tilespmem:s28+$0x30]  }
0xf1: {  	v0 =	vadd.f32 v55, v0;
	v3 =	vadd.f32 v57, v3;
	v55 =	vld [tilespmem:$0x1F880]  }
0xf2: {  	s20 =	spop (v2sf);
	v1 =	vadd.f32 v16, v1;
	v16 =	vld [tilespmem:$0x1F900]  }
0xf3: {  	v3 =	vadd.f32 v27, v3;
	v27 =	vld [tilespmem:$0x1F970];
	s31 =	spop (v2sf)  }
0xf4: {  	[tilespmem:$0x1FCE0] =	vst v20;
	v20 =	vld [tilespmem:s31+$0x0]  }
0xf5: {  	v23 =	vld [tilespmem:s31+$0x10]  }
0xf6: {  	v2 =	vadd.f32 v31, v2;
	v31 =	vld [tilespmem:s31+$0x30]  }
0xf7: {  	(v2sf) =	vpush v13, $0x3;
	[tilespmem:$0x1FDC0] =	vst v61;
	v61 =	vld [tilespmem:$0x1F8D0]  }
0xf8: {  	v39 =	vmul.f32 s26, v39;
	(v2sf) =	vpush v18, $0x4;
	s26 =	spop (v2sf);
	[tilespmem:$0x1FD70] =	vst v12;
	v12 =	vld [tilespmem:s28+$0x10]  }
0xf9: {  	[tilespmem:$0x1FDB0] =	vst v14;
	v14 =	vld [tilespmem:s26+$0x0]  }
0xfa: {  	v26 =	vld [tilespmem:s26+$0x10]  }
0xfb: {  	v29 =	vld [tilespmem:s26+$0x20]  }
0xfc: {  	v28 =	vmul.f32 s30, v43;
	[tilespmem:$0x1FD80] =	vst v34;
	v1 =	vadd.f32 v22, v1;
	v34 =	vld [tilespmem:s26+$0x30]  }
0xfd: {  	[tilespmem:$0x1FDF0] =	vst v62;
	v62 =	vld [tilespmem:$0x1F8E0]  }
0xfe: {  	v1 =	vadd.f32 v28, v1;
	v28 =	vld [tilespmem:$0x1F980]  }
0xff: {  	[tilespmem:$0x1FDD0] =	vst v20;
	v20 =	vld [tilespmem:$0x1F910]  }
0x100: {  	(v2sf) =	vpush v17, $0x4;
	[tilespmem:$0x1FE10] =	vst v23;
	v23 =	vld [tilespmem:$0x1F930]  }
0x101: {  	v33 =	vbroadcast v5, $0x6;
	[tilespmem:$0x1FDA0] =	vst v12;
	v12 =	vmul.f32 v58, v40;
	v58 =	vld [tilespmem:s28+$0x20]  }
0x102: {  	[tilespmem:$0x1FE00] =	vst v14;
	v14 =	vld [tilespmem:s31+$0x20]  }
0x103: {  	v40 =	vmul.f32 v59, v33;
	v59 =	vld [tilespmem:$0x1F8B0]  }
0x104: {  	[tilespmem:$0x1FE50] =	vst v26;
	s28 =	ssub.f32 $1.000000000e+00, s22;
	v26 =	vld [tilespmem:$0x1F960]  }
0x105: {  	[tilespmem:$0x1FE60] =	vst v29;
	v29 =	vld [tilespmem:$0x1F990]  }
0x106: {  	(v2sf) =	vpush v13, $0x4;
	v2 =	vadd.f32 v39, v2;
	[tilespmem:$0x1FD90] =	vst v38;
	s22 =	spop (v2sf);
	v38 =	vmul.f32 s28, v56;
	v56 =	vld [tilespmem:$0x1F890]  }
0x107: {  	(v2sf) =	vpush v18, $0x5;
	v43 =	vmul.f32 s28, v63;
	v63 =	vld [tilespmem:$0x1F8F0];
	s31 =	spop (v2sf)  }
0x108: {  	[tilespmem:$0x1FD60] =	vst v36;
	v2 =	vadd.f32 v12, v2;
	v12 =	vbroadcast v5, $0x5;
	v36 =	vld [tilespmem:s31+$0x0]  }
0x109: {  	v19 =	vmul.f32 s30, v48;
	[tilespmem:$0x1FCF0] =	vst v25;
	v39 =	vld [tilespmem:s31+$0x10]  }
0x10a: {  	[tilespmem:$0x1FD40] =	vst v30;
	v30 =	vmul.f32 s28, v46;
	v25 =	vmul.f32 v42, v12;
	v42 =	vld [tilespmem:$0x1F810]  }
0x10b: {  	[tilespmem:$0x1FD50] =	vst v32;
	v24 =	vmul.f32 v44, v12;
	v32 =	vmul.f32 v50, v12;
	v46 =	vld [tilespmem:s31+$0x30]  }
0x10c: {  	s30 =	ssub.f32 $1.000000000e+00, s24;
	(v2sf) =	vpush v17, $0x5;
	v35 =	vmul.f32 v54, v12;
	v12 =	vmul.f32 s28, v49;
	v49 =	vld [tilespmem:$0x1F840]  }
0x10d: {  	v54 =	vld [tilespmem:$0x1F870]  }
0x10e: {  	v44 =	vmul.f32 s30, v60;
	v60 =	vld [tilespmem:$0x1F8C0]  }
0x10f: {  	v2 =	vadd.f32 v21, v2;
	s26 =	spop (v2sf);
	v21 =	vld [tilespmem:$0x1F920]  }
0x110: {  	[tilespmem:$0x1FE20] =	vst v14;
	v14 =	vld [tilespmem:s26+$0x0]  }
0x111: {  	v41 =	vld [tilespmem:s26+$0x10]  }
0x112: {  	v0 =	vadd.f32 v19, v0;
	v48 =	vld [tilespmem:s26+$0x30]  }
0x113: {  	[tilespmem:$0x1FDE0] =	vst v58;
	v58 =	vld [tilespmem:$0x1F8A0]  }
0x114: {  	v0 =	vadd.f32 v24, v0;
	v2 =	vadd.f32 v25, v2;
	v24 =	vld [tilespmem:$0x1F950]  }
0x115: {  	(v2sf) =	vpush v13, $0x5;
	s24 =	spop (v2sf);
	v3 =	vadd.f32 v32, v3;
	v32 =	vld [tilespmem:$0x1F9A0]  }
0x116: {  	(v2sf) =	vpush v18, $0x6;
	v2 =	vadd.f32 v12, v2;
	v12 =	vld [tilespmem:s31+$0x20];
	s31 =	spop (v2sf)  }
0x117: {  	v50 =	vld [tilespmem:s31+$0x0]  }
0x118: {  	(v2sf) =	vpush v17, $0x6;
	v57 =	vld [tilespmem:s31+$0x10]  }
0x119: {  	v10 =	vmul.f32 s30, v54;
	v54 =	vld [tilespmem:$0x1F9D0]  }
0x11a: {  	v1 =	vadd.f32 v35, v1;
	[tilespmem:$0x1FE80] =	vst v14;
	v14 =	vld [tilespmem:s26+$0x20]  }
0x11b: {  	v3 =	vadd.f32 v38, v3;
	v9 =	vmul.f32 v42, v33;
	v2 =	vadd.f32 v40, v2;
	s26 =	spop (v2sf);
	v40 =	vld [tilespmem:s31+$0x20]  }
0x11c: {  	v37 =	vmul.f32 v52, v33;
	v0 =	vadd.f32 v30, v0;
	v52 =	vld [tilespmem:s26+$0x0]  }
0x11d: {  	v1 =	vadd.f32 v43, v1;
	v3 =	vadd.f32 v9, v3;
	v9 =	vmul.f32 v45, v33;
	v33 =	vld [tilespmem:s31+$0x30]  }
0x11e: {  	v0 =	vadd.f32 v37, v0;
	v38 =	vld [tilespmem:s26+$0x30];
	[tilespmem:$0x1FEA0] =	vst v12;
	v12 =	vbroadcast v5, $0x7  }
0x11f: {  	v45 =	vld [tilespmem:$0x1FB60];
	v1 =	vadd.f32 v9, v1;
	v9 =	vmul.f32 s30, v49  }
0x120: {  	v0 =	vadd.f32 v44, v0;
	v49 =	vld [tilespmem:$0x1FAD0];
	v8 =	vmul.f32 v47, v12  }
0x121: {  	v2 =	vadd.f32 v9, v2;
	v9 =	vmul.f32 v53, v12;
	v53 =	vld [tilespmem:$0x1F9C0]  }
0x122: {  	v11 =	vmul.f32 v56, v12;
	v56 =	vld [tilespmem:$0x1F9F0];
	v0 =	vadd.f32 v8, v0;
	v8 =	vmul.f32 s30, v51  }
0x123: {  	v47 =	vld [tilespmem:$0x1FAC0]  }
0x124: {  	s29 =	ssub.f32 $1.000000000e+00, s25;
	(v2sf) =	vpush v13, $0x6;
	s25 =	spop (v2sf);
	v3 =	vadd.f32 v8, v3;
	v8 =	vmul.f32 v55, v12;
	v12 =	vld [tilespmem:s26+$0x10]  }
0x125: {  	(v2sf) =	vpush v18, $0x7;
	s31 =	spop (v2sf);
	v55 =	vld [tilespmem:s26+$0x20]  }
0x126: {  	[tilespmem:$0x1FE30] =	vst v31;
	v31 =	vld [tilespmem:s31+$0x0]  }
0x127: {  	s30 =	spop (v2sf);
	v22 =	vld [tilespmem:s31+$0x10]  }
0x128: {  	[tilespmem:$0x1FE40] =	vst v36;
	v36 =	vld [tilespmem:s30+$0x0]  }
0x129: {  	(v2sf) =	vpush v17, $0x7;
	v1 =	vadd.f32 v10, v1;
	v25 =	vld [tilespmem:s30+$0x10]  }
0x12a: {  	v10 =	vmul.f32 s29, v58;
	v2 =	vadd.f32 v9, v2;
	v37 =	vld [tilespmem:s30+$0x20];
	[tilespmem:$0x1FF10] =	vst v12;
	v12 =	vbroadcast v5, $0x8  }
0x12b: {  	v1 =	vadd.f32 v11, v1;
	v35 =	vld [tilespmem:s30+$0x30];
	v3 =	vadd.f32 v8, v3;
	v8 =	vmul.f32 s29, v59  }
0x12c: {  	v0 =	vadd.f32 v10, v0;
	v9 =	vmul.f32 v60, v12;
	v11 =	vmul.f32 v21, v12;
	v21 =	vld [tilespmem:s31+$0x20]  }
0x12d: {  	v2 =	vadd.f32 v8, v2;
	v8 =	vmul.f32 v61, v12;
	v60 =	vld [tilespmem:$0x1FA00]  }
0x12e: {  	v61 =	vld [tilespmem:$0x1FA10];
	v0 =	vadd.f32 v9, v0  }
0x12f: {  	v9 =	vmul.f32 s29, v62;
	v2 =	vadd.f32 v8, v2;
	v8 =	vmul.f32 s29, v63;
	v62 =	vld [tilespmem:$0x1FA20]  }
0x130: {  	s26 =	ssub.f32 $1.000000000e+00, s23;
	v63 =	vld [tilespmem:$0x1FA30]  }
0x131: {  	v3 =	vadd.f32 v9, v3;
	v1 =	vadd.f32 v8, v1;
	v8 =	vmul.f32 v20, v12;
	v12 =	vld [tilespmem:$0x1F940]  }
0x132: {  	v19 =	vbroadcast v5, $0x9;
	v9 =	vmul.f32 s26, v16;
	v16 =	vld [tilespmem:$0x1FA40]  }
0x133: {  	s23 =	spop (v2sf);
	v3 =	vadd.f32 v8, v3;
	v8 =	vmul.f32 s26, v24;
	v24 =	vld [tilespmem:s31+$0x30]  }
0x134: {  	(v2sf) =	vpush v13, $0x7;
	v0 =	vadd.f32 v9, v0;
	v9 =	vmul.f32 v23, v19;
	s31 =	spop (v2sf);
	v23 =	vld [tilespmem:$0x1FA60]  }
0x135: {  	[tilespmem:$0x1FE70] =	vst v34;
	(v2sf) =	vpush v18, $0x8;
	v34 =	vld [tilespmem:s31+$0x0]  }
0x136: {  	[tilespmem:$0x1FEE0] =	vst v48;
	(v2sf) =	vpush v17, $0x8;
	v48 =	vld [tilespmem:s31+$0x10];
	v12 =	vmul.f32 s26, v12  }
0x137: {  	s21 =	ssub.f32 $1.000000000e+00, s21;
	(v2sf) =	vpush v13, $0x8;
	v42 =	vld [tilespmem:s31+$0x30];
	v3 =	vadd.f32 v8, v3;
	v8 =	vmul.f32 v27, v19  }
0x138: {  	v0 =	vadd.f32 v9, v0;
	v9 =	vmul.f32 v26, v19;
	v26 =	vld [tilespmem:$0x1FA70];
	v2 =	vadd.f32 v12, v2  }
0x139: {  	(v2sf) =	vpush v18, $0x9;
	v27 =	vld [tilespmem:$0x1FA80];
	v3 =	vadd.f32 v8, v3;
	v8 =	vmul.f32 s21, v29  }
0x13a: {  	v29 =	vld [tilespmem:$0x1FAA0];
	v2 =	vadd.f32 v9, v2;
	v9 =	vmul.f32 s26, v28;
	s26 =	spop (v2sf);
	(v2sf) =	vpush v17, $0x9  }
0x13b: {  	v12 =	vld [tilespmem:$0x1F9B0]  }
0x13c: {  	v28 =	vld [tilespmem:$0x1FA90]  }
0x13d: {  	v0 =	vadd.f32 v8, v0;
	v8 =	vmul.f32 s21, v53;
	v30 =	vld [tilespmem:s26+$0x0]  }
0x13e: {  	[tilespmem:$0x1FE90] =	vst v39;
	v39 =	vbroadcast v5, $0xA;
	v1 =	vadd.f32 v11, v1;
	v53 =	vld [tilespmem:s26+$0x10]  }
0x13f: {  	v3 =	vadd.f32 v8, v3;
	v58 =	vld [tilespmem:s26+$0x20]  }
0x140: {  	v8 =	vmul.f32 v56, v39;
	v1 =	vadd.f32 v9, v1;
	v10 =	vmul.f32 v12, v19;
	v12 =	vld [tilespmem:$0x1F9E0]  }
0x141: {  	s30 =	ssub.f32 $1.000000000e+00, s19;
	v59 =	vld [tilespmem:s26+$0x30];
	v9 =	vmul.f32 s21, v32  }
0x142: {  	v3 =	vadd.f32 v8, v3;
	v8 =	vmul.f32 s21, v60;
	v19 =	vld [tilespmem:$0x1FA50];
	v1 =	vadd.f32 v10, v1  }
0x143: {  	v11 =	vmul.f32 s30, v16;
	s19 =	spop (v2sf);
	v60 =	vld [tilespmem:$0x1FB10];
	v2 =	vadd.f32 v9, v2  }
0x144: {  	v9 =	vmul.f32 v54, v39;
	v54 =	vld [tilespmem:s31+$0x20];
	s31 =	spop (v2sf);
	v1 =	vadd.f32 v8, v1;
	v8 =	vmul.f32 v63, v39  }
0x145: {  	[tilespmem:$0x1FEB0] =	vst v46;
	v46 =	vld [tilespmem:s31+$0x0];
	v10 =	vmul.f32 s30, v62;
	v12 =	vmul.f32 v12, v39  }
0x146: {  	[tilespmem:$0x1FEF0] =	vst v50;
	s26 =	spop (v2sf);
	v50 =	vld [tilespmem:s31+$0x10];
	v0 =	vadd.f32 v9, v0;
	v9 =	vmul.f32 s30, v61;
	v1 =	vadd.f32 v8, v1  }
0x147: {  	v44 =	vld [tilespmem:s31+$0x20];
	v8 =	vmul.f32 s30, v27;
	s30 =	ssub.f32 $1.000000000e+00, s16;
	s16 =	spop (v2sf);
	v2 =	vadd.f32 v12, v2;
	v12 =	vbroadcast v5, $0xB  }
0x148: {  	[tilespmem:$0x1FEC0] =	vst v41;
	v3 =	vadd.f32 v11, v3;
	v41 =	vld [tilespmem:s31+$0x30];
	v0 =	vadd.f32 v9, v0;
	s31 =	spop (v2sf)  }
0x149: {  	v62 =	vld [tilespmem:$0x1FB20];
	v2 =	vadd.f32 v10, v2;
	v9 =	vmul.f32 v19, v12;
	v10 =	vmul.f32 v23, v12;
	s29 =	spop (v2sf)  }
0x14a: {  	v1 =	vadd.f32 v8, v1;
	v11 =	vmul.f32 v26, v12;
	v8 =	vmul.f32 v28, v12;
	v12 =	vld [tilespmem:s29+$0x10]  }
0x14b: {  	[tilespmem:$0x1FED0] =	vst v14;
	v14 =	vld [tilespmem:s26+$0x0]  }
0x14c: {  	v20 =	vld [tilespmem:s26+$0x10]  }
0x14d: {  	v56 =	vld [tilespmem:s26+$0x20]  }
0x14e: {  	(v2sf) =	vpush v13, $0x9;
	[tilespmem:$0x1FF20] =	vst v30;
	v30 =	vld [tilespmem:$0x1FAB0]  }
0x14f: {  	(v2sf) =	vpush v18, $0xA;
	[tilespmem:$0x1FF70] =	vst v12;
	v12 =	vld [tilespmem:$0x1FB00]  }
0x150: {  	(v2sf) =	vpush v17, $0xA;
	[tilespmem:$0x1FF40] =	vst v59;
	v59 =	vld [tilespmem:$0x1FAF0]  }
0x151: {  	v32 =	vbroadcast v5, $0xC;
	[tilespmem:$0x1FF30] =	vst v58;
	v58 =	vld [tilespmem:$0x1FAE0];
	v0 =	vadd.f32 v9, v0;
	v3 =	vadd.f32 v11, v3  }
0x152: {  	v51 =	vld [tilespmem:s26+$0x30];
	v9 =	vmul.f32 s30, v29;
	v1 =	vadd.f32 v8, v1;
	v8 =	vmul.f32 s30, v47  }
0x153: {  	v63 =	vld [tilespmem:$0x1FB30];
	v2 =	vadd.f32 v10, v2;
	v10 =	vmul.f32 s30, v30  }
0x154: {  	v27 =	vld [tilespmem:$0x1FB40];
	v0 =	vadd.f32 v9, v0;
	v3 =	vadd.f32 v8, v3;
	v12 =	vmul.f32 v12, v32  }
0x155: {  	s26 =	ssub.f32 $1.000000000e+00, s13;
	v2 =	vadd.f32 v10, v2;
	v9 =	vmul.f32 v49, v32;
	v8 =	vmul.f32 v59, v32;
	v49 =	vld [tilespmem:$0x1FB70]  }
0x156: {  	v10 =	vmul.f32 s30, v58;
	v3 =	vadd.f32 v12, v3;
	v12 =	vld [tilespmem:$0x1FB80]  }
0x157: {  	v39 =	vld [tilespmem:s31+$0x0];
	v0 =	vadd.f32 v9, v0;
	v2 =	vadd.f32 v8, v2;
	v8 =	vmul.f32 s26, v62  }
0x158: {  	v1 =	vadd.f32 v10, v1;
	v9 =	vmul.f32 v60, v32;
	v60 =	vld [tilespmem:$0x1FBA0]  }
0x159: {  	v16 =	vbroadcast v5, $0xD;
	v19 =	vld [tilespmem:$0x1FBD0];
	v0 =	vadd.f32 v8, v0;
	v8 =	vmul.f32 s26, v27  }
0x15a: {  	v43 =	vld [tilespmem:s29+$0x0];
	v1 =	vadd.f32 v9, v1  }
0x15b: {  	v61 =	vld [tilespmem:s29+$0x20];
	v3 =	vadd.f32 v8, v3;
	v8 =	vmul.f32 v49, v16;
	v12 =	vmul.f32 s26, v12  }
0x15c: {  	v32 =	vld [tilespmem:$0x1FB50]  }
0x15d: {  	v30 =	vld [tilespmem:s29+$0x30];
	s29 =	ssub.f32 $1.000000000e+00, s14;
	v3 =	vadd.f32 v8, v3;
	v8 =	vmul.f32 v60, v16;
	v1 =	vadd.f32 v12, v1  }
0x15e: {  	[tilespmem:$0x1FF00] =	vst v52;
	v52 =	vld [tilespmem:s31+$0x10];
	v9 =	vmul.f32 s26, v63  }
0x15f: {  	v47 =	vld [tilespmem:s31+$0x20];
	s13 =	spop (v2sf);
	v12 =	vbroadcast v5, $0xE;
	v1 =	vadd.f32 v8, v1;
	v8 =	vmul.f32 s29, v19  }
0x160: {  	v29 =	vld [tilespmem:s31+$0x30];
	s30 =	spop (v2sf);
	v2 =	vadd.f32 v9, v2  }
0x161: {  	v58 =	vld [tilespmem:$0x1FB90];
	s31 =	spop (v2sf);
	v9 =	vmul.f32 v32, v16;
	v32 =	vmul.f32 v7, v12;
	v3 =	vadd.f32 v8, v3  }
0x162: {  	v59 =	vld [tilespmem:s31+$0x20]  }
0x163: {  	[tilespmem:$0x1FF50] =	vst v14;
	v14 =	vadd.f32 v32, v3;
	v3 =	vld [tilespmem:$0x1FC00]  }
0x164: {  	v28 =	vld [tilespmem:s31+$0x0]  }
0x165: {  	v27 =	vld [tilespmem:s31+$0x10]  }
0x166: {  	v11 =	vmul.f32 v45, v16;
	v16 =	vld [tilespmem:s31+$0x30];
	s31 =	ssub.f32 $1.000000000e+00, s15  }
0x167: {  	v62 =	vld [tilespmem:$0x1FBC0]  }
0x168: {  	[tilespmem:$0x1FFA0] =	vst v59;
	v59 =	vmul.f32 s31, v3;
	v3 =	vld [tilespmem:$0x1FC10]  }
0x169: {  	[tilespmem:$0x1FF80] =	vst v61;
	v61 =	vld [tilespmem:$0x1FBB0]  }
0x16a: {  	v23 =	vmul.f32 v6, v12;
	v6 =	vld [tilespmem:$0x1FBE0]  }
0x16b: {  	v5 =	vbroadcast v5, $0xF  }
0x16c: {  	v0 =	vadd.f32 v9, v0;
	v9 =	vmul.f32 s29, v58  }
0x16d: {  	v10 =	vmul.f32 s29, v62;
	v62 =	vmul.f32 v3, v5;
	v3 =	vld [tilespmem:$0x1FC20]  }
0x16e: {  	v2 =	vadd.f32 v11, v2;
	v0 =	vadd.f32 v9, v0;
	v9 =	vmul.f32 v61, v12  }
0x16f: {  	v8 =	vld [tilespmem:$0x1FC50];
	v45 =	vmul.f32 s29, v6  }
0x170: {  	v2 =	vadd.f32 v10, v2;
	v0 =	vadd.f32 v9, v0;
	v9 =	vld [tilespmem:$0x1FC60]  }
0x171: {  	v1 =	vadd.f32 v45, v1;
	v45 =	vld [tilespmem:$0x1FC40]  }
0x172: {  	v2 =	vadd.f32 v23, v2;
	v23 =	vmul.f32 v3, v5;
	v3 =	vld [tilespmem:$0x1FC30]  }
0x173: {  	v15 =	vmul.f32 v4, v12;
	_ =	sdelay $0x1  }
0x174: {  	v6 =	vld [tilespmem:$0x1FBF0];
	v1 =	vadd.f32 v15, v1;
	v15 =	vmul.f32 v8, v5  }
0x175: {  	v2 =	vadd.f32 v59, v2;
	v59 =	vmul.f32 s31, v45;
	v5 =	vmul.f32 v9, v5;
	v9 =	vld [tilespmem:$0x1FC90]  }
0x176: {  	v32 =	vmul.f32 s31, v3  }
0x177: {  	[tilespmem:$0x1FFB0] =	vst v16;
	v8 =	vld [tilespmem:$0x1FC80];
	v16 =	vadd.f32 v59, v1  }
0x178: {  	s17 =	ssub.f32 $1.000000000e+00, s17;
	v10 =	vadd.f32 v23, v2;
	v23 =	vld [tilespmem:$0x1FC70];
	v2 =	vadd.f32 v32, v14  }
0x179: {  	v58 =	vmul.f32 s31, v6  }
0x17a: {  	v6 =	vadd.f32 v5, v16;
	v16 =	vld [tilespmem:$0x1FCA0];
	v9 =	vmul.f32 s17, v9;
	v15 =	vadd.f32 v15, v2  }
0x17b: {  	v0 =	vadd.f32 v58, v0  }
0x17c: {  	v1 =	vbroadcast v13, $0x0;
	v15 =	vadd.f32 v9, v15;
	v9 =	vld [tilespmem:$0x1FCE0]  }
0x17d: {  	v3 =	vadd.f32 v62, v0;
	v0 =	vmul.f32 s17, v8;
	v45 =	vmul.f32 s17, v23;
	_ =	sdelay $0x1  }
0x17e: {  	s18 =	ssub.f32 $1.000000000e+00, s18;
	v4 =	vld [tilespmem:$0x1FCD0];
	v10 =	vadd.f32 v0, v10;
	v0 =	vmul.f32 v1, v16;
	v5 =	vadd.f32 v45, v3;
	_ =	sdelay $0x1  }
0x17f: {  	v7 =	vadd.f32 v5, v0;
	v5 =	vmul.f32 s18, v9;
	v9 =	vld [tilespmem:$0x1FCF0];
	_ =	sdelay $0x2  }
0x180: {  	v4 =	vmul.f32 s17, v4;
	v8 =	vld [tilespmem:$0x1FCB0];
	_ =	sdelay $0x1  }
0x181: {  	v4 =	vadd.f32 v4, v6;
	v6 =	vmul.f32 s18, v9;
	v9 =	vld [tilespmem:$0x1FD00];
	_ =	sdelay $0x2  }
0x182: {  	v3 =	vld [tilespmem:$0x1FCC0];
	v2 =	vmul.f32 v1, v8;
	_ =	sdelay $0x1  }
0x183: {  	v8 =	vadd.f32 v10, v2;
	v2 =	vmul.f32 v1, v9;
	v9 =	vld [tilespmem:$0x1FD10];
	_ =	sdelay $0x1  }
0x184: {  	v2 =	vadd.f32 v4, v2;
	v4 =	vld [tilespmem:$0x1FD40]  }
0x185: {  	(v2sf) =	vpush v13, $0xA;
	v3 =	vmul.f32 v1, v3;
	v1 =	vld [tilespmem:$0x1FD20]  }
0x186: {  	(v2sf) =	vpush v18, $0xB;
	v0 =	vbroadcast v13, $0x1  }
0x187: {  	v3 =	vadd.f32 v15, v3;
	v5 =	vadd.f32 v7, v5;
	v7 =	vmul.f32 s18, v9;
	_ =	sdelay $0x1  }
0x188: {  	v3 =	vadd.f32 v3, v7;
	v4 =	vmul.f32 v4, v0  }
0x189: {  	v8 =	vadd.f32 v8, v6;
	v6 =	vmul.f32 v0, v1;
	v1 =	vld [tilespmem:$0x1FD30]  }
0x18a: {  	(v2sf) =	vpush v17, $0xB;
	v3 =	vadd.f32 v3, v4;
	v4 =	vld [tilespmem:$0x1FD60]  }
0x18b: {  	(v2sf) =	vpush v13, $0xB;
	v9 =	vld [tilespmem:s12+$0x18020]  }
0x18c: {  	(v2sf) =	vpush v18, $0xC  }
0x18d: {  	s20 =	ssub.f32 $1.000000000e+00, s20  }
0x18e: {  	v26 =	vld [tilespmem:s30+$0x0];
	v1 =	vmul.f32 v1, v0  }
0x18f: {  	v5 =	vadd.f32 v5, v6;
	v6 =	vld [tilespmem:$0x1FD50];
	v4 =	vmul.f32 s20, v4  }
0x190: {  	v1 =	vadd.f32 v8, v1;
	v8 =	vsub.f32 $0.0e+00, v9;
	v9 =	vld [tilespmem:$0x1FD80]  }
0x191: {  	v4 =	vadd.f32 v4, v5;
	v5 =	vld [tilespmem:$0x1FD90]  }
0x192: {  	[tilespmem:$0x1FF60] =	vst v20;
	v20 =	vld [tilespmem:s30+$0x10]  }
0x193: {  	v63 =	vld [tilespmem:s30+$0x20];
	s14 =	spop (v2sf)  }
0x194: {  	[tilespmem:$0x1FF90] =	vst v28;
	v28 =	vld [tilespmem:s30+$0x30];
	s30 =	spop (v2sf);
	v7 =	vbroadcast v13, $0x2;
	v6 =	vmul.f32 s18, v6  }
0x195: {  	v11 =	vld [tilespmem:s30+$0x20]  }
0x196: {  	v49 =	vld [tilespmem:s30+$0x10];
	v2 =	vadd.f32 v6, v2;
	v0 =	vmul.f32 v9, v0;
	v5 =	vmul.f32 v5, v7  }
0x197: {  	v19 =	vld [tilespmem:s30+$0x0]  }
0x198: {  	v0 =	vadd.f32 v0, v2;
	v2 =	vadd.f32 v5, v4;
	v4 =	vld [tilespmem:$0x1FDB0]  }
0x199: {  	s21 =	spop (v2sf);
	v58 =	vld [tilespmem:s30+$0x30]  }
0x19a: {  	s15 =	spop (v2sf);
	v6 =	vld [tilespmem:$0x1FD70]  }
0x19b: {  	s30 =	spop (v2sf);
	v5 =	vld [tilespmem:$0x1FDC0]  }
0x19c: {  	v32 =	vld [tilespmem:s30+$0x0]  }
0x19d: {  	v23 =	vld [tilespmem:s30+$0x10];
	v4 =	vmul.f32 s20, v4  }
0x19e: {  	(v2sf) =	vpush v17, $0xC;
	v14 =	vld [tilespmem:s30+$0x20]  }
0x19f: {  	v6 =	vmul.f32 s20, v6;
	v3 =	vadd.f32 v4, v3;
	v4 =	vld [tilespmem:$0x1FDD0]  }
0x1a0: {  	v10 =	vld [tilespmem:s30+$0x30];
	v5 =	vmul.f32 s20, v5  }
0x1a1: {  	v1 =	vadd.f32 v6, v1;
	v6 =	vld [tilespmem:$0x1FDA0]  }
0x1a2: {  	s30 =	ssub.f32 $1.000000000e+00, s22;
	v0 =	vadd.f32 v5, v0;
	v5 =	vld [tilespmem:$0x1FDE0];
	_ =	sdelay $0x1  }
0x1a3: {  	v4 =	vmul.f32 s30, v4;
	_ =	sdelay $0x1  }
0x1a4: {  	v2 =	vadd.f32 v4, v2;
	v4 =	vld [tilespmem:$0x1FE00]  }
0x1a5: {  	v6 =	vmul.f32 v6, v7;
	v5 =	vmul.f32 v5, v7  }
0x1a6: {  	v8 =	vmul.f32 $1.442695020e+00, v8  }
0x1a7: {  	v1 =	vadd.f32 v6, v1;
	v6 =	vbroadcast v13, $0x3;
	v3 =	vadd.f32 v5, v3;
	v5 =	vld [tilespmem:$0x1FE20];
	_ =	sdelay $0x1  }
0x1a8: {  	(erf) = vpow2.f32 v8;
	v8 =	vld [tilespmem:$0x1FDF0];
	v4 =	vmul.f32 v4, v6;
	_ =	sdelay $0x1  }
0x1a9: {  	s31 =	spop (v2sf);
	v2 =	vadd.f32 v4, v2;
	v4 =	vld [tilespmem:$0x1FE30]  }
0x1aa: {  	v59 =	vld [tilespmem:s31+$0x0];
	v5 =	vmul.f32 s30, v5  }
0x1ab: {  	v16 =	vld [tilespmem:s31+$0x20]  }
0x1ac: {  	v7 =	vmul.f32 v8, v7;
	v3 =	vadd.f32 v5, v3;
	v5 =	vld [tilespmem:$0x1FE40]  }
0x1ad: {  	v8 =	vld [tilespmem:$0x1FE10]  }
0x1ae: {  	v45 =	vld [tilespmem:s31+$0x10];
	v0 =	vadd.f32 v7, v0;
	v4 =	vmul.f32 s30, v4  }
0x1af: {  	v15 =	vld [tilespmem:s31+$0x30];
	s31 =	ssub.f32 $1.000000000e+00, s24  }
0x1b0: {  	v0 =	vadd.f32 v4, v0;
	v4 =	vld [tilespmem:$0x1FE50]  }
0x1b1: {  	v5 =	vmul.f32 s31, v5  }
0x1b2: {  	v9 =	vld [tilespmem:$0x1FE70];
	v8 =	vmul.f32 s30, v8  }
0x1b3: {  	v2 =	vadd.f32 v5, v2;
	v5 =	vld [tilespmem:$0x1FE80]  }
0x1b4: {  	v1 =	vadd.f32 v8, v1;
	v8 =	vld [tilespmem:$0x1FE60]  }
0x1b5: {  	v4 =	vmul.f32 v4, v6  }
0x1b6: {  	v7 =	vbroadcast v13, $0x4  }
0x1b7: {  	v1 =	vadd.f32 v4, v1;
	v4 =	vld [tilespmem:$0x1FE90]  }
0x1b8: {  	v5 =	vmul.f32 v5, v7  }
0x1b9: {  	v8 =	vmul.f32 v8, v6;
	v6 =	vmul.f32 v9, v6;
	_ =	sdelay $0x1  }
0x1ba: {  	(v2sf) =	vpush v13, $0xC;
	v0 =	vadd.f32 v6, v0;
	v6 =	vld [tilespmem:$0x1FEA0]  }
0x1bb: {  	(v2sf) =	vpush v18, $0xD;
	v2 =	vadd.f32 v5, v2;
	v5 =	vpop (erf);
	v4 =	vmul.f32 s31, v4  }
0x1bc: {  	v5 =	vadd.f32 $1.000000000e+00, v5  }
0x1bd: {  	v1 =	vadd.f32 v4, v1;
	v4 =	vld [tilespmem:$0x1FEC0]  }
0x1be: {  	(erf) = vrcp.f32 v5;
	v5 =	vld [tilespmem:$0x1FEF0]  }
0x1bf: {  	v3 =	vadd.f32 v8, v3;
	v8 =	vld [tilespmem:$0x1FEB0];
	v6 =	vmul.f32 s31, v6  }
0x1c0: {  	v9 =	vld [tilespmem:$0x1FED0]  }
0x1c1: {  	(v2sf) =	vpush v17, $0xD;
	s22 =	ssub.f32 $1.000000000e+00, s25;
	v3 =	vadd.f32 v6, v3;
	v6 =	vld [tilespmem:$0x1FEE0]  }
0x1c2: {  	v4 =	vmul.f32 v4, v7  }
0x1c3: {  	v5 =	vmul.f32 s22, v5  }
0x1c4: {  	v8 =	vmul.f32 s31, v8;
	v1 =	vadd.f32 v4, v1;
	v4 =	vld [tilespmem:$0x1FF00]  }
0x1c5: {  	v2 =	vadd.f32 v5, v2;
	v5 =	vmul.f32 s22, v57  }
0x1c6: {  	v60 =	vld [tilespmem:s21+$0x0];
	v0 =	vadd.f32 v8, v0;
	v9 =	vmul.f32 v9, v7;
	v6 =	vmul.f32 v6, v7  }
0x1c7: {  	(v2sf) =	vpush v13, $0xD;
	v7 =	vbroadcast v13, $0x5;
	v1 =	vadd.f32 v5, v1;
	v5 =	vld [tilespmem:$0x1FF10]  }
0x1c8: {  	v61 =	vld [tilespmem:s21+$0x10];
	v3 =	vadd.f32 v9, v3;
	v0 =	vadd.f32 v6, v0;
	v6 =	vmul.f32 s22, v40  }
0x1c9: {  	v12 =	vld [tilespmem:s21+$0x20];
	s17 =	spop (v2sf);
	(v2sf) =	vpush v18, $0xE;
	v4 =	vmul.f32 v4, v7  }
0x1ca: {  	v62 =	vld [tilespmem:s21+$0x30];
	s21 =	spop (v2sf);
	(v2sf) =	vpush v17, $0xE;
	v3 =	vadd.f32 v6, v3  }
0x1cb: {  	v6 =	vmul.f32 v38, v7;
	v2 =	vadd.f32 v4, v2;
	v4 =	vmul.f32 s22, v33  }
0x1cc: {  	(v2sf) =	vpush v13, $0xE;
	s24 =	ssub.f32 $1.000000000e+00, s23;
	v5 =	vmul.f32 v5, v7  }
0x1cd: {  	(v2sf) =	vpush v18, $0xF;
	v0 =	vadd.f32 v4, v0;
	v4 =	vmul.f32 v55, v7  }
0x1ce: {  	v1 =	vadd.f32 v5, v1;
	v5 =	vmul.f32 s24, v31;
	v7 =	vbroadcast v13, $0x6  }
0x1cf: {  	v3 =	vadd.f32 v4, v3;
	v0 =	vadd.f32 v6, v0;
	v4 =	vmul.f32 s24, v22;
	v6 =	vpop (erf)  }
0x1d0: {  	s29 =	spop (v2sf);
	v38 =	vld [tilespmem:s21+$0x10];
	v2 =	vadd.f32 v5, v2;
	v5 =	vmul.f32 v36, v7;
	v8 =	vmul.f32 $1.900000000e+01, v6  }
0x1d1: {  	v6 =	vmul.f32 s24, v21;
	v21 =	vld [tilespmem:s29+$0x0];
	v1 =	vadd.f32 v4, v1;
	v4 =	vmul.f32 v25, v7  }
0x1d2: {  	(v2sf) =	vpush v17, $0xF;
	v25 =	vld [tilespmem:s21+$0x0];
	v2 =	vadd.f32 v5, v2;
	v33 =	vtrunc.f32 v8  }
0x1d3: {  	v22 =	vld [tilespmem:s29+$0x10];
	v5 =	vcvt.f32.s32 v33;
	v1 =	vadd.f32 v4, v1;
	v4 =	vmul.f32 s24, v24  }
0x1d4: {  	v9 =	vmul.f32 v37, v7;
	v7 =	vmul.f32 v35, v7;
	v3 =	vadd.f32 v6, v3;
	v33 =	vld [tilespmem:$0x1FFC0]  }
0x1d5: {  	vm12 =	vgt.s32 v5, $0x0;
	v6 =	vadd.s32 $0x1, v5;
	v0 =	vadd.f32 v4, v0  }
0x1d6: {  	v4 =	vnsel vm12, $0x0, v5;
	vm13 =	vgt.s32 v6, $0x0  }
0x1d7: {  	v4 =	vmin.u32 v4, $0x16;
	v6 =	vnsel vm13, $0x0, v6;
	v0 =	vadd.f32 v7, v0;
	v7 =	vld [tilespmem:$0x1FF20]  }
0x1d8: {  	s19 =	ssub.f32 $1.000000000e+00, s19;
	v31 =	vmin.u32 v6, $0x16;
	v4 =	vshll.u32 v4, $0x6  }
0x1d9: {  	v6 =	vadd.s32 v33, v4;
	v4 =	vshll.u32 v31, $0x6  }
0x1da: {  	v36 =	vmul.f32 s19, v34;
	v57 =	vadd.s32 v33, v4;
	v4 =	vbroadcast v13, $0x7;
	_ =	sdelay $0x1  }
0x1db: {  	v2 =	vadd.f32 v36, v2;
	v7 =	vmul.f32 v7, v4;
	_ =	sdelay $0x1  }
0x1dc: {  	s28 =	ssub.f32 $1.000000000e+00, s16;
	v3 =	vadd.f32 v9, v3;
	v2 =	vadd.f32 v7, v2;
	v7 =	vmul.f32 s19, v54  }
0x1dd: {  	v55 =	vld [tilespmem:s21+$0x20]  }
0x1de: {  	v37 =	vld [tilespmem:s29+$0x20];
	v3 =	vadd.f32 v7, v3;
	v7 =	vmul.f32 s28, v46  }
0x1df: {  	s18 =	spop (v2sf);
	v40 =	vld [tilespmem:s21+$0x30]  }
0x1e0: {  	s25 =	spop (v2sf);
	v2 =	vadd.f32 v7, v2;
	v7 =	vld [tilespmem:$0x1FF50]  }
0x1e1: {  	v34 =	vmul.f32 s19, v48;
	v35 =	vld [tilespmem:s25+$0x0]  }
0x1e2: {  	(v2sf) =	vpush v13, $0xF;
	s26 =	spop (v2sf);
	v48 =	vld [tilespmem:s25+$0x10]  }
0x1e3: {  	v24 =	vld [tilespmem:s26+$0x0];
	v9 =	vbroadcast v13, $0x8;
	v1 =	vadd.f32 v34, v1;
	v5 =	vcvt.s32.f32 v5  }
0x1e4: {  	v34 =	vmul.f32 s19, v42;
	v42 =	vld [tilespmem:s26+$0x20];
	(v2sf) =	vpush v6, $0x0;
	v36 =	vmul.f32 v53, v4  }
0x1e5: {  	v5 =	vsub.f32 v8, v5;
	v31 =	vld [tilespmem:s29+$0x30];
	(v2sf) =	vpush v57, $0x0;
	v7 =	vmul.f32 v7, v9  }
0x1e6: {  	v1 =	vadd.f32 v36, v1;
	v36 =	vld [tilespmem:$0x1FF30]  }
0x1e7: {  	s16 =	spop (v2sf);
	(v2sf) =	vpush v5, $0x0;
	v2 =	vadd.f32 v7, v2;
	v7 =	vld [tilespmem:$0x1FF60]  }
0x1e8: {  	s29 =	spop (v2sf);
	v33 =	vld [tilespmem:s26+$0x10];
	(v2sf) =	vpush v6, $0x1  }
0x1e9: {  	v0 =	vadd.f32 v34, v0;
	v34 =	vmul.f32 s28, v50;
	v50 =	vmul.f32 s28, v44;
	v44 =	vld [tilespmem:s29+$0x10]  }
0x1ea: {  	v46 =	vld [tilespmem:$0x1FF40]  }
0x1eb: {  	v53 =	vld [tilespmem:s25+$0x30]  }
0x1ec: {  	s31 =	ssub.f32 $1.000000000e+00, s13;
	s30 =	spop (v2sf);
	v54 =	vld [tilespmem:s25+$0x20];
	v1 =	vadd.f32 v34, v1;
	v8 =	vmul.f32 v36, v4;
	v7 =	vmul.f32 v7, v9  }
0x1ed: {  	v18 =	vbroadcast v13, $0x9;
	v34 =	vld [tilespmem:s30+$0x10]  }
0x1ee: {  	v36 =	vld [tilespmem:s26+$0x30];
	v3 =	vadd.f32 v8, v3;
	v1 =	vadd.f32 v7, v1;
	v7 =	vmul.f32 s31, v39  }
0x1ef: {  	(v2sf) =	vpush v57, $0x1;
	v17 =	vmul.f32 v46, v4;
	v4 =	vld [tilespmem:s29+$0x0];
	v8 =	vmul.f32 v56, v9  }
0x1f0: {  	v46 =	vld [tilespmem:s30+$0x0];
	v3 =	vadd.f32 v50, v3;
	v2 =	vadd.f32 v7, v2;
	v7 =	vmul.f32 v43, v18  }
0x1f1: {  	s13 =	spop (v2sf);
	(v2sf) =	vpush v5, $0x1;
	v56 =	vmul.f32 s28, v41;
	v41 =	vld [tilespmem:s30+$0x20]  }
0x1f2: {  	v50 =	vld [tilespmem:s29+$0x20];
	v3 =	vadd.f32 v8, v3;
	v2 =	vadd.f32 v7, v2;
	v7 =	vmul.f32 s31, v47  }
0x1f3: {  	v0 =	vadd.f32 v17, v0;
	s20 =	spop (v2sf);
	(v2sf) =	vpush v6, $0x2;
	v47 =	vld [tilespmem:$0x1FF70]  }
0x1f4: {  	s23 =	spop (v2sf);
	(v2sf) =	vpush v57, $0x2;
	v3 =	vadd.f32 v7, v3;
	v7 =	vld [tilespmem:$0x1FF80]  }
0x1f5: {  	s24 =	ssub.f32 $1.000000000e+00, s14;
	v17 =	vmul.f32 s31, v52;
	v0 =	vadd.f32 v56, v0;
	v56 =	vld [tilespmem:s29+$0x30]  }
0x1f6: {  	v52 =	vmul.f32 s31, v29;
	v29 =	vld [tilespmem:s23+$0x10];
	s14 =	spop (v2sf);
	v39 =	vmul.f32 v51, v9  }
0x1f7: {  	s25 =	spop (v2sf);
	v51 =	vld [tilespmem:s30+$0x30];
	v9 =	vmul.f32 s24, v28  }
0x1f8: {  	v28 =	vld [tilespmem:s25+$0x10];
	v0 =	vadd.f32 v39, v0;
	v1 =	vadd.f32 v17, v1;
	v17 =	vbroadcast v13, $0xA  }
0x1f9: {  	v43 =	vld [tilespmem:s20+$0x0];
	v8 =	vmul.f32 v47, v18;
	v7 =	vmul.f32 v7, v18  }
0x1fa: {  	v39 =	vld [tilespmem:s23+$0x0];
	v0 =	vadd.f32 v52, v0;
	v18 =	vmul.f32 v30, v18;
	v30 =	vmul.f32 s24, v26  }
0x1fb: {  	v52 =	vld [tilespmem:s20+$0x20];
	v1 =	vadd.f32 v8, v1;
	v3 =	vadd.f32 v7, v3;
	v7 =	vmul.f32 s24, v20  }
0x1fc: {  	v2 =	vadd.f32 v30, v2;
	v30 =	vld [tilespmem:$0x1FF90]  }
0x1fd: {  	v47 =	vld [tilespmem:s20+$0x10];
	v1 =	vadd.f32 v7, v1;
	v7 =	vmul.f32 v27, v17  }
0x1fe: {  	v26 =	vld [tilespmem:s23+$0x20]  }
0x1ff: {  	(v2sf) =	vpush v5, $0x2;
	v1 =	vadd.f32 v7, v1;
	v7 =	vld [tilespmem:$0x1FFA0]  }
0x200: {  	v63 =	vmul.f32 s24, v63;
	s26 =	ssub.f32 $1.000000000e+00, s15;
	(v2sf) =	vpush v6, $0x3;
	s28 =	spop (v2sf);
	v0 =	vadd.f32 v18, v0;
	v18 =	vld [tilespmem:s23+$0x30]  }
0x201: {  	(v2sf) =	vpush v57, $0x3;
	s15 =	spop (v2sf);
	v20 =	vld [tilespmem:s28+$0x0];
	v8 =	vmul.f32 v30, v17  }
0x202: {  	v49 =	vmul.f32 s26, v49;
	(v2sf) =	vpush v5, $0x3;
	s30 =	spop (v2sf);
	v27 =	vld [tilespmem:s25+$0x0];
	v3 =	vadd.f32 v63, v3  }
0x203: {  	s31 =	spop (v2sf);
	v63 =	vbroadcast v13, $0xB;
	v30 =	vld [tilespmem:s20+$0x30];
	v2 =	vadd.f32 v8, v2;
	v8 =	vmul.f32 s26, v19  }
0x204: {  	v0 =	vadd.f32 v9, v0;
	v1 =	vadd.f32 v49, v1;
	v49 =	vld [tilespmem:s31+$0x20];
	v9 =	vmul.f32 v7, v17  }
0x205: {  	v60 =	vmul.f32 v60, v63;
	v7 =	vld [tilespmem:$0x1FFB0];
	v2 =	vadd.f32 v8, v2  }
0x206: {  	(v2sf) =	vpush v6, $0x4;
	v8 =	vld [tilespmem:s28+$0x30];
	v3 =	vadd.f32 v9, v3  }
0x207: {  	s29 =	ssub.f32 $1.000000000e+00, s17;
	v9 =	vmul.f32 s26, v11;
	v11 =	vld [tilespmem:s25+$0x30];
	v2 =	vadd.f32 v60, v2;
	v60 =	vmul.f32 v61, v63  }
0x208: {  	v61 =	vmul.f32 v12, v63;
	v12 =	vld [tilespmem:s30+$0x0]  }
0x209: {  	v1 =	vadd.f32 v60, v1;
	v60 =	vmul.f32 s26, v58;
	v58 =	vmul.f32 s29, v32;
	v32 =	vld [tilespmem:s30+$0x10]  }
0x20a: {  	(v2sf) =	vpush v57, $0x4;
	v3 =	vadd.f32 v9, v3;
	v19 =	vmul.f32 v7, v17;
	v7 =	vld [tilespmem:s28+$0x10]  }
0x20b: {  	v17 =	vld [tilespmem:s25+$0x20]  }
0x20c: {  	v9 =	vadd.f32 v61, v3;
	v3 =	vld [tilespmem:s31+$0x0];
	v0 =	vadd.f32 v19, v0  }
0x20d: {  	v23 =	vmul.f32 s29, v23;
	v14 =	vmul.f32 s29, v14;
	v58 =	vadd.f32 v58, v2;
	v2 =	vld [tilespmem:s31+$0x10]  }
0x20e: {  	s17 =	spop (v2sf);
	(v2sf) =	vpush v5, $0x4;
	v19 =	vld [tilespmem:s28+$0x20];
	v0 =	vadd.f32 v60, v0;
	v60 =	vbroadcast v13, $0xC  }
0x20f: {  	s21 =	spop (v2sf);
	(v2sf) =	vpush v6, $0x5;
	v61 =	vmul.f32 v62, v63;
	v62 =	vadd.f32 v14, v9;
	v14 =	vld [tilespmem:s30+$0x30]  }
0x210: {  	s22 =	spop (v2sf);
	v1 =	vadd.f32 v23, v1;
	v23 =	vmul.f32 v45, v60;
	v45 =	vld [tilespmem:s30+$0x20]  }
0x211: {  	s18 =	ssub.f32 $1.000000000e+00, s18;
	(v2sf) =	vpush v57, $0x5;
	v59 =	vmul.f32 v59, v60;
	v61 =	vadd.f32 v61, v0;
	v0 =	vld [tilespmem:s22+$0x0]  }
0x212: {  	s23 =	ssub.f32 $1.000000000e+00, s16;
	s16 =	spop (v2sf);
	(v2sf) =	vpush v5, $0x5;
	v63 =	vmul.f32 v16, v60;
	v60 =	vmul.f32 v15, v60;
	v15 =	vld [tilespmem:s22+$0x10]  }
0x213: {  	v16 =	vadd.f32 v59, v58;
	v23 =	vadd.f32 v23, v1;
	v1 =	vld [tilespmem:s31+$0x30];
	v58 =	vmul.f32 s29, v10  }
0x214: {  	v9 =	vadd.f32 v63, v62;
	v59 =	vmul.f32 s18, v25;
	v10 =	vld [tilespmem:s21+$0x0];
	v62 =	vbroadcast v13, $0xD  }
0x215: {  	v38 =	vmul.f32 s18, v38;
	v55 =	vmul.f32 s18, v55;
	s24 =	spop (v2sf);
	(v2sf) =	vpush v6, $0x6;
	v25 =	vld [tilespmem:s21+$0x10]  }
0x216: {  	v16 =	vadd.f32 v59, v16;
	v21 =	vmul.f32 v21, v62;
	v59 =	vmul.f32 v37, v62;
	v37 =	vld [tilespmem:s21+$0x20]  }
0x217: {  	v23 =	vadd.f32 v38, v23;
	v9 =	vadd.f32 v55, v9;
	v38 =	vld [tilespmem:s21+$0x30]  }
0x218: {  	v58 =	vadd.f32 v58, v61;
	v22 =	vmul.f32 v22, v62;
	v16 =	vadd.f32 v21, v16;
	v21 =	vld [tilespmem:s22+$0x20]  }
0x219: {  	s25 =	spop (v2sf);
	v31 =	vmul.f32 v31, v62;
	v62 =	vbroadcast v13, $0xE;
	v61 =	vadd.f32 v59, v9;
	v9 =	vld [tilespmem:s22+$0x30]  }
0x21a: {  	v40 =	vmul.f32 s18, v40;
	v60 =	vadd.f32 v60, v58;
	v23 =	vadd.f32 v22, v23;
	v22 =	vld [tilespmem:s25+$0x0]  }
0x21b: {  	v35 =	vmul.f32 s23, v35;
	(v2sf) =	vpush v57, $0x6;
	v58 =	vmul.f32 v42, v62;
	v42 =	vld [tilespmem:s24+$0x20]  }
0x21c: {  	v48 =	vmul.f32 s23, v48;
	v55 =	vadd.f32 v40, v60;
	v40 =	vld [tilespmem:s24+$0x0]  }
0x21d: {  	v54 =	vmul.f32 s23, v54;
	s28 =	spop (v2sf);
	(v2sf) =	vpush v5, $0x6;
	v35 =	vadd.f32 v35, v16;
	v16 =	vld [tilespmem:s25+$0x10]  }
0x21e: {  	v53 =	vmul.f32 s23, v53;
	s26 =	ssub.f32 $1.000000000e+00, s13;
	s29 =	spop (v2sf);
	(v2sf) =	vpush v6, $0x7;
	v23 =	vadd.f32 v48, v23;
	v48 =	vld [tilespmem:s24+$0x30]  }
0x21f: {  	v24 =	vmul.f32 v24, v62;
	v63 =	vadd.f32 v54, v61;
	v61 =	vmul.f32 v36, v62;
	v36 =	vld [tilespmem:s25+$0x30]  }
0x220: {  	v4 =	vmul.f32 s26, v4;
	s30 =	spop (v2sf);
	(v2sf) =	vpush v57, $0x7;
	v55 =	vadd.f32 v31, v55;
	v31 =	vld [tilespmem:s24+$0x10]  }
0x221: {  	v13 =	vbroadcast v13, $0xF;
	v33 =	vmul.f32 v33, v62;
	v35 =	vadd.f32 v24, v35;
	v24 =	vld [tilespmem:s25+$0x20]  }
0x222: {  	s31 =	ssub.f32 $1.000000000e+00, s14;
	s14 =	spop (v2sf);
	(v2sf) =	vpush v5, $0x7;
	v54 =	vadd.f32 v58, v63;
	v63 =	vmul.f32 s26, v44;
	v44 =	vld [tilespmem:s29+$0x0]  }
0x223: {  	v62 =	vmul.f32 v46, v13;
	v23 =	vadd.f32 v33, v23;
	v33 =	vld [tilespmem:s30+$0x0];
	v4 =	vadd.f32 v4, v35  }
0x224: {  	v50 =	vmul.f32 s26, v50;
	v60 =	vadd.f32 v53, v55;
	v35 =	vld [tilespmem:s29+$0x10]  }
0x225: {  	s17 =	ssub.f32 $1.000000000e+00, s17;
	v34 =	vmul.f32 v34, v13;
	v23 =	vadd.f32 v63, v23;
	v58 =	vadd.f32 v62, v4;
	v4 =	vld [tilespmem:s30+$0x10]  }
0x226: {  	s19 =	spop (v2sf);
	(v2sf) =	vpush v6, $0x8;
	v53 =	vadd.f32 v61, v60;
	v60 =	vmul.f32 v41, v13;
	v41 =	vld [tilespmem:s29+$0x20]  }
0x227: {  	v12 =	vmul.f32 s17, v12;
	v43 =	vmul.f32 s31, v43;
	v61 =	vadd.f32 v34, v23;
	v23 =	vld [tilespmem:s30+$0x20]  }
0x228: {  	v32 =	vmul.f32 s17, v32;
	v47 =	vmul.f32 s31, v47;
	v50 =	vadd.f32 v50, v54;
	v34 =	vld [tilespmem:s30+$0x30]  }
0x229: {  	v59 =	vmul.f32 s26, v56;
	v54 =	vbroadcast v5, $0x0;
	v63 =	vadd.f32 v43, v58;
	v43 =	vld [tilespmem:s29+$0x30]  }
0x22a: {  	s21 =	spop (v2sf);
	(v2sf) =	vpush v57, $0x8;
	v13 =	vmul.f32 v51, v13;
	v62 =	vadd.f32 v60, v50;
	v50 =	vld [tilespmem:s19+$0x0]  }
0x22b: {  	s22 =	ssub.f32 $1.000000000e+00, s15;
	v29 =	vmul.f32 v54, v29;
	v46 =	vadd.f32 v59, v53;
	v58 =	vmul.f32 v54, v39;
	v39 =	vld [tilespmem:s21+$0x0]  }
0x22c: {  	s16 =	ssub.f32 $1.000000000e+00, s16;
	v59 =	vmul.f32 s31, v52;
	v47 =	vadd.f32 v47, v61;
	v61 =	vmul.f32 s31, v30;
	v30 =	vld [tilespmem:s19+$0x10]  }
0x22d: {  	v13 =	vadd.f32 v13, v46;
	v46 =	vadd.f32 v63, v58;
	v63 =	vmul.f32 s22, v27;
	v27 =	vld [tilespmem:s19+$0x20]  }
0x22e: {  	v10 =	vmul.f32 s16, v10;
	s23 =	spop (v2sf);
	v60 =	vadd.f32 v59, v62;
	v59 =	vmul.f32 s22, v17;
	v17 =	vld [tilespmem:s19+$0x30]  }
0x22f: {  	v28 =	vmul.f32 s22, v28;
	(v2sf) =	vpush v5, $0x8;
	s24 =	spop (v2sf);
	v29 =	vadd.f32 v47, v29;
	v47 =	vld [tilespmem:s21+$0x30]  }
0x230: {  	s13 =	ssub.f32 $1.000000000e+00, s28;
	v11 =	vmul.f32 s22, v11;
	v26 =	vmul.f32 v54, v26;
	(v2sf) =	vpush v6, $0x9;
	v52 =	vld [tilespmem:s24+$0x0]  }
0x231: {  	v18 =	vmul.f32 v54, v18;
	v58 =	vbroadcast v5, $0x1;
	s25 =	spop (v2sf);
	v53 =	vld [tilespmem:s24+$0x10];
	(v2sf) =	vpush v57, $0x9  }
0x232: {  	v31 =	vmul.f32 s13, v31;
	s26 =	spop (v2sf);
	(v2sf) =	vpush v5, $0x9;
	v62 =	vadd.f32 v60, v26;
	v26 =	vld [tilespmem:s21+$0x10]  }
0x233: {  	v13 =	vadd.f32 v61, v13;
	v51 =	vadd.f32 v46, v63;
	v20 =	vmul.f32 v58, v20;
	v46 =	vld [tilespmem:s21+$0x20]  }
0x234: {  	v60 =	vadd.f32 v29, v28;
	v7 =	vmul.f32 v7, v58;
	v19 =	vmul.f32 v19, v58;
	v28 =	vld [tilespmem:s25+$0x0]  }
0x235: {  	v63 =	vbroadcast v5, $0x2;
	v8 =	vmul.f32 v8, v58;
	v29 =	vld [tilespmem:s25+$0x30];
	s30 =	spop (v2sf);
	(v2sf) =	vpush v6, $0xA  }
0x236: {  	v58 =	vmul.f32 s17, v14;
	v55 =	vld [tilespmem:s30+$0x0];
	v13 =	vadd.f32 v13, v18;
	v20 =	vadd.f32 v51, v20  }
0x237: {  	v54 =	vld [tilespmem:s30+$0x10];
	v61 =	vadd.f32 v62, v59;
	v3 =	vmul.f32 v3, v63;
	v2 =	vmul.f32 v2, v63  }
0x238: {  	v7 =	vadd.f32 v60, v7;
	v56 =	vmul.f32 v49, v63;
	v49 =	vld [tilespmem:s24+$0x30];
	v1 =	vmul.f32 v1, v63  }
0x239: {  	v59 =	vbroadcast v5, $0x3;
	v60 =	vmul.f32 s16, v37;
	v37 =	vld [tilespmem:s30+$0x20];
	v62 =	vadd.f32 v61, v19  }
0x23a: {  	s15 =	ssub.f32 $1.000000000e+00, s23;
	v11 =	vadd.f32 v11, v13;
	v13 =	vmul.f32 s17, v45;
	v45 =	vld [tilespmem:s25+$0x10];
	v20 =	vadd.f32 v12, v20  }
0x23b: {  	v63 =	vbroadcast v5, $0x4;
	v7 =	vadd.f32 v32, v7;
	v32 =	vld [tilespmem:s24+$0x20];
	s31 =	spop (v2sf);
	(v2sf) =	vpush v57, $0xA  }
0x23c: {  	v17 =	vmul.f32 s15, v17;
	v12 =	vld [tilespmem:s25+$0x20];
	v13 =	vadd.f32 v13, v62;
	v8 =	vadd.f32 v8, v11  }
0x23d: {  	v0 =	vmul.f32 v0, v59;
	v51 =	vld [tilespmem:s31+$0x0];
	v3 =	vadd.f32 v3, v20;
	v2 =	vadd.f32 v2, v7  }
0x23e: {  	v14 =	vld [tilespmem:s31+$0x20];
	v7 =	vadd.f32 v56, v13;
	v8 =	vadd.f32 v58, v8;
	v13 =	vmul.f32 s16, v25  }
0x23f: {  	v61 =	vmul.f32 v15, v59;
	v19 =	vld [tilespmem:s31+$0x30];
	v62 =	vmul.f32 v21, v59;
	v3 =	vadd.f32 v10, v3  }
0x240: {  	v21 =	vld [tilespmem:s12+$0x18030];
	v1 =	vadd.f32 v1, v8;
	v2 =	vadd.f32 v13, v2;
	v13 =	vmul.f32 s16, v38  }
0x241: {  	v25 =	vld [tilespmem:s31+$0x10];
	v7 =	vadd.f32 v60, v7;
	v0 =	vadd.f32 v0, v3;
	v3 =	vmul.f32 s13, v40;
	s16 =	spop (v2sf)  }
0x242: {  	v9 =	vmul.f32 v9, v59;
	v38 =	vld [tilespmem:s30+$0x30];
	(v2sf) =	vpush v5, $0xA;
	v1 =	vadd.f32 v13, v1;
	s28 =	spop (v2sf)  }
0x243: {  	v2 =	vadd.f32 v61, v2;
	v0 =	vadd.f32 v3, v0;
	v3 =	vmul.f32 v22, v63;
	s29 =	spop (v2sf);
	v40 =	vld [tilespmem:s28+$0x0]  }
0x244: {  	v15 =	vmul.f32 v16, v63;
	(v2sf) =	vpush v6, $0xB;
	v1 =	vadd.f32 v9, v1;
	v9 =	vld [tilespmem:s29+$0x0]  }
0x245: {  	v7 =	vadd.f32 v62, v7;
	v13 =	vmul.f32 s13, v42;
	v56 =	vadd.f32 v3, v0;
	v3 =	vld [tilespmem:s28+$0x10]  }
0x246: {  	v59 =	vmul.f32 v24, v63;
	v58 =	vmul.f32 s13, v48;
	s30 =	ssub.f32 $1.000000000e+00, s14;
	v60 =	vsub.f32 $0.0e+00, v21;
	v0 =	vld [tilespmem:s29+$0x10]  }
0x247: {  	v8 =	vmul.f32 v36, v63;
	v2 =	vadd.f32 v31, v2;
	v7 =	vadd.f32 v13, v7;
	v13 =	vld [tilespmem:s28+$0x20]  }
0x248: {  	v62 =	vmul.f32 s30, v44;
	v63 =	vbroadcast v5, $0x5;
	(v2sf) =	vpush v57, $0xB;
	v10 =	vld [tilespmem:s29+$0x20];
	s31 =	spop (v2sf)  }
0x249: {  	v36 =	vmul.f32 s30, v35;
	v41 =	vmul.f32 s30, v41;
	s20 =	spop (v2sf);
	v61 =	vadd.f32 v15, v2;
	v15 =	vld [tilespmem:s28+$0x30]  }
0x24a: {  	v44 =	vbroadcast v5, $0x6;
	v11 =	vmul.f32 $1.442695020e+00, v60;
	v18 =	vld [tilespmem:s20+$0x0]  }
0x24b: {  	v33 =	vmul.f32 v33, v63;
	(v2sf) =	vpush v5, $0xB;
	v1 =	vadd.f32 v58, v1;
	v22 =	vld [tilespmem:s20+$0x10]  }
0x24c: {  	s17 =	ssub.f32 $1.000000000e+00, s26;
	(v2sf) =	vpush v6, $0xC;
	(erf) = vpow2.f32 v11;
	v2 =	vadd.f32 v62, v56;
	v24 =	vld [tilespmem:s20+$0x20]  }
0x24d: {  	v42 =	vmul.f32 s30, v43;
	v43 =	vmul.f32 s15, v50;
	v8 =	vadd.f32 v8, v1;
	v1 =	vld [tilespmem:s29+$0x30]  }
0x24e: {  	v16 =	vadd.f32 v33, v2;
	v33 =	vmul.f32 v47, v44;
	v47 =	vmul.f32 s17, v53;
	v53 =	vld [tilespmem:$0x1FFE0];
	s21 =	spop (v2sf)  }
0x24f: {  	v4 =	vmul.f32 v4, v63;
	v23 =	vmul.f32 v23, v63;
	v7 =	vadd.f32 v59, v7;
	v2 =	vld [tilespmem:s21+$0x0]  }
0x250: {  	v21 =	vmul.f32 v34, v63;
	v20 =	vadd.f32 v36, v61;
	(v2sf) =	vpush v57, $0xC;
	v11 =	vld [tilespmem:s21+$0x10]  }
0x251: {  	v48 =	vmul.f32 v39, v44;
	v8 =	vadd.f32 v42, v8;
	v31 =	vadd.f32 v43, v16;
	v16 =	vld [tilespmem:s21+$0x20]  }
0x252: {  	v63 =	vmul.f32 s17, v52;
	v7 =	vadd.f32 v41, v7;
	v4 =	vadd.f32 v4, v20;
	v20 =	vld [tilespmem:s20+$0x30];
	s22 =	spop (v2sf)  }
0x253: {  	s18 =	ssub.f32 $1.000000000e+00, s16;
	v52 =	vmul.f32 s17, v32;
	v50 =	vadd.f32 v21, v8;
	v8 =	vld [tilespmem:s21+$0x30];
	(v2sf) =	vpush v5, $0xC;
	s23 =	spop (v2sf)  }
0x254: {  	v56 =	vmul.f32 s15, v30;
	v7 =	vadd.f32 v23, v7;
	(v2sf) =	vpush v6, $0xD;
	v30 =	vld [tilespmem:s23+$0x0]  }
0x255: {  	v38 =	vmul.f32 s18, v38;
	v34 =	vadd.f32 v48, v31;
	v60 =	vpop (erf);
	v23 =	vadd.f32 v17, v50;
	v31 =	vld [tilespmem:s23+$0x10]  }
0x256: {  	v59 =	vmul.f32 s15, v27;
	v61 =	vmul.f32 v46, v44;
	v62 =	vadd.f32 $1.000000000e+00, v60;
	v27 =	vld [tilespmem:s23+$0x20]  }
0x257: {  	s31 =	ssub.f32 $1.000000000e+00, s31;
	v46 =	vbroadcast v5, $0x7;
	v48 =	vadd.f32 v33, v23;
	s24 =	spop (v2sf);
	(v2sf) =	vpush v57, $0xD;
	v33 =	vld [tilespmem:s23+$0x30]  }
0x258: {  	v58 =	vmul.f32 v26, v44;
	(erf) = vrcp.f32 v62;
	v21 =	vld [tilespmem:s24+$0x0]  }
0x259: {  	v13 =	vmul.f32 s31, v13;
	v28 =	vmul.f32 v28, v46;
	v4 =	vadd.f32 v56, v4;
	v26 =	vld [tilespmem:s24+$0x10]  }
0x25a: {  	v12 =	vmul.f32 v12, v46;
	v7 =	vadd.f32 v59, v7;
	v34 =	vadd.f32 v63, v34;
	v17 =	vld [tilespmem:s24+$0x20];
	s25 =	spop (v2sf)  }
0x25b: {  	v59 =	vbroadcast v5, $0x8;
	v4 =	vadd.f32 v58, v4;
	v23 =	vld [tilespmem:s24+$0x30];
	(v2sf) =	vpush v5, $0xD;
	s26 =	spop (v2sf)  }
0x25c: {  	v58 =	vmul.f32 s18, v55;
	v34 =	vadd.f32 v28, v34;
	(v2sf) =	vpush v6, $0xE;
	v32 =	vld [tilespmem:s26+$0x0]  }
0x25d: {  	v15 =	vmul.f32 s31, v15;
	v56 =	vmul.f32 s17, v49;
	v7 =	vadd.f32 v61, v7;
	v39 =	vld [tilespmem:s26+$0x10]  }
0x25e: {  	v50 =	vmul.f32 v45, v46;
	v61 =	vmul.f32 v51, v59;
	v41 =	vadd.f32 v58, v34;
	v34 =	vld [tilespmem:s26+$0x20]  }
0x25f: {  	v55 =	vmul.f32 s18, v37;
	v60 =	vmul.f32 v29, v46;
	v4 =	vadd.f32 v47, v4;
	v36 =	vld [tilespmem:s26+$0x30];
	s28 =	spop (v2sf)  }
0x260: {  	v7 =	vadd.f32 v52, v7;
	v62 =	vmul.f32 s18, v54;
	(v2sf) =	vpush v57, $0xE;
	v28 =	vld [tilespmem:s28+$0x0]  }
0x261: {  	s21 =	ssub.f32 $1.000000000e+00, s22;
	v54 =	vmul.f32 v25, v59;
	v4 =	vadd.f32 v50, v4;
	v35 =	vadd.f32 v56, v48;
	v29 =	vld [tilespmem:s28+$0x10];
	v52 =	vpop (erf)  }
0x262: {  	v7 =	vadd.f32 v12, v7;
	v58 =	vmul.f32 v14, v59;
	v12 =	vld [tilespmem:s28+$0x20];
	v46 =	vmul.f32 $1.900000000e+01, v52;
	s15 =	spop (v2sf)  }
0x263: {  	v59 =	vmul.f32 v19, v59;
	v18 =	vmul.f32 s21, v18;
	v25 =	vld [tilespmem:s28+$0x30];
	(v2sf) =	vpush v5, $0xE;
	s29 =	spop (v2sf)  }
0x264: {  	v24 =	vmul.f32 s21, v24;
	(v2sf) =	vpush v6, $0xF;
	v6 =	vtrunc.f32 v46;
	v37 =	vld [tilespmem:s29+$0x0]  }
0x265: {  	v63 =	vadd.f32 v60, v35;
	v4 =	vadd.f32 v62, v4;
	v56 =	vcvt.f32.s32 v6;
	v42 =	vld [tilespmem:s29+$0x10]  }
0x266: {  	v41 =	vadd.f32 v61, v41;
	v62 =	vbroadcast v5, $0x9;
	s30 =	spop (v2sf);
	v6 =	vmul.f32 s31, v40;
	v40 =	vld [tilespmem:s29+$0x20]  }
0x267: {  	v4 =	vadd.f32 v54, v4;
	v45 =	vadd.f32 v38, v63;
	v35 =	vld [tilespmem:s30+$0x0];
	vm14 =	vgt.s32 v56, $0x0  }
0x268: {  	v63 =	vmul.f32 s31, v3;
	(v2sf) =	vpush v57, $0xF;
	v38 =	vld [tilespmem:s30+$0x10];
	v60 =	vnsel vm14, $0x0, v56  }
0x269: {  	v0 =	vmul.f32 v0, v62;
	v14 =	vld [tilespmem:s30+$0x20];
	v61 =	vadd.f32 v6, v41;
	v6 =	vmin.u32 v60, $0x16  }
0x26a: {  	v57 =	vadd.f32 v55, v7;
	s16 =	spop (v2sf);
	v19 =	vld [tilespmem:s30+$0x30];
	v7 =	vadd.s32 $0x1, v56;
	v6 =	vshll.u32 v6, $0x6  }
0x26b: {  	(v2sf) =	vpush v5, $0xF;
	v41 =	vld [tilespmem:s29+$0x30];
	s18 =	spop (v2sf);
	vm15 =	vgt.s32 v7, $0x0;
	v6 =	vadd.s32 v53, v6  }
0x26c: {  	v45 =	vadd.f32 v59, v45;
	v43 =	vld [tilespmem:s18+$0x0];
	v7 =	vnsel vm15, $0x0, v7;
	(v2sf) =	vpush v6, $0x0  }
0x26d: {  	v4 =	vadd.f32 v63, v4;
	v48 =	vadd.f32 v58, v57;
	v44 =	vld [tilespmem:s18+$0x10];
	v7 =	vmin.u32 v7, $0x16  }
0x26e: {  	v47 =	vcvt.s32.f32 v56;
	v56 =	vadd.f32 v15, v45;
	v15 =	vld [tilespmem:s18+$0x30];
	v7 =	vshll.u32 v7, $0x6  }
0x26f: {  	v9 =	vmul.f32 v9, v62;
	v48 =	vadd.f32 v13, v48;
	v13 =	vld [tilespmem:s18+$0x20];
	s20 =	spop (v2sf);
	v7 =	vadd.s32 v53, v7  }
0x270: {  	v50 =	vbroadcast v5, $0xE;
	v55 =	vadd.f32 v0, v4;
	v3 =	vld [tilespmem:s20+$0x0];
	(v2sf) =	vpush v7, $0x0  }
0x271: {  	v58 =	vbroadcast v5, $0xA;
	v54 =	vadd.f32 v9, v61;
	v4 =	vsub.f32 v46, v47;
	v9 =	vld [tilespmem:s20+$0x10]  }
0x272: {  	s25 =	ssub.f32 $1.000000000e+00, s25;
	v10 =	vmul.f32 v10, v62;
	v57 =	vmul.f32 v1, v62;
	v0 =	vld [tilespmem:s20+$0x20];
	s22 =	spop (v2sf)  }
0x273: {  	v60 =	vmul.f32 v2, v58;
	v49 =	vadd.f32 v18, v54;
	v1 =	vld [tilespmem:s20+$0x30];
	(v2sf) =	vpush v4, $0x0;
	s23 =	spop (v2sf)  }
0x274: {  	v30 =	vmul.f32 s25, v30;
	v31 =	vmul.f32 s25, v31;
	(v2sf) =	vpush v6, $0x1;
	v45 =	vld [tilespmem:s23+$0x0]  }
0x275: {  	v27 =	vmul.f32 s25, v27;
	v59 =	vmul.f32 s21, v22;
	v22 =	vadd.f32 v60, v49;
	v18 =	vld [tilespmem:s23+$0x10]  }
0x276: {  	v33 =	vmul.f32 s25, v33;
	v62 =	vmul.f32 s21, v20;
	v20 =	vld [tilespmem:s23+$0x20]  }
0x277: {  	v63 =	vbroadcast v5, $0xB;
	v10 =	vadd.f32 v10, v48;
	v30 =	vadd.f32 v30, v22;
	s24 =	spop (v2sf);
	v22 =	vld [tilespmem:s23+$0x30]  }
0x278: {  	s30 =	ssub.f32 $1.000000000e+00, s15;
	v61 =	vadd.f32 v59, v55;
	v11 =	vmul.f32 v11, v58;
	(v2sf) =	vpush v7, $0x1;
	v2 =	vld [tilespmem:s24+$0x0]  }
0x279: {  	v26 =	vmul.f32 v26, v63;
	v52 =	vmul.f32 v21, v63;
	v24 =	vadd.f32 v24, v10;
	v10 =	vld [tilespmem:s24+$0x10]  }
0x27a: {  	v32 =	vmul.f32 s30, v32;
	v39 =	vmul.f32 s30, v39;
	v47 =	vadd.f32 v11, v61;
	v11 =	vld [tilespmem:s24+$0x20];
	s26 =	spop (v2sf)  }
0x27b: {  	v46 =	vadd.f32 v57, v56;
	v48 =	vmul.f32 v8, v58;
	v8 =	vld [tilespmem:s24+$0x30];
	(v2sf) =	vpush v4, $0x1;
	s28 =	spop (v2sf)  }
0x27c: {  	v16 =	vmul.f32 v16, v58;
	v31 =	vadd.f32 v31, v47;
	(v2sf) =	vpush v6, $0x2;
	v47 =	vld [tilespmem:s28+$0x0]  }
0x27d: {  	v55 =	vmul.f32 v23, v63;
	v46 =	vadd.f32 v62, v46;
	v53 =	vmul.f32 v17, v63;
	v17 =	vld [tilespmem:s28+$0x10]  }
0x27e: {  	v59 =	vmul.f32 s30, v36;
	v54 =	vbroadcast v5, $0xC;
	v16 =	vadd.f32 v16, v24;
	v24 =	vld [tilespmem:s28+$0x20]  }
0x27f: {  	s16 =	ssub.f32 $1.000000000e+00, s16;
	v58 =	vmul.f32 s30, v34;
	v61 =	vbroadcast v5, $0xD;
	v46 =	vadd.f32 v48, v46;
	s29 =	spop (v2sf);
	v23 =	vld [tilespmem:s28+$0x30]  }
0x280: {  	v5 =	vbroadcast v5, $0xF;
	v26 =	vadd.f32 v26, v31;
	(v2sf) =	vpush v7, $0x2;
	v21 =	vld [tilespmem:s29+$0x0]  }
0x281: {  	v62 =	vmul.f32 s16, v42;
	v33 =	vadd.f32 v33, v46;
	v27 =	vadd.f32 v27, v16;
	v16 =	vld [tilespmem:s29+$0x10]  }
0x282: {  	v42 =	vmul.f32 s16, v40;
	v30 =	vadd.f32 v52, v30;
	v57 =	vadd.f32 v39, v26;
	v26 =	vld [tilespmem:s29+$0x20];
	s31 =	spop (v2sf)  }
0x283: {  	v28 =	vmul.f32 v28, v54;
	v56 =	vadd.f32 v55, v33;
	v33 =	vld [tilespmem:s29+$0x30];
	(v2sf) =	vpush v4, $0x2;
	s18 =	spop (v2sf)  }
0x284: {  	v29 =	vmul.f32 v29, v54;
	v60 =	vmul.f32 s16, v37;
	(v2sf) =	vpush v6, $0x3;
	v34 =	vld [tilespmem:s18+$0x0]  }
0x285: {  	v12 =	vmul.f32 v12, v54;
	v25 =	vmul.f32 v25, v54;
	v30 =	vadd.f32 v32, v30;
	v39 =	vld [tilespmem:s18+$0x10]  }
0x286: {  	v63 =	vmul.f32 v38, v61;
	v27 =	vadd.f32 v53, v27;
	v29 =	vadd.f32 v29, v57;
	v38 =	vld [tilespmem:s18+$0x20]  }
0x287: {  	v35 =	vmul.f32 v35, v61;
	v31 =	vadd.f32 v59, v56;
	v28 =	vadd.f32 v28, v30;
	s20 =	spop (v2sf);
	v37 =	vld [tilespmem:s18+$0x30]  }
0x288: {  	v14 =	vmul.f32 v14, v61;
	v27 =	vadd.f32 v58, v27;
	(v2sf) =	vpush v7, $0x3;
	v36 =	vld [tilespmem:s20+$0x0]  }
0x289: {  	v19 =	vmul.f32 v19, v61;
	s21 =	ssub.f32 $1.000000000e+00, s22;
	v29 =	vadd.f32 v62, v29;
	v28 =	vadd.f32 v60, v28;
	v30 =	vld [tilespmem:s20+$0x10]  }
0x28a: {  	v46 =	vmul.f32 s16, v41;
	v25 =	vadd.f32 v25, v31;
	v27 =	vadd.f32 v12, v27;
	v12 =	vld [tilespmem:s20+$0x20];
	s22 =	spop (v2sf)  }
0x28b: {  	v48 =	vmul.f32 s21, v43;
	v28 =	vadd.f32 v35, v28;
	v31 =	vld [tilespmem:s20+$0x30];
	(v2sf) =	vpush v4, $0x3;
	s23 =	spop (v2sf)  }
0x28c: {  	v3 =	vmul.f32 v3, v50;
	v9 =	vmul.f32 v9, v50;
	(v2sf) =	vpush v6, $0x4;
	v49 =	vld [tilespmem:s23+$0x0]  }
0x28d: {  	v51 =	vmul.f32 s21, v44;
	v29 =	vadd.f32 v63, v29;
	v28 =	vadd.f32 v48, v28;
	v53 =	vld [tilespmem:s23+$0x10]  }
0x28e: {  	v0 =	vmul.f32 v0, v50;
	v25 =	vadd.f32 v46, v25;
	v27 =	vadd.f32 v42, v27;
	v54 =	vld [tilespmem:s23+$0x20]  }
0x28f: {  	v1 =	vmul.f32 v1, v50;
	v29 =	vadd.f32 v51, v29;
	v3 =	vadd.f32 v3, v28;
	s24 =	spop (v2sf);
	v28 =	vld [tilespmem:s23+$0x30]  }
0x290: {  	v13 =	vmul.f32 s21, v13;
	s25 =	ssub.f32 $1.000000000e+00, s26;
	v14 =	vadd.f32 v14, v27;
	(v2sf) =	vpush v7, $0x4;
	v52 =	vld [tilespmem:s24+$0x0]  }
0x291: {  	v57 =	vbroadcast v4, $0x0;
	v15 =	vmul.f32 s21, v15;
	v19 =	vadd.f32 v19, v25;
	v35 =	vld [tilespmem:s24+$0x10]  }
0x292: {  	v9 =	vadd.f32 v9, v29;
	v13 =	vadd.f32 v13, v14;
	v14 =	vmul.f32 s25, v45;
	v27 =	vld [tilespmem:s24+$0x20];
	s26 =	spop (v2sf)  }
0x293: {  	v18 =	vmul.f32 s25, v18;
	v15 =	vadd.f32 v15, v19;
	v19 =	vld [tilespmem:s24+$0x30];
	(v2sf) =	vpush v4, $0x4;
	s28 =	spop (v2sf)  }
0x294: {  	v2 =	vmul.f32 v2, v5;
	v3 =	vadd.f32 v14, v3;
	(v2sf) =	vpush v6, $0x5;
	v14 =	vld [tilespmem:s28+$0x0]  }
0x295: {  	v55 =	vmul.f32 v10, v5;
	v1 =	vadd.f32 v1, v15;
	v0 =	vadd.f32 v0, v13;
	v15 =	vld [tilespmem:s28+$0x10]  }
0x296: {  	v13 =	vmul.f32 s25, v20;
	v2 =	vadd.f32 v2, v3;
	v3 =	vadd.f32 v18, v9;
	v18 =	vld [tilespmem:s28+$0x20]  }
0x297: {  	v11 =	vmul.f32 v11, v5;
	v5 =	vmul.f32 v8, v5;
	s29 =	spop (v2sf);
	(v2sf) =	vpush v7, $0x5;
	v8 =	vld [tilespmem:s28+$0x30]  }
0x298: {  	v50 =	vbroadcast v4, $0x2;
	v63 =	vbroadcast v4, $0x1;
	s30 =	ssub.f32 $1.000000000e+00, s31;
	v0 =	vadd.f32 v13, v0;
	v29 =	vld [tilespmem:s29+$0x0]  }
0x299: {  	v13 =	vmul.f32 s25, v22;
	v58 =	vmul.f32 v57, v21;
	v10 =	vld [tilespmem:s29+$0x10]  }
0x29a: {  	v3 =	vadd.f32 v55, v3;
	v56 =	vmul.f32 s30, v47;
	v0 =	vadd.f32 v11, v0;
	v22 =	vld [tilespmem:s29+$0x20];
	s31 =	spop (v2sf)  }
0x29b: {  	v61 =	vmul.f32 v57, v26;
	v1 =	vadd.f32 v13, v1;
	v11 =	vld [tilespmem:s29+$0x30];
	(v2sf) =	vpush v4, $0x5;
	s17 =	spop (v2sf)  }
0x29c: {  	v59 =	vmul.f32 s30, v24;
	v2 =	vadd.f32 v56, v2;
	(v2sf) =	vpush v6, $0x6;
	v13 =	vld [tilespmem:s17+$0x0]  }
0x29d: {  	v60 =	vmul.f32 s30, v23;
	v1 =	vadd.f32 v5, v1;
	v5 =	vmul.f32 s30, v17;
	v21 =	vld [tilespmem:s17+$0x10]  }
0x29e: {  	v20 =	vmul.f32 v57, v33;
	s20 =	ssub.f32 $1.000000000e+00, s22;
	v0 =	vadd.f32 v59, v0;
	v2 =	vadd.f32 v2, v58;
	v41 =	vld [tilespmem:s17+$0x20]  }
0x29f: {  	v3 =	vadd.f32 v5, v3;
	v5 =	vmul.f32 v57, v16;
	v1 =	vadd.f32 v60, v1;
	s19 =	spop (v2sf);
	v45 =	vld [tilespmem:s17+$0x30]  }
0x2a0: {  	v0 =	vadd.f32 v0, v61;
	v62 =	vmul.f32 s20, v34;
	(v2sf) =	vpush v7, $0x6;
	v17 =	vld [tilespmem:s19+$0x0]  }
0x2a1: {  	v46 =	vmul.f32 s20, v38;
	v3 =	vadd.f32 v3, v5;
	v5 =	vmul.f32 s20, v39;
	v23 =	vld [tilespmem:s19+$0x10]  }
0x2a2: {  	v48 =	vmul.f32 s20, v37;
	v1 =	vadd.f32 v1, v20;
	v44 =	vmul.f32 v63, v36;
	v42 =	vld [tilespmem:s19+$0x20];
	s21 =	spop (v2sf)  }
0x2a3: {  	v3 =	vadd.f32 v3, v5;
	v5 =	vmul.f32 v30, v63;
	v30 =	vld [tilespmem:s19+$0x30];
	(v2sf) =	vpush v4, $0x6;
	s22 =	spop (v2sf)  }
0x2a4: {  	v12 =	vmul.f32 v12, v63;
	v2 =	vadd.f32 v2, v62;
	s23 =	ssub.f32 $1.000000000e+00, s26;
	(v2sf) =	vpush v6, $0x7;
	v47 =	vld [tilespmem:s22+$0x0]  }
0x2a5: {  	v24 =	vmul.f32 v31, v63;
	v0 =	vadd.f32 v0, v46;
	v1 =	vadd.f32 v48, v1;
	v51 =	vld [tilespmem:s22+$0x10]  }
0x2a6: {  	v2 =	vadd.f32 v2, v44;
	v32 =	vmul.f32 s23, v53;
	s24 =	spop (v2sf);
	(v2sf) =	vpush v7, $0x7;
	v53 =	vld [tilespmem:s22+$0x20]  }
0x2a7: {  	v0 =	vadd.f32 v0, v12;
	v1 =	vadd.f32 v24, v1;
	v49 =	vmul.f32 s23, v49;
	v24 =	vld [tilespmem:s22+$0x30]  }
0x2a8: {  	v3 =	vadd.f32 v3, v5;
	v52 =	vmul.f32 v52, v50;
	v12 =	vmul.f32 s23, v54;
	v5 =	vld [tilespmem:s24+$0x0]  }
0x2a9: {  	v19 =	vmul.f32 v19, v50;
	v56 =	vmul.f32 s23, v28;
	v2 =	vadd.f32 v49, v2;
	v31 =	vld [tilespmem:s24+$0x10]  }
0x2aa: {  	v54 =	vmul.f32 v35, v50;
	v3 =	vadd.f32 v32, v3;
	v0 =	vadd.f32 v12, v0;
	s15 =	ssub.f32 $1.000000000e+00, s31;
	s25 =	spop (v2sf);
	v55 =	vld [tilespmem:s24+$0x20]  }
0x2ab: {  	v12 =	vmul.f32 v27, v50;
	v1 =	vadd.f32 v56, v1;
	v27 =	vld [tilespmem:s24+$0x30];
	(v2sf) =	vpush v4, $0x7;
	s26 =	spop (v2sf)  }
0x2ac: {  	v3 =	vadd.f32 v54, v3;
	v15 =	vmul.f32 s15, v15;
	(v2sf) =	vpush v6, $0x8;
	v57 =	vld [tilespmem:s26+$0x0]  }
0x2ad: {  	v2 =	vadd.f32 v52, v2;
	v0 =	vadd.f32 v12, v0;
	v12 =	vmul.f32 s15, v14;
	v59 =	vld [tilespmem:s26+$0x10]  }
0x2ae: {  	v58 =	vbroadcast v4, $0x3;
	v3 =	vadd.f32 v15, v3;
	v15 =	vld [tilespmem:s26+$0x20]  }
0x2af: {  	v1 =	vadd.f32 v19, v1;
	v2 =	vadd.f32 v12, v2;
	v12 =	vmul.f32 s15, v18;
	s28 =	spop (v2sf);
	v19 =	vld [tilespmem:s26+$0x30]  }
0x2b0: {  	(v2sf) =	vpush v7, $0x8;
	v14 =	vld [tilespmem:s28+$0x0]  }
0x2b1: {  	v0 =	vadd.f32 v12, v0;
	v12 =	vmul.f32 v22, v58;
	v60 =	vld [tilespmem:s28+$0x10]  }
0x2b2: {  	v62 =	vbroadcast v4, $0x4;
	v8 =	vmul.f32 s15, v8;
	v61 =	vld [tilespmem:s28+$0x20];
	s29 =	spop (v2sf)  }
0x2b3: {  	v29 =	vmul.f32 v29, v58;
	v0 =	vadd.f32 v12, v0;
	s13 =	ssub.f32 $1.000000000e+00, s21;
	v12 =	vld [tilespmem:s28+$0x30];
	(v2sf) =	vpush v4, $0x8;
	s30 =	spop (v2sf)  }
0x2b4: {  	v10 =	vmul.f32 v10, v58;
	v63 =	vmul.f32 v11, v58;
	(v2sf) =	vpush v6, $0x9;
	v22 =	vld [tilespmem:s30+$0x0]  }
0x2b5: {  	v2 =	vadd.f32 v29, v2;
	v13 =	vmul.f32 s13, v13;
	s31 =	spop (v2sf);
	(v2sf) =	vpush v7, $0x9;
	v38 =	vld [tilespmem:s30+$0x10]  }
0x2b6: {  	v1 =	vadd.f32 v8, v1;
	v3 =	vadd.f32 v10, v3;
	v36 =	vmul.f32 s13, v41;
	v41 =	vld [tilespmem:s30+$0x20]  }
0x2b7: {  	v9 =	vmul.f32 v42, v62;
	v2 =	vadd.f32 v13, v2;
	v13 =	vmul.f32 v17, v62;
	s14 =	ssub.f32 $1.000000000e+00, s25;
	v43 =	vld [tilespmem:s30+$0x30]  }
0x2b8: {  	v1 =	vadd.f32 v63, v1;
	v21 =	vmul.f32 s13, v21;
	v42 =	vmul.f32 s13, v45;
	v35 =	vld [tilespmem:s31+$0x0]  }
0x2b9: {  	v46 =	vbroadcast v4, $0x5;
	v2 =	vadd.f32 v13, v2;
	v44 =	vmul.f32 s14, v47;
	v39 =	vld [tilespmem:s31+$0x10]  }
0x2ba: {  	v29 =	vmul.f32 v30, v62;
	v3 =	vadd.f32 v21, v3;
	v1 =	vadd.f32 v42, v1;
	v13 =	vld [tilespmem:s31+$0x20];
	s18 =	spop (v2sf)  }
0x2bb: {  	v5 =	vmul.f32 v5, v46;
	v2 =	vadd.f32 v44, v2;
	v45 =	vld [tilespmem:s31+$0x30];
	(v2sf) =	vpush v4, $0x9;
	s19 =	spop (v2sf)  }
0x2bc: {  	v40 =	vmul.f32 v23, v62;
	v1 =	vadd.f32 v29, v1;
	(v2sf) =	vpush v6, $0xA;
	v48 =	vld [tilespmem:s19+$0x0]  }
0x2bd: {  	v47 =	vmul.f32 s14, v51;
	v2 =	vadd.f32 v5, v2;
	v5 =	vmul.f32 s14, v24;
	s21 =	ssub.f32 $1.000000000e+00, s29;
	v51 =	vld [tilespmem:s19+$0x10]  }
0x2be: {  	v56 =	vbroadcast v4, $0x6;
	v0 =	vadd.f32 v36, v0;
	v54 =	vld [tilespmem:s19+$0x20]  }
0x2bf: {  	v3 =	vadd.f32 v40, v3;
	v1 =	vadd.f32 v5, v1;
	v5 =	vmul.f32 s21, v57;
	s20 =	spop (v2sf);
	v57 =	vld [tilespmem:s19+$0x30]  }
0x2c0: {  	v0 =	vadd.f32 v9, v0;
	v49 =	vmul.f32 s14, v53;
	(v2sf) =	vpush v7, $0xA;
	v50 =	vld [tilespmem:s20+$0x0]  }
0x2c1: {  	v52 =	vmul.f32 v31, v46;
	v25 =	vmul.f32 v55, v46;
	v53 =	vld [tilespmem:s20+$0x10]  }
0x2c2: {  	v3 =	vadd.f32 v47, v3;
	v0 =	vadd.f32 v49, v0;
	v58 =	vmul.f32 s21, v59;
	v55 =	vld [tilespmem:s20+$0x20];
	s22 =	spop (v2sf)  }
0x2c3: {  	v2 =	vadd.f32 v5, v2;
	v5 =	vmul.f32 v14, v56;
	v59 =	vld [tilespmem:s20+$0x30];
	(v2sf) =	vpush v4, $0xA;
	s23 =	spop (v2sf)  }
0x2c4: {  	v21 =	vmul.f32 v27, v46;
	v3 =	vadd.f32 v52, v3;
	s24 =	spop (v2sf);
	v14 =	vld [tilespmem:s23+$0x0];
	(v2sf) =	vpush v6, $0xB  }
0x2c5: {  	v0 =	vadd.f32 v25, v0;
	v15 =	vmul.f32 s21, v15;
	v2 =	vadd.f32 v5, v2;
	v5 =	vld [tilespmem:s23+$0x10]  }
0x2c6: {  	v1 =	vadd.f32 v21, v1;
	v10 =	vmul.f32 v61, v56;
	v61 =	vmul.f32 s21, v19;
	v63 =	vld [tilespmem:s23+$0x20]  }
0x2c7: {  	v18 =	vmul.f32 v60, v56;
	v3 =	vadd.f32 v58, v3;
	v0 =	vadd.f32 v15, v0;
	v34 =	vld [tilespmem:s23+$0x30]  }
0x2c8: {  	v12 =	vmul.f32 v12, v56;
	s14 =	ssub.f32 $1.000000000e+00, s18;
	v1 =	vadd.f32 v61, v1;
	v60 =	vld [tilespmem:s24+$0x0];
	(v2sf) =	vpush v7, $0xB  }
0x2c9: {  	v31 =	vbroadcast v4, $0x7;
	v3 =	vadd.f32 v18, v3;
	v15 =	vld [tilespmem:s24+$0x10]  }
0x2ca: {  	v0 =	vadd.f32 v10, v0;
	v1 =	vadd.f32 v12, v1;
	v62 =	vmul.f32 s14, v22;
	v32 =	vld [tilespmem:s24+$0x20];
	s25 =	spop (v2sf)  }
0x2cb: {  	v16 =	vmul.f32 s14, v38;
	v11 =	vmul.f32 s14, v41;
	v37 =	vld [tilespmem:s24+$0x30];
	(v2sf) =	vpush v4, $0xB;
	s26 =	spop (v2sf)  }
0x2cc: {  	v9 =	vmul.f32 s14, v43;
	v36 =	vmul.f32 v35, v31;
	(v2sf) =	vpush v6, $0xC;
	v38 =	vld [tilespmem:s26+$0x0]  }
0x2cd: {  	v17 =	vmul.f32 v39, v31;
	v39 =	vmul.f32 v13, v31;
	v2 =	vadd.f32 v62, v2;
	v13 =	vld [tilespmem:s26+$0x10]  }
0x2ce: {  	v41 =	vbroadcast v4, $0x8;
	v3 =	vadd.f32 v16, v3;
	v0 =	vadd.f32 v11, v0;
	v43 =	vld [tilespmem:s26+$0x20]  }
0x2cf: {  	v10 =	vmul.f32 v45, v31;
	v1 =	vadd.f32 v9, v1;
	v2 =	vadd.f32 v36, v2;
	s28 =	spop (v2sf);
	v45 =	vld [tilespmem:s26+$0x30]  }
0x2d0: {  	v62 =	vbroadcast v4, $0xA;
	v3 =	vadd.f32 v17, v3;
	s29 =	ssub.f32 $1.000000000e+00, s22;
	(v2sf) =	vpush v7, $0xC;
	v12 =	vld [tilespmem:s28+$0x0]  }
0x2d1: {  	v0 =	vadd.f32 v39, v0;
	v44 =	vmul.f32 v50, v41;
	v46 =	vmul.f32 v53, v41;
	v42 =	vld [tilespmem:s28+$0x10]  }
0x2d2: {  	v1 =	vadd.f32 v10, v1;
	v53 =	vbroadcast v4, $0x9;
	v8 =	vmul.f32 s29, v51;
	v47 =	vld [tilespmem:s28+$0x20];
	s30 =	spop (v2sf)  }
0x2d3: {  	v23 =	vmul.f32 v55, v41;
	v40 =	vmul.f32 s29, v48;
	s13 =	ssub.f32 $1.000000000e+00, s25;
	v49 =	vld [tilespmem:s28+$0x30];
	(v2sf) =	vpush v4, $0xC;
	s31 =	spop (v2sf)  }
0x2d4: {  	v48 =	vmul.f32 s29, v54;
	v3 =	vadd.f32 v8, v3;
	(v2sf) =	vpush v6, $0xD;
	v51 =	vld [tilespmem:s31+$0x0]  }
0x2d5: {  	v50 =	vmul.f32 s29, v57;
	v2 =	vadd.f32 v40, v2;
	v52 =	vmul.f32 s13, v14;
	v14 =	vld [tilespmem:s31+$0x10]  }
0x2d6: {  	v0 =	vadd.f32 v48, v0;
	v3 =	vadd.f32 v46, v3;
	v5 =	vmul.f32 s13, v5;
	v54 =	vld [tilespmem:s31+$0x20]  }
0x2d7: {  	v17 =	vmul.f32 v59, v41;
	v1 =	vadd.f32 v50, v1;
	v2 =	vadd.f32 v44, v2;
	v55 =	vld [tilespmem:s31+$0x30];
	s16 =	spop (v2sf)  }
0x2d8: {  	v3 =	vadd.f32 v5, v3;
	v5 =	vmul.f32 v15, v53;
	(v2sf) =	vpush v7, $0xD;
	v15 =	vld [tilespmem:s16+$0x0]  }
0x2d9: {  	v0 =	vadd.f32 v23, v0;
	v1 =	vadd.f32 v17, v1;
	v56 =	vmul.f32 s13, v63;
	v57 =	vld [tilespmem:s16+$0x10]  }
0x2da: {  	v27 =	vmul.f32 v60, v53;
	v59 =	vmul.f32 v32, v53;
	v2 =	vadd.f32 v52, v2;
	s17 =	ssub.f32 $1.000000000e+00, s30;
	s18 =	spop (v2sf);
	v58 =	vld [tilespmem:s16+$0x20]  }
0x2db: {  	v3 =	vadd.f32 v5, v3;
	v5 =	vmul.f32 s13, v34;
	v60 =	vld [tilespmem:s16+$0x30];
	(v2sf) =	vpush v4, $0xD;
	s19 =	spop (v2sf)  }
0x2dc: {  	v2 =	vadd.f32 v27, v2;
	v61 =	vmul.f32 s17, v38;
	(v2sf) =	vpush v6, $0xE;
	v63 =	vld [tilespmem:s19+$0x0]  }
0x2dd: {  	v16 =	vmul.f32 v37, v53;
	v1 =	vadd.f32 v5, v1;
	v5 =	vmul.f32 s17, v13;
	v13 =	vld [tilespmem:s19+$0x10]  }
0x2de: {  	v0 =	vadd.f32 v56, v0;
	v12 =	vmul.f32 v12, v62;
	v2 =	vadd.f32 v61, v2;
	v30 =	vld [tilespmem:s19+$0x20]  }
0x2df: {  	v1 =	vadd.f32 v16, v1;
	v11 =	vmul.f32 s17, v45;
	v3 =	vadd.f32 v5, v3;
	v31 =	vld [tilespmem:s19+$0x30];
	s20 =	spop (v2sf)  }
0x2e0: {  	v5 =	vmul.f32 v42, v62;
	v2 =	vadd.f32 v12, v2;
	(v2sf) =	vpush v7, $0xE;
	v12 =	vld [tilespmem:s20+$0x0]  }
0x2e1: {  	v0 =	vadd.f32 v59, v0;
	v10 =	vmul.f32 v47, v62;
	v36 =	vmul.f32 v49, v62;
	s15 =	ssub.f32 $1.000000000e+00, s18;
	v32 =	vld [tilespmem:s20+$0x10]  }
0x2e2: {  	v1 =	vadd.f32 v11, v1;
	v3 =	vadd.f32 v5, v3;
	v5 =	vmul.f32 s17, v43;
	s21 =	spop (v2sf);
	v33 =	vld [tilespmem:s20+$0x20]  }
0x2e3: {  	v43 =	vbroadcast v4, $0xC;
	v8 =	vmul.f32 s15, v51;
	(v2sf) =	vpush v4, $0xE;
	v34 =	vld [tilespmem:s20+$0x30];
	s22 =	spop (v2sf)  }
0x2e4: {  	v0 =	vadd.f32 v5, v0;
	v5 =	vbroadcast v4, $0xB;
	(v2sf) =	vpush v6, $0xF;
	v6 =	vld [tilespmem:s22+$0x0]  }
0x2e5: {  	v1 =	vadd.f32 v36, v1;
	v14 =	vmul.f32 s15, v14;
	v35 =	vmul.f32 s15, v54;
	v38 =	vld [tilespmem:s22+$0x10]  }
0x2e6: {  	v9 =	vmul.f32 s15, v55;
	v0 =	vadd.f32 v10, v0;
	v37 =	vmul.f32 v15, v5;
	v15 =	vld [tilespmem:s22+$0x20]  }
0x2e7: {  	v2 =	vadd.f32 v8, v2;
	v3 =	vadd.f32 v14, v3;
	v39 =	vmul.f32 v57, v5;
	v41 =	vld [tilespmem:s22+$0x30];
	s23 =	spop (v2sf)  }
0x2e8: {  	v40 =	vmul.f32 v58, v5;
	v1 =	vadd.f32 v9, v1;
	s13 =	ssub.f32 $1.000000000e+00, s21;
	(v2sf) =	vpush v7, $0xF;
	v7 =	vld [tilespmem:s23+$0x0]  }
0x2e9: {  	v5 =	vmul.f32 v60, v5;
	v0 =	vadd.f32 v35, v0;
	(v2sf) =	vpush v4, $0xF;
	v14 =	vld [tilespmem:s23+$0x10]  }
0x2ea: {  	v2 =	vadd.f32 v37, v2;
	v3 =	vadd.f32 v39, v3;
	v42 =	vmul.f32 s13, v63;
	v44 =	vld [tilespmem:s23+$0x20];
	s24 =	spop (v2sf)  }
0x2eb: {  	v1 =	vadd.f32 v5, v1;
	v0 =	vadd.f32 v40, v0;
	v13 =	vmul.f32 s13, v13;
	v45 =	vld [tilespmem:s23+$0x30];
	s25 =	spop (v2sf)  }
0x2ec: {  	v46 =	vmul.f32 s13, v30;
	v47 =	vmul.f32 v12, v43;
	v2 =	vadd.f32 v42, v2;
	v12 =	vld [tilespmem:s25+$0x0]  }
0x2ed: {  	v17 =	vmul.f32 s13, v31;
	v5 =	vmul.f32 v32, v43;
	v3 =	vadd.f32 v13, v3;
	s14 =	ssub.f32 $1.000000000e+00, s24;
	v49 =	vld [tilespmem:s25+$0x10]  }
0x2ee: {  	v48 =	vmul.f32 v33, v43;
	v0 =	vadd.f32 v46, v0;
	v2 =	vadd.f32 v47, v2;
	v50 =	vld [tilespmem:s25+$0x20]  }
0x2ef: {  	v3 =	vadd.f32 v5, v3;
	v5 =	vmul.f32 s14, v6;
	v6 =	vbroadcast v4, $0xD;
	s26 =	spop (v2sf);
	v52 =	vld [tilespmem:s25+$0x30]  }
0x2f0: {  	v53 =	vmul.f32 v34, v43;
	v1 =	vadd.f32 v17, v1;
	v0 =	vadd.f32 v48, v0;
	v13 =	vld [tilespmem:s26+$0x0]  }
0x2f1: {  	v51 =	vmul.f32 s14, v38;
	v2 =	vadd.f32 v5, v2;
	v5 =	vmul.f32 v7, v6;
	v7 =	vld [tilespmem:s26+$0x10]  }
0x2f2: {  	v1 =	vadd.f32 v53, v1;
	v54 =	vmul.f32 v14, v6;
	v14 =	vmul.f32 s14, v15;
	s28 =	spop (v2sf);
	v15 =	vld [tilespmem:s26+$0x20]  }
0x2f3: {  	v11 =	vmul.f32 s14, v41;
	v3 =	vadd.f32 v51, v3;
	v2 =	vadd.f32 v5, v2;
	v5 =	vld [tilespmem:s26+$0x30];
	s15 =	ssub.f32 $1.000000000e+00, s28;
	s29 =	spop (v2sf)  }
0x2f4: {  	v0 =	vadd.f32 v14, v0;
	v14 =	vmul.f32 v44, v6;
	v6 =	vmul.f32 v45, v6;
	v56 =	vld [tilespmem:s29+$0x0]  }
0x2f5: {  	v1 =	vadd.f32 v11, v1;
	v59 =	vld [tilespmem:s29+$0x10];
	v55 =	vmul.f32 s15, v12;
	v12 =	vbroadcast v4, $0xE  }
0x2f6: {  	v3 =	vadd.f32 v54, v3;
	v0 =	vadd.f32 v14, v0;
	v61 =	vld [tilespmem:s29+$0x20];
	v14 =	vmul.f32 s15, v50  }
0x2f7: {  	v1 =	vadd.f32 v6, v1;
	v62 =	vld [tilespmem:s29+$0x30];
	s30 =	spop (v2sf);
	v58 =	vmul.f32 v13, v12;
	v13 =	vmul.f32 s15, v49  }
0x2f8: {  	v57 =	vld [tilespmem:s30+$0x0];
	v6 =	vmul.f32 s15, v52;
	v4 =	vbroadcast v4, $0xF;
	v2 =	vadd.f32 v55, v2;
	s31 =	spop (v2sf)  }
0x2f9: {  	v60 =	vld [tilespmem:s30+$0x10];
	v7 =	vmul.f32 v7, v12;
	v0 =	vadd.f32 v14, v0;
	s15 =	ssub.f32 $1.000000000e+00, s31;
	v3 =	vadd.f32 v13, v3  }
0x2fa: {  	v1 =	vadd.f32 v6, v1;
	v6 =	vmul.f32 v15, v12;
	v5 =	vmul.f32 v5, v12;
	v12 =	vld [tilespmem:s30+$0x20]  }
0x2fb: {  	v2 =	vadd.f32 v58, v2;
	v13 =	vld [tilespmem:s30+$0x30];
	v3 =	vadd.f32 v7, v3;
	v7 =	vmul.f32 s15, v56  }
0x2fc: {  	v0 =	vadd.f32 v6, v0;
	v1 =	vadd.f32 v5, v1;
	v5 =	vmul.f32 s15, v59  }
0x2fd: {  	v6 =	vmul.f32 v57, v4;
	v2 =	vadd.f32 v7, v2;
	v7 =	vmul.f32 s15, v61  }
0x2fe: {  	v63 =	vmul.f32 s15, v62;
	v3 =	vadd.f32 v5, v3;
	v5 =	vmul.f32 v60, v4  }
0x2ff: {  	p0 =	sne.s32 s11, $0x7E00;
	v2 =	vadd.f32 v6, v2;
	v0 =	vadd.f32 v7, v0;
	v6 =	vmul.f32 v12, v4  }
.Ltmp0:
0x300: {  	v1 =	vadd.f32 v63, v1;
	v3 =	vadd.f32 v5, v3;
	v4 =	vmul.f32 v13, v4;
	(pc) =	sbr.rel @p0 .LBB2_2-.Ltmp0, $4  }
0x301: {  	v0 =	vadd.f32 v6, v0;
	[tilespmem:s12+$0x1A000] =	vst v2  }
0x302: {  	v1 =	vadd.f32 v4, v1;
	[tilespmem:s12+$0x1A010] =	vst v3  }
0x303: {  	v13 =	vld [tilespmem:$0x1FFF0];
	[tilespmem:s12+$0x1A020] =	vst v0  }
0x304: {  	s11 =	sadd.s32 $0x200, s11;
	v4 =	vld [tilespmem:$0x1FFD0];
	[tilespmem:s12+$0x1A030] =	vst v1  }
0x305: {  	s10 =	sadd.s32 $0x1, s10  }
0x306: {  	p0 =	sne.s32 s10, s6  }
.Ltmp1:
0x307: {  	_ = 	snop;
	(pc) =	sbr.rel @p0 .LBB2_1-.Ltmp1, $4  }
0x308: {  	[hbm4b:s5+s2] =	stream.linear.scatter [tilespmem:s9], [sflag:$0x1], $0x2000, $0x38;
	[tilespmem:$0x1C000] =	vst v63  }
0x309: {  	_ =	swait.ge [sflag:s7], $0x2000  }
0x30a: {  	[sflag:s7] =	ssyncset.done $0x0  }
0x30b: {  	[sflag:s7] =	ssyncadd.s32 $0xFFFFE000  }
0x30c: {  	_ =	sfence.sel $0x180000  }
0x30d: {  	[bflag:$0x0] =	sbarrier.arrive $0xFFFF  }
0x30e: {  	p0 =	sne.s32 s1, $0x0;
	_ =	strace $0x90000047  }
0x30f: {  	s0 =	sadd.s32 @!p0 $0x100000, s0;
	[bflag:$0x2] =	sbarrier.arrive $0xFFFF  }
0x310: {  	[sflag:s0] =	ssyncadd.tile.s32 @!p0 $0x1;
	_ =	shalt  }
.Lfunc_end2:
_tile_overlayer_lowered:
.L_overlay_start_2:
0x311: {  	(tag) =	ssettag $0x2  }
0x312: {  	s0 =	rddreg [dreg:$0x0];
	s2 =	stileid.u32  }
0x313: {  	s1 =	rddreg [dreg:$0x1];
	p0 =	sne.s32 s2, $0x0  }
0x314: {  	s3 =	rddreg [dreg:$0x2];
	[bflag:$0x3] =	sbarrier.arrive $0xFFFF;
	s2 =	simm.s32 @!p0 $0x1C01  }
0x315: {  	[timem:s3], [sflag:s2] =	dma.local @!p0 [hbm:s0], s1  }
0x316: {  	s0 =	simm.s32 @!p0 $0x1  }
0x317: {  	_ =	swait.ge @!p0 [sflag:s0], s1  }
0x318: {  	s1 =	ssub.s32 @!p0 $0x0, s1;
	[sflag:s0] =	ssyncset.done @!p0 $0x0  }
0x319: {  	[sflag:s0] =	ssyncadd.s32 @!p0 s1  }
0x31a: {  	[bflag:$0x3] =	sbarrier.arrive $0xFFFF  }
0x31b: {  	_ =	shalt  }

</sc_bundles>
